<compile_context>
chip_gen: v7x
topology: tpu7x:2x2x1
jax: 0.10.2.dev20260603
libtpu: 0.0.44.dev20260713+nightly
codegen_flags: <defaults>
</compile_context>

<pallas_src>
import functools
import jax
import jax.numpy as jnp
from jax import lax
from jax.experimental import pallas as pl
from jax.experimental.pallas import tpu as pltpu
from jax.experimental.pallas import tpu_sc as plsc

N = 10000
E = 320000
D = 128
B = 1024
H = 3 * D

_NC = 2
_NS = 16
_NW = _NC * _NS
_DPT = D // _NW
_EC = 3200
_NCHUNKS = E // _EC
_NPAIRS = _NCHUNKS // 2
_STEPS = _EC // 16


def _slope(z):
    return jnp.maximum(z, 0.2 * z)


def _attn_tail(h, a_s, a_d, hT, als, ald, cg, acc0, s0):
    hT[...] = h
    a_sv = jax.lax.dot_general(a_s, h, (((1,), (0,)), ((), ())),
                               preferred_element_type=jnp.float32)
    a_dv = jax.lax.dot_general(a_d, h, (((1,), (0,)), ((), ())),
                               preferred_element_type=jnp.float32)
    als[...] = a_sv
    ald[...] = a_dv
    c = _slope(jnp.max(a_sv) + jnp.max(a_dv))
    cg[...] = jnp.full((1, 128), c, jnp.float32)
    exs = jnp.exp(_slope(a_sv + a_dv) - c)
    acc0[...] = h * exs
    s0[...] = exs


def _prep1_body(emb, W, a_s, a_d, hT, als, ald, cg, acc0, s0):
    h = jax.lax.dot_general(W[...], emb[...], (((0,), (1,)), ((), ())),
                            preferred_element_type=jnp.float32)
    _attn_tail(h, a_s[...], a_d[...], hT, als, ald, cg, acc0, s0)


_PREP_OUT = [
    jax.ShapeDtypeStruct((D, N), jnp.float32),
    jax.ShapeDtypeStruct((1, N), jnp.float32),
    jax.ShapeDtypeStruct((1, N), jnp.float32),
    jax.ShapeDtypeStruct((1, 128), jnp.float32),
    jax.ShapeDtypeStruct((D, N), jnp.float32),
    jax.ShapeDtypeStruct((1, N), jnp.float32),
]


def _prep1(emb, W, a_s, a_d):
    return pl.pallas_call(
        _prep1_body,
        out_shape=_PREP_OUT,
    )(emb, W, a_s.reshape(1, D), a_d.reshape(1, D))


def _gnorm(accT, s, b, w, gb, ms):
    x = accT[...] / (s[...] + 1e-16) + b[...]
    mean = jnp.mean(x, axis=1, keepdims=True)
    xc = x - ms[...] * mean
    var = jnp.mean(xc * xc, axis=1, keepdims=True)
    y = w[...] * xc * jax.lax.rsqrt(var + 1e-5) + gb[...]
    return jnp.maximum(y, 0.0)


def _norm_prep_body(accT, s, b, w, gb, ms, W2, a_s, a_d,
                    hT, als, ald, cg, acc0, s0):
    y = _gnorm(accT, s, b, w, gb, ms)
    h = jax.lax.dot_general(W2[...], y, (((0,), (0,)), ((), ())),
                            preferred_element_type=jnp.float32)
    _attn_tail(h, a_s[...], a_d[...], hT, als, ald, cg, acc0, s0)


def _norm_prep(accT, s, b, w, gb, ms, W2, a_s, a_d):
    return pl.pallas_call(
        _norm_prep_body,
        out_shape=_PREP_OUT,
    )(accT, s, b.reshape(D, 1), w.reshape(D, 1), gb.reshape(D, 1),
      ms.reshape(D, 1), W2, a_s.reshape(1, D), a_d.reshape(1, D))


def _norm_final_body(accT, s, b, w, gb, ms, out):
    y = _gnorm(accT, s, b, w, gb, ms)
    r = lax.broadcasted_iota(jnp.int32, (D, D), 0)
    c = lax.broadcasted_iota(jnp.int32, (D, D), 1)
    ident = (r == c).astype(jnp.float32)
    out[...] = jax.lax.dot_general(y, ident, (((0,), (0,)), ((), ())),
                                   preferred_element_type=jnp.float32)


def _norm_final(accT, s, b, w, gb, ms):
    return pl.pallas_call(
        _norm_final_body,
        out_shape=jax.ShapeDtypeStruct((N, D), jnp.float32),
    )(accT, s, b.reshape(D, 1), w.reshape(D, 1), gb.reshape(D, 1),
      ms.reshape(D, 1))


def _edge_body(hT_hbm, als_hbm, ald_hbm, cg_hbm, src_hbm, dst_hbm,
               acc0_hbm, s0_hbm, accT_hbm, sout_hbm,
               h_v, acc_v, als_v, ald_v, s_v, cg_v,
               sb0, db0, sb1, db1, semA, semB):
    wid = lax.axis_index("s") * _NC + lax.axis_index("c")
    base = wid * (_DPT * N)
    pltpu.sync_copy(hT_hbm.at[pl.ds(base, _DPT * N)], h_v)
    pltpu.sync_copy(acc0_hbm.at[pl.ds(base, _DPT * N)], acc_v)
    pltpu.sync_copy(als_hbm, als_v)
    pltpu.sync_copy(ald_hbm, ald_v)
    pltpu.sync_copy(s0_hbm, s_v)
    pltpu.sync_copy(cg_hbm.at[pl.ds(0, 16)], cg_v)
    cg = cg_v[pl.ds(0, 16)]

    def start(ci, sb, db, sem):
        off = ci * _EC
        pltpu.async_copy(src_hbm.at[pl.ds(off, _EC)], sb, sem)
        pltpu.async_copy(dst_hbm.at[pl.ds(off, _EC)], db, sem)

    def wait(sb, db, sem):
        pltpu.make_async_copy(src_hbm.at[pl.ds(0, _EC)], sb, sem).wait()
        pltpu.make_async_copy(dst_hbm.at[pl.ds(0, _EC)], db, sem).wait()

    def compute(sb, db):
        @plsc.parallel_loop(0, _STEPS, 1, unroll=8)
        def _(si):
            sl = pl.ds(si * 16, 16)
            sv = sb[sl]
            dv = db[sl]
            a1 = plsc.load_gather(als_v, [sv])
            a2 = plsc.load_gather(ald_v, [dv])
            ex = jnp.exp(_slope(a1 + a2) - cg)
            plsc.addupdate_scatter(s_v, [dv], ex)
            for d in range(_DPT):
                hv = plsc.load_gather(h_v, [sv + jnp.int32(d * N)])
                plsc.addupdate_scatter(acc_v, [dv + jnp.int32(d * N)],
                                       hv * ex)

    start(0, sb0, db0, semA)

    def pair(pi, _):
        ci = 2 * pi
        wait(sb0, db0, semA)
        start(ci + 1, sb1, db1, semB)
        compute(sb0, db0)
        wait(sb1, db1, semB)

        @pl.when(pi < _NPAIRS - 1)
        def _():
            start(ci + 2, sb0, db0, semA)

        compute(sb1, db1)
        return 0

    lax.fori_loop(0, _NPAIRS, pair, 0)

    pltpu.sync_copy(acc_v, accT_hbm.at[pl.ds(base, _DPT * N)])

    @pl.when(wid == 0)
    def _():
        pltpu.sync_copy(s_v, sout_hbm)


def _sc_edge(hT, als, ald, cg, src, dst, acc0, s0):
    mesh = plsc.VectorSubcoreMesh(core_axis_name="c", subcore_axis_name="s",
                                  num_cores=_NC, num_subcores=_NS)
    f = functools.partial(
        pl.kernel, _edge_body, mesh=mesh,
        compiler_params=pltpu.CompilerParams(needs_layout_passes=False),
        out_type=[
            jax.ShapeDtypeStruct((D * N,), jnp.float32),
            jax.ShapeDtypeStruct((N,), jnp.float32),
        ],
        scratch_types=[
            pltpu.VMEM((_DPT * N,), jnp.float32),
            pltpu.VMEM((_DPT * N,), jnp.float32),
            pltpu.VMEM((N,), jnp.float32),
            pltpu.VMEM((N,), jnp.float32),
            pltpu.VMEM((N,), jnp.float32),
            pltpu.VMEM((16,), jnp.float32),
            pltpu.VMEM((_EC,), jnp.int32),
            pltpu.VMEM((_EC,), jnp.int32),
            pltpu.VMEM((_EC,), jnp.int32),
            pltpu.VMEM((_EC,), jnp.int32),
            pltpu.SemaphoreType.DMA,
            pltpu.SemaphoreType.DMA,
        ],
    )()
    return f(hT.reshape(D * N), als.reshape(N), ald.reshape(N),
             cg.reshape(128), src, dst, acc0.reshape(D * N), s0.reshape(N))


_RPW = (B * 3) // _NW


def _gather_body(h_hbm, idx_hbm, out_hbm, idx_v, rows_v, sem):
    wid = lax.axis_index("s") * _NC + lax.axis_index("c")
    base = wid * _RPW
    pltpu.sync_copy(idx_hbm.at[pl.ds(base, _RPW)], idx_v)
    pltpu.async_copy(h_hbm.at[idx_v], rows_v, sem).wait()
    pltpu.sync_copy(rows_v, out_hbm.at[pl.ds(base, _RPW)])


def _sc_gather(h_nm, idx):
    mesh = plsc.VectorSubcoreMesh(core_axis_name="c", subcore_axis_name="s",
                                  num_cores=_NC, num_subcores=_NS)
    f = functools.partial(
        pl.kernel, _gather_body, mesh=mesh,
        compiler_params=pltpu.CompilerParams(needs_layout_passes=False),
        out_type=jax.ShapeDtypeStruct((B * 3, D), jnp.float32),
        scratch_types=[
            pltpu.VMEM((_RPW,), jnp.int32),
            pltpu.VMEM((_RPW, D), jnp.float32),
            pltpu.SemaphoreType.DMA,
        ],
    )()
    return f(h_nm, idx)


_RB = 128


def _mlp_a_body(feat, l1w, l1b, bng, bnb, z1n):
    z = jnp.dot(feat[...], l1w[...], preferred_element_type=jnp.float32) + l1b[...]
    mu = jnp.mean(z, 0, keepdims=True)
    var = jnp.mean((z - mu) ** 2, 0, keepdims=True)
    z = bng[...] * (z - mu) * jax.lax.rsqrt(var + 1e-5) + bnb[...]
    z1n[...] = jnp.maximum(z, 0.0)


def _mlp_b_body(z1n, l2w, l2b, out):
    zc = jnp.dot(z1n[...], l2w[...], preferred_element_type=jnp.float32) + l2b[...]
    m = jnp.max(zc, axis=-1, keepdims=True)
    lse = m + jnp.log(jnp.sum(jnp.exp(zc - m), axis=-1, keepdims=True))
    out[...] = zc - lse


def _mlp(feat, l1w, l1b, bng, bnb, l2w, l2b):
    z1n = pl.pallas_call(
        _mlp_a_body,
        out_shape=jax.ShapeDtypeStruct((B, H), jnp.float32),
    )(feat, l1w, l1b.reshape(1, H), bng.reshape(1, H), bnb.reshape(1, H))
    out = pl.pallas_call(
        _mlp_b_body,
        grid=(B // _RB,),
        in_specs=[
            pl.BlockSpec((_RB, H), lambda j: (j, 0)),
            pl.BlockSpec((H, N), lambda j: (0, 0)),
            pl.BlockSpec((1, N), lambda j: (0, 0)),
        ],
        out_specs=pl.BlockSpec((_RB, N), lambda j: (j, 0)),
        out_shape=jax.ShapeDtypeStruct((B, N), jnp.float32),
    )(z1n, l2w, l2b.reshape(1, N))
    return out


def kernel(x, emb, edge_index, W1g, a_src1, a_dst1, b1g, gn1_w, gn1_b, gn1_ms,
           W2g, a_src2, a_dst2, b2g, gn2_w, gn2_b, gn2_ms,
           lin1_W, lin1_b, bn_g, bn_b, lin2_W, lin2_b):
    src = edge_index[0]
    dst = edge_index[1]

    hT1, als1, ald1, cg1, acc01, s01 = _prep1(emb, W1g, a_src1, a_dst1)
    accT1, s1 = _sc_edge(hT1, als1, ald1, cg1, src, dst, acc01, s01)
    hT2, als2, ald2, cg2, acc02, s02 = _norm_prep(
        accT1.reshape(D, N), s1.reshape(1, N), b1g, gn1_w, gn1_b, gn1_ms,
        W2g, a_src2, a_dst2)
    accT2, s2 = _sc_edge(hT2, als2, ald2, cg2, src, dst, acc02, s02)
    h_nm = _norm_final(accT2.reshape(D, N), s2.reshape(1, N),
                       b2g, gn2_w, gn2_b, gn2_ms)
    feat = _sc_gather(h_nm, x.reshape(-1)).reshape(B, H)
    return _mlp(feat, lin1_W, lin1_b, bn_g, bn_b, lin2_W, lin2_b)

# --- scband reference (transcript-rebuilt; emitter-appended) ---
"""Pipeline reference for scband-tiny-model-21749714387206 (READ-ONLY COPY).

The authoritative reference and input builder live on the scoring server;
editing this copy changes nothing except your own understanding.
"""

import jax, jax.numpy as jnp
import numpy as np

N = 10000
E = 320000
D = 128
B = 1024
H = 3 * D


def _gat(h_in, src, dst, W, a_src, a_dst, b, n):
    h = h_in @ W
    al_s = (h * a_src).sum(-1)
    al_d = (h * a_dst).sum(-1)
    e = jax.nn.leaky_relu(al_s[src] + al_d[dst], 0.2)
    m = jax.ops.segment_max(e, dst, num_segments=n)
    ex = jnp.exp(e - m[dst])
    s = jax.ops.segment_sum(ex, dst, num_segments=n)
    alpha = ex / (s[dst] + 1e-16)
    out = jax.ops.segment_sum(h[src] * alpha[:, None], dst, num_segments=n)
    return out + b


def _graph_norm(x, w, b, ms, eps=1e-5):
    mean = x.mean(0, keepdims=True)
    xc = x - ms * mean
    var = (xc * xc).mean(0, keepdims=True)
    return w * xc / jnp.sqrt(var + eps) + b


def setup_inputs(seed: int = 0):
    key = jax.random.key(seed)
    ks = jax.random.split(key, 16)
    g = 1.0 / np.sqrt(D)
    inp = {}
    inp['x'] = jax.random.randint(ks[0], (B, 3), 0, N)
    inp['emb'] = jax.random.normal(ks[1], (N, D), jnp.float32)
    inp['edge_index'] = jax.random.randint(ks[2], (2, E), 0, N)
    inp['W1g'] = jax.random.normal(ks[3], (D, D), jnp.float32) * g
    inp['a_src1'] = jax.random.normal(ks[4], (D,), jnp.float32) * g
    inp['a_dst1'] = jax.random.normal(ks[5], (D,), jnp.float32) * g
    inp['b1g'] = jnp.zeros((D,), jnp.float32)
    inp['gn1_w'] = jnp.ones((D,), jnp.float32)
    inp['gn1_b'] = jnp.zeros((D,), jnp.float32)
    inp['gn1_ms'] = jnp.ones((D,), jnp.float32)
    inp['W2g'] = jax.random.normal(ks[6], (D, D), jnp.float32) * g
    inp['a_src2'] = jax.random.normal(ks[7], (D,), jnp.float32) * g
    inp['a_dst2'] = jax.random.normal(ks[8], (D,), jnp.float32) * g
    inp['b2g'] = jnp.zeros((D,), jnp.float32)
    inp['gn2_w'] = jnp.ones((D,), jnp.float32)
    inp['gn2_b'] = jnp.zeros((D,), jnp.float32)
    inp['gn2_ms'] = jnp.ones((D,), jnp.float32)
    inp['lin1_W'] = jax.random.normal(ks[9], (H, H), jnp.float32) / np.sqrt(H)
    inp['lin1_b'] = jnp.zeros((H,), jnp.float32)
    inp['bn_g'] = jnp.ones((H,), jnp.float32)
    inp['bn_b'] = jnp.zeros((H,), jnp.float32)
    inp['lin2_W'] = jax.random.normal(ks[10], (H, N), jnp.float32) / np.sqrt(H)
    inp['lin2_b'] = jnp.zeros((N,), jnp.float32)
    return inp


def reference(x, emb, edge_index, W1g, a_src1, a_dst1, b1g, gn1_w, gn1_b, gn1_ms, W2g, a_src2, a_dst2, b2g, gn2_w, gn2_b, gn2_ms, lin1_W, lin1_b, bn_g, bn_b, lin2_W, lin2_b):
    n = emb.shape[0]
    loops = jnp.arange(n, dtype=edge_index.dtype)
    src = jnp.concatenate([edge_index[0], loops])
    dst = jnp.concatenate([edge_index[1], loops])
    h = _gat(emb, src, dst, W1g, a_src1, a_dst1, b1g, n)
    h = jax.nn.relu(_graph_norm(h, gn1_w, gn1_b, gn1_ms))
    h = _gat(h, src, dst, W2g, a_src2, a_dst2, b2g, n)
    h = jax.nn.relu(_graph_norm(h, gn2_w, gn2_b, gn2_ms))
    feat = jnp.concatenate([h[x[:, 0]], h[x[:, 1]], h[x[:, 2]]], axis=1)
    z = feat @ lin1_W + lin1_b
    mu = z.mean(0, keepdims=True)
    var = ((z - mu) ** 2).mean(0, keepdims=True)
    z = bn_g * (z - mu) / jnp.sqrt(var + 1e-5) + bn_b
    z = jax.nn.relu(z)
    z = z @ lin2_W + lin2_b
    return jax.nn.log_softmax(z, axis=-1)

if __name__ == "__main__":
    import jax
    _d = setup_inputs()
    print(jax.jit(kernel)(*tuple(_d.values())))

</pallas_src>

<mosaic_0001>
#map = affine_map<(d0, d1) -> (0, 0)>
#map1 = affine_map<(d0, d1) -> (0)>
module attributes {stable_mosaic.version = 14 : i64} {
  func.func @_gather_body(%arg0: i32, %arg1: i32, %arg2: memref<10000x128xf32, #tpu.memory_space<hbm>>, %arg3: memref<3072xi32, #tpu.memory_space<hbm>>, %arg4: memref<3072x128xf32, #tpu.memory_space<hbm>>, %arg5: memref<96xi32, #tpu.memory_space<vmem>>, %arg6: memref<96x128xf32, #tpu.memory_space<vmem>>, %arg7: memref<!tpu.dma_semaphore, #tpu.memory_space<semaphore_mem>>) attributes {dimension_semantics = [#tpu.dimension_semantics<core_parallel>, #tpu.dimension_semantics<subcore_parallel>], iteration_bounds = array<i64: 2, 16>, scalar_prefetch = 0 : i64, scratch_operands = 3 : i64, tpu.core_type = #tpu.core_type<sc_vector_subcore>, window_params = [{transform_indices = #map}, {transform_indices = #map1}, {transform_indices = #map}]} {
    %mul3A = arith.constant 2 : i32
    %mul3A_0 = arith.muli %arg1, %mul3A : i32
    %add3A = arith.addi %mul3A_0, %arg0 : i32
    %mul3A_1 = arith.constant 96 : i32
    %mul3A_2 = arith.muli %add3A, %mul3A_1 : i32
    "tpu.region"() ({
      %run_scoped3A = tpu.sem_alloc : memref<!tpu.dma_semaphore, #tpu.memory_space<semaphore_mem>>
      %dma_start3A_7 = tpu.memref_slice %arg3[%mul3A_2] : memref<3072xi32, #tpu.memory_space<hbm>> -> memref<96xi32, #tpu.memory_space<hbm>>
      %dma_start3A_8 = tpu.memref_slice %arg3[%mul3A_2] : memref<3072xi32, #tpu.memory_space<hbm>> -> memref<96xi32, #tpu.memory_space<hbm>>
      tpu.enqueue_dma source(%dma_start3A_8 : memref<96xi32, #tpu.memory_space<hbm>>) target(%arg5 : memref<96xi32, #tpu.memory_space<vmem>>) target_semaphore(%run_scoped3A : memref<!tpu.dma_semaphore, #tpu.memory_space<semaphore_mem>>)
      %dma_wait3A_9 = tpu.memref_slice %arg3[%mul3A_2] : memref<3072xi32, #tpu.memory_space<hbm>> -> memref<96xi32, #tpu.memory_space<hbm>>
      %dma_wait3A_10 = tpu.memref_slice %arg3[%mul3A_2] : memref<3072xi32, #tpu.memory_space<hbm>> -> memref<96xi32, #tpu.memory_space<hbm>>
      tpu.wait_dma2 semaphore(%run_scoped3A : memref<!tpu.dma_semaphore, #tpu.memory_space<semaphore_mem>>) src(%dma_wait3A_10 : memref<96xi32, #tpu.memory_space<hbm>>) dst(%arg5 : memref<96xi32, #tpu.memory_space<vmem>>)
      tpu.yield
    }) : () -> ()
    %dma_start3A = arith.constant 0 : i32
    %dma_start3A_3 = arith.constant 0 : i32
    %dma_start3A_4 = tpu.memref_slice %arg2[%dma_start3A, %dma_start3A_3] : memref<10000x128xf32, #tpu.memory_space<hbm>> -> memref<10000x128xf32, #tpu.memory_space<hbm>>
    tpu.enqueue_indirect_dma source(%dma_start3A_4 : memref<10000x128xf32, #tpu.memory_space<hbm>>) target(%arg6 : memref<96x128xf32, #tpu.memory_space<vmem>>) offsets(%arg5 : memref<96xi32, #tpu.memory_space<vmem>>) semaphore(%arg7 : memref<!tpu.dma_semaphore, #tpu.memory_space<semaphore_mem>>)
    %dma_wait3A = arith.constant 0 : i32
    %dma_wait3A_5 = arith.constant 0 : i32
    %dma_wait3A_6 = tpu.memref_slice %arg2[%dma_wait3A, %dma_wait3A_5] : memref<10000x128xf32, #tpu.memory_space<hbm>> -> memref<10000x128xf32, #tpu.memory_space<hbm>>
    tpu.wait_indirect_dma semaphore(%arg7 : memref<!tpu.dma_semaphore, #tpu.memory_space<semaphore_mem>>) src(%dma_wait3A_6 : memref<10000x128xf32, #tpu.memory_space<hbm>>) dst(%arg6 : memref<96x128xf32, #tpu.memory_space<vmem>>)
    "tpu.region"() ({
      %run_scoped3A = tpu.sem_alloc : memref<!tpu.dma_semaphore, #tpu.memory_space<semaphore_mem>>
      %dma_start3A_7 = arith.constant 0 : i32
      %dma_start3A_8 = tpu.memref_slice %arg4[%mul3A_2, %dma_start3A_7] : memref<3072x128xf32, #tpu.memory_space<hbm>> -> memref<96x128xf32, #tpu.memory_space<hbm>>
      %dma_start3A_9 = arith.constant 0 : i32
      %dma_start3A_10 = tpu.memref_slice %arg4[%mul3A_2, %dma_start3A_9] : memref<3072x128xf32, #tpu.memory_space<hbm>> -> memref<96x128xf32, #tpu.memory_space<hbm>>
      tpu.enqueue_dma source(%arg6 : memref<96x128xf32, #tpu.memory_space<vmem>>) target(%dma_start3A_10 : memref<96x128xf32, #tpu.memory_space<hbm>>) target_semaphore(%run_scoped3A : memref<!tpu.dma_semaphore, #tpu.memory_space<semaphore_mem>>)
      %dma_wait3A_11 = arith.constant 0 : i32
      %dma_wait3A_12 = tpu.memref_slice %arg4[%mul3A_2, %dma_wait3A_11] : memref<3072x128xf32, #tpu.memory_space<hbm>> -> memref<96x128xf32, #tpu.memory_space<hbm>>
      %dma_wait3A_13 = arith.constant 0 : i32
      %dma_wait3A_14 = tpu.memref_slice %arg4[%mul3A_2, %dma_wait3A_13] : memref<3072x128xf32, #tpu.memory_space<hbm>> -> memref<96x128xf32, #tpu.memory_space<hbm>>
      tpu.wait_dma2 semaphore(%run_scoped3A : memref<!tpu.dma_semaphore, #tpu.memory_space<semaphore_mem>>) src(%arg6 : memref<96x128xf32, #tpu.memory_space<vmem>>) dst(%dma_wait3A_14 : memref<96x128xf32, #tpu.memory_space<hbm>>)
      tpu.yield
    }) : () -> ()
    return
  }
}

#map = affine_map<(d0, d1) -> (0)>
module attributes {stable_mosaic.version = 14 : i64} {
  func.func @_edge_body(%arg0: i32, %arg1: i32, %arg2: memref<1280000xf32, #tpu.memory_space<hbm>>, %arg3: memref<10000xf32, #tpu.memory_space<hbm>>, %arg4: memref<10000xf32, #tpu.memory_space<hbm>>, %arg5: memref<128xf32, #tpu.memory_space<hbm>>, %arg6: memref<320000xi32, #tpu.memory_space<hbm>>, %arg7: memref<320000xi32, #tpu.memory_space<hbm>>, %arg8: memref<1280000xf32, #tpu.memory_space<hbm>>, %arg9: memref<10000xf32, #tpu.memory_space<hbm>>, %arg10: memref<1280000xf32, #tpu.memory_space<hbm>>, %arg11: memref<10000xf32, #tpu.memory_space<hbm>>, %arg12: memref<40000xf32, #tpu.memory_space<vmem>>, %arg13: memref<40000xf32, #tpu.memory_space<vmem>>, %arg14: memref<10000xf32, #tpu.memory_space<vmem>>, %arg15: memref<10000xf32, #tpu.memory_space<vmem>>, %arg16: memref<10000xf32, #tpu.memory_space<vmem>>, %arg17: memref<16xf32, #tpu.memory_space<vmem>>, %arg18: memref<3200xi32, #tpu.memory_space<vmem>>, %arg19: memref<3200xi32, #tpu.memory_space<vmem>>, %arg20: memref<3200xi32, #tpu.memory_space<vmem>>, %arg21: memref<3200xi32, #tpu.memory_space<vmem>>, %arg22: memref<!tpu.dma_semaphore, #tpu.memory_space<semaphore_mem>>, %arg23: memref<!tpu.dma_semaphore, #tpu.memory_space<semaphore_mem>>) attributes {dimension_semantics = [#tpu.dimension_semantics<core_parallel>, #tpu.dimension_semantics<subcore_parallel>], iteration_bounds = array<i64: 2, 16>, scalar_prefetch = 0 : i64, scratch_operands = 12 : i64, tpu.core_type = #tpu.core_type<sc_vector_subcore>, window_params = [{transform_indices = #map}, {transform_indices = #map}, {transform_indices = #map}, {transform_indices = #map}, {transform_indices = #map}, {transform_indices = #map}, {transform_indices = #map}, {transform_indices = #map}, {transform_indices = #map}, {transform_indices = #map}]} {
    %mul3A = arith.constant 2 : i32
    %mul3A_0 = arith.muli %arg1, %mul3A : i32
    %add3A = arith.addi %mul3A_0, %arg0 : i32
    %mul3A_1 = arith.constant 40000 : i32
    %mul3A_2 = arith.muli %add3A, %mul3A_1 : i32
    "tpu.region"() ({
      %run_scoped3A = tpu.sem_alloc : memref<!tpu.dma_semaphore, #tpu.memory_space<semaphore_mem>>
      %dma_start3A_19 = tpu.memref_slice %arg2[%mul3A_2] : memref<1280000xf32, #tpu.memory_space<hbm>> -> memref<40000xf32, #tpu.memory_space<hbm>>
      %dma_start3A_20 = tpu.memref_slice %arg2[%mul3A_2] : memref<1280000xf32, #tpu.memory_space<hbm>> -> memref<40000xf32, #tpu.memory_space<hbm>>
      tpu.enqueue_dma source(%dma_start3A_20 : memref<40000xf32, #tpu.memory_space<hbm>>) target(%arg12 : memref<40000xf32, #tpu.memory_space<vmem>>) target_semaphore(%run_scoped3A : memref<!tpu.dma_semaphore, #tpu.memory_space<semaphore_mem>>)
      %dma_wait3A = tpu.memref_slice %arg2[%mul3A_2] : memref<1280000xf32, #tpu.memory_space<hbm>> -> memref<40000xf32, #tpu.memory_space<hbm>>
      %dma_wait3A_21 = tpu.memref_slice %arg2[%mul3A_2] : memref<1280000xf32, #tpu.memory_space<hbm>> -> memref<40000xf32, #tpu.memory_space<hbm>>
      tpu.wait_dma2 semaphore(%run_scoped3A : memref<!tpu.dma_semaphore, #tpu.memory_space<semaphore_mem>>) src(%dma_wait3A_21 : memref<40000xf32, #tpu.memory_space<hbm>>) dst(%arg12 : memref<40000xf32, #tpu.memory_space<vmem>>)
      tpu.yield
    }) : () -> ()
    "tpu.region"() ({
      %run_scoped3A = tpu.sem_alloc : memref<!tpu.dma_semaphore, #tpu.memory_space<semaphore_mem>>
      %dma_start3A_19 = tpu.memref_slice %arg8[%mul3A_2] : memref<1280000xf32, #tpu.memory_space<hbm>> -> memref<40000xf32, #tpu.memory_space<hbm>>
      %dma_start3A_20 = tpu.memref_slice %arg8[%mul3A_2] : memref<1280000xf32, #tpu.memory_space<hbm>> -> memref<40000xf32, #tpu.memory_space<hbm>>
      tpu.enqueue_dma source(%dma_start3A_20 : memref<40000xf32, #tpu.memory_space<hbm>>) target(%arg13 : memref<40000xf32, #tpu.memory_space<vmem>>) target_semaphore(%run_scoped3A : memref<!tpu.dma_semaphore, #tpu.memory_space<semaphore_mem>>)
      %dma_wait3A = tpu.memref_slice %arg8[%mul3A_2] : memref<1280000xf32, #tpu.memory_space<hbm>> -> memref<40000xf32, #tpu.memory_space<hbm>>
      %dma_wait3A_21 = tpu.memref_slice %arg8[%mul3A_2] : memref<1280000xf32, #tpu.memory_space<hbm>> -> memref<40000xf32, #tpu.memory_space<hbm>>
      tpu.wait_dma2 semaphore(%run_scoped3A : memref<!tpu.dma_semaphore, #tpu.memory_space<semaphore_mem>>) src(%dma_wait3A_21 : memref<40000xf32, #tpu.memory_space<hbm>>) dst(%arg13 : memref<40000xf32, #tpu.memory_space<vmem>>)
      tpu.yield
    }) : () -> ()
    "tpu.region"() ({
      %run_scoped3A = tpu.sem_alloc : memref<!tpu.dma_semaphore, #tpu.memory_space<semaphore_mem>>
      tpu.enqueue_dma source(%arg3 : memref<10000xf32, #tpu.memory_space<hbm>>) target(%arg14 : memref<10000xf32, #tpu.memory_space<vmem>>) target_semaphore(%run_scoped3A : memref<!tpu.dma_semaphore, #tpu.memory_space<semaphore_mem>>)
      tpu.wait_dma2 semaphore(%run_scoped3A : memref<!tpu.dma_semaphore, #tpu.memory_space<semaphore_mem>>) src(%arg3 : memref<10000xf32, #tpu.memory_space<hbm>>) dst(%arg14 : memref<10000xf32, #tpu.memory_space<vmem>>)
      tpu.yield
    }) : () -> ()
    "tpu.region"() ({
      %run_scoped3A = tpu.sem_alloc : memref<!tpu.dma_semaphore, #tpu.memory_space<semaphore_mem>>
      tpu.enqueue_dma source(%arg4 : memref<10000xf32, #tpu.memory_space<hbm>>) target(%arg15 : memref<10000xf32, #tpu.memory_space<vmem>>) target_semaphore(%run_scoped3A : memref<!tpu.dma_semaphore, #tpu.memory_space<semaphore_mem>>)
      tpu.wait_dma2 semaphore(%run_scoped3A : memref<!tpu.dma_semaphore, #tpu.memory_space<semaphore_mem>>) src(%arg4 : memref<10000xf32, #tpu.memory_space<hbm>>) dst(%arg15 : memref<10000xf32, #tpu.memory_space<vmem>>)
      tpu.yield
    }) : () -> ()
    "tpu.region"() ({
      %run_scoped3A = tpu.sem_alloc : memref<!tpu.dma_semaphore, #tpu.memory_space<semaphore_mem>>
      tpu.enqueue_dma source(%arg9 : memref<10000xf32, #tpu.memory_space<hbm>>) target(%arg16 : memref<10000xf32, #tpu.memory_space<vmem>>) target_semaphore(%run_scoped3A : memref<!tpu.dma_semaphore, #tpu.memory_space<semaphore_mem>>)
      tpu.wait_dma2 semaphore(%run_scoped3A : memref<!tpu.dma_semaphore, #tpu.memory_space<semaphore_mem>>) src(%arg9 : memref<10000xf32, #tpu.memory_space<hbm>>) dst(%arg16 : memref<10000xf32, #tpu.memory_space<vmem>>)
      tpu.yield
    }) : () -> ()
    "tpu.region"() ({
      %run_scoped3A = tpu.sem_alloc : memref<!tpu.dma_semaphore, #tpu.memory_space<semaphore_mem>>
      %dma_start3A_19 = arith.constant 0 : i32
      %dma_start3A_20 = tpu.memref_slice %arg5[%dma_start3A_19] : memref<128xf32, #tpu.memory_space<hbm>> -> memref<16xf32, #tpu.memory_space<hbm>>
      %dma_start3A_21 = arith.constant 0 : i32
      %dma_start3A_22 = tpu.memref_slice %arg5[%dma_start3A_21] : memref<128xf32, #tpu.memory_space<hbm>> -> memref<16xf32, #tpu.memory_space<hbm>>
      tpu.enqueue_dma source(%dma_start3A_22 : memref<16xf32, #tpu.memory_space<hbm>>) target(%arg17 : memref<16xf32, #tpu.memory_space<vmem>>) target_semaphore(%run_scoped3A : memref<!tpu.dma_semaphore, #tpu.memory_space<semaphore_mem>>)
      %dma_wait3A = arith.constant 0 : i32
      %dma_wait3A_23 = tpu.memref_slice %arg5[%dma_wait3A] : memref<128xf32, #tpu.memory_space<hbm>> -> memref<16xf32, #tpu.memory_space<hbm>>
      %dma_wait3A_24 = arith.constant 0 : i32
      %dma_wait3A_25 = tpu.memref_slice %arg5[%dma_wait3A_24] : memref<128xf32, #tpu.memory_space<hbm>> -> memref<16xf32, #tpu.memory_space<hbm>>
      tpu.wait_dma2 semaphore(%run_scoped3A : memref<!tpu.dma_semaphore, #tpu.memory_space<semaphore_mem>>) src(%dma_wait3A_25 : memref<16xf32, #tpu.memory_space<hbm>>) dst(%arg17 : memref<16xf32, #tpu.memory_space<vmem>>)
      tpu.yield
    }) : () -> ()
    %get3A = arith.constant 0 : index
    %get3A_3 = tpu.vector_load %arg17[%get3A] {strides = array<i32>} : memref<16xf32, #tpu.memory_space<vmem>>, vector<16xf32>,
    %dma_start3A = arith.constant 0 : i32
    %dma_start3A_4 = tpu.memref_slice %arg6[%dma_start3A] : memref<320000xi32, #tpu.memory_space<hbm>> -> memref<3200xi32, #tpu.memory_space<hbm>>
    %dma_start3A_5 = arith.constant 0 : i32
    %dma_start3A_6 = tpu.memref_slice %arg6[%dma_start3A_5] : memref<320000xi32, #tpu.memory_space<hbm>> -> memref<3200xi32, #tpu.memory_space<hbm>>
    tpu.enqueue_dma source(%dma_start3A_6 : memref<3200xi32, #tpu.memory_space<hbm>>) target(%arg18 : memref<3200xi32, #tpu.memory_space<vmem>>) target_semaphore(%arg22 : memref<!tpu.dma_semaphore, #tpu.memory_space<semaphore_mem>>)
    %dma_start3A_7 = arith.constant 0 : i32
    %dma_start3A_8 = tpu.memref_slice %arg7[%dma_start3A_7] : memref<320000xi32, #tpu.memory_space<hbm>> -> memref<3200xi32, #tpu.memory_space<hbm>>
    %dma_start3A_9 = arith.constant 0 : i32
    %dma_start3A_10 = tpu.memref_slice %arg7[%dma_start3A_9] : memref<320000xi32, #tpu.memory_space<hbm>> -> memref<3200xi32, #tpu.memory_space<hbm>>
    tpu.enqueue_dma source(%dma_start3A_10 : memref<3200xi32, #tpu.memory_space<hbm>>) target(%arg19 : memref<3200xi32, #tpu.memory_space<vmem>>) target_semaphore(%arg22 : memref<!tpu.dma_semaphore, #tpu.memory_space<semaphore_mem>>)
    %scan3A = arith.constant 0 : i32
    %scan3A_11 = arith.constant 0 : i32
    %scan3A_12 = arith.constant 50 : i32
    %scan3A_13 = arith.addi %scan3A_11, %scan3A_12 : i32
    %scan3A_14 = arith.constant 1 : i32
    %scan3A_15 = scf.for %scan3A_19 = %scan3A_11 to %scan3A_13 step %scan3A_14 iter_args(%scan3A_20 = %scan3A) -> (i32)  : i32 {
      %mul3A_21 = arith.constant 2 : i32
      %mul3A_22 = arith.muli %mul3A_21, %scan3A_19 : i32
      %dma_wait3A = arith.constant 0 : i32
      %dma_wait3A_23 = tpu.memref_slice %arg6[%dma_wait3A] : memref<320000xi32, #tpu.memory_space<hbm>> -> memref<3200xi32, #tpu.memory_space<hbm>>
      %dma_wait3A_24 = arith.constant 0 : i32
      %dma_wait3A_25 = tpu.memref_slice %arg6[%dma_wait3A_24] : memref<320000xi32, #tpu.memory_space<hbm>> -> memref<3200xi32, #tpu.memory_space<hbm>>
      tpu.wait_dma2 semaphore(%arg22 : memref<!tpu.dma_semaphore, #tpu.memory_space<semaphore_mem>>) src(%dma_wait3A_25 : memref<3200xi32, #tpu.memory_space<hbm>>) dst(%arg18 : memref<3200xi32, #tpu.memory_space<vmem>>)
      %dma_wait3A_26 = arith.constant 0 : i32
      %dma_wait3A_27 = tpu.memref_slice %arg7[%dma_wait3A_26] : memref<320000xi32, #tpu.memory_space<hbm>> -> memref<3200xi32, #tpu.memory_space<hbm>>
      %dma_wait3A_28 = arith.constant 0 : i32
      %dma_wait3A_29 = tpu.memref_slice %arg7[%dma_wait3A_28] : memref<320000xi32, #tpu.memory_space<hbm>> -> memref<3200xi32, #tpu.memory_space<hbm>>
      tpu.wait_dma2 semaphore(%arg22 : memref<!tpu.dma_semaphore, #tpu.memory_space<semaphore_mem>>) src(%dma_wait3A_29 : memref<3200xi32, #tpu.memory_space<hbm>>) dst(%arg19 : memref<3200xi32, #tpu.memory_space<vmem>>)
      %add3A_30 = arith.constant 1 : i32
      %add3A_31 = arith.addi %mul3A_22, %add3A_30 : i32
      %mul3A_32 = arith.constant 3200 : i32
      %mul3A_33 = arith.muli %add3A_31, %mul3A_32 : i32
      %dma_start3A_34 = tpu.memref_slice %arg6[%mul3A_33] : memref<320000xi32, #tpu.memory_space<hbm>> -> memref<3200xi32, #tpu.memory_space<hbm>>
      %dma_start3A_35 = tpu.memref_slice %arg6[%mul3A_33] : memref<320000xi32, #tpu.memory_space<hbm>> -> memref<3200xi32, #tpu.memory_space<hbm>>
      tpu.enqueue_dma source(%dma_start3A_35 : memref<3200xi32, #tpu.memory_space<hbm>>) target(%arg20 : memref<3200xi32, #tpu.memory_space<vmem>>) target_semaphore(%arg23 : memref<!tpu.dma_semaphore, #tpu.memory_space<semaphore_mem>>)
      %dma_start3A_36 = tpu.memref_slice %arg7[%mul3A_33] : memref<320000xi32, #tpu.memory_space<hbm>> -> memref<3200xi32, #tpu.memory_space<hbm>>
      %dma_start3A_37 = tpu.memref_slice %arg7[%mul3A_33] : memref<320000xi32, #tpu.memory_space<hbm>> -> memref<3200xi32, #tpu.memory_space<hbm>>
      tpu.enqueue_dma source(%dma_start3A_37 : memref<3200xi32, #tpu.memory_space<hbm>>) target(%arg21 : memref<3200xi32, #tpu.memory_space<vmem>>) target_semaphore(%arg23 : memref<!tpu.dma_semaphore, #tpu.memory_space<semaphore_mem>>)
      %parallel_loop3A = arith.constant 0 : i32
      %parallel_loop3A_38 = arith.constant 200 : i32
      %parallel_loop3A_39 = arith.constant 1 : i32
      scf.for %parallel_loop3A_56 = %parallel_loop3A to %parallel_loop3A_38 step %parallel_loop3A_39  : i32 {
        %parallel_loop3A_57 = arith.constant 16 : i32
        %parallel_loop3A_58 = arith.muli %parallel_loop3A_56, %parallel_loop3A_57 : i32
        %parallel_loop3A_59 = arith.index_cast %parallel_loop3A_58 : i32 to index
        %parallel_loop3A_60 = tpu.vector_load %arg18[%parallel_loop3A_59] {strides = array<i32>} : memref<3200xi32, #tpu.memory_space<vmem>>, vector<16xi32>,
        %parallel_loop3A_61 = arith.index_cast %parallel_loop3A_58 : i32 to index
        %parallel_loop3A_62 = tpu.vector_load %arg19[%parallel_loop3A_61] {strides = array<i32>} : memref<3200xi32, #tpu.memory_space<vmem>>, vector<16xi32>,
        %parallel_loop3A_63 = tpu.vector_load_idx %arg14[%parallel_loop3A_60] : memref<10000xf32, #tpu.memory_space<vmem>>[vector<16xi32>], vector<16xf32>,
        %parallel_loop3A_64 = tpu.vector_load_idx %arg15[%parallel_loop3A_62] : memref<10000xf32, #tpu.memory_space<vmem>>[vector<16xi32>], vector<16xf32>,
        %parallel_loop3A_65 = arith.addf %parallel_loop3A_63, %parallel_loop3A_64 : vector<16xf32>
        %parallel_loop3A_66 = arith.constant 2.000000e-01 : f32
        %parallel_loop3A_67 = vector.broadcast %parallel_loop3A_66 : f32 to vector<16xf32>
        %parallel_loop3A_68 = arith.mulf %parallel_loop3A_67, %parallel_loop3A_65 : vector<16xf32>
        %parallel_loop3A_69 = arith.maximumf %parallel_loop3A_65, %parallel_loop3A_68 : vector<16xf32>
        %parallel_loop3A_70 = arith.subf %parallel_loop3A_69, %get3A_3 : vector<16xf32>
        %parallel_loop3A_71 = math.exp %parallel_loop3A_70 : vector<16xf32>
        tpu.vector_store_idx %arg16[%parallel_loop3A_62], %parallel_loop3A_71 {add = true} : memref<10000xf32, #tpu.memory_space<vmem>>[vector<16xi32>], vector<16xf32>,
        %parallel_loop3A_72 = arith.constant 0 : i32
        %parallel_loop3A_73 = vector.broadcast %parallel_loop3A_72 : i32 to vector<16xi32>
        %parallel_loop3A_74 = arith.addi %parallel_loop3A_60, %parallel_loop3A_73 : vector<16xi32>
        %parallel_loop3A_75 = tpu.vector_load_idx %arg12[%parallel_loop3A_74] : memref<40000xf32, #tpu.memory_space<vmem>>[vector<16xi32>], vector<16xf32>,
        %parallel_loop3A_76 = arith.constant 0 : i32
        %parallel_loop3A_77 = vector.broadcast %parallel_loop3A_76 : i32 to vector<16xi32>
        %parallel_loop3A_78 = arith.addi %parallel_loop3A_62, %parallel_loop3A_77 : vector<16xi32>
        %parallel_loop3A_79 = arith.mulf %parallel_loop3A_75, %parallel_loop3A_71 : vector<16xf32>
        tpu.vector_store_idx %arg13[%parallel_loop3A_78], %parallel_loop3A_79 {add = true} : memref<40000xf32, #tpu.memory_space<vmem>>[vector<16xi32>], vector<16xf32>,
        %parallel_loop3A_80 = arith.constant 10000 : i32
        %parallel_loop3A_81 = vector.broadcast %parallel_loop3A_80 : i32 to vector<16xi32>
        %parallel_loop3A_82 = arith.addi %parallel_loop3A_60, %parallel_loop3A_81 : vector<16xi32>
        %parallel_loop3A_83 = tpu.vector_load_idx %arg12[%parallel_loop3A_82] : memref<40000xf32, #tpu.memory_space<vmem>>[vector<16xi32>], vector<16xf32>,
        %parallel_loop3A_84 = arith.constant 10000 : i32
        %parallel_loop3A_85 = vector.broadcast %parallel_loop3A_84 : i32 to vector<16xi32>
        %parallel_loop3A_86 = arith.addi %parallel_loop3A_62, %parallel_loop3A_85 : vector<16xi32>
        %parallel_loop3A_87 = arith.mulf %parallel_loop3A_83, %parallel_loop3A_71 : vector<16xf32>
        tpu.vector_store_idx %arg13[%parallel_loop3A_86], %parallel_loop3A_87 {add = true} : memref<40000xf32, #tpu.memory_space<vmem>>[vector<16xi32>], vector<16xf32>,
        %parallel_loop3A_88 = arith.constant 20000 : i32
        %parallel_loop3A_89 = vector.broadcast %parallel_loop3A_88 : i32 to vector<16xi32>
        %parallel_loop3A_90 = arith.addi %parallel_loop3A_60, %parallel_loop3A_89 : vector<16xi32>
        %parallel_loop3A_91 = tpu.vector_load_idx %arg12[%parallel_loop3A_90] : memref<40000xf32, #tpu.memory_space<vmem>>[vector<16xi32>], vector<16xf32>,
        %parallel_loop3A_92 = arith.constant 20000 : i32
        %parallel_loop3A_93 = vector.broadcast %parallel_loop3A_92 : i32 to vector<16xi32>
        %parallel_loop3A_94 = arith.addi %parallel_loop3A_62, %parallel_loop3A_93 : vector<16xi32>
        %parallel_loop3A_95 = arith.mulf %parallel_loop3A_91, %parallel_loop3A_71 : vector<16xf32>
        tpu.vector_store_idx %arg13[%parallel_loop3A_94], %parallel_loop3A_95 {add = true} : memref<40000xf32, #tpu.memory_space<vmem>>[vector<16xi32>], vector<16xf32>,
        %parallel_loop3A_96 = arith.constant 30000 : i32
        %parallel_loop3A_97 = vector.broadcast %parallel_loop3A_96 : i32 to vector<16xi32>
        %parallel_loop3A_98 = arith.addi %parallel_loop3A_60, %parallel_loop3A_97 : vector<16xi32>
        %parallel_loop3A_99 = tpu.vector_load_idx %arg12[%parallel_loop3A_98] : memref<40000xf32, #tpu.memory_space<vmem>>[vector<16xi32>], vector<16xf32>,
        %parallel_loop3A_100 = arith.constant 30000 : i32
        %parallel_loop3A_101 = vector.broadcast %parallel_loop3A_100 : i32 to vector<16xi32>
        %parallel_loop3A_102 = arith.addi %parallel_loop3A_62, %parallel_loop3A_101 : vector<16xi32>
        %parallel_loop3A_103 = arith.mulf %parallel_loop3A_99, %parallel_loop3A_71 : vector<16xf32>
        tpu.vector_store_idx %arg13[%parallel_loop3A_102], %parallel_loop3A_103 {add = true} : memref<40000xf32, #tpu.memory_space<vmem>>[vector<16xi32>], vector<16xf32>,
      } {sc.loop_unroll_factor = 8 : i64, sc.parallel_access}
      %dma_wait3A_40 = arith.constant 0 : i32
      %dma_wait3A_41 = tpu.memref_slice %arg6[%dma_wait3A_40] : memref<320000xi32, #tpu.memory_space<hbm>> -> memref<3200xi32, #tpu.memory_space<hbm>>
      %dma_wait3A_42 = arith.constant 0 : i32
      %dma_wait3A_43 = tpu.memref_slice %arg6[%dma_wait3A_42] : memref<320000xi32, #tpu.memory_space<hbm>> -> memref<3200xi32, #tpu.memory_space<hbm>>
      tpu.wait_dma2 semaphore(%arg23 : memref<!tpu.dma_semaphore, #tpu.memory_space<semaphore_mem>>) src(%dma_wait3A_43 : memref<3200xi32, #tpu.memory_space<hbm>>) dst(%arg20 : memref<3200xi32, #tpu.memory_space<vmem>>)
      %dma_wait3A_44 = arith.constant 0 : i32
      %dma_wait3A_45 = tpu.memref_slice %arg7[%dma_wait3A_44] : memref<320000xi32, #tpu.memory_space<hbm>> -> memref<3200xi32, #tpu.memory_space<hbm>>
      %dma_wait3A_46 = arith.constant 0 : i32
      %dma_wait3A_47 = tpu.memref_slice %arg7[%dma_wait3A_46] : memref<320000xi32, #tpu.memory_space<hbm>> -> memref<3200xi32, #tpu.memory_space<hbm>>
      tpu.wait_dma2 semaphore(%arg23 : memref<!tpu.dma_semaphore, #tpu.memory_space<semaphore_mem>>) src(%dma_wait3A_47 : memref<3200xi32, #tpu.memory_space<hbm>>) dst(%arg21 : memref<3200xi32, #tpu.memory_space<vmem>>)
      %lt3A = arith.constant 49 : i32
      %lt3A_48 = arith.cmpi slt, %scan3A_19, %lt3A : i32
      %convert_element_type3A_49 = arith.extui %lt3A_48 : i1 to i32
      %cond3A_50 = arith.constant 0 : i32
      %cond3A_51 = arith.cmpi ne, %convert_element_type3A_49, %cond3A_50 : i32
      scf.if %cond3A_51 {
        %add3A_56 = arith.constant 2 : i32
        %add3A_57 = arith.addi %mul3A_22, %add3A_56 : i32
        %mul3A_58 = arith.constant 3200 : i32
        %mul3A_59 = arith.muli %add3A_57, %mul3A_58 : i32
        %dma_start3A_60 = tpu.memref_slice %arg6[%mul3A_59] : memref<320000xi32, #tpu.memory_space<hbm>> -> memref<3200xi32, #tpu.memory_space<hbm>>
        %dma_start3A_61 = tpu.memref_slice %arg6[%mul3A_59] : memref<320000xi32, #tpu.memory_space<hbm>> -> memref<3200xi32, #tpu.memory_space<hbm>>
        tpu.enqueue_dma source(%dma_start3A_61 : memref<3200xi32, #tpu.memory_space<hbm>>) target(%arg18 : memref<3200xi32, #tpu.memory_space<vmem>>) target_semaphore(%arg22 : memref<!tpu.dma_semaphore, #tpu.memory_space<semaphore_mem>>)
        %dma_start3A_62 = tpu.memref_slice %arg7[%mul3A_59] : memref<320000xi32, #tpu.memory_space<hbm>> -> memref<3200xi32, #tpu.memory_space<hbm>>
        %dma_start3A_63 = tpu.memref_slice %arg7[%mul3A_59] : memref<320000xi32, #tpu.memory_space<hbm>> -> memref<3200xi32, #tpu.memory_space<hbm>>
        tpu.enqueue_dma source(%dma_start3A_63 : memref<3200xi32, #tpu.memory_space<hbm>>) target(%arg19 : memref<3200xi32, #tpu.memory_space<vmem>>) target_semaphore(%arg22 : memref<!tpu.dma_semaphore, #tpu.memory_space<semaphore_mem>>)
      } else {
      }
      %parallel_loop3A_52 = arith.constant 0 : i32
      %parallel_loop3A_53 = arith.constant 200 : i32
      %parallel_loop3A_54 = arith.constant 1 : i32
      scf.for %parallel_loop3A_56 = %parallel_loop3A_52 to %parallel_loop3A_53 step %parallel_loop3A_54  : i32 {
        %parallel_loop3A_57 = arith.constant 16 : i32
        %parallel_loop3A_58 = arith.muli %parallel_loop3A_56, %parallel_loop3A_57 : i32
        %parallel_loop3A_59 = arith.index_cast %parallel_loop3A_58 : i32 to index
        %parallel_loop3A_60 = tpu.vector_load %arg20[%parallel_loop3A_59] {strides = array<i32>} : memref<3200xi32, #tpu.memory_space<vmem>>, vector<16xi32>,
        %parallel_loop3A_61 = arith.index_cast %parallel_loop3A_58 : i32 to index
        %parallel_loop3A_62 = tpu.vector_load %arg21[%parallel_loop3A_61] {strides = array<i32>} : memref<3200xi32, #tpu.memory_space<vmem>>, vector<16xi32>,
        %parallel_loop3A_63 = tpu.vector_load_idx %arg14[%parallel_loop3A_60] : memref<10000xf32, #tpu.memory_space<vmem>>[vector<16xi32>], vector<16xf32>,
        %parallel_loop3A_64 = tpu.vector_load_idx %arg15[%parallel_loop3A_62] : memref<10000xf32, #tpu.memory_space<vmem>>[vector<16xi32>], vector<16xf32>,
        %parallel_loop3A_65 = arith.addf %parallel_loop3A_63, %parallel_loop3A_64 : vector<16xf32>
        %parallel_loop3A_66 = arith.constant 2.000000e-01 : f32
        %parallel_loop3A_67 = vector.broadcast %parallel_loop3A_66 : f32 to vector<16xf32>
        %parallel_loop3A_68 = arith.mulf %parallel_loop3A_67, %parallel_loop3A_65 : vector<16xf32>
        %parallel_loop3A_69 = arith.maximumf %parallel_loop3A_65, %parallel_loop3A_68 : vector<16xf32>
        %parallel_loop3A_70 = arith.subf %parallel_loop3A_69, %get3A_3 : vector<16xf32>
        %parallel_loop3A_71 = math.exp %parallel_loop3A_70 : vector<16xf32>
        tpu.vector_store_idx %arg16[%parallel_loop3A_62], %parallel_loop3A_71 {add = true} : memref<10000xf32, #tpu.memory_space<vmem>>[vector<16xi32>], vector<16xf32>,
        %parallel_loop3A_72 = arith.constant 0 : i32
        %parallel_loop3A_73 = vector.broadcast %parallel_loop3A_72 : i32 to vector<16xi32>
        %parallel_loop3A_74 = arith.addi %parallel_loop3A_60, %parallel_loop3A_73 : vector<16xi32>
        %parallel_loop3A_75 = tpu.vector_load_idx %arg12[%parallel_loop3A_74] : memref<40000xf32, #tpu.memory_space<vmem>>[vector<16xi32>], vector<16xf32>,
        %parallel_loop3A_76 = arith.constant 0 : i32
        %parallel_loop3A_77 = vector.broadcast %parallel_loop3A_76 : i32 to vector<16xi32>
        %parallel_loop3A_78 = arith.addi %parallel_loop3A_62, %parallel_loop3A_77 : vector<16xi32>
        %parallel_loop3A_79 = arith.mulf %parallel_loop3A_75, %parallel_loop3A_71 : vector<16xf32>
        tpu.vector_store_idx %arg13[%parallel_loop3A_78], %parallel_loop3A_79 {add = true} : memref<40000xf32, #tpu.memory_space<vmem>>[vector<16xi32>], vector<16xf32>,
        %parallel_loop3A_80 = arith.constant 10000 : i32
        %parallel_loop3A_81 = vector.broadcast %parallel_loop3A_80 : i32 to vector<16xi32>
        %parallel_loop3A_82 = arith.addi %parallel_loop3A_60, %parallel_loop3A_81 : vector<16xi32>
        %parallel_loop3A_83 = tpu.vector_load_idx %arg12[%parallel_loop3A_82] : memref<40000xf32, #tpu.memory_space<vmem>>[vector<16xi32>], vector<16xf32>,
        %parallel_loop3A_84 = arith.constant 10000 : i32
        %parallel_loop3A_85 = vector.broadcast %parallel_loop3A_84 : i32 to vector<16xi32>
        %parallel_loop3A_86 = arith.addi %parallel_loop3A_62, %parallel_loop3A_85 : vector<16xi32>
        %parallel_loop3A_87 = arith.mulf %parallel_loop3A_83, %parallel_loop3A_71 : vector<16xf32>
        tpu.vector_store_idx %arg13[%parallel_loop3A_86], %parallel_loop3A_87 {add = true} : memref<40000xf32, #tpu.memory_space<vmem>>[vector<16xi32>], vector<16xf32>,
        %parallel_loop3A_88 = arith.constant 20000 : i32
        %parallel_loop3A_89 = vector.broadcast %parallel_loop3A_88 : i32 to vector<16xi32>
        %parallel_loop3A_90 = arith.addi %parallel_loop3A_60, %parallel_loop3A_89 : vector<16xi32>
        %parallel_loop3A_91 = tpu.vector_load_idx %arg12[%parallel_loop3A_90] : memref<40000xf32, #tpu.memory_space<vmem>>[vector<16xi32>], vector<16xf32>,
        %parallel_loop3A_92 = arith.constant 20000 : i32
        %parallel_loop3A_93 = vector.broadcast %parallel_loop3A_92 : i32 to vector<16xi32>
        %parallel_loop3A_94 = arith.addi %parallel_loop3A_62, %parallel_loop3A_93 : vector<16xi32>
        %parallel_loop3A_95 = arith.mulf %parallel_loop3A_91, %parallel_loop3A_71 : vector<16xf32>
        tpu.vector_store_idx %arg13[%parallel_loop3A_94], %parallel_loop3A_95 {add = true} : memref<40000xf32, #tpu.memory_space<vmem>>[vector<16xi32>], vector<16xf32>,
        %parallel_loop3A_96 = arith.constant 30000 : i32
        %parallel_loop3A_97 = vector.broadcast %parallel_loop3A_96 : i32 to vector<16xi32>
        %parallel_loop3A_98 = arith.addi %parallel_loop3A_60, %parallel_loop3A_97 : vector<16xi32>
        %parallel_loop3A_99 = tpu.vector_load_idx %arg12[%parallel_loop3A_98] : memref<40000xf32, #tpu.memory_space<vmem>>[vector<16xi32>], vector<16xf32>,
        %parallel_loop3A_100 = arith.constant 30000 : i32
        %parallel_loop3A_101 = vector.broadcast %parallel_loop3A_100 : i32 to vector<16xi32>
        %parallel_loop3A_102 = arith.addi %parallel_loop3A_62, %parallel_loop3A_101 : vector<16xi32>
        %parallel_loop3A_103 = arith.mulf %parallel_loop3A_99, %parallel_loop3A_71 : vector<16xf32>
        tpu.vector_store_idx %arg13[%parallel_loop3A_102], %parallel_loop3A_103 {add = true} : memref<40000xf32, #tpu.memory_space<vmem>>[vector<16xi32>], vector<16xf32>,
      } {sc.loop_unroll_factor = 8 : i64, sc.parallel_access}
      %scan3A_55 = arith.constant 0 : i32
      scf.yield %scan3A_55 : i32
    }
    %scan3A_16 = arith.constant 50 : i32
    "tpu.region"() ({
      %run_scoped3A = tpu.sem_alloc : memref<!tpu.dma_semaphore, #tpu.memory_space<semaphore_mem>>
      %dma_start3A_19 = tpu.memref_slice %arg10[%mul3A_2] : memref<1280000xf32, #tpu.memory_space<hbm>> -> memref<40000xf32, #tpu.memory_space<hbm>>
      %dma_start3A_20 = tpu.memref_slice %arg10[%mul3A_2] : memref<1280000xf32, #tpu.memory_space<hbm>> -> memref<40000xf32, #tpu.memory_space<hbm>>
      tpu.enqueue_dma source(%arg13 : memref<40000xf32, #tpu.memory_space<vmem>>) target(%dma_start3A_20 : memref<40000xf32, #tpu.memory_space<hbm>>) target_semaphore(%run_scoped3A : memref<!tpu.dma_semaphore, #tpu.memory_space<semaphore_mem>>)
      %dma_wait3A = tpu.memref_slice %arg10[%mul3A_2] : memref<1280000xf32, #tpu.memory_space<hbm>> -> memref<40000xf32, #tpu.memory_space<hbm>>
      %dma_wait3A_21 = tpu.memref_slice %arg10[%mul3A_2] : memref<1280000xf32, #tpu.memory_space<hbm>> -> memref<40000xf32, #tpu.memory_space<hbm>>
      tpu.wait_dma2 semaphore(%run_scoped3A : memref<!tpu.dma_semaphore, #tpu.memory_space<semaphore_mem>>) src(%arg13 : memref<40000xf32, #tpu.memory_space<vmem>>) dst(%dma_wait3A_21 : memref<40000xf32, #tpu.memory_space<hbm>>)
      tpu.yield
    }) : () -> ()
    %eq3A = arith.constant 0 : i32
    %eq3A_17 = arith.cmpi eq, %add3A, %eq3A : i32
    %convert_element_type3A = arith.extui %eq3A_17 : i1 to i32
    %cond3A = arith.constant 0 : i32
    %cond3A_18 = arith.cmpi ne, %convert_element_type3A, %cond3A : i32
    scf.if %cond3A_18 {
      "tpu.region"() ({
        %run_scoped3A = tpu.sem_alloc : memref<!tpu.dma_semaphore, #tpu.memory_space<semaphore_mem>>
        tpu.enqueue_dma source(%arg16 : memref<10000xf32, #tpu.memory_space<vmem>>) target(%arg11 : memref<10000xf32, #tpu.memory_space<hbm>>) target_semaphore(%run_scoped3A : memref<!tpu.dma_semaphore, #tpu.memory_space<semaphore_mem>>)
        tpu.wait_dma2 semaphore(%run_scoped3A : memref<!tpu.dma_semaphore, #tpu.memory_space<semaphore_mem>>) src(%arg16 : memref<10000xf32, #tpu.memory_space<vmem>>) dst(%arg11 : memref<10000xf32, #tpu.memory_space<hbm>>)
        tpu.yield
      }) : () -> ()
    } else {
    }
    return
  }
}

#map = affine_map<(d0, d1) -> (0)>
module attributes {stable_mosaic.version = 14 : i64} {
  func.func @_edge_body(%arg0: i32, %arg1: i32, %arg2: memref<1280000xf32, #tpu.memory_space<hbm>>, %arg3: memref<10000xf32, #tpu.memory_space<hbm>>, %arg4: memref<10000xf32, #tpu.memory_space<hbm>>, %arg5: memref<128xf32, #tpu.memory_space<hbm>>, %arg6: memref<320000xi32, #tpu.memory_space<hbm>>, %arg7: memref<320000xi32, #tpu.memory_space<hbm>>, %arg8: memref<1280000xf32, #tpu.memory_space<hbm>>, %arg9: memref<10000xf32, #tpu.memory_space<hbm>>, %arg10: memref<1280000xf32, #tpu.memory_space<hbm>>, %arg11: memref<10000xf32, #tpu.memory_space<hbm>>, %arg12: memref<40000xf32, #tpu.memory_space<vmem>>, %arg13: memref<40000xf32, #tpu.memory_space<vmem>>, %arg14: memref<10000xf32, #tpu.memory_space<vmem>>, %arg15: memref<10000xf32, #tpu.memory_space<vmem>>, %arg16: memref<10000xf32, #tpu.memory_space<vmem>>, %arg17: memref<16xf32, #tpu.memory_space<vmem>>, %arg18: memref<3200xi32, #tpu.memory_space<vmem>>, %arg19: memref<3200xi32, #tpu.memory_space<vmem>>, %arg20: memref<3200xi32, #tpu.memory_space<vmem>>, %arg21: memref<3200xi32, #tpu.memory_space<vmem>>, %arg22: memref<!tpu.dma_semaphore, #tpu.memory_space<semaphore_mem>>, %arg23: memref<!tpu.dma_semaphore, #tpu.memory_space<semaphore_mem>>) attributes {dimension_semantics = [#tpu.dimension_semantics<core_parallel>, #tpu.dimension_semantics<subcore_parallel>], iteration_bounds = array<i64: 2, 16>, scalar_prefetch = 0 : i64, scratch_operands = 12 : i64, tpu.core_type = #tpu.core_type<sc_vector_subcore>, window_params = [{transform_indices = #map}, {transform_indices = #map}, {transform_indices = #map}, {transform_indices = #map}, {transform_indices = #map}, {transform_indices = #map}, {transform_indices = #map}, {transform_indices = #map}, {transform_indices = #map}, {transform_indices = #map}]} {
    %mul3A = arith.constant 2 : i32
    %mul3A_0 = arith.muli %arg1, %mul3A : i32
    %add3A = arith.addi %mul3A_0, %arg0 : i32
    %mul3A_1 = arith.constant 40000 : i32
    %mul3A_2 = arith.muli %add3A, %mul3A_1 : i32
    "tpu.region"() ({
      %run_scoped3A = tpu.sem_alloc : memref<!tpu.dma_semaphore, #tpu.memory_space<semaphore_mem>>
      %dma_start3A_19 = tpu.memref_slice %arg2[%mul3A_2] : memref<1280000xf32, #tpu.memory_space<hbm>> -> memref<40000xf32, #tpu.memory_space<hbm>>
      %dma_start3A_20 = tpu.memref_slice %arg2[%mul3A_2] : memref<1280000xf32, #tpu.memory_space<hbm>> -> memref<40000xf32, #tpu.memory_space<hbm>>
      tpu.enqueue_dma source(%dma_start3A_20 : memref<40000xf32, #tpu.memory_space<hbm>>) target(%arg12 : memref<40000xf32, #tpu.memory_space<vmem>>) target_semaphore(%run_scoped3A : memref<!tpu.dma_semaphore, #tpu.memory_space<semaphore_mem>>)
      %dma_wait3A = tpu.memref_slice %arg2[%mul3A_2] : memref<1280000xf32, #tpu.memory_space<hbm>> -> memref<40000xf32, #tpu.memory_space<hbm>>
      %dma_wait3A_21 = tpu.memref_slice %arg2[%mul3A_2] : memref<1280000xf32, #tpu.memory_space<hbm>> -> memref<40000xf32, #tpu.memory_space<hbm>>
      tpu.wait_dma2 semaphore(%run_scoped3A : memref<!tpu.dma_semaphore, #tpu.memory_space<semaphore_mem>>) src(%dma_wait3A_21 : memref<40000xf32, #tpu.memory_space<hbm>>) dst(%arg12 : memref<40000xf32, #tpu.memory_space<vmem>>)
      tpu.yield
    }) : () -> ()
    "tpu.region"() ({
      %run_scoped3A = tpu.sem_alloc : memref<!tpu.dma_semaphore, #tpu.memory_space<semaphore_mem>>
      %dma_start3A_19 = tpu.memref_slice %arg8[%mul3A_2] : memref<1280000xf32, #tpu.memory_space<hbm>> -> memref<40000xf32, #tpu.memory_space<hbm>>
      %dma_start3A_20 = tpu.memref_slice %arg8[%mul3A_2] : memref<1280000xf32, #tpu.memory_space<hbm>> -> memref<40000xf32, #tpu.memory_space<hbm>>
      tpu.enqueue_dma source(%dma_start3A_20 : memref<40000xf32, #tpu.memory_space<hbm>>) target(%arg13 : memref<40000xf32, #tpu.memory_space<vmem>>) target_semaphore(%run_scoped3A : memref<!tpu.dma_semaphore, #tpu.memory_space<semaphore_mem>>)
      %dma_wait3A = tpu.memref_slice %arg8[%mul3A_2] : memref<1280000xf32, #tpu.memory_space<hbm>> -> memref<40000xf32, #tpu.memory_space<hbm>>
      %dma_wait3A_21 = tpu.memref_slice %arg8[%mul3A_2] : memref<1280000xf32, #tpu.memory_space<hbm>> -> memref<40000xf32, #tpu.memory_space<hbm>>
      tpu.wait_dma2 semaphore(%run_scoped3A : memref<!tpu.dma_semaphore, #tpu.memory_space<semaphore_mem>>) src(%dma_wait3A_21 : memref<40000xf32, #tpu.memory_space<hbm>>) dst(%arg13 : memref<40000xf32, #tpu.memory_space<vmem>>)
      tpu.yield
    }) : () -> ()
    "tpu.region"() ({
      %run_scoped3A = tpu.sem_alloc : memref<!tpu.dma_semaphore, #tpu.memory_space<semaphore_mem>>
      tpu.enqueue_dma source(%arg3 : memref<10000xf32, #tpu.memory_space<hbm>>) target(%arg14 : memref<10000xf32, #tpu.memory_space<vmem>>) target_semaphore(%run_scoped3A : memref<!tpu.dma_semaphore, #tpu.memory_space<semaphore_mem>>)
      tpu.wait_dma2 semaphore(%run_scoped3A : memref<!tpu.dma_semaphore, #tpu.memory_space<semaphore_mem>>) src(%arg3 : memref<10000xf32, #tpu.memory_space<hbm>>) dst(%arg14 : memref<10000xf32, #tpu.memory_space<vmem>>)
      tpu.yield
    }) : () -> ()
    "tpu.region"() ({
      %run_scoped3A = tpu.sem_alloc : memref<!tpu.dma_semaphore, #tpu.memory_space<semaphore_mem>>
      tpu.enqueue_dma source(%arg4 : memref<10000xf32, #tpu.memory_space<hbm>>) target(%arg15 : memref<10000xf32, #tpu.memory_space<vmem>>) target_semaphore(%run_scoped3A : memref<!tpu.dma_semaphore, #tpu.memory_space<semaphore_mem>>)
      tpu.wait_dma2 semaphore(%run_scoped3A : memref<!tpu.dma_semaphore, #tpu.memory_space<semaphore_mem>>) src(%arg4 : memref<10000xf32, #tpu.memory_space<hbm>>) dst(%arg15 : memref<10000xf32, #tpu.memory_space<vmem>>)
      tpu.yield
    }) : () -> ()
    "tpu.region"() ({
      %run_scoped3A = tpu.sem_alloc : memref<!tpu.dma_semaphore, #tpu.memory_space<semaphore_mem>>
      tpu.enqueue_dma source(%arg9 : memref<10000xf32, #tpu.memory_space<hbm>>) target(%arg16 : memref<10000xf32, #tpu.memory_space<vmem>>) target_semaphore(%run_scoped3A : memref<!tpu.dma_semaphore, #tpu.memory_space<semaphore_mem>>)
      tpu.wait_dma2 semaphore(%run_scoped3A : memref<!tpu.dma_semaphore, #tpu.memory_space<semaphore_mem>>) src(%arg9 : memref<10000xf32, #tpu.memory_space<hbm>>) dst(%arg16 : memref<10000xf32, #tpu.memory_space<vmem>>)
      tpu.yield
    }) : () -> ()
    "tpu.region"() ({
      %run_scoped3A = tpu.sem_alloc : memref<!tpu.dma_semaphore, #tpu.memory_space<semaphore_mem>>
      %dma_start3A_19 = arith.constant 0 : i32
      %dma_start3A_20 = tpu.memref_slice %arg5[%dma_start3A_19] : memref<128xf32, #tpu.memory_space<hbm>> -> memref<16xf32, #tpu.memory_space<hbm>>
      %dma_start3A_21 = arith.constant 0 : i32
      %dma_start3A_22 = tpu.memref_slice %arg5[%dma_start3A_21] : memref<128xf32, #tpu.memory_space<hbm>> -> memref<16xf32, #tpu.memory_space<hbm>>
      tpu.enqueue_dma source(%dma_start3A_22 : memref<16xf32, #tpu.memory_space<hbm>>) target(%arg17 : memref<16xf32, #tpu.memory_space<vmem>>) target_semaphore(%run_scoped3A : memref<!tpu.dma_semaphore, #tpu.memory_space<semaphore_mem>>)
      %dma_wait3A = arith.constant 0 : i32
      %dma_wait3A_23 = tpu.memref_slice %arg5[%dma_wait3A] : memref<128xf32, #tpu.memory_space<hbm>> -> memref<16xf32, #tpu.memory_space<hbm>>
      %dma_wait3A_24 = arith.constant 0 : i32
      %dma_wait3A_25 = tpu.memref_slice %arg5[%dma_wait3A_24] : memref<128xf32, #tpu.memory_space<hbm>> -> memref<16xf32, #tpu.memory_space<hbm>>
      tpu.wait_dma2 semaphore(%run_scoped3A : memref<!tpu.dma_semaphore, #tpu.memory_space<semaphore_mem>>) src(%dma_wait3A_25 : memref<16xf32, #tpu.memory_space<hbm>>) dst(%arg17 : memref<16xf32, #tpu.memory_space<vmem>>)
      tpu.yield
    }) : () -> ()
    %get3A = arith.constant 0 : index
    %get3A_3 = tpu.vector_load %arg17[%get3A] {strides = array<i32>} : memref<16xf32, #tpu.memory_space<vmem>>, vector<16xf32>,
    %dma_start3A = arith.constant 0 : i32
    %dma_start3A_4 = tpu.memref_slice %arg6[%dma_start3A] : memref<320000xi32, #tpu.memory_space<hbm>> -> memref<3200xi32, #tpu.memory_space<hbm>>
    %dma_start3A_5 = arith.constant 0 : i32
    %dma_start3A_6 = tpu.memref_slice %arg6[%dma_start3A_5] : memref<320000xi32, #tpu.memory_space<hbm>> -> memref<3200xi32, #tpu.memory_space<hbm>>
    tpu.enqueue_dma source(%dma_start3A_6 : memref<3200xi32, #tpu.memory_space<hbm>>) target(%arg18 : memref<3200xi32, #tpu.memory_space<vmem>>) target_semaphore(%arg22 : memref<!tpu.dma_semaphore, #tpu.memory_space<semaphore_mem>>)
    %dma_start3A_7 = arith.constant 0 : i32
    %dma_start3A_8 = tpu.memref_slice %arg7[%dma_start3A_7] : memref<320000xi32, #tpu.memory_space<hbm>> -> memref<3200xi32, #tpu.memory_space<hbm>>
    %dma_start3A_9 = arith.constant 0 : i32
    %dma_start3A_10 = tpu.memref_slice %arg7[%dma_start3A_9] : memref<320000xi32, #tpu.memory_space<hbm>> -> memref<3200xi32, #tpu.memory_space<hbm>>
    tpu.enqueue_dma source(%dma_start3A_10 : memref<3200xi32, #tpu.memory_space<hbm>>) target(%arg19 : memref<3200xi32, #tpu.memory_space<vmem>>) target_semaphore(%arg22 : memref<!tpu.dma_semaphore, #tpu.memory_space<semaphore_mem>>)
    %scan3A = arith.constant 0 : i32
    %scan3A_11 = arith.constant 0 : i32
    %scan3A_12 = arith.constant 50 : i32
    %scan3A_13 = arith.addi %scan3A_11, %scan3A_12 : i32
    %scan3A_14 = arith.constant 1 : i32
    %scan3A_15 = scf.for %scan3A_19 = %scan3A_11 to %scan3A_13 step %scan3A_14 iter_args(%scan3A_20 = %scan3A) -> (i32)  : i32 {
      %mul3A_21 = arith.constant 2 : i32
      %mul3A_22 = arith.muli %mul3A_21, %scan3A_19 : i32
      %dma_wait3A = arith.constant 0 : i32
      %dma_wait3A_23 = tpu.memref_slice %arg6[%dma_wait3A] : memref<320000xi32, #tpu.memory_space<hbm>> -> memref<3200xi32, #tpu.memory_space<hbm>>
      %dma_wait3A_24 = arith.constant 0 : i32
      %dma_wait3A_25 = tpu.memref_slice %arg6[%dma_wait3A_24] : memref<320000xi32, #tpu.memory_space<hbm>> -> memref<3200xi32, #tpu.memory_space<hbm>>
      tpu.wait_dma2 semaphore(%arg22 : memref<!tpu.dma_semaphore, #tpu.memory_space<semaphore_mem>>) src(%dma_wait3A_25 : memref<3200xi32, #tpu.memory_space<hbm>>) dst(%arg18 : memref<3200xi32, #tpu.memory_space<vmem>>)
      %dma_wait3A_26 = arith.constant 0 : i32
      %dma_wait3A_27 = tpu.memref_slice %arg7[%dma_wait3A_26] : memref<320000xi32, #tpu.memory_space<hbm>> -> memref<3200xi32, #tpu.memory_space<hbm>>
      %dma_wait3A_28 = arith.constant 0 : i32
      %dma_wait3A_29 = tpu.memref_slice %arg7[%dma_wait3A_28] : memref<320000xi32, #tpu.memory_space<hbm>> -> memref<3200xi32, #tpu.memory_space<hbm>>
      tpu.wait_dma2 semaphore(%arg22 : memref<!tpu.dma_semaphore, #tpu.memory_space<semaphore_mem>>) src(%dma_wait3A_29 : memref<3200xi32, #tpu.memory_space<hbm>>) dst(%arg19 : memref<3200xi32, #tpu.memory_space<vmem>>)
      %add3A_30 = arith.constant 1 : i32
      %add3A_31 = arith.addi %mul3A_22, %add3A_30 : i32
      %mul3A_32 = arith.constant 3200 : i32
      %mul3A_33 = arith.muli %add3A_31, %mul3A_32 : i32
      %dma_start3A_34 = tpu.memref_slice %arg6[%mul3A_33] : memref<320000xi32, #tpu.memory_space<hbm>> -> memref<3200xi32, #tpu.memory_space<hbm>>
      %dma_start3A_35 = tpu.memref_slice %arg6[%mul3A_33] : memref<320000xi32, #tpu.memory_space<hbm>> -> memref<3200xi32, #tpu.memory_space<hbm>>
      tpu.enqueue_dma source(%dma_start3A_35 : memref<3200xi32, #tpu.memory_space<hbm>>) target(%arg20 : memref<3200xi32, #tpu.memory_space<vmem>>) target_semaphore(%arg23 : memref<!tpu.dma_semaphore, #tpu.memory_space<semaphore_mem>>)
      %dma_start3A_36 = tpu.memref_slice %arg7[%mul3A_33] : memref<320000xi32, #tpu.memory_space<hbm>> -> memref<3200xi32, #tpu.memory_space<hbm>>
      %dma_start3A_37 = tpu.memref_slice %arg7[%mul3A_33] : memref<320000xi32, #tpu.memory_space<hbm>> -> memref<3200xi32, #tpu.memory_space<hbm>>
      tpu.enqueue_dma source(%dma_start3A_37 : memref<3200xi32, #tpu.memory_space<hbm>>) target(%arg21 : memref<3200xi32, #tpu.memory_space<vmem>>) target_semaphore(%arg23 : memref<!tpu.dma_semaphore, #tpu.memory_space<semaphore_mem>>)
      %parallel_loop3A = arith.constant 0 : i32
      %parallel_loop3A_38 = arith.constant 200 : i32
      %parallel_loop3A_39 = arith.constant 1 : i32
      scf.for %parallel_loop3A_56 = %parallel_loop3A to %parallel_loop3A_38 step %parallel_loop3A_39  : i32 {
        %parallel_loop3A_57 = arith.constant 16 : i32
        %parallel_loop3A_58 = arith.muli %parallel_loop3A_56, %parallel_loop3A_57 : i32
        %parallel_loop3A_59 = arith.index_cast %parallel_loop3A_58 : i32 to index
        %parallel_loop3A_60 = tpu.vector_load %arg18[%parallel_loop3A_59] {strides = array<i32>} : memref<3200xi32, #tpu.memory_space<vmem>>, vector<16xi32>,
        %parallel_loop3A_61 = arith.index_cast %parallel_loop3A_58 : i32 to index
        %parallel_loop3A_62 = tpu.vector_load %arg19[%parallel_loop3A_61] {strides = array<i32>} : memref<3200xi32, #tpu.memory_space<vmem>>, vector<16xi32>,
        %parallel_loop3A_63 = tpu.vector_load_idx %arg14[%parallel_loop3A_60] : memref<10000xf32, #tpu.memory_space<vmem>>[vector<16xi32>], vector<16xf32>,
        %parallel_loop3A_64 = tpu.vector_load_idx %arg15[%parallel_loop3A_62] : memref<10000xf32, #tpu.memory_space<vmem>>[vector<16xi32>], vector<16xf32>,
        %parallel_loop3A_65 = arith.addf %parallel_loop3A_63, %parallel_loop3A_64 : vector<16xf32>
        %parallel_loop3A_66 = arith.constant 2.000000e-01 : f32
        %parallel_loop3A_67 = vector.broadcast %parallel_loop3A_66 : f32 to vector<16xf32>
        %parallel_loop3A_68 = arith.mulf %parallel_loop3A_67, %parallel_loop3A_65 : vector<16xf32>
        %parallel_loop3A_69 = arith.maximumf %parallel_loop3A_65, %parallel_loop3A_68 : vector<16xf32>
        %parallel_loop3A_70 = arith.subf %parallel_loop3A_69, %get3A_3 : vector<16xf32>
        %parallel_loop3A_71 = math.exp %parallel_loop3A_70 : vector<16xf32>
        tpu.vector_store_idx %arg16[%parallel_loop3A_62], %parallel_loop3A_71 {add = true} : memref<10000xf32, #tpu.memory_space<vmem>>[vector<16xi32>], vector<16xf32>,
        %parallel_loop3A_72 = arith.constant 0 : i32
        %parallel_loop3A_73 = vector.broadcast %parallel_loop3A_72 : i32 to vector<16xi32>
        %parallel_loop3A_74 = arith.addi %parallel_loop3A_60, %parallel_loop3A_73 : vector<16xi32>
        %parallel_loop3A_75 = tpu.vector_load_idx %arg12[%parallel_loop3A_74] : memref<40000xf32, #tpu.memory_space<vmem>>[vector<16xi32>], vector<16xf32>,
        %parallel_loop3A_76 = arith.constant 0 : i32
        %parallel_loop3A_77 = vector.broadcast %parallel_loop3A_76 : i32 to vector<16xi32>
        %parallel_loop3A_78 = arith.addi %parallel_loop3A_62, %parallel_loop3A_77 : vector<16xi32>
        %parallel_loop3A_79 = arith.mulf %parallel_loop3A_75, %parallel_loop3A_71 : vector<16xf32>
        tpu.vector_store_idx %arg13[%parallel_loop3A_78], %parallel_loop3A_79 {add = true} : memref<40000xf32, #tpu.memory_space<vmem>>[vector<16xi32>], vector<16xf32>,
        %parallel_loop3A_80 = arith.constant 10000 : i32
        %parallel_loop3A_81 = vector.broadcast %parallel_loop3A_80 : i32 to vector<16xi32>
        %parallel_loop3A_82 = arith.addi %parallel_loop3A_60, %parallel_loop3A_81 : vector<16xi32>
        %parallel_loop3A_83 = tpu.vector_load_idx %arg12[%parallel_loop3A_82] : memref<40000xf32, #tpu.memory_space<vmem>>[vector<16xi32>], vector<16xf32>,
        %parallel_loop3A_84 = arith.constant 10000 : i32
        %parallel_loop3A_85 = vector.broadcast %parallel_loop3A_84 : i32 to vector<16xi32>
        %parallel_loop3A_86 = arith.addi %parallel_loop3A_62, %parallel_loop3A_85 : vector<16xi32>
        %parallel_loop3A_87 = arith.mulf %parallel_loop3A_83, %parallel_loop3A_71 : vector<16xf32>
        tpu.vector_store_idx %arg13[%parallel_loop3A_86], %parallel_loop3A_87 {add = true} : memref<40000xf32, #tpu.memory_space<vmem>>[vector<16xi32>], vector<16xf32>,
        %parallel_loop3A_88 = arith.constant 20000 : i32
        %parallel_loop3A_89 = vector.broadcast %parallel_loop3A_88 : i32 to vector<16xi32>
        %parallel_loop3A_90 = arith.addi %parallel_loop3A_60, %parallel_loop3A_89 : vector<16xi32>
        %parallel_loop3A_91 = tpu.vector_load_idx %arg12[%parallel_loop3A_90] : memref<40000xf32, #tpu.memory_space<vmem>>[vector<16xi32>], vector<16xf32>,
        %parallel_loop3A_92 = arith.constant 20000 : i32
        %parallel_loop3A_93 = vector.broadcast %parallel_loop3A_92 : i32 to vector<16xi32>
        %parallel_loop3A_94 = arith.addi %parallel_loop3A_62, %parallel_loop3A_93 : vector<16xi32>
        %parallel_loop3A_95 = arith.mulf %parallel_loop3A_91, %parallel_loop3A_71 : vector<16xf32>
        tpu.vector_store_idx %arg13[%parallel_loop3A_94], %parallel_loop3A_95 {add = true} : memref<40000xf32, #tpu.memory_space<vmem>>[vector<16xi32>], vector<16xf32>,
        %parallel_loop3A_96 = arith.constant 30000 : i32
        %parallel_loop3A_97 = vector.broadcast %parallel_loop3A_96 : i32 to vector<16xi32>
        %parallel_loop3A_98 = arith.addi %parallel_loop3A_60, %parallel_loop3A_97 : vector<16xi32>
        %parallel_loop3A_99 = tpu.vector_load_idx %arg12[%parallel_loop3A_98] : memref<40000xf32, #tpu.memory_space<vmem>>[vector<16xi32>], vector<16xf32>,
        %parallel_loop3A_100 = arith.constant 30000 : i32
        %parallel_loop3A_101 = vector.broadcast %parallel_loop3A_100 : i32 to vector<16xi32>
        %parallel_loop3A_102 = arith.addi %parallel_loop3A_62, %parallel_loop3A_101 : vector<16xi32>
        %parallel_loop3A_103 = arith.mulf %parallel_loop3A_99, %parallel_loop3A_71 : vector<16xf32>
        tpu.vector_store_idx %arg13[%parallel_loop3A_102], %parallel_loop3A_103 {add = true} : memref<40000xf32, #tpu.memory_space<vmem>>[vector<16xi32>], vector<16xf32>,
      } {sc.loop_unroll_factor = 8 : i64, sc.parallel_access}
      %dma_wait3A_40 = arith.constant 0 : i32
      %dma_wait3A_41 = tpu.memref_slice %arg6[%dma_wait3A_40] : memref<320000xi32, #tpu.memory_space<hbm>> -> memref<3200xi32, #tpu.memory_space<hbm>>
      %dma_wait3A_42 = arith.constant 0 : i32
      %dma_wait3A_43 = tpu.memref_slice %arg6[%dma_wait3A_42] : memref<320000xi32, #tpu.memory_space<hbm>> -> memref<3200xi32, #tpu.memory_space<hbm>>
      tpu.wait_dma2 semaphore(%arg23 : memref<!tpu.dma_semaphore, #tpu.memory_space<semaphore_mem>>) src(%dma_wait3A_43 : memref<3200xi32, #tpu.memory_space<hbm>>) dst(%arg20 : memref<3200xi32, #tpu.memory_space<vmem>>)
      %dma_wait3A_44 = arith.constant 0 : i32
      %dma_wait3A_45 = tpu.memref_slice %arg7[%dma_wait3A_44] : memref<320000xi32, #tpu.memory_space<hbm>> -> memref<3200xi32, #tpu.memory_space<hbm>>
      %dma_wait3A_46 = arith.constant 0 : i32
      %dma_wait3A_47 = tpu.memref_slice %arg7[%dma_wait3A_46] : memref<320000xi32, #tpu.memory_space<hbm>> -> memref<3200xi32, #tpu.memory_space<hbm>>
      tpu.wait_dma2 semaphore(%arg23 : memref<!tpu.dma_semaphore, #tpu.memory_space<semaphore_mem>>) src(%dma_wait3A_47 : memref<3200xi32, #tpu.memory_space<hbm>>) dst(%arg21 : memref<3200xi32, #tpu.memory_space<vmem>>)
      %lt3A = arith.constant 49 : i32
      %lt3A_48 = arith.cmpi slt, %scan3A_19, %lt3A : i32
      %convert_element_type3A_49 = arith.extui %lt3A_48 : i1 to i32
      %cond3A_50 = arith.constant 0 : i32
      %cond3A_51 = arith.cmpi ne, %convert_element_type3A_49, %cond3A_50 : i32
      scf.if %cond3A_51 {
        %add3A_56 = arith.constant 2 : i32
        %add3A_57 = arith.addi %mul3A_22, %add3A_56 : i32
        %mul3A_58 = arith.constant 3200 : i32
        %mul3A_59 = arith.muli %add3A_57, %mul3A_58 : i32
        %dma_start3A_60 = tpu.memref_slice %arg6[%mul3A_59] : memref<320000xi32, #tpu.memory_space<hbm>> -> memref<3200xi32, #tpu.memory_space<hbm>>
        %dma_start3A_61 = tpu.memref_slice %arg6[%mul3A_59] : memref<320000xi32, #tpu.memory_space<hbm>> -> memref<3200xi32, #tpu.memory_space<hbm>>
        tpu.enqueue_dma source(%dma_start3A_61 : memref<3200xi32, #tpu.memory_space<hbm>>) target(%arg18 : memref<3200xi32, #tpu.memory_space<vmem>>) target_semaphore(%arg22 : memref<!tpu.dma_semaphore, #tpu.memory_space<semaphore_mem>>)
        %dma_start3A_62 = tpu.memref_slice %arg7[%mul3A_59] : memref<320000xi32, #tpu.memory_space<hbm>> -> memref<3200xi32, #tpu.memory_space<hbm>>
        %dma_start3A_63 = tpu.memref_slice %arg7[%mul3A_59] : memref<320000xi32, #tpu.memory_space<hbm>> -> memref<3200xi32, #tpu.memory_space<hbm>>
        tpu.enqueue_dma source(%dma_start3A_63 : memref<3200xi32, #tpu.memory_space<hbm>>) target(%arg19 : memref<3200xi32, #tpu.memory_space<vmem>>) target_semaphore(%arg22 : memref<!tpu.dma_semaphore, #tpu.memory_space<semaphore_mem>>)
      } else {
      }
      %parallel_loop3A_52 = arith.constant 0 : i32
      %parallel_loop3A_53 = arith.constant 200 : i32
      %parallel_loop3A_54 = arith.constant 1 : i32
      scf.for %parallel_loop3A_56 = %parallel_loop3A_52 to %parallel_loop3A_53 step %parallel_loop3A_54  : i32 {
        %parallel_loop3A_57 = arith.constant 16 : i32
        %parallel_loop3A_58 = arith.muli %parallel_loop3A_56, %parallel_loop3A_57 : i32
        %parallel_loop3A_59 = arith.index_cast %parallel_loop3A_58 : i32 to index
        %parallel_loop3A_60 = tpu.vector_load %arg20[%parallel_loop3A_59] {strides = array<i32>} : memref<3200xi32, #tpu.memory_space<vmem>>, vector<16xi32>,
        %parallel_loop3A_61 = arith.index_cast %parallel_loop3A_58 : i32 to index
        %parallel_loop3A_62 = tpu.vector_load %arg21[%parallel_loop3A_61] {strides = array<i32>} : memref<3200xi32, #tpu.memory_space<vmem>>, vector<16xi32>,
        %parallel_loop3A_63 = tpu.vector_load_idx %arg14[%parallel_loop3A_60] : memref<10000xf32, #tpu.memory_space<vmem>>[vector<16xi32>], vector<16xf32>,
        %parallel_loop3A_64 = tpu.vector_load_idx %arg15[%parallel_loop3A_62] : memref<10000xf32, #tpu.memory_space<vmem>>[vector<16xi32>], vector<16xf32>,
        %parallel_loop3A_65 = arith.addf %parallel_loop3A_63, %parallel_loop3A_64 : vector<16xf32>
        %parallel_loop3A_66 = arith.constant 2.000000e-01 : f32
        %parallel_loop3A_67 = vector.broadcast %parallel_loop3A_66 : f32 to vector<16xf32>
        %parallel_loop3A_68 = arith.mulf %parallel_loop3A_67, %parallel_loop3A_65 : vector<16xf32>
        %parallel_loop3A_69 = arith.maximumf %parallel_loop3A_65, %parallel_loop3A_68 : vector<16xf32>
        %parallel_loop3A_70 = arith.subf %parallel_loop3A_69, %get3A_3 : vector<16xf32>
        %parallel_loop3A_71 = math.exp %parallel_loop3A_70 : vector<16xf32>
        tpu.vector_store_idx %arg16[%parallel_loop3A_62], %parallel_loop3A_71 {add = true} : memref<10000xf32, #tpu.memory_space<vmem>>[vector<16xi32>], vector<16xf32>,
        %parallel_loop3A_72 = arith.constant 0 : i32
        %parallel_loop3A_73 = vector.broadcast %parallel_loop3A_72 : i32 to vector<16xi32>
        %parallel_loop3A_74 = arith.addi %parallel_loop3A_60, %parallel_loop3A_73 : vector<16xi32>
        %parallel_loop3A_75 = tpu.vector_load_idx %arg12[%parallel_loop3A_74] : memref<40000xf32, #tpu.memory_space<vmem>>[vector<16xi32>], vector<16xf32>,
        %parallel_loop3A_76 = arith.constant 0 : i32
        %parallel_loop3A_77 = vector.broadcast %parallel_loop3A_76 : i32 to vector<16xi32>
        %parallel_loop3A_78 = arith.addi %parallel_loop3A_62, %parallel_loop3A_77 : vector<16xi32>
        %parallel_loop3A_79 = arith.mulf %parallel_loop3A_75, %parallel_loop3A_71 : vector<16xf32>
        tpu.vector_store_idx %arg13[%parallel_loop3A_78], %parallel_loop3A_79 {add = true} : memref<40000xf32, #tpu.memory_space<vmem>>[vector<16xi32>], vector<16xf32>,
        %parallel_loop3A_80 = arith.constant 10000 : i32
        %parallel_loop3A_81 = vector.broadcast %parallel_loop3A_80 : i32 to vector<16xi32>
        %parallel_loop3A_82 = arith.addi %parallel_loop3A_60, %parallel_loop3A_81 : vector<16xi32>
        %parallel_loop3A_83 = tpu.vector_load_idx %arg12[%parallel_loop3A_82] : memref<40000xf32, #tpu.memory_space<vmem>>[vector<16xi32>], vector<16xf32>,
        %parallel_loop3A_84 = arith.constant 10000 : i32
        %parallel_loop3A_85 = vector.broadcast %parallel_loop3A_84 : i32 to vector<16xi32>
        %parallel_loop3A_86 = arith.addi %parallel_loop3A_62, %parallel_loop3A_85 : vector<16xi32>
        %parallel_loop3A_87 = arith.mulf %parallel_loop3A_83, %parallel_loop3A_71 : vector<16xf32>
        tpu.vector_store_idx %arg13[%parallel_loop3A_86], %parallel_loop3A_87 {add = true} : memref<40000xf32, #tpu.memory_space<vmem>>[vector<16xi32>], vector<16xf32>,
        %parallel_loop3A_88 = arith.constant 20000 : i32
        %parallel_loop3A_89 = vector.broadcast %parallel_loop3A_88 : i32 to vector<16xi32>
        %parallel_loop3A_90 = arith.addi %parallel_loop3A_60, %parallel_loop3A_89 : vector<16xi32>
        %parallel_loop3A_91 = tpu.vector_load_idx %arg12[%parallel_loop3A_90] : memref<40000xf32, #tpu.memory_space<vmem>>[vector<16xi32>], vector<16xf32>,
        %parallel_loop3A_92 = arith.constant 20000 : i32
        %parallel_loop3A_93 = vector.broadcast %parallel_loop3A_92 : i32 to vector<16xi32>
        %parallel_loop3A_94 = arith.addi %parallel_loop3A_62, %parallel_loop3A_93 : vector<16xi32>
        %parallel_loop3A_95 = arith.mulf %parallel_loop3A_91, %parallel_loop3A_71 : vector<16xf32>
        tpu.vector_store_idx %arg13[%parallel_loop3A_94], %parallel_loop3A_95 {add = true} : memref<40000xf32, #tpu.memory_space<vmem>>[vector<16xi32>], vector<16xf32>,
        %parallel_loop3A_96 = arith.constant 30000 : i32
        %parallel_loop3A_97 = vector.broadcast %parallel_loop3A_96 : i32 to vector<16xi32>
        %parallel_loop3A_98 = arith.addi %parallel_loop3A_60, %parallel_loop3A_97 : vector<16xi32>
        %parallel_loop3A_99 = tpu.vector_load_idx %arg12[%parallel_loop3A_98] : memref<40000xf32, #tpu.memory_space<vmem>>[vector<16xi32>], vector<16xf32>,
        %parallel_loop3A_100 = arith.constant 30000 : i32
        %parallel_loop3A_101 = vector.broadcast %parallel_loop3A_100 : i32 to vector<16xi32>
        %parallel_loop3A_102 = arith.addi %parallel_loop3A_62, %parallel_loop3A_101 : vector<16xi32>
        %parallel_loop3A_103 = arith.mulf %parallel_loop3A_99, %parallel_loop3A_71 : vector<16xf32>
        tpu.vector_store_idx %arg13[%parallel_loop3A_102], %parallel_loop3A_103 {add = true} : memref<40000xf32, #tpu.memory_space<vmem>>[vector<16xi32>], vector<16xf32>,
      } {sc.loop_unroll_factor = 8 : i64, sc.parallel_access}
      %scan3A_55 = arith.constant 0 : i32
      scf.yield %scan3A_55 : i32
    }
    %scan3A_16 = arith.constant 50 : i32
    "tpu.region"() ({
      %run_scoped3A = tpu.sem_alloc : memref<!tpu.dma_semaphore, #tpu.memory_space<semaphore_mem>>
      %dma_start3A_19 = tpu.memref_slice %arg10[%mul3A_2] : memref<1280000xf32, #tpu.memory_space<hbm>> -> memref<40000xf32, #tpu.memory_space<hbm>>
      %dma_start3A_20 = tpu.memref_slice %arg10[%mul3A_2] : memref<1280000xf32, #tpu.memory_space<hbm>> -> memref<40000xf32, #tpu.memory_space<hbm>>
      tpu.enqueue_dma source(%arg13 : memref<40000xf32, #tpu.memory_space<vmem>>) target(%dma_start3A_20 : memref<40000xf32, #tpu.memory_space<hbm>>) target_semaphore(%run_scoped3A : memref<!tpu.dma_semaphore, #tpu.memory_space<semaphore_mem>>)
      %dma_wait3A = tpu.memref_slice %arg10[%mul3A_2] : memref<1280000xf32, #tpu.memory_space<hbm>> -> memref<40000xf32, #tpu.memory_space<hbm>>
      %dma_wait3A_21 = tpu.memref_slice %arg10[%mul3A_2] : memref<1280000xf32, #tpu.memory_space<hbm>> -> memref<40000xf32, #tpu.memory_space<hbm>>
      tpu.wait_dma2 semaphore(%run_scoped3A : memref<!tpu.dma_semaphore, #tpu.memory_space<semaphore_mem>>) src(%arg13 : memref<40000xf32, #tpu.memory_space<vmem>>) dst(%dma_wait3A_21 : memref<40000xf32, #tpu.memory_space<hbm>>)
      tpu.yield
    }) : () -> ()
    %eq3A = arith.constant 0 : i32
    %eq3A_17 = arith.cmpi eq, %add3A, %eq3A : i32
    %convert_element_type3A = arith.extui %eq3A_17 : i1 to i32
    %cond3A = arith.constant 0 : i32
    %cond3A_18 = arith.cmpi ne, %convert_element_type3A, %cond3A : i32
    scf.if %cond3A_18 {
      "tpu.region"() ({
        %run_scoped3A = tpu.sem_alloc : memref<!tpu.dma_semaphore, #tpu.memory_space<semaphore_mem>>
        tpu.enqueue_dma source(%arg16 : memref<10000xf32, #tpu.memory_space<vmem>>) target(%arg11 : memref<10000xf32, #tpu.memory_space<hbm>>) target_semaphore(%run_scoped3A : memref<!tpu.dma_semaphore, #tpu.memory_space<semaphore_mem>>)
        tpu.wait_dma2 semaphore(%run_scoped3A : memref<!tpu.dma_semaphore, #tpu.memory_space<semaphore_mem>>) src(%arg16 : memref<10000xf32, #tpu.memory_space<vmem>>) dst(%arg11 : memref<10000xf32, #tpu.memory_space<hbm>>)
        tpu.yield
      }) : () -> ()
    } else {
    }
    return
  }
}

module attributes {stable_mosaic.version = 14 : i64} {
  func.func @_prep1_body(%arg0: memref<10000x128xf32, #tpu.memory_space<vmem>>, %arg1: memref<128x128xf32, #tpu.memory_space<vmem>>, %arg2: memref<1x128xf32, #tpu.memory_space<vmem>>, %arg3: memref<1x128xf32, #tpu.memory_space<vmem>>, %arg4: memref<128x10000xf32, #tpu.memory_space<vmem>>, %arg5: memref<1x10000xf32, #tpu.memory_space<vmem>>, %arg6: memref<1x10000xf32, #tpu.memory_space<vmem>>, %arg7: memref<1x128xf32, #tpu.memory_space<vmem>>, %arg8: memref<128x10000xf32, #tpu.memory_space<vmem>>, %arg9: memref<1x10000xf32, #tpu.memory_space<vmem>>) attributes {dimension_semantics = [], scalar_prefetch = 0 : i64, scratch_operands = 0 : i64, tpu.core_type = #tpu.core_type<tc>} {
    %get3A = arith.constant 0 : index
    %get3A_0 = arith.constant 0 : index
    %get3A_1 = vector.load %arg1[%get3A, %get3A_0] : memref<128x128xf32, #tpu.memory_space<vmem>>, vector<128x128xf32>
    %get3A_2 = arith.constant 0 : index
    %get3A_3 = arith.constant 0 : index
    %get3A_4 = vector.load %arg0[%get3A_2, %get3A_3] : memref<10000x128xf32, #tpu.memory_space<vmem>>, vector<10000x128xf32>
    %dot_general3A = arith.constant dense<0.000000e+00> : vector<128x10000xf32>
    %dot_general3A_5 = tpu.matmul %get3A_1, %get3A_4, %dot_general3A {dimension_numbers = #tpu.dot_dimension_numbers<[0], [1], [1], [0], [0, 1, 1, 0], [], []>, transpose_lhs_hint = false} : vector<128x128xf32>, vector<10000x128xf32>, vector<128x10000xf32> -> vector<128x10000xf32>
    %get3A_6 = arith.constant 0 : index
    %get3A_7 = arith.constant 0 : index
    %get3A_8 = vector.load %arg2[%get3A_6, %get3A_7] : memref<1x128xf32, #tpu.memory_space<vmem>>, vector<1x128xf32>
    %get3A_9 = arith.constant 0 : index
    %get3A_10 = arith.constant 0 : index
    %get3A_11 = vector.load %arg3[%get3A_9, %get3A_10] : memref<1x128xf32, #tpu.memory_space<vmem>>, vector<1x128xf32>
    %swap3A = arith.constant 0 : index
    %swap3A_12 = arith.constant 0 : index
    %swap3A_13 = vector.load %arg4[%swap3A, %swap3A_12] : memref<128x10000xf32, #tpu.memory_space<vmem>>, vector<128x10000xf32>
    tpu.vector_store %arg4[%swap3A, %swap3A_12], %dot_general3A_5 {strides = array<i32>} : memref<128x10000xf32, #tpu.memory_space<vmem>>, vector<128x10000xf32>,
    %dot_general3A_14 = arith.constant dense<0.000000e+00> : vector<1x10000xf32>
    %dot_general3A_15 = tpu.matmul %get3A_8, %dot_general3A_5, %dot_general3A_14 {dimension_numbers = #tpu.dot_dimension_numbers<[1], [0], [0], [1], [0, 0, 1, 1], [], []>, transpose_lhs_hint = false} : vector<1x128xf32>, vector<128x10000xf32>, vector<1x10000xf32> -> vector<1x10000xf32>
    %dot_general3A_16 = arith.constant dense<0.000000e+00> : vector<1x10000xf32>
    %dot_general3A_17 = tpu.matmul %get3A_11, %dot_general3A_5, %dot_general3A_16 {dimension_numbers = #tpu.dot_dimension_numbers<[1], [0], [0], [1], [0, 0, 1, 1], [], []>, transpose_lhs_hint = false} : vector<1x128xf32>, vector<128x10000xf32>, vector<1x10000xf32> -> vector<1x10000xf32>
    %swap3A_18 = arith.constant 0 : index
    %swap3A_19 = arith.constant 0 : index
    %swap3A_20 = vector.load %arg5[%swap3A_18, %swap3A_19] : memref<1x10000xf32, #tpu.memory_space<vmem>>, vector<1x10000xf32>
    tpu.vector_store %arg5[%swap3A_18, %swap3A_19], %dot_general3A_15 {strides = array<i32>} : memref<1x10000xf32, #tpu.memory_space<vmem>>, vector<1x10000xf32>,
    %swap3A_21 = arith.constant 0 : index
    %swap3A_22 = arith.constant 0 : index
    %swap3A_23 = vector.load %arg6[%swap3A_21, %swap3A_22] : memref<1x10000xf32, #tpu.memory_space<vmem>>, vector<1x10000xf32>
    tpu.vector_store %arg6[%swap3A_21, %swap3A_22], %dot_general3A_17 {strides = array<i32>} : memref<1x10000xf32, #tpu.memory_space<vmem>>, vector<1x10000xf32>,
    %reduce_max3A = vector.shape_cast %dot_general3A_15 : vector<1x10000xf32> to vector<1x1x10000xf32>
    %reduce_max3A_24 = arith.constant dense<0xFF800000> : vector<1xf32>
    %reduce_max3A_25 = vector.multi_reduction <maximumf>, %reduce_max3A, %reduce_max3A_24 [1, 2] : vector<1x1x10000xf32> to vector<1xf32>
    %reduce_max3A_26 = vector.shape_cast %reduce_max3A_25 : vector<1xf32> to vector<1x1x1xf32>
    %reduce_max3A_27 = vector.extract %reduce_max3A_26[0, 0, 0] : f32 from vector<1x1x1xf32>
    %reduce_max3A_28 = vector.shape_cast %dot_general3A_17 : vector<1x10000xf32> to vector<1x1x10000xf32>
    %reduce_max3A_29 = arith.constant dense<0xFF800000> : vector<1xf32>
    %reduce_max3A_30 = vector.multi_reduction <maximumf>, %reduce_max3A_28, %reduce_max3A_29 [1, 2] : vector<1x1x10000xf32> to vector<1xf32>
    %reduce_max3A_31 = vector.shape_cast %reduce_max3A_30 : vector<1xf32> to vector<1x1x1xf32>
    %reduce_max3A_32 = vector.extract %reduce_max3A_31[0, 0, 0] : f32 from vector<1x1x1xf32>
    %add3A = arith.addf %reduce_max3A_27, %reduce_max3A_32 : f32
    %mul3A = arith.constant 2.000000e-01 : f32
    %mul3A_33 = arith.mulf %mul3A, %add3A : f32
    %max3A = arith.maximumf %add3A, %mul3A_33 : f32
    %broadcast_in_dim3A = vector.broadcast %max3A : f32 to vector<1x128xf32>
    %swap3A_34 = arith.constant 0 : index
    %swap3A_35 = arith.constant 0 : index
    %swap3A_36 = vector.load %arg7[%swap3A_34, %swap3A_35] : memref<1x128xf32, #tpu.memory_space<vmem>>, vector<1x128xf32>
    tpu.vector_store %arg7[%swap3A_34, %swap3A_35], %broadcast_in_dim3A {strides = array<i32>} : memref<1x128xf32, #tpu.memory_space<vmem>>, vector<1x128xf32>,
    %add3A_37 = arith.addf %dot_general3A_15, %dot_general3A_17 : vector<1x10000xf32>
    %mul3A_38 = arith.constant 2.000000e-01 : f32
    %mul3A_39 = vector.broadcast %mul3A_38 : f32 to vector<1x10000xf32>
    %mul3A_40 = arith.mulf %mul3A_39, %add3A_37 : vector<1x10000xf32>
    %max3A_41 = arith.maximumf %add3A_37, %mul3A_40 : vector<1x10000xf32>
    %sub3A = vector.broadcast %max3A : f32 to vector<1x10000xf32>
    %sub3A_42 = arith.subf %max3A_41, %sub3A : vector<1x10000xf32>
    %exp3A = math.exp %sub3A_42 : vector<1x10000xf32>
    %mul3A_43 = vector.broadcast %exp3A : vector<1x10000xf32> to vector<128x10000xf32>
    %mul3A_44 = arith.mulf %dot_general3A_5, %mul3A_43 : vector<128x10000xf32>
    %swap3A_45 = arith.constant 0 : index
    %swap3A_46 = arith.constant 0 : index
    %swap3A_47 = vector.load %arg8[%swap3A_45, %swap3A_46] : memref<128x10000xf32, #tpu.memory_space<vmem>>, vector<128x10000xf32>
    tpu.vector_store %arg8[%swap3A_45, %swap3A_46], %mul3A_44 {strides = array<i32>} : memref<128x10000xf32, #tpu.memory_space<vmem>>, vector<128x10000xf32>,
    %swap3A_48 = arith.constant 0 : index
    %swap3A_49 = arith.constant 0 : index
    %swap3A_50 = vector.load %arg9[%swap3A_48, %swap3A_49] : memref<1x10000xf32, #tpu.memory_space<vmem>>, vector<1x10000xf32>
    tpu.vector_store %arg9[%swap3A_48, %swap3A_49], %exp3A {strides = array<i32>} : memref<1x10000xf32, #tpu.memory_space<vmem>>, vector<1x10000xf32>,
    return
  }
}

module attributes {stable_mosaic.version = 14 : i64} {
  func.func @_norm_prep_body(%arg0: memref<128x10000xf32, #tpu.memory_space<vmem>>, %arg1: memref<1x10000xf32, #tpu.memory_space<vmem>>, %arg2: memref<128x1xf32, #tpu.memory_space<vmem>>, %arg3: memref<128x1xf32, #tpu.memory_space<vmem>>, %arg4: memref<128x1xf32, #tpu.memory_space<vmem>>, %arg5: memref<128x1xf32, #tpu.memory_space<vmem>>, %arg6: memref<128x128xf32, #tpu.memory_space<vmem>>, %arg7: memref<1x128xf32, #tpu.memory_space<vmem>>, %arg8: memref<1x128xf32, #tpu.memory_space<vmem>>, %arg9: memref<128x10000xf32, #tpu.memory_space<vmem>>, %arg10: memref<1x10000xf32, #tpu.memory_space<vmem>>, %arg11: memref<1x10000xf32, #tpu.memory_space<vmem>>, %arg12: memref<1x128xf32, #tpu.memory_space<vmem>>, %arg13: memref<128x10000xf32, #tpu.memory_space<vmem>>, %arg14: memref<1x10000xf32, #tpu.memory_space<vmem>>) attributes {dimension_semantics = [], scalar_prefetch = 0 : i64, scratch_operands = 0 : i64, tpu.core_type = #tpu.core_type<tc>} {
    %get3A = arith.constant 0 : index
    %get3A_0 = arith.constant 0 : index
    %get3A_1 = vector.load %arg0[%get3A, %get3A_0] : memref<128x10000xf32, #tpu.memory_space<vmem>>, vector<128x10000xf32>
    %get3A_2 = arith.constant 0 : index
    %get3A_3 = arith.constant 0 : index
    %get3A_4 = vector.load %arg1[%get3A_2, %get3A_3] : memref<1x10000xf32, #tpu.memory_space<vmem>>, vector<1x10000xf32>
    %add3A = arith.constant 1.000000e-16 : f32
    %add3A_5 = vector.broadcast %add3A : f32 to vector<1x10000xf32>
    %add3A_6 = arith.addf %get3A_4, %add3A_5 : vector<1x10000xf32>
    %div3A = vector.broadcast %add3A_6 : vector<1x10000xf32> to vector<128x10000xf32>
    %div3A_7 = arith.divf %get3A_1, %div3A : vector<128x10000xf32>
    %get3A_8 = arith.constant 0 : index
    %get3A_9 = arith.constant 0 : index
    %get3A_10 = vector.load %arg2[%get3A_8, %get3A_9] : memref<128x1xf32, #tpu.memory_space<vmem>>, vector<128x1xf32>
    %add3A_11 = vector.broadcast %get3A_10 : vector<128x1xf32> to vector<128x10000xf32>
    %add3A_12 = arith.addf %div3A_7, %add3A_11 : vector<128x10000xf32>
    %reduce_sum3A = arith.constant dense<0.000000e+00> : vector<128xf32>
    %reduce_sum3A_13 = vector.multi_reduction <add>, %add3A_12, %reduce_sum3A [1] : vector<128x10000xf32> to vector<128xf32>
    %broadcast_in_dim3A = vector.shape_cast %reduce_sum3A_13 : vector<128xf32> to vector<128x1xf32>
    %div3A_14 = arith.constant 1.000000e+04 : f32
    %div3A_15 = vector.broadcast %div3A_14 : f32 to vector<128x1xf32>
    %div3A_16 = arith.divf %broadcast_in_dim3A, %div3A_15 : vector<128x1xf32>
    %get3A_17 = arith.constant 0 : index
    %get3A_18 = arith.constant 0 : index
    %get3A_19 = vector.load %arg5[%get3A_17, %get3A_18] : memref<128x1xf32, #tpu.memory_space<vmem>>, vector<128x1xf32>
    %mul3A = arith.mulf %get3A_19, %div3A_16 : vector<128x1xf32>
    %sub3A = vector.broadcast %mul3A : vector<128x1xf32> to vector<128x10000xf32>
    %sub3A_20 = arith.subf %add3A_12, %sub3A : vector<128x10000xf32>
    %mul3A_21 = arith.mulf %sub3A_20, %sub3A_20 : vector<128x10000xf32>
    %reduce_sum3A_22 = arith.constant dense<0.000000e+00> : vector<128xf32>
    %reduce_sum3A_23 = vector.multi_reduction <add>, %mul3A_21, %reduce_sum3A_22 [1] : vector<128x10000xf32> to vector<128xf32>
    %broadcast_in_dim3A_24 = vector.shape_cast %reduce_sum3A_23 : vector<128xf32> to vector<128x1xf32>
    %div3A_25 = arith.constant 1.000000e+04 : f32
    %div3A_26 = vector.broadcast %div3A_25 : f32 to vector<128x1xf32>
    %div3A_27 = arith.divf %broadcast_in_dim3A_24, %div3A_26 : vector<128x1xf32>
    %get3A_28 = arith.constant 0 : index
    %get3A_29 = arith.constant 0 : index
    %get3A_30 = vector.load %arg3[%get3A_28, %get3A_29] : memref<128x1xf32, #tpu.memory_space<vmem>>, vector<128x1xf32>
    %mul3A_31 = vector.broadcast %get3A_30 : vector<128x1xf32> to vector<128x10000xf32>
    %mul3A_32 = arith.mulf %mul3A_31, %sub3A_20 : vector<128x10000xf32>
    %add3A_33 = arith.constant 9.99999974E-6 : f32
    %add3A_34 = vector.broadcast %add3A_33 : f32 to vector<128x1xf32>
    %add3A_35 = arith.addf %div3A_27, %add3A_34 : vector<128x1xf32>
    %rsqrt3A = math.rsqrt %add3A_35 : vector<128x1xf32>
    %mul3A_36 = vector.broadcast %rsqrt3A : vector<128x1xf32> to vector<128x10000xf32>
    %mul3A_37 = arith.mulf %mul3A_32, %mul3A_36 : vector<128x10000xf32>
    %get3A_38 = arith.constant 0 : index
    %get3A_39 = arith.constant 0 : index
    %get3A_40 = vector.load %arg4[%get3A_38, %get3A_39] : memref<128x1xf32, #tpu.memory_space<vmem>>, vector<128x1xf32>
    %add3A_41 = vector.broadcast %get3A_40 : vector<128x1xf32> to vector<128x10000xf32>
    %add3A_42 = arith.addf %mul3A_37, %add3A_41 : vector<128x10000xf32>
    %max3A = arith.constant 0.000000e+00 : f32
    %max3A_43 = vector.broadcast %max3A : f32 to vector<128x10000xf32>
    %max3A_44 = arith.maximumf %add3A_42, %max3A_43 : vector<128x10000xf32>
    %get3A_45 = arith.constant 0 : index
    %get3A_46 = arith.constant 0 : index
    %get3A_47 = vector.load %arg6[%get3A_45, %get3A_46] : memref<128x128xf32, #tpu.memory_space<vmem>>, vector<128x128xf32>
    %dot_general3A = arith.constant dense<0.000000e+00> : vector<128x10000xf32>
    %dot_general3A_48 = tpu.matmul %get3A_47, %max3A_44, %dot_general3A {dimension_numbers = #tpu.dot_dimension_numbers<[0], [0], [1], [1], [0, 1, 1, 1], [], []>, transpose_lhs_hint = false} : vector<128x128xf32>, vector<128x10000xf32>, vector<128x10000xf32> -> vector<128x10000xf32>
    %get3A_49 = arith.constant 0 : index
    %get3A_50 = arith.constant 0 : index
    %get3A_51 = vector.load %arg7[%get3A_49, %get3A_50] : memref<1x128xf32, #tpu.memory_space<vmem>>, vector<1x128xf32>
    %get3A_52 = arith.constant 0 : index
    %get3A_53 = arith.constant 0 : index
    %get3A_54 = vector.load %arg8[%get3A_52, %get3A_53] : memref<1x128xf32, #tpu.memory_space<vmem>>, vector<1x128xf32>
    %swap3A = arith.constant 0 : index
    %swap3A_55 = arith.constant 0 : index
    %swap3A_56 = vector.load %arg9[%swap3A, %swap3A_55] : memref<128x10000xf32, #tpu.memory_space<vmem>>, vector<128x10000xf32>
    tpu.vector_store %arg9[%swap3A, %swap3A_55], %dot_general3A_48 {strides = array<i32>} : memref<128x10000xf32, #tpu.memory_space<vmem>>, vector<128x10000xf32>,
    %dot_general3A_57 = arith.constant dense<0.000000e+00> : vector<1x10000xf32>
    %dot_general3A_58 = tpu.matmul %get3A_51, %dot_general3A_48, %dot_general3A_57 {dimension_numbers = #tpu.dot_dimension_numbers<[1], [0], [0], [1], [0, 0, 1, 1], [], []>, transpose_lhs_hint = false} : vector<1x128xf32>, vector<128x10000xf32>, vector<1x10000xf32> -> vector<1x10000xf32>
    %dot_general3A_59 = arith.constant dense<0.000000e+00> : vector<1x10000xf32>
    %dot_general3A_60 = tpu.matmul %get3A_54, %dot_general3A_48, %dot_general3A_59 {dimension_numbers = #tpu.dot_dimension_numbers<[1], [0], [0], [1], [0, 0, 1, 1], [], []>, transpose_lhs_hint = false} : vector<1x128xf32>, vector<128x10000xf32>, vector<1x10000xf32> -> vector<1x10000xf32>
    %swap3A_61 = arith.constant 0 : index
    %swap3A_62 = arith.constant 0 : index
    %swap3A_63 = vector.load %arg10[%swap3A_61, %swap3A_62] : memref<1x10000xf32, #tpu.memory_space<vmem>>, vector<1x10000xf32>
    tpu.vector_store %arg10[%swap3A_61, %swap3A_62], %dot_general3A_58 {strides = array<i32>} : memref<1x10000xf32, #tpu.memory_space<vmem>>, vector<1x10000xf32>,
    %swap3A_64 = arith.constant 0 : index
    %swap3A_65 = arith.constant 0 : index
    %swap3A_66 = vector.load %arg11[%swap3A_64, %swap3A_65] : memref<1x10000xf32, #tpu.memory_space<vmem>>, vector<1x10000xf32>
    tpu.vector_store %arg11[%swap3A_64, %swap3A_65], %dot_general3A_60 {strides = array<i32>} : memref<1x10000xf32, #tpu.memory_space<vmem>>, vector<1x10000xf32>,
    %reduce_max3A = vector.shape_cast %dot_general3A_58 : vector<1x10000xf32> to vector<1x1x10000xf32>
    %reduce_max3A_67 = arith.constant dense<0xFF800000> : vector<1xf32>
    %reduce_max3A_68 = vector.multi_reduction <maximumf>, %reduce_max3A, %reduce_max3A_67 [1, 2] : vector<1x1x10000xf32> to vector<1xf32>
    %reduce_max3A_69 = vector.shape_cast %reduce_max3A_68 : vector<1xf32> to vector<1x1x1xf32>
    %reduce_max3A_70 = vector.extract %reduce_max3A_69[0, 0, 0] : f32 from vector<1x1x1xf32>
    %reduce_max3A_71 = vector.shape_cast %dot_general3A_60 : vector<1x10000xf32> to vector<1x1x10000xf32>
    %reduce_max3A_72 = arith.constant dense<0xFF800000> : vector<1xf32>
    %reduce_max3A_73 = vector.multi_reduction <maximumf>, %reduce_max3A_71, %reduce_max3A_72 [1, 2] : vector<1x1x10000xf32> to vector<1xf32>
    %reduce_max3A_74 = vector.shape_cast %reduce_max3A_73 : vector<1xf32> to vector<1x1x1xf32>
    %reduce_max3A_75 = vector.extract %reduce_max3A_74[0, 0, 0] : f32 from vector<1x1x1xf32>
    %add3A_76 = arith.addf %reduce_max3A_70, %reduce_max3A_75 : f32
    %mul3A_77 = arith.constant 2.000000e-01 : f32
    %mul3A_78 = arith.mulf %mul3A_77, %add3A_76 : f32
    %max3A_79 = arith.maximumf %add3A_76, %mul3A_78 : f32
    %broadcast_in_dim3A_80 = vector.broadcast %max3A_79 : f32 to vector<1x128xf32>
    %swap3A_81 = arith.constant 0 : index
    %swap3A_82 = arith.constant 0 : index
    %swap3A_83 = vector.load %arg12[%swap3A_81, %swap3A_82] : memref<1x128xf32, #tpu.memory_space<vmem>>, vector<1x128xf32>
    tpu.vector_store %arg12[%swap3A_81, %swap3A_82], %broadcast_in_dim3A_80 {strides = array<i32>} : memref<1x128xf32, #tpu.memory_space<vmem>>, vector<1x128xf32>,
    %add3A_84 = arith.addf %dot_general3A_58, %dot_general3A_60 : vector<1x10000xf32>
    %mul3A_85 = arith.constant 2.000000e-01 : f32
    %mul3A_86 = vector.broadcast %mul3A_85 : f32 to vector<1x10000xf32>
    %mul3A_87 = arith.mulf %mul3A_86, %add3A_84 : vector<1x10000xf32>
    %max3A_88 = arith.maximumf %add3A_84, %mul3A_87 : vector<1x10000xf32>
    %sub3A_89 = vector.broadcast %max3A_79 : f32 to vector<1x10000xf32>
    %sub3A_90 = arith.subf %max3A_88, %sub3A_89 : vector<1x10000xf32>
    %exp3A = math.exp %sub3A_90 : vector<1x10000xf32>
    %mul3A_91 = vector.broadcast %exp3A : vector<1x10000xf32> to vector<128x10000xf32>
    %mul3A_92 = arith.mulf %dot_general3A_48, %mul3A_91 : vector<128x10000xf32>
    %swap3A_93 = arith.constant 0 : index
    %swap3A_94 = arith.constant 0 : index
    %swap3A_95 = vector.load %arg13[%swap3A_93, %swap3A_94] : memref<128x10000xf32, #tpu.memory_space<vmem>>, vector<128x10000xf32>
    tpu.vector_store %arg13[%swap3A_93, %swap3A_94], %mul3A_92 {strides = array<i32>} : memref<128x10000xf32, #tpu.memory_space<vmem>>, vector<128x10000xf32>,
    %swap3A_96 = arith.constant 0 : index
    %swap3A_97 = arith.constant 0 : index
    %swap3A_98 = vector.load %arg14[%swap3A_96, %swap3A_97] : memref<1x10000xf32, #tpu.memory_space<vmem>>, vector<1x10000xf32>
    tpu.vector_store %arg14[%swap3A_96, %swap3A_97], %exp3A {strides = array<i32>} : memref<1x10000xf32, #tpu.memory_space<vmem>>, vector<1x10000xf32>,
    return
  }
}

module attributes {stable_mosaic.version = 14 : i64} {
  func.func @_norm_final_body(%arg0: memref<128x10000xf32, #tpu.memory_space<vmem>>, %arg1: memref<1x10000xf32, #tpu.memory_space<vmem>>, %arg2: memref<128x1xf32, #tpu.memory_space<vmem>>, %arg3: memref<128x1xf32, #tpu.memory_space<vmem>>, %arg4: memref<128x1xf32, #tpu.memory_space<vmem>>, %arg5: memref<128x1xf32, #tpu.memory_space<vmem>>, %arg6: memref<10000x128xf32, #tpu.memory_space<vmem>>) attributes {dimension_semantics = [], scalar_prefetch = 0 : i64, scratch_operands = 0 : i64, tpu.core_type = #tpu.core_type<tc>} {
    %get3A = arith.constant 0 : index
    %get3A_0 = arith.constant 0 : index
    %get3A_1 = vector.load %arg0[%get3A, %get3A_0] : memref<128x10000xf32, #tpu.memory_space<vmem>>, vector<128x10000xf32>
    %get3A_2 = arith.constant 0 : index
    %get3A_3 = arith.constant 0 : index
    %get3A_4 = vector.load %arg1[%get3A_2, %get3A_3] : memref<1x10000xf32, #tpu.memory_space<vmem>>, vector<1x10000xf32>
    %add3A = arith.constant 1.000000e-16 : f32
    %add3A_5 = vector.broadcast %add3A : f32 to vector<1x10000xf32>
    %add3A_6 = arith.addf %get3A_4, %add3A_5 : vector<1x10000xf32>
    %div3A = vector.broadcast %add3A_6 : vector<1x10000xf32> to vector<128x10000xf32>
    %div3A_7 = arith.divf %get3A_1, %div3A : vector<128x10000xf32>
    %get3A_8 = arith.constant 0 : index
    %get3A_9 = arith.constant 0 : index
    %get3A_10 = vector.load %arg2[%get3A_8, %get3A_9] : memref<128x1xf32, #tpu.memory_space<vmem>>, vector<128x1xf32>
    %add3A_11 = vector.broadcast %get3A_10 : vector<128x1xf32> to vector<128x10000xf32>
    %add3A_12 = arith.addf %div3A_7, %add3A_11 : vector<128x10000xf32>
    %reduce_sum3A = arith.constant dense<0.000000e+00> : vector<128xf32>
    %reduce_sum3A_13 = vector.multi_reduction <add>, %add3A_12, %reduce_sum3A [1] : vector<128x10000xf32> to vector<128xf32>
    %broadcast_in_dim3A = vector.shape_cast %reduce_sum3A_13 : vector<128xf32> to vector<128x1xf32>
    %div3A_14 = arith.constant 1.000000e+04 : f32
    %div3A_15 = vector.broadcast %div3A_14 : f32 to vector<128x1xf32>
    %div3A_16 = arith.divf %broadcast_in_dim3A, %div3A_15 : vector<128x1xf32>
    %get3A_17 = arith.constant 0 : index
    %get3A_18 = arith.constant 0 : index
    %get3A_19 = vector.load %arg5[%get3A_17, %get3A_18] : memref<128x1xf32, #tpu.memory_space<vmem>>, vector<128x1xf32>
    %mul3A = arith.mulf %get3A_19, %div3A_16 : vector<128x1xf32>
    %sub3A = vector.broadcast %mul3A : vector<128x1xf32> to vector<128x10000xf32>
    %sub3A_20 = arith.subf %add3A_12, %sub3A : vector<128x10000xf32>
    %mul3A_21 = arith.mulf %sub3A_20, %sub3A_20 : vector<128x10000xf32>
    %reduce_sum3A_22 = arith.constant dense<0.000000e+00> : vector<128xf32>
    %reduce_sum3A_23 = vector.multi_reduction <add>, %mul3A_21, %reduce_sum3A_22 [1] : vector<128x10000xf32> to vector<128xf32>
    %broadcast_in_dim3A_24 = vector.shape_cast %reduce_sum3A_23 : vector<128xf32> to vector<128x1xf32>
    %div3A_25 = arith.constant 1.000000e+04 : f32
    %div3A_26 = vector.broadcast %div3A_25 : f32 to vector<128x1xf32>
    %div3A_27 = arith.divf %broadcast_in_dim3A_24, %div3A_26 : vector<128x1xf32>
    %get3A_28 = arith.constant 0 : index
    %get3A_29 = arith.constant 0 : index
    %get3A_30 = vector.load %arg3[%get3A_28, %get3A_29] : memref<128x1xf32, #tpu.memory_space<vmem>>, vector<128x1xf32>
    %mul3A_31 = vector.broadcast %get3A_30 : vector<128x1xf32> to vector<128x10000xf32>
    %mul3A_32 = arith.mulf %mul3A_31, %sub3A_20 : vector<128x10000xf32>
    %add3A_33 = arith.constant 9.99999974E-6 : f32
    %add3A_34 = vector.broadcast %add3A_33 : f32 to vector<128x1xf32>
    %add3A_35 = arith.addf %div3A_27, %add3A_34 : vector<128x1xf32>
    %rsqrt3A = math.rsqrt %add3A_35 : vector<128x1xf32>
    %mul3A_36 = vector.broadcast %rsqrt3A : vector<128x1xf32> to vector<128x10000xf32>
    %mul3A_37 = arith.mulf %mul3A_32, %mul3A_36 : vector<128x10000xf32>
    %get3A_38 = arith.constant 0 : index
    %get3A_39 = arith.constant 0 : index
    %get3A_40 = vector.load %arg4[%get3A_38, %get3A_39] : memref<128x1xf32, #tpu.memory_space<vmem>>, vector<128x1xf32>
    %add3A_41 = vector.broadcast %get3A_40 : vector<128x1xf32> to vector<128x10000xf32>
    %add3A_42 = arith.addf %mul3A_37, %add3A_41 : vector<128x10000xf32>
    %max3A = arith.constant 0.000000e+00 : f32
    %max3A_43 = vector.broadcast %max3A : f32 to vector<128x10000xf32>
    %max3A_44 = arith.maximumf %add3A_42, %max3A_43 : vector<128x10000xf32>
    %iota3A = tpu.iota {dimensions = array<i32: 0>} : vector<128x128xi32>
    %iota3A_45 = tpu.iota {dimensions = array<i32: 1>} : vector<128x128xi32>
    %eq3A = arith.cmpi eq, %iota3A, %iota3A_45 : vector<128x128xi32>
    %convert_element_type3A = arith.extui %eq3A : vector<128x128xi1> to vector<128x128xi32>
    %convert_element_type3A_46 = arith.sitofp %convert_element_type3A : vector<128x128xi32> to vector<128x128xf32>
    %dot_general3A = arith.constant dense<0.000000e+00> : vector<10000x128xf32>
    %dot_general3A_47 = tpu.matmul %max3A_44, %convert_element_type3A_46, %dot_general3A {dimension_numbers = #tpu.dot_dimension_numbers<[0], [0], [1], [1], [0, 1, 1, 1], [], []>, transpose_lhs_hint = false} : vector<128x10000xf32>, vector<128x128xf32>, vector<10000x128xf32> -> vector<10000x128xf32>
    %swap3A = arith.constant 0 : index
    %swap3A_48 = arith.constant 0 : index
    %swap3A_49 = vector.load %arg6[%swap3A, %swap3A_48] : memref<10000x128xf32, #tpu.memory_space<vmem>>, vector<10000x128xf32>
    tpu.vector_store %arg6[%swap3A, %swap3A_48], %dot_general3A_47 {strides = array<i32>} : memref<10000x128xf32, #tpu.memory_space<vmem>>, vector<10000x128xf32>,
    return
  }
}

module attributes {stable_mosaic.version = 14 : i64} {
  func.func @_mlp_a_body(%arg0: memref<1024x384xf32, #tpu.memory_space<vmem>>, %arg1: memref<384x384xf32, #tpu.memory_space<vmem>>, %arg2: memref<1x384xf32, #tpu.memory_space<vmem>>, %arg3: memref<1x384xf32, #tpu.memory_space<vmem>>, %arg4: memref<1x384xf32, #tpu.memory_space<vmem>>, %arg5: memref<1024x384xf32, #tpu.memory_space<vmem>>) attributes {dimension_semantics = [], scalar_prefetch = 0 : i64, scratch_operands = 0 : i64, tpu.core_type = #tpu.core_type<tc>} {
    %get3A = arith.constant 0 : index
    %get3A_0 = arith.constant 0 : index
    %get3A_1 = vector.load %arg0[%get3A, %get3A_0] : memref<1024x384xf32, #tpu.memory_space<vmem>>, vector<1024x384xf32>
    %get3A_2 = arith.constant 0 : index
    %get3A_3 = arith.constant 0 : index
    %get3A_4 = vector.load %arg1[%get3A_2, %get3A_3] : memref<384x384xf32, #tpu.memory_space<vmem>>, vector<384x384xf32>
    %dot_general3A = arith.constant dense<0.000000e+00> : vector<1024x384xf32>
    %dot_general3A_5 = tpu.matmul %get3A_1, %get3A_4, %dot_general3A {dimension_numbers = #tpu.dot_dimension_numbers<[1], [0], [0], [1], [0, 0, 1, 1], [], []>, transpose_lhs_hint = false} : vector<1024x384xf32>, vector<384x384xf32>, vector<1024x384xf32> -> vector<1024x384xf32>
    %get3A_6 = arith.constant 0 : index
    %get3A_7 = arith.constant 0 : index
    %get3A_8 = vector.load %arg2[%get3A_6, %get3A_7] : memref<1x384xf32, #tpu.memory_space<vmem>>, vector<1x384xf32>
    %add3A = vector.broadcast %get3A_8 : vector<1x384xf32> to vector<1024x384xf32>
    %add3A_9 = arith.addf %dot_general3A_5, %add3A : vector<1024x384xf32>
    %reduce_sum3A = arith.constant dense<0.000000e+00> : vector<384xf32>
    %reduce_sum3A_10 = vector.multi_reduction <add>, %add3A_9, %reduce_sum3A [0] : vector<1024x384xf32> to vector<384xf32>
    %broadcast_in_dim3A = vector.shape_cast %reduce_sum3A_10 : vector<384xf32> to vector<1x384xf32>
    %div3A = arith.constant 1.024000e+03 : f32
    %div3A_11 = vector.broadcast %div3A : f32 to vector<1x384xf32>
    %div3A_12 = arith.divf %broadcast_in_dim3A, %div3A_11 : vector<1x384xf32>
    %sub3A = vector.broadcast %div3A_12 : vector<1x384xf32> to vector<1024x384xf32>
    %sub3A_13 = arith.subf %add3A_9, %sub3A : vector<1024x384xf32>
    %integer_pow3A = arith.mulf %sub3A_13, %sub3A_13 : vector<1024x384xf32>
    %reduce_sum3A_14 = arith.constant dense<0.000000e+00> : vector<384xf32>
    %reduce_sum3A_15 = vector.multi_reduction <add>, %integer_pow3A, %reduce_sum3A_14 [0] : vector<1024x384xf32> to vector<384xf32>
    %broadcast_in_dim3A_16 = vector.shape_cast %reduce_sum3A_15 : vector<384xf32> to vector<1x384xf32>
    %div3A_17 = arith.constant 1.024000e+03 : f32
    %div3A_18 = vector.broadcast %div3A_17 : f32 to vector<1x384xf32>
    %div3A_19 = arith.divf %broadcast_in_dim3A_16, %div3A_18 : vector<1x384xf32>
    %get3A_20 = arith.constant 0 : index
    %get3A_21 = arith.constant 0 : index
    %get3A_22 = vector.load %arg3[%get3A_20, %get3A_21] : memref<1x384xf32, #tpu.memory_space<vmem>>, vector<1x384xf32>
    %sub3A_23 = vector.broadcast %div3A_12 : vector<1x384xf32> to vector<1024x384xf32>
    %sub3A_24 = arith.subf %add3A_9, %sub3A_23 : vector<1024x384xf32>
    %mul3A = vector.broadcast %get3A_22 : vector<1x384xf32> to vector<1024x384xf32>
    %mul3A_25 = arith.mulf %mul3A, %sub3A_24 : vector<1024x384xf32>
    %add3A_26 = arith.constant 9.99999974E-6 : f32
    %add3A_27 = vector.broadcast %add3A_26 : f32 to vector<1x384xf32>
    %add3A_28 = arith.addf %div3A_19, %add3A_27 : vector<1x384xf32>
    %rsqrt3A = math.rsqrt %add3A_28 : vector<1x384xf32>
    %mul3A_29 = vector.broadcast %rsqrt3A : vector<1x384xf32> to vector<1024x384xf32>
    %mul3A_30 = arith.mulf %mul3A_25, %mul3A_29 : vector<1024x384xf32>
    %get3A_31 = arith.constant 0 : index
    %get3A_32 = arith.constant 0 : index
    %get3A_33 = vector.load %arg4[%get3A_31, %get3A_32] : memref<1x384xf32, #tpu.memory_space<vmem>>, vector<1x384xf32>
    %add3A_34 = vector.broadcast %get3A_33 : vector<1x384xf32> to vector<1024x384xf32>
    %add3A_35 = arith.addf %mul3A_30, %add3A_34 : vector<1024x384xf32>
    %max3A = arith.constant 0.000000e+00 : f32
    %max3A_36 = vector.broadcast %max3A : f32 to vector<1024x384xf32>
    %max3A_37 = arith.maximumf %add3A_35, %max3A_36 : vector<1024x384xf32>
    %swap3A = arith.constant 0 : index
    %swap3A_38 = arith.constant 0 : index
    %swap3A_39 = vector.load %arg5[%swap3A, %swap3A_38] : memref<1024x384xf32, #tpu.memory_space<vmem>>, vector<1024x384xf32>
    tpu.vector_store %arg5[%swap3A, %swap3A_38], %max3A_37 {strides = array<i32>} : memref<1024x384xf32, #tpu.memory_space<vmem>>, vector<1024x384xf32>,
    return
  }
}

module attributes {stable_mosaic.version = 14 : i64} {
  func.func @_mlp_b_body(%arg0: i32, %arg1: memref<128x384xf32, #tpu.memory_space<vmem>>, %arg2: memref<384x10000xf32, #tpu.memory_space<vmem>>, %arg3: memref<1x10000xf32, #tpu.memory_space<vmem>>, %arg4: memref<128x10000xf32, #tpu.memory_space<vmem>>) attributes {dimension_semantics = [#tpu.dimension_semantics<arbitrary>], iteration_bounds = array<i64: 8>, scalar_prefetch = 0 : i64, scratch_operands = 0 : i64, tpu.core_type = #tpu.core_type<tc>, window_params = [{transform_indices = @transform_0, window_bounds = array<i64: 128, 384>}, {pipeline_mode = #tpu.pipeline_mode<synchronous>, transform_indices = @transform_1, window_bounds = array<i64: 384, 10000>}, {pipeline_mode = #tpu.pipeline_mode<synchronous>, transform_indices = @transform_2, window_bounds = array<i64: 1, 10000>}, {transform_indices = @transform_3, window_bounds = array<i64: 128, 10000>}]} {
    %get3A = arith.constant 0 : index
    %get3A_0 = arith.constant 0 : index
    %get3A_1 = vector.load %arg1[%get3A, %get3A_0] : memref<128x384xf32, #tpu.memory_space<vmem>>, vector<128x384xf32>
    %get3A_2 = arith.constant 0 : index
    %get3A_3 = arith.constant 0 : index
    %get3A_4 = vector.load %arg2[%get3A_2, %get3A_3] : memref<384x10000xf32, #tpu.memory_space<vmem>>, vector<384x10000xf32>
    %dot_general3A = arith.constant dense<0.000000e+00> : vector<128x10000xf32>
    %dot_general3A_5 = tpu.matmul %get3A_1, %get3A_4, %dot_general3A {dimension_numbers = #tpu.dot_dimension_numbers<[1], [0], [0], [1], [0, 0, 1, 1], [], []>, transpose_lhs_hint = false} : vector<128x384xf32>, vector<384x10000xf32>, vector<128x10000xf32> -> vector<128x10000xf32>
    %get3A_6 = arith.constant 0 : index
    %get3A_7 = arith.constant 0 : index
    %get3A_8 = vector.load %arg3[%get3A_6, %get3A_7] : memref<1x10000xf32, #tpu.memory_space<vmem>>, vector<1x10000xf32>
    %add3A = vector.broadcast %get3A_8 : vector<1x10000xf32> to vector<128x10000xf32>
    %add3A_9 = arith.addf %dot_general3A_5, %add3A : vector<128x10000xf32>
    %reduce_max3A = arith.constant dense<0xFF800000> : vector<128xf32>
    %reduce_max3A_10 = vector.multi_reduction <maximumf>, %add3A_9, %reduce_max3A [1] : vector<128x10000xf32> to vector<128xf32>
    %broadcast_in_dim3A = vector.shape_cast %reduce_max3A_10 : vector<128xf32> to vector<128x1xf32>
    %sub3A = vector.broadcast %broadcast_in_dim3A : vector<128x1xf32> to vector<128x10000xf32>
    %sub3A_11 = arith.subf %add3A_9, %sub3A : vector<128x10000xf32>
    %exp3A = math.exp %sub3A_11 : vector<128x10000xf32>
    %reduce_sum3A = arith.constant dense<0.000000e+00> : vector<128xf32>
    %reduce_sum3A_12 = vector.multi_reduction <add>, %exp3A, %reduce_sum3A [1] : vector<128x10000xf32> to vector<128xf32>
    %broadcast_in_dim3A_13 = vector.shape_cast %reduce_sum3A_12 : vector<128xf32> to vector<128x1xf32>
    %log3A = math.log %broadcast_in_dim3A_13 : vector<128x1xf32>
    %add3A_14 = arith.addf %broadcast_in_dim3A, %log3A : vector<128x1xf32>
    %sub3A_15 = vector.broadcast %add3A_14 : vector<128x1xf32> to vector<128x10000xf32>
    %sub3A_16 = arith.subf %add3A_9, %sub3A_15 : vector<128x10000xf32>
    %swap3A = arith.constant 0 : index
    %swap3A_17 = arith.constant 0 : index
    %swap3A_18 = vector.load %arg4[%swap3A, %swap3A_17] : memref<128x10000xf32, #tpu.memory_space<vmem>>, vector<128x10000xf32>
    tpu.vector_store %arg4[%swap3A, %swap3A_17], %sub3A_16 {strides = array<i32>} : memref<128x10000xf32, #tpu.memory_space<vmem>>, vector<128x10000xf32>,
    return
  }
  func.func @transform_0(%arg0: i32) -> (i32, i32) {
    %c0_i32 = arith.constant 0 : i32
    %c0_i32_0 = arith.constant 0 : i32
    return %arg0, %c0_i32 : i32, i32
  }
  func.func @transform_1(%arg0: i32) -> (i32, i32) {
    %c0_i32 = arith.constant 0 : i32
    %c0_i32_0 = arith.constant 0 : i32
    %c0_i32_1 = arith.constant 0 : i32
    return %c0_i32, %c0_i32_0 : i32, i32
  }
  func.func @transform_2(%arg0: i32) -> (i32, i32) {
    %c0_i32 = arith.constant 0 : i32
    %c0_i32_0 = arith.constant 0 : i32
    %c0_i32_1 = arith.constant 0 : i32
    return %c0_i32, %c0_i32_0 : i32, i32
  }
  func.func @transform_3(%arg0: i32) -> (i32, i32) {
    %c0_i32 = arith.constant 0 : i32
    %c0_i32_0 = arith.constant 0 : i32
    return %arg0, %c0_i32 : i32, i32
  }
}

</mosaic_0001>

<sc_bundles>
// kernel: kernel.10.cloned.1.call-start
scs
__scs_entry_jumppad:
0x0: {  	(pc) =	sbr.rel $0x88, $3  }
0x1: {  	(tag) =	ssettag $0x0;
	lr =	simm.s32 $0x1  }
0x2: {  	[smem:$0x3F8A] =	sst lr;
	_ =	strace $0xD0000000  }
0x3: {  	_ = 	snop  }
0x4: {  	_ = 	snop  }
0x5: {  	_ = 	snop  }
0x6: {  	_ = 	snop  }
0x7: {  	_ = 	snop  }
__scs_overlays_trampoline_lowered:
0x8: {  	[smem:$0x3F99] =	sst s0  }
0x9: {  	[smem:$0x3F9A] =	sst s1  }
0xa: {  	[smem:$0x3F9B] =	sst s2  }
0xb: {  	[smem:$0x3F9C] =	sst s3  }
0xc: {  	[smem:$0x3F9D] =	sst s4  }
0xd: {  	[smem:$0x3F9E] =	sst s5  }
0xe: {  	[smem:$0x3F9F] =	sst s6  }
0xf: {  	[smem:$0x3FA0] =	sst s7  }
0x10: {  	[smem:$0x3FA1] =	sst s8  }
0x11: {  	[smem:$0x3FA2] =	sst s9;
	s0 =	simm.s32 @!p0 $0x0  }
0x12: {  	s1 =	sld [smem:$0x3F88];
	s0 =	simm.s32 @p0 $0x1  }
0x13: {  	[smem:$0x3FA3] =	sst s0;
	s0 =	simm.s32 @!p1 $0x0  }
0x14: {  	s2 =	sld [smem:$0x3F87];
	s0 =	simm.s32 @p1 $0x1  }
0x15: {  	[smem:$0x3FA4] =	sst s0;
	s0 =	simm.s32 @!p2 $0x0  }
0x16: {  	s3 =	sld [smem:$0x3FDB];
	s0 =	simm.s32 @p2 $0x1  }
0x17: {  	s4 =	simm.s32 $0x1BF5;
	[smem:$0x3FA6] =	sst s0  }
0x18: {  	s0 =	sld [smem:$0x3F89];
	_ =	swait.ge [sflag:s4], $0x0  }
0x19: {  	s7 =	sld [smem:$0x3F8A]  }
0x1a: {  	s8 =	sadd.s32 $0xFFFFE003, lr  }
0x1b: {  	s9 =	sadd.s32 $0xFFFFFEF7, lr;
	s5 =	simm.s32 $0xFFFFFFFF;
	p2 =	slt.u32 s8, $0xFFFFF086  }
0x1c: {  	p1 =	slt.u32 s9, $0xF7A;
	s5 =	simm.s32 @!p2 $0x0  }
0x1d: {  	s5 =	simm.s32 @p1 $0x1;
	p0 =	seq.s32 s7, s2  }
0x1e: {  	s7 =	smul.u32 @!p0 $0xF7A, s2;
	p2 =	seq.s32 @!p0 s5, $0x0  }
0x1f: {  	s9 =	smul.u32 $0xF7A, s1;
	s8 =	simm.s32 @!p0 $0x1BF5;
	p2 =	por !p2, p0  }
0x20: {  	[sflag:s8] =	ssyncset.s32 @!p0 $0xFFFFF086;
	s6 =	sadd.s32 @!p0 s3, s7;
	s7 =	simm.s32 @!p0 $0x108  }
0x21: {  	s3 =	sadd.s32 s3, s9;
	s6 =	sadd.s32 @!p0 $0x88, s6;
	s7 =	simm.s32 @p2 $0x1082  }
0x22: {  	[simem:s7], [sflag:s8] =	dma.local @!p0 [hbm:s6], $0xF7A  }
0x23: {  	s9 =	sor.u32 $0xD0000000, s2;
	s6 =	simm.s32 $0x108;
	_ =	swait.ge @!p0 [sflag:s8], $0x0  }
0x24: {  	s3 =	sadd.s32 $0x88, s3;
	s6 =	simm.s32 @!p1 $0x1082;
	[sflag:s4] =	ssyncset.s32 $0xFFFFF086  }
0x25: {  	[simem:s6], [sflag:s4] =	dma.local [hbm:s3], $0xF7A  }
0x26: {  	[smem:$0x3F8A] =	sst s1;
	(tag) =	ssettag s2;
	_ =	strace s9  }
0x27: {  	s1 =	sld [smem:$0x3F9A]  }
0x28: {  	s2 =	sld [smem:$0x3F9B]  }
0x29: {  	s4 =	sld [smem:$0x3F9D]  }
0x2a: {  	p0 =	seq.s32 s5, $0x0;
	s5 =	sld [smem:$0x3F9E]  }
0x2b: {  	s6 =	sld [smem:$0x3F9F]  }
0x2c: {  	s7 =	sld [smem:$0x3FA0]  }
0x2d: {  	s3 =	simm.s32 $0x108;
	s8 =	sld [smem:$0x3FA1]  }
0x2e: {  	s3 =	simm.s32 @!p0 $0x1082;
	s9 =	sld [smem:$0x3FA2]  }
0x2f: {  	lr =	sadd.s32 s0, s3;
	s0 =	sld [smem:$0x3F99]  }
0x30: {  	s3 =	sld [smem:$0x3F9C]  }
0x31: {  	[smem:$0x3FA5] =	sst s10  }
0x32: {  	s10 =	sld [smem:$0x3FA3];
	_ =	sdelay $0x3  }
0x33: {  	p0 =	seq.s32 s10, $0x1;
	s10 =	sld [smem:$0x3FA5];
	_ =	sdelay $0x3  }
0x34: {  	[smem:$0x3FA5] =	sst s10  }
0x35: {  	s10 =	sld [smem:$0x3FA4];
	_ =	sdelay $0x3  }
0x36: {  	p1 =	seq.s32 s10, $0x1;
	s10 =	sld [smem:$0x3FA5];
	_ =	sdelay $0x3  }
0x37: {  	[smem:$0x3FA5] =	sst s10  }
0x38: {  	s10 =	sld [smem:$0x3FA6]  }
0x39: {  	_ = 	snop;
	(pc) =	sbr.ind lr, $3  }
0x3a: {  	_ = 	snop  }
0x3b: {  	_ = 	snop  }
0x3c: {  	p2 =	seq.s32 s10, $0x1;
	s10 =	sld [smem:$0x3FA5]  }
0x3d: {  	_ =	shalt  }
0x3e: {  	_ =	shalt  }
0x3f: {  	_ =	shalt  }
0x40: {  	_ =	shalt  }
0x41: {  	_ =	shalt  }
0x42: {  	_ =	shalt  }
0x43: {  	_ =	shalt  }
0x44: {  	_ =	shalt  }
0x45: {  	_ =	shalt  }
0x46: {  	_ =	shalt  }
0x47: {  	_ =	shalt  }
0x48: {  	_ =	shalt  }
0x49: {  	_ =	shalt  }
0x4a: {  	_ =	shalt  }
0x4b: {  	_ =	shalt  }
0x4c: {  	_ =	shalt  }
0x4d: {  	_ =	shalt  }
0x4e: {  	_ =	shalt  }
0x4f: {  	_ =	shalt  }
0x50: {  	_ =	shalt  }
0x51: {  	_ =	shalt  }
0x52: {  	_ =	shalt  }
0x53: {  	_ =	shalt  }
0x54: {  	_ =	shalt  }
0x55: {  	_ =	shalt  }
0x56: {  	_ =	shalt  }
0x57: {  	_ =	shalt  }
0x58: {  	_ =	shalt  }
0x59: {  	_ =	shalt  }
0x5a: {  	_ =	shalt  }
0x5b: {  	_ =	shalt  }
0x5c: {  	_ =	shalt  }
0x5d: {  	_ =	shalt  }
0x5e: {  	_ =	shalt  }
0x5f: {  	_ =	shalt  }
0x60: {  	_ =	shalt  }
0x61: {  	_ =	shalt  }
0x62: {  	_ =	shalt  }
0x63: {  	_ =	shalt  }
0x64: {  	_ =	shalt  }
0x65: {  	_ =	shalt  }
0x66: {  	_ =	shalt  }
0x67: {  	_ =	shalt  }
0x68: {  	_ =	shalt  }
0x69: {  	_ =	shalt  }
0x6a: {  	_ =	shalt  }
0x6b: {  	_ =	shalt  }
0x6c: {  	_ =	shalt  }
0x6d: {  	_ =	shalt  }
0x6e: {  	_ =	shalt  }
0x6f: {  	_ =	shalt  }
0x70: {  	_ =	shalt  }
0x71: {  	_ =	shalt  }
0x72: {  	_ =	shalt  }
0x73: {  	_ =	shalt  }
0x74: {  	_ =	shalt  }
0x75: {  	_ =	shalt  }
0x76: {  	_ =	shalt  }
0x77: {  	_ =	shalt  }
0x78: {  	_ =	shalt  }
0x79: {  	_ =	shalt  }
0x7a: {  	_ =	shalt  }
0x7b: {  	_ =	shalt  }
0x7c: {  	_ =	shalt  }
0x7d: {  	_ =	shalt  }
0x7e: {  	_ =	shalt  }
0x7f: {  	_ =	shalt  }
0x80: {  	_ =	shalt  }
0x81: {  	_ =	shalt  }
0x82: {  	_ =	shalt  }
0x83: {  	_ =	shalt  }
0x84: {  	_ =	shalt  }
0x85: {  	_ =	shalt  }
0x86: {  	_ =	shalt  }
0x87: {  	_ =	shalt  }
.Lfunc_end0:
.L_simem_size_0:
called_computation_lowered:
.L_overlay_start_0:
0x88: {  	s2 =	sld [smem:$0x3FD9]  }
0x89: {  	s3 =	sld [smem:$0x3FFE];
	_ =	sdelay $0x1  }
0x8a: {  	s1 =	srdreg.scid  }
0x8b: {  	s0 =	sand.u32 $0x1, s1  }
0x8c: {  	s17 =	sshll.u32 s0, $0xA;
	s2 =	sadd.s32 s3, s2  }
0x8d: {  	s2 =	sadd.s32 s2, s17  }
0x8e: {  	[smem:$0x3FB1] =	sst s2  }
0x8f: {  	_ = 	snop  }
0x90: {  	s2 =	sld [smem:$0x3FD0];
	(tm) =	ssettm $0x1  }
0x91: {  	s18 =	sld [smem:$0x3FFB];
	_ =	sdelay $0x3  }
0x92: {  	_ =	strace s18  }
0x93: {  	s3 =	sld [smem:$0x3FFC];
	_ =	sdelay $0x3  }
0x94: {  	_ =	strace s3  }
0x95: {  	s3 =	sld [smem:$0x3FFD];
	_ =	sdelay $0x3  }
0x96: {  	_ =	strace s3  }
0x97: {  	_ =	strace $0x8FFFFFFF  }
0x98: {  	s19 =	sld [smem:$0x3FDB];
	_ =	sdelay $0x1  }
0x99: {  	s4 =	simm.s32 $_scs_section_size  }
0x9a: {  	s5 =	simm.s32 $_size__tile_overlayer_lowered;
	s6 =	simm.s32 $_tile_overlayer_lowered  }
0x9b: {  	s22 =	simm.s32 $0x1BFF;
	s21 =	sshll.u32 s6, $0x1;
	s3 =	sadd.s32 s4, s19  }
0x9c: {  	s7 =	simm.s32 $0x0;
	s20 =	sshll.u32 s5, $0x1;
	s5 =	sadd.s32 s21, s3  }
0x9d: {  	[timem:s7], [sflag:s22] =	dma.local [hbm:s5], s20  }
0x9e: {  	_ =	swait.ge [sflag:s22], s20  }
0x9f: {  	s4 =	ssub.s32 $0x0, s20;
	[sflag:s22] =	ssyncset.done $0x0  }
0xa0: {  	[sflag:s22] =	ssyncadd.s32 s4;
	_ =	sdelay $0x1  }
0xa1: {  	s23 =	simm.s32 $0x1B8B  }
0xa2: {  	_ =	swait.ge [sflag:s23], $0x1  }
0xa3: {  	[sflag:s23] =	ssyncset.done $0x0  }
0xa4: {  	s25 =	simm.s32 $0x1B8E;
	s24 =	sld [smem:$0x3FFE];
	[sflag:s23] =	ssyncadd.s32 $0xFFFFFFFF  }
0xa5: {  	s26 =	simm.s32 $execute0_lowered;
	[smem:$0x3FD2] =	sst s25  }
0xa6: {  	s5 =	sshll.u32 s26, $0x1;
	_ =	strace $0x80000046;
	[dreg:$0x1] =	wrdreg $0xFFFFFFFF  }
0xa7: {  	s28 =	simm.s32 $_size_execute0_lowered;
	s3 =	sadd.s32 s3, s5;
	[dreg:$0x0] =	wrdreg $0x0  }
0xa8: {  	s5 =	sshll.u32 s28, $0x1;
	[dreg:$0x2] =	wrdreg s3  }
0xa9: {  	[dreg:$0x3] =	wrdreg s5  }
0xaa: {  	[dreg:$0x4] =	wrdreg $0xC0  }
0xab: {  	_ =	task [dreg:s7], $0x5FFFF  }
0xac: {  	[dreg:$0x1] =	wrdreg $0xFFFFFFFF  }
0xad: {  	[dreg:$0x0] =	wrdreg $0x60  }
0xae: {  	[dreg:$0x2] =	wrdreg s2  }
0xaf: {  	[dreg:$0x3] =	wrdreg s24  }
0xb0: {  	[dreg:$0x4] =	wrdreg $0x9  }
0xb1: {  	_ =	task.clear_ibuf [dreg:s7], $0x5FFFF;
	_ =	strace $0x90000046  }
0xb2: {  	s29 =	simm.s32 $0x9;
	_ =	strace $0x80000048  }
0xb3: {  	_ =	swait.ge [sflag:s29], $0x1  }
0xb4: {  	[sflag:s29] =	ssyncadd.s32 $0xFFFFFFFF  }
0xb5: {  	_ =	strace $0x90000048  }
0xb6: {  	_ =	sfence  }
0xb7: {  	s30 =	sld [smem:$0x0];
	_ =	sdelay $0x2  }
0xb8: {  	s31 =	sshll.u32 s1, $0xD;
	s1 =	sshrl.u32 s1, $0x2  }
0xb9: {  	s3 =	sand.u32 $0x4000, s31;
	s1 =	sadd.s32 s1, s30  }
0xba: {  	s0 =	sor.u32 s3, s0;
	s1 =	sshll.u32 s1, $0x11  }
0xbb: {  	s0 =	sor.u32 s1, s0  }
0xbc: {  	s0 =	sadd.s32 $0x8F2B, s0  }
0xbd: {  	[sflag:s0] =	ssyncadd.remote.s32 $0x1  }
0xbe: {  	_ =	sfence.sel $0xFFFF  }
0xbf: {  	[dreg:$0x0] =	wrdreg $0xFFFFFFFF;
	(pc) =	sbr.abs _section_cstart, $3  }
0xc0: {  	[dreg:$0x1] =	wrdreg $0xFFFFFFFF  }
0xc1: {  	_ =	task.clear_ibuf [dreg:s7], $0x2FFFF;
	_ =	strace $0x9FFFFFFF  }
0xc2: {  	(tm) =	ssettm $0x7FFFFFFF  }
0xc3: {  	_ =	shalt  }
tec
execute0_lowered:
.L_overlay_start_1:
0x0: {  	(tag) =	ssettag $0x1  }
0x1: {  	s0 =	rddreg [dreg:$0x0]  }
0x2: {  	s9 =	rddreg [dreg:$0x1];
	s2 =	simm.s32 $0x0;
	s4 =	srdreg.scid  }
0x3: {  	s1 =	stileid.u32;
	s15 =	simm.s32 $0x9C80;
	s16 =	simm.s32 $0x13900  }
0x4: {  	s17 =	simm.s32 $0x16080;
	s18 =	simm.s32 $0x18800;
	s19 =	simm.s32 $0x1AF80  }
0x5: {  	s20 =	simm.s32 $0x1B000;
	s21 =	simm.s32 $0x1BC80;
	s22 =	simm.s32 $0x1  }
0x6: {  	s23 =	simm.s32 $0x1C900;
	s24 =	simm.s32 $0x1D580;
	s26 =	simm.s32 $0x0  }
0x7: {  	[smem:$0x7FF] =	sst s2;
	s3 =	sadd.s32 $0x16A00, s9;
	s7 =	sand.u32 $0x1, s4  }
0x8: {  	s6 =	sshll.u32 s1, $0x1;
	s4 =	sadd.s32 $0x17000, s9;
	s5 =	sadd.s32 $0x16800, s9  }
0x9: {  	s8 =	sadd.s32 $0x17600, s9;
	_ =	strace $0x80000047;
	s25 =	sor.u32 s7, s6  }
0xa: {  	s6 =	sadd.s32 $0xCA00, s9;
	s11 =	ssub.s32 $0x2, s7;
	s10 =	smul.u32 $0x1388, s25  }
0xb: {  	s7 =	sadd.s32 $0x2C00, s9;
	s12 =	sshrl.u32 s11, $0x1;
	p0 =	sne.s32 s25, $0x0  }
0xc: {  	s25 =	simm.s32 $0x2;
	s14 =	ssub.s32 s11, s12;
	s13 =	sadd.s32 s10, s9  }
0xd: {  	s9 =	sadd.s32 $0x3EE00, s9;
	s10 =	sadd.s32 s0, s10;
	s11 =	sadd.s32 $0x17C00, s13  }
0xe: {  	s12 =	sadd.s32 $0x3F400, s13;
	s13 =	smax.u32 s14, $0x1;
	s14 =	simm.s32 $0x3  }
.LBB2_1:
0xf: {  	[tilespmem:s2], [sflag:$0x3] =	stream.linear.gather [hbm4b:s10+s2], $0x9C40, $0x38;
	[tilespmem:$0x1E200] =	vst v63  }
0x10: {  	_ =	swait.ge [sflag:s14], $0x9C40  }
0x11: {  	[sflag:s14] =	ssyncset.done $0x0  }
0x12: {  	[sflag:s14] =	ssyncadd.s32 $0xFFFF63C0  }
0x13: {  	[tilespmem:s15], [sflag:$0x3] =	stream.linear.gather [hbm4b:s11+s2], $0x9C40, $0x38;
	[tilespmem:$0x1E200] =	vst v63  }
0x14: {  	_ =	swait.ge [sflag:s14], $0x9C40  }
0x15: {  	[sflag:s14] =	ssyncset.done $0x0  }
0x16: {  	[sflag:s14] =	ssyncadd.s32 $0xFFFF63C0  }
0x17: {  	[tilespmem:s16], [sflag:$0x3] =	stream.linear.gather [hbm4b:s3+s2], $0x2780, $0x38;
	[tilespmem:$0x1E200] =	vst v63  }
0x18: {  	_ =	swait.ge [sflag:s14], $0x2780  }
0x19: {  	[sflag:s14] =	ssyncset.done $0x0  }
0x1a: {  	[sflag:s14] =	ssyncadd.s32 $0xFFFFD880  }
0x1b: {  	[tilespmem:s17], [sflag:$0x3] =	stream.linear.gather [hbm4b:s4+s2], $0x2780, $0x38;
	[tilespmem:$0x1E200] =	vst v63  }
0x1c: {  	_ =	swait.ge [sflag:s14], $0x2780  }
0x1d: {  	[sflag:s14] =	ssyncset.done $0x0  }
0x1e: {  	[sflag:s14] =	ssyncadd.s32 $0xFFFFD880  }
0x1f: {  	[tilespmem:s18], [sflag:$0x3] =	stream.linear.gather [hbm4b:s8+s2], $0x2780, $0x38;
	[tilespmem:$0x1E200] =	vst v63  }
0x20: {  	_ =	swait.ge [sflag:s14], $0x2780  }
0x21: {  	[sflag:s14] =	ssyncset.done $0x0  }
0x22: {  	[sflag:s14] =	ssyncadd.s32 $0xFFFFD880  }
0x23: {  	[tilespmem:s19], [sflag:$0x3] =	stream.linear.gather [hbm4b:s5+s2], $0x10, $0x38;
	[tilespmem:$0x1E200] =	vst v63  }
0x24: {  	_ =	swait.ge [sflag:s14], $0x10  }
0x25: {  	[sflag:s14] =	ssyncset.done $0x0  }
0x26: {  	[sflag:s14] =	ssyncadd.s32 $0xFFFFFFF0  }
0x27: {  	v61 =	vld [tilespmem:$0x1AF80];
	[tilespmem:s20], [sflag:$0x1] =	stream.linear.gather [hbm4b:s6+s2], $0xC80, $0x38  }
0x28: {  	s28 =	simm.s32 $0x0  }
0x29: {  	[tilespmem:s21], [sflag:$0x1] =	stream.linear.gather [hbm4b:s7+s2], $0xC80, $0x38;
	[tilespmem:$0x1E200] =	vst v63  }
.LBB2_2:
0x2a: {  	_ =	swait.ge [sflag:s22], $0xC80  }
0x2b: {  	s29 =	smul.u32 $0x1900, s28;
	[sflag:s22] =	ssyncset.done $0x0  }
0x2c: {  	[sflag:s22] =	ssyncadd.s32 $0xFFFFF380  }
0x2d: {  	s0 =	sshrl.u32 s29, $0x3;
	_ =	swait.ge [sflag:s22], $0xC80  }
0x2e: {  	s0 =	sadd.s32 $0x190, s0;
	[sflag:s22] =	ssyncset.done $0x0  }
0x2f: {  	s30 =	sadd.s32 s6, s0;
	[sflag:s22] =	ssyncadd.s32 $0xFFFFF380  }
0x30: {  	[tilespmem:s23], [sflag:$0x2] =	stream.linear.gather [hbm4b:s30+s2], $0xC80, $0x38;
	[tilespmem:$0x1E200] =	vst v63  }
0x31: {  	s0 =	sadd.s32 s7, s0  }
0x32: {  	[tilespmem:s24], [sflag:$0x2] =	stream.linear.gather [hbm4b:s0+s2], $0xC80, $0x38;
	[tilespmem:$0x1E200] =	vst v63  }
0x33: {  	s0 =	simm.s32 $0x1B040  }
0x34: {  	s30 =	simm.s32 $0x1BCC0;
	v17 =	vld [tilespmem:s0+$0x30]  }
0x35: {  	v18 =	vld [tilespmem:s30+$0x30];
	_ =	sdelay $0x1  }
0x36: {  	v4 =	vld [tilespmem:s30+$0xFFFFFFC0]  }
0x37: {  	v6 =	vld [tilespmem:s0+$0xFFFFFFD0]  }
0x38: {  	v3 =	vld [tilespmem:s30+$0xFFFFFFD0]  }
0x39: {  	v7 =	vld [tilespmem:s0+$0xFFFFFFE0]  }
0x3a: {  	v2 =	vld [tilespmem:s30+$0xFFFFFFE0]  }
0x3b: {  	v9 =	vld.idx.msk [tilespmem:v17+s16+$0x0], $0xffff  }
0x3c: {  	v10 =	vld.idx.msk [tilespmem:v18+s17+$0x0], $0xffff  }
0x3d: {  	v5 =	vld [tilespmem:s0+$0xFFFFFFF0]  }
0x3e: {  	v1 =	vld [tilespmem:s30+$0xFFFFFFF0]  }
0x3f: {  	v13 =	vld [tilespmem:s0+$0x0]  }
0x40: {  	v12 =	vld [tilespmem:s30+$0x0]  }
0x41: {  	v11 =	vld [tilespmem:s0+$0x10];
	v14 =	vadd.f32 v10, v9  }
0x42: {  	v30 =	vld [tilespmem:s0+$0xFFFFFFC0]  }
0x43: {  	v8 =	vld [tilespmem:s30+$0x10];
	v15 =	vmul.f32 $2.000000030e-01, v14  }
0x44: {  	v16 =	vld.idx.msk [tilespmem:v4+s17+$0x0], $0xffff  }
0x45: {  	v19 =	vld.idx.msk [tilespmem:v3+s17+$0x0], $0xffff;
	v14 =	vmax.f32 v14, v15  }
0x46: {  	v20 =	vld.idx.msk [tilespmem:v7+s16+$0x0], $0xffff;
	v14 =	vsub.f32 v14, v61  }
0x47: {  	v21 =	vld.idx.msk [tilespmem:v2+s17+$0x0], $0xffff  }
0x48: {  	v22 =	vld.idx.msk [tilespmem:v5+s16+$0x0], $0xffff;
	v14 =	vmul.f32 $1.442695020e+00, v14  }
0x49: {  	v15 =	vld.idx.msk [tilespmem:v6+s16+$0x0], $0xffff  }
0x4a: {  	(erf) = vpow2.f32 v14;
	v14 =	vld.idx.msk [tilespmem:v30+s16+$0x0], $0xffff  }
0x4b: {  	v10 =	vld [tilespmem:s0+$0x20]  }
0x4c: {  	v9 =	vld [tilespmem:s30+$0x20]  }
0x4d: {  	v23 =	vld.idx.msk [tilespmem:v1+s17+$0x0], $0xffff;
	_ =	sdelay $0x1  }
0x4e: {  	v24 =	vld.idx.msk [tilespmem:v12+s17+$0x0], $0xffff;
	v15 =	vadd.f32 v19, v15;
	v14 =	vadd.f32 v16, v14  }
0x4f: {  	v19 =	vld.idx.msk [tilespmem:v13+s16+$0x0], $0xffff  }
0x50: {  	v20 =	vadd.f32 v21, v20;
	v21 =	vld.idx.msk [tilespmem:v11+s16+$0x0], $0xffff;
	v25 =	vmul.f32 $2.000000030e-01, v15;
	v26 =	vmul.f32 $2.000000030e-01, v14  }
0x51: {  	v22 =	vadd.f32 v23, v22;
	v16 =	vld.idx.msk [tilespmem:v8+s17+$0x0], $0xffff  }
0x52: {  	v23 =	vld.idx.msk [tilespmem:v10+s16+$0x0], $0xffff;
	v15 =	vmax.f32 v15, v25;
	v25 =	vmul.f32 $2.000000030e-01, v20;
	v14 =	vmax.f32 v14, v26  }
0x53: {  	v27 =	vld.idx.msk [tilespmem:v9+s17+$0x0], $0xffff;
	v15 =	vsub.f32 v15, v61;
	v28 =	vpop (erf);
	v14 =	vsub.f32 v14, v61  }
0x54: {  	v19 =	vadd.f32 v24, v19;
	v20 =	vmax.f32 v20, v25;
	v25 =	vmul.f32 $2.000000030e-01, v22;
	[tilespmem:v18+s18+$0x0] =	vst.idx.add.f32.msk $0xffff, v28  }
0x55: {  	v20 =	vsub.f32 v20, v61;
	v15 =	vmul.f32 $1.442695020e+00, v15;
	v24 =	vld.idx.msk [tilespmem:v17+s2+$0x0], $0xffff;
	v14 =	vmul.f32 $1.442695020e+00, v14  }
0x56: {  	v22 =	vmax.f32 v22, v25;
	v25 =	vmul.f32 $2.000000030e-01, v19;
	v16 =	vadd.f32 v16, v21  }
0x57: {  	v26 =	vadd.s32 $0x2710, v17;
	v21 =	vsub.f32 v22, v61;
	(erf) = vpow2.f32 v14  }
0x58: {  	v22 =	vadd.f32 v27, v23;
	v23 =	vmul.f32 $2.000000030e-01, v16;
	(erf) = vpow2.f32 v15  }
0x59: {  	v20 =	vmul.f32 $1.442695020e+00, v20  }
0x5a: {  	v14 =	vmax.f32 v19, v25;
	v15 =	vmax.f32 v16, v23;
	v16 =	vmul.f32 v28, v24  }
0x5b: {  	v19 =	vmul.f32 $2.000000030e-01, v22;
	v14 =	vsub.f32 v14, v61;
	(erf) = vpow2.f32 v20  }
0x5c: {  	v21 =	vmul.f32 $1.442695020e+00, v21;
	v15 =	vsub.f32 v15, v61;
	[tilespmem:v18+s15+$0x0] =	vst.idx.add.f32.msk $0xffff, v16  }
0x5d: {  	v19 =	vmax.f32 v22, v19;
	v14 =	vmul.f32 $1.442695020e+00, v14;
	v16 =	vld.idx.msk [tilespmem:v26+s2+$0x0], $0xffff  }
0x5e: {  	s0 =	simm.s32 $0x1B0C0;
	v19 =	vsub.f32 v19, v61;
	(erf) = vpow2.f32 v21;
	v15 =	vmul.f32 $1.442695020e+00, v15  }
0x5f: {  	s30 =	simm.s32 $0x1BD40;
	v37 =	vld [tilespmem:s0+$0x30];
	(erf) = vpow2.f32 v14;
	v14 =	vadd.s32 $0x2710, v18  }
0x60: {  	v33 =	vld [tilespmem:s30+$0x30];
	v19 =	vmul.f32 $1.442695020e+00, v19;
	(erf) = vpow2.f32 v15;
	v35 =	vpop (erf)  }
0x61: {  	v15 =	vadd.s32 $0x4E20, v17;
	[tilespmem:v4+s18+$0x0] =	vst.idx.add.f32.msk $0xffff, v35;
	v29 =	vpop (erf)  }
0x62: {  	(erf) = vpow2.f32 v19;
	v16 =	vmul.f32 v28, v16;
	[tilespmem:v3+s18+$0x0] =	vst.idx.add.f32.msk $0xffff, v29  }
0x63: {  	v21 =	vld.idx.msk [tilespmem:v30+s2+$0x0], $0xffff  }
0x64: {  	v34 =	vpop (erf);
	[tilespmem:v14+s15+$0x0] =	vst.idx.add.f32.msk $0xffff, v16  }
0x65: {  	[tilespmem:v2+s18+$0x0] =	vst.idx.add.f32.msk $0xffff, v34  }
0x66: {  	v19 =	vld.idx.msk [tilespmem:v15+s2+$0x0], $0xffff  }
0x67: {  	v27 =	vpop (erf);
	v22 =	vld.idx.msk [tilespmem:v6+s2+$0x0], $0xffff  }
0x68: {  	v20 =	vadd.s32 $0x4E20, v18;
	[tilespmem:v1+s18+$0x0] =	vst.idx.add.f32.msk $0xffff, v27;
	v15 =	vpop (erf)  }
0x69: {  	v14 =	vpop (erf);
	[tilespmem:v12+s18+$0x0] =	vst.idx.add.f32.msk $0xffff, v15  }
0x6a: {  	[tilespmem:v8+s18+$0x0] =	vst.idx.add.f32.msk $0xffff, v14  }
0x6b: {  	v17 =	vadd.s32 $0x7530, v17;
	v16 =	vpop (erf);
	v23 =	vld.idx.msk [tilespmem:v13+s2+$0x0], $0xffff;
	v19 =	vmul.f32 v28, v19  }
0x6c: {  	[tilespmem:v9+s18+$0x0] =	vst.idx.add.f32.msk $0xffff, v16  }
0x6d: {  	[tilespmem:v20+s15+$0x0] =	vst.idx.add.f32.msk $0xffff, v19  }
0x6e: {  	v19 =	vld.idx.msk [tilespmem:v7+s2+$0x0], $0xffff  }
0x6f: {  	v20 =	vld.idx.msk [tilespmem:v5+s2+$0x0], $0xffff  }
0x70: {  	v17 =	vld.idx.msk [tilespmem:v17+s2+$0x0], $0xffff  }
0x71: {  	v21 =	vmul.f32 v35, v21;
	v24 =	vld.idx.msk [tilespmem:v11+s2+$0x0], $0xffff  }
0x72: {  	v22 =	vmul.f32 v29, v22;
	v25 =	vld.idx.msk [tilespmem:v10+s2+$0x0], $0xffff  }
0x73: {  	v18 =	vadd.s32 $0x7530, v18;
	[tilespmem:v4+s15+$0x0] =	vst.idx.add.f32.msk $0xffff, v21  }
0x74: {  	v21 =	vadd.s32 $0x2710, v7;
	[tilespmem:v3+s15+$0x0] =	vst.idx.add.f32.msk $0xffff, v22;
	v19 =	vmul.f32 v34, v19  }
0x75: {  	v22 =	vadd.s32 $0x2710, v5;
	v20 =	vmul.f32 v27, v20;
	v17 =	vmul.f32 v17, v28;
	v28 =	vld [tilespmem:s30+$0xFFFFFFD0]  }
0x76: {  	[tilespmem:v2+s15+$0x0] =	vst.idx.add.f32.msk $0xffff, v19  }
0x77: {  	[tilespmem:v1+s15+$0x0] =	vst.idx.add.f32.msk $0xffff, v20  }
0x78: {  	v19 =	vadd.s32 $0x2710, v6;
	[tilespmem:v18+s15+$0x0] =	vst.idx.add.f32.msk $0xffff, v17  }
0x79: {  	v20 =	vmul.f32 v14, v24;
	v21 =	vld.idx.msk [tilespmem:v21+s2+$0x0], $0xffff  }
0x7a: {  	v17 =	vadd.s32 $0x2710, v30;
	v18 =	vmul.f32 v15, v23;
	v22 =	vld.idx.msk [tilespmem:v22+s2+$0x0], $0xffff  }
0x7b: {  	v23 =	vadd.s32 $0x2710, v10;
	[tilespmem:v8+s15+$0x0] =	vst.idx.add.f32.msk $0xffff, v20  }
0x7c: {  	v20 =	vadd.s32 $0x2710, v13;
	[tilespmem:v12+s15+$0x0] =	vst.idx.add.f32.msk $0xffff, v18;
	v18 =	vmul.f32 v16, v25  }
0x7d: {  	v19 =	vld.idx.msk [tilespmem:v19+s2+$0x0], $0xffff  }
0x7e: {  	[tilespmem:v9+s15+$0x0] =	vst.idx.add.f32.msk $0xffff, v18;
	v18 =	vadd.s32 $0x2710, v11  }
0x7f: {  	v25 =	vadd.s32 $0x2710, v3;
	v17 =	vld.idx.msk [tilespmem:v17+s2+$0x0], $0xffff  }
0x80: {  	v23 =	vld.idx.msk [tilespmem:v23+s2+$0x0], $0xffff  }
0x81: {  	v24 =	vadd.s32 $0x2710, v4;
	v20 =	vld.idx.msk [tilespmem:v20+s2+$0x0], $0xffff  }
0x82: {  	v58 =	vld.idx.msk [tilespmem:v28+s17+$0x0], $0xffff;
	v19 =	vmul.f32 v29, v19  }
0x83: {  	v57 =	vadd.s32 $0x2710, v1;
	v18 =	vld.idx.msk [tilespmem:v18+s2+$0x0], $0xffff  }
0x84: {  	v17 =	vmul.f32 v35, v17;
	[tilespmem:v25+s15+$0x0] =	vst.idx.add.f32.msk $0xffff, v19  }
0x85: {  	v26 =	vadd.s32 $0x2710, v2;
	v25 =	vld [tilespmem:s0+$0xFFFFFFE0]  }
0x86: {  	v19 =	vmul.f32 v27, v22;
	[tilespmem:v24+s15+$0x0] =	vst.idx.add.f32.msk $0xffff, v17  }
0x87: {  	v31 =	vadd.s32 $0x2710, v12;
	v24 =	vld.idx.msk [tilespmem:v37+s16+$0x0], $0xffff  }
0x88: {  	v32 =	vadd.s32 $0x2710, v8;
	v17 =	vmul.f32 v34, v21;
	[tilespmem:v57+s15+$0x0] =	vst.idx.add.f32.msk $0xffff, v19  }
0x89: {  	v22 =	vadd.s32 $0x4E20, v30;
	v57 =	vld [tilespmem:s30+$0xFFFFFFC0]  }
0x8a: {  	[tilespmem:v26+s15+$0x0] =	vst.idx.add.f32.msk $0xffff, v17;
	v17 =	vmul.f32 v15, v20  }
0x8b: {  	v18 =	vmul.f32 v14, v18;
	v26 =	vld.idx.msk [tilespmem:v33+s17+$0x0], $0xffff  }
0x8c: {  	[tilespmem:v31+s15+$0x0] =	vst.idx.add.f32.msk $0xffff, v17  }
0x8d: {  	[tilespmem:v32+s15+$0x0] =	vst.idx.add.f32.msk $0xffff, v18  }
0x8e: {  	v48 =	vadd.s32 $0x4E20, v13;
	v36 =	vld.idx.msk [tilespmem:v22+s2+$0x0], $0xffff  }
0x8f: {  	v21 =	vadd.s32 $0x2710, v9;
	v32 =	vld [tilespmem:s0+$0xFFFFFFD0]  }
0x90: {  	v19 =	vadd.s32 $0x4E20, v7;
	v22 =	vld [tilespmem:s0+$0x0]  }
0x91: {  	v18 =	vld [tilespmem:s0+$0x10]  }
0x92: {  	v17 =	vmul.f32 v16, v23;
	v31 =	vld [tilespmem:s30+$0x10]  }
0x93: {  	v48 =	vld.idx.msk [tilespmem:v48+s2+$0x0], $0xffff  }
0x94: {  	v20 =	vadd.s32 $0x4E20, v6;
	[tilespmem:v21+s15+$0x0] =	vst.idx.add.f32.msk $0xffff, v17  }
0x95: {  	v40 =	vld.idx.msk [tilespmem:v19+s2+$0x0], $0xffff  }
0x96: {  	v21 =	vld [tilespmem:s0+$0xFFFFFFF0]  }
0x97: {  	v17 =	vld [tilespmem:s30+$0xFFFFFFF0]  }
0x98: {  	v19 =	vld [tilespmem:s30+$0x0]  }
0x99: {  	v23 =	vadd.s32 $0x4E20, v5;
	v39 =	vld.idx.msk [tilespmem:v20+s2+$0x0], $0xffff  }
0x9a: {  	v20 =	vld [tilespmem:s0+$0x20]  }
0x9b: {  	v42 =	vadd.f32 v26, v24;
	v26 =	vld [tilespmem:s30+$0x20]  }
0x9c: {  	v51 =	vadd.s32 $0x4E20, v4;
	v24 =	vld [tilespmem:s0+$0xFFFFFFC0]  }
0x9d: {  	v46 =	vld.idx.msk [tilespmem:v25+s16+$0x0], $0xffff  }
0x9e: {  	v41 =	vld.idx.msk [tilespmem:v23+s2+$0x0], $0xffff  }
0x9f: {  	v30 =	vadd.s32 $0x7530, v30;
	v23 =	vld [tilespmem:s30+$0xFFFFFFE0];
	v36 =	vmul.f32 v35, v36  }
0xa0: {  	v55 =	vadd.s32 $0x4E20, v2;
	v44 =	vld.idx.msk [tilespmem:v57+s17+$0x0], $0xffff  }
0xa1: {  	[tilespmem:v51+s15+$0x0] =	vst.idx.add.f32.msk $0xffff, v36  }
0xa2: {  	v45 =	vld.idx.msk [tilespmem:v32+s16+$0x0], $0xffff  }
0xa3: {  	v54 =	vadd.s32 $0x4E20, v3;
	v40 =	vmul.f32 v34, v40;
	v52 =	vld.idx.msk [tilespmem:v22+s16+$0x0], $0xffff  }
0xa4: {  	v7 =	vadd.s32 $0x7530, v7;
	v43 =	vmul.f32 $2.000000030e-01, v42;
	v30 =	vld.idx.msk [tilespmem:v30+s2+$0x0], $0xffff  }
0xa5: {  	[tilespmem:v55+s15+$0x0] =	vst.idx.add.f32.msk $0xffff, v40  }
0xa6: {  	v42 =	vmax.f32 v42, v43;
	v39 =	vmul.f32 v29, v39;
	v49 =	vld.idx.msk [tilespmem:v21+s16+$0x0], $0xffff  }
0xa7: {  	v6 =	vadd.s32 $0x7530, v6;
	v42 =	vsub.f32 v42, v61;
	v50 =	vld.idx.msk [tilespmem:v17+s17+$0x0], $0xffff  }
0xa8: {  	[tilespmem:v54+s15+$0x0] =	vst.idx.add.f32.msk $0xffff, v39  }
0xa9: {  	v4 =	vadd.s32 $0x7530, v4;
	v42 =	vmul.f32 $1.442695020e+00, v42;
	v7 =	vld.idx.msk [tilespmem:v7+s2+$0x0], $0xffff  }
0xaa: {  	v59 =	vld.idx.msk [tilespmem:v24+s16+$0x0], $0xffff  }
0xab: {  	v2 =	vadd.s32 $0x7530, v2;
	(erf) = vpow2.f32 v42;
	v47 =	vld.idx.msk [tilespmem:v23+s17+$0x0], $0xffff  }
0xac: {  	v6 =	vld.idx.msk [tilespmem:v6+s2+$0x0], $0xffff;
	v30 =	vmul.f32 v30, v35  }
0xad: {  	v53 =	vld.idx.msk [tilespmem:v19+s17+$0x0], $0xffff  }
0xae: {  	v3 =	vadd.s32 $0x7530, v3;
	[tilespmem:v4+s15+$0x0] =	vst.idx.add.f32.msk $0xffff, v30;
	v4 =	vmul.f32 v7, v34  }
0xaf: {  	v13 =	vadd.s32 $0x7530, v13;
	v5 =	vadd.s32 $0x7530, v5;
	v51 =	vld.idx.msk [tilespmem:v20+s16+$0x0], $0xffff;
	v43 =	vadd.f32 v58, v45  }
0xb0: {  	v55 =	vadd.s32 $0x2710, v37;
	v49 =	vadd.f32 v50, v49;
	[tilespmem:v2+s15+$0x0] =	vst.idx.add.f32.msk $0xffff, v4;
	v60 =	vadd.f32 v47, v46  }
0xb1: {  	v62 =	vmul.f32 $2.000000030e-01, v43;
	v42 =	vadd.f32 v44, v59;
	v6 =	vmul.f32 v6, v29;
	v46 =	vld.idx.msk [tilespmem:v18+s16+$0x0], $0xffff  }
0xb2: {  	v52 =	vadd.f32 v53, v52;
	v44 =	vadd.s32 $0x4E20, v1;
	v47 =	vld.idx.msk [tilespmem:v31+s17+$0x0], $0xffff;
	v63 =	vmul.f32 $2.000000030e-01, v60  }
0xb3: {  	v36 =	vmax.f32 v43, v62;
	v43 =	vadd.s32 $0x4E20, v12;
	v59 =	vmul.f32 $2.000000030e-01, v42;
	[tilespmem:v3+s15+$0x0] =	vst.idx.add.f32.msk $0xffff, v6  }
0xb4: {  	v41 =	vmul.f32 v27, v41;
	v56 =	vmul.f32 $2.000000030e-01, v49;
	v39 =	vpop (erf);
	v45 =	vmax.f32 v60, v63;
	v60 =	vld.idx.msk [tilespmem:v26+s17+$0x0], $0xffff  }
0xb5: {  	v58 =	vmul.f32 v15, v48;
	v62 =	vmul.f32 $2.000000030e-01, v52;
	v42 =	vmax.f32 v42, v59;
	[tilespmem:v33+s18+$0x0] =	vst.idx.add.f32.msk $0xffff, v39  }
0xb6: {  	v49 =	vmax.f32 v49, v56;
	v42 =	vsub.f32 v42, v61;
	v63 =	vadd.s32 $0x4E20, v11;
	v56 =	vld.idx.msk [tilespmem:v37+s2+$0x0], $0xffff  }
0xb7: {  	v36 =	vsub.f32 v36, v61;
	[tilespmem:v44+s15+$0x0] =	vst.idx.add.f32.msk $0xffff, v41;
	v46 =	vadd.f32 v47, v46;
	v47 =	vadd.s32 $0x4E20, v10  }
0xb8: {  	v52 =	vmax.f32 v52, v62;
	[tilespmem:v43+s15+$0x0] =	vst.idx.add.f32.msk $0xffff, v58;
	v62 =	vmul.f32 $1.442695020e+00, v42;
	v45 =	vsub.f32 v45, v61  }
0xb9: {  	v1 =	vadd.s32 $0x7530, v1;
	v12 =	vadd.s32 $0x7530, v12;
	v36 =	vmul.f32 $1.442695020e+00, v36;
	v5 =	vld.idx.msk [tilespmem:v5+s2+$0x0], $0xffff  }
0xba: {  	v58 =	vadd.s32 $0x4E20, v8;
	v13 =	vld.idx.msk [tilespmem:v13+s2+$0x0], $0xffff;
	(erf) = vpow2.f32 v62;
	v45 =	vmul.f32 $1.442695020e+00, v45  }
0xbb: {  	v59 =	vadd.f32 v60, v51;
	v60 =	vmul.f32 $2.000000030e-01, v46;
	v63 =	vld.idx.msk [tilespmem:v63+s2+$0x0], $0xffff;
	v56 =	vmul.f32 v39, v56  }
0xbc: {  	v11 =	vadd.s32 $0x7530, v11;
	v62 =	vsub.f32 v52, v61;
	(erf) = vpow2.f32 v36;
	v54 =	vld.idx.msk [tilespmem:v47+s2+$0x0], $0xffff  }
0xbd: {  	(erf) = vpow2.f32 v45;
	v43 =	vmax.f32 v46, v60;
	v51 =	vmul.f32 $2.000000030e-01, v59;
	[tilespmem:v33+s15+$0x0] =	vst.idx.add.f32.msk $0xffff, v56  }
0xbe: {  	v2 =	vmul.f32 v5, v27;
	v60 =	vadd.s32 $0x4E20, v9;
	v48 =	vsub.f32 v43, v61;
	v40 =	vld.idx.msk [tilespmem:v55+s2+$0x0], $0xffff  }
0xbf: {  	v13 =	vmul.f32 v13, v15;
	v41 =	vmax.f32 v59, v51;
	v59 =	vsub.f32 v49, v61  }
0xc0: {  	v46 =	vadd.s32 $0x2710, v33;
	[tilespmem:v1+s15+$0x0] =	vst.idx.add.f32.msk $0xffff, v2;
	v42 =	vmul.f32 v14, v63;
	v3 =	vmul.f32 $1.442695020e+00, v48  }
0xc1: {  	[tilespmem:v12+s15+$0x0] =	vst.idx.add.f32.msk $0xffff, v13;
	v36 =	vmul.f32 $1.442695020e+00, v59;
	v44 =	vmul.f32 v16, v54  }
0xc2: {  	v10 =	vadd.s32 $0x7530, v10;
	v63 =	vmul.f32 $1.442695020e+00, v62;
	[tilespmem:v58+s15+$0x0] =	vst.idx.add.f32.msk $0xffff, v42  }
0xc3: {  	v49 =	vadd.s32 $0x4E20, v37;
	(erf) = vpow2.f32 v36;
	[tilespmem:v60+s15+$0x0] =	vst.idx.add.f32.msk $0xffff, v44;
	v6 =	vmul.f32 v39, v40  }
0xc4: {  	v11 =	vld.idx.msk [tilespmem:v11+s2+$0x0], $0xffff;
	(erf) = vpow2.f32 v63  }
0xc5: {  	(erf) = vpow2.f32 v3;
	v3 =	vpop (erf);
	[tilespmem:v46+s15+$0x0] =	vst.idx.add.f32.msk $0xffff, v6  }
0xc6: {  	v7 =	vsub.f32 v41, v61;
	[tilespmem:v57+s18+$0x0] =	vst.idx.add.f32.msk $0xffff, v3  }
0xc7: {  	v46 =	vld.idx.msk [tilespmem:v10+s2+$0x0], $0xffff  }
0xc8: {  	v7 =	vmul.f32 $1.442695020e+00, v7;
	v4 =	vpop (erf);
	v6 =	vld.idx.msk [tilespmem:v49+s2+$0x0], $0xffff  }
0xc9: {  	v8 =	vadd.s32 $0x7530, v8;
	[tilespmem:v28+s18+$0x0] =	vst.idx.add.f32.msk $0xffff, v4  }
0xca: {  	(erf) = vpow2.f32 v7;
	v7 =	vadd.s32 $0x4E20, v33;
	v5 =	vpop (erf);
	v51 =	vld.idx.msk [tilespmem:v24+s2+$0x0], $0xffff  }
0xcb: {  	v27 =	vadd.s32 $0x7530, v37;
	[tilespmem:v23+s18+$0x0] =	vst.idx.add.f32.msk $0xffff, v5  }
0xcc: {  	v52 =	vld.idx.msk [tilespmem:v32+s2+$0x0], $0xffff;
	v14 =	vmul.f32 v11, v14  }
0xcd: {  	v53 =	vld.idx.msk [tilespmem:v25+s2+$0x0], $0xffff;
	v6 =	vmul.f32 v39, v6  }
0xce: {  	[tilespmem:v8+s15+$0x0] =	vst.idx.add.f32.msk $0xffff, v14  }
0xcf: {  	[tilespmem:v7+s15+$0x0] =	vst.idx.add.f32.msk $0xffff, v6  }
0xd0: {  	v1 =	vpop (erf);
	v27 =	vld.idx.msk [tilespmem:v27+s2+$0x0], $0xffff  }
0xd1: {  	v2 =	vpop (erf);
	[tilespmem:v17+s18+$0x0] =	vst.idx.add.f32.msk $0xffff, v1  }
0xd2: {  	v50 =	vadd.s32 $0x7530, v33;
	[tilespmem:v19+s18+$0x0] =	vst.idx.add.f32.msk $0xffff, v2  }
0xd3: {  	v60 =	vadd.s32 $0x2710, v32;
	v56 =	vmul.f32 v4, v52;
	v54 =	vld.idx.msk [tilespmem:v21+s2+$0x0], $0xffff  }
0xd4: {  	v34 =	vmul.f32 v5, v53;
	v55 =	vld.idx.msk [tilespmem:v22+s2+$0x0], $0xffff  }
0xd5: {  	[tilespmem:v28+s15+$0x0] =	vst.idx.add.f32.msk $0xffff, v56;
	v27 =	vmul.f32 v27, v39  }
0xd6: {  	v62 =	vadd.s32 $0x2710, v25;
	[tilespmem:v23+s15+$0x0] =	vst.idx.add.f32.msk $0xffff, v34  }
0xd7: {  	[tilespmem:v50+s15+$0x0] =	vst.idx.add.f32.msk $0xffff, v27;
	v27 =	vmul.f32 v3, v51  }
0xd8: {  	v38 =	vld.idx.msk [tilespmem:v60+s2+$0x0], $0xffff  }
0xd9: {  	v6 =	vpop (erf);
	[tilespmem:v57+s15+$0x0] =	vst.idx.add.f32.msk $0xffff, v27;
	v27 =	vadd.s32 $0x2710, v24  }
0xda: {  	[tilespmem:v31+s18+$0x0] =	vst.idx.add.f32.msk $0xffff, v6  }
0xdb: {  	v7 =	vpop (erf);
	v13 =	vld.idx.msk [tilespmem:v62+s2+$0x0], $0xffff  }
0xdc: {  	[tilespmem:v26+s18+$0x0] =	vst.idx.add.f32.msk $0xffff, v7  }
0xdd: {  	v37 =	vadd.s32 $0x2710, v21;
	v58 =	vld.idx.msk [tilespmem:v18+s2+$0x0], $0xffff  }
0xde: {  	v15 =	vadd.s32 $0x2710, v22;
	v35 =	vmul.f32 v1, v54;
	v27 =	vld.idx.msk [tilespmem:v27+s2+$0x0], $0xffff  }
0xdf: {  	v12 =	vadd.s32 $0x2710, v28;
	v59 =	vld.idx.msk [tilespmem:v20+s2+$0x0], $0xffff;
	v29 =	vmul.f32 v2, v55  }
0xe0: {  	v36 =	vadd.s32 $0x2710, v57;
	[tilespmem:v17+s15+$0x0] =	vst.idx.add.f32.msk $0xffff, v35  }
0xe1: {  	[tilespmem:v19+s15+$0x0] =	vst.idx.add.f32.msk $0xffff, v29  }
0xe2: {  	v41 =	vld.idx.msk [tilespmem:v37+s2+$0x0], $0xffff;
	v29 =	vmul.f32 v4, v38  }
0xe3: {  	v39 =	vadd.s32 $0x2710, v18;
	v15 =	vld.idx.msk [tilespmem:v15+s2+$0x0], $0xffff;
	v27 =	vmul.f32 v3, v27  }
0xe4: {  	v40 =	vadd.s32 $0x2710, v20;
	v33 =	vmul.f32 v6, v58;
	[tilespmem:v12+s15+$0x0] =	vst.idx.add.f32.msk $0xffff, v29  }
0xe5: {  	v63 =	vmul.f32 v7, v59;
	[tilespmem:v36+s15+$0x0] =	vst.idx.add.f32.msk $0xffff, v27;
	v27 =	vadd.s32 $0x2710, v23  }
0xe6: {  	v42 =	vadd.s32 $0x2710, v17;
	[tilespmem:v31+s15+$0x0] =	vst.idx.add.f32.msk $0xffff, v33  }
0xe7: {  	v12 =	vadd.s32 $0x2710, v19;
	[tilespmem:v26+s15+$0x0] =	vst.idx.add.f32.msk $0xffff, v63  }
0xe8: {  	v45 =	vadd.s32 $0x4E20, v32;
	v13 =	vmul.f32 v5, v13;
	v34 =	vld.idx.msk [tilespmem:v39+s2+$0x0], $0xffff  }
0xe9: {  	v49 =	vadd.s32 $0x4E20, v22;
	v43 =	vld.idx.msk [tilespmem:v40+s2+$0x0], $0xffff;
	v30 =	vmul.f32 v1, v41  }
0xea: {  	v15 =	vmul.f32 v2, v15;
	[tilespmem:v27+s15+$0x0] =	vst.idx.add.f32.msk $0xffff, v13;
	v27 =	vadd.s32 $0x4E20, v24  }
0xeb: {  	v44 =	vadd.s32 $0x2710, v31;
	[tilespmem:v42+s15+$0x0] =	vst.idx.add.f32.msk $0xffff, v30  }
0xec: {  	[tilespmem:v12+s15+$0x0] =	vst.idx.add.f32.msk $0xffff, v15;
	v15 =	vadd.s32 $0x4E20, v21  }
0xed: {  	v30 =	vld.idx.msk [tilespmem:v45+s2+$0x0], $0xffff;
	v13 =	vadd.s32 $0x2710, v26  }
0xee: {  	v48 =	vadd.s32 $0x4E20, v25;
	v47 =	vmul.f32 v6, v34;
	v59 =	vld.idx.msk [tilespmem:v49+s2+$0x0], $0xffff  }
0xef: {  	v50 =	vadd.s32 $0x4E20, v18;
	v27 =	vld.idx.msk [tilespmem:v27+s2+$0x0], $0xffff  }
0xf0: {  	v51 =	vadd.s32 $0x4E20, v20;
	v12 =	vmul.f32 v7, v43;
	[tilespmem:v44+s15+$0x0] =	vst.idx.add.f32.msk $0xffff, v47  }
0xf1: {  	v52 =	vadd.s32 $0x4E20, v57;
	v53 =	vld.idx.msk [tilespmem:v15+s2+$0x0], $0xffff  }
0xf2: {  	v0 =	vadd.s32 $0x7530, v21;
	[tilespmem:v13+s15+$0x0] =	vst.idx.add.f32.msk $0xffff, v12  }
0xf3: {  	v58 =	vadd.s32 $0x4E20, v28;
	v34 =	vld.idx.msk [tilespmem:v48+s2+$0x0], $0xffff;
	[tilespmem:$0x1FFC0] =	vst v0;
	v0 =	vadd.s32 $0x7530, v22  }
0xf4: {  	v8 =	vadd.s32 $0x4E20, v17;
	v29 =	vld.idx.msk [tilespmem:v50+s2+$0x0], $0xffff;
	[tilespmem:$0x1FFD0] =	vst v0;
	v21 =	vmul.f32 v3, v27  }
0xf5: {  	v56 =	vadd.s32 $0x7530, v32;
	v32 =	vadd.s32 $0x7530, v26;
	v38 =	vadd.s32 $0x4E20, v23;
	v35 =	vld.idx.msk [tilespmem:v51+s2+$0x0], $0xffff  }
0xf6: {  	v15 =	vadd.s32 $0x7530, v23;
	v23 =	vmul.f32 v4, v30;
	v0 =	vadd.s32 $0x4E20, v31;
	[tilespmem:v52+s15+$0x0] =	vst.idx.add.f32.msk $0xffff, v21  }
0xf7: {  	v18 =	vadd.s32 $0x7530, v18;
	v39 =	vadd.s32 $0x7530, v28;
	v27 =	vadd.s32 $0x4E20, v19;
	[tilespmem:$0x1FFE0] =	vst v0  }
0xf8: {  	v63 =	vadd.s32 $0x7530, v25;
	v21 =	vmul.f32 v5, v34;
	v0 =	vadd.s32 $0x4E20, v26;
	[tilespmem:v58+s15+$0x0] =	vst.idx.add.f32.msk $0xffff, v23  }
0xf9: {  	v25 =	vadd.s32 $0x7530, v24;
	v22 =	vmul.f32 v46, v16;
	v16 =	vmul.f32 v1, v53;
	[tilespmem:$0x1FFF0] =	vst v0  }
0xfa: {  	v40 =	vadd.s32 $0x7530, v9;
	v41 =	vadd.s32 $0x7530, v57;
	v28 =	vmul.f32 v2, v59;
	[tilespmem:v38+s15+$0x0] =	vst.idx.add.f32.msk $0xffff, v21  }
0xfb: {  	v44 =	vadd.s32 $0x7530, v20;
	v34 =	vmul.f32 v6, v29;
	v35 =	vmul.f32 v7, v35;
	[tilespmem:v8+s15+$0x0] =	vst.idx.add.f32.msk $0xffff, v16  }
0xfc: {  	s31 =	simm.s32 $0x8;
	s0 =	simm.s32 $0x1B140;
	v21 =	vadd.s32 $0x7530, v17;
	v16 =	vadd.s32 $0x7530, v19;
	v17 =	vadd.s32 $0x7530, v31;
	[tilespmem:v27+s15+$0x0] =	vst.idx.add.f32.msk $0xffff, v28  }
.LBB2_3:
0xfd: {  	s30 =	sadd.s32 $0x80, s30  }
0xfe: {  	v42 =	vld [tilespmem:s30+$0xFFFFFFC0];
	_ =	sdelay $0x1  }
0xff: {  	v57 =	vld [tilespmem:s0+$0xFFFFFFD0]  }
0x100: {  	v55 =	vld [tilespmem:s0+$0x30]  }
0x101: {  	v45 =	vld [tilespmem:s30+$0xFFFFFFD0]  }
0x102: {  	v47 =	vld [tilespmem:s30+$0x30];
	v0 =	vadd.s32 $0x2710, v42  }
0x103: {  	[tilespmem:$0x1FE70] =	vst v0;
	v0 =	vadd.s32 $0x4E20, v42  }
0x104: {  	v53 =	vld [tilespmem:s0+$0xFFFFFFE0];
	[tilespmem:$0x1FF70] =	vst v0;
	v0 =	vadd.s32 $0x2710, v57  }
0x105: {  	[tilespmem:$0x1FDF0] =	vst v0;
	v0 =	vadd.s32 $0x4E20, v57  }
0x106: {  	v43 =	vld [tilespmem:s30+$0xFFFFFFE0];
	[tilespmem:$0x1FEF0] =	vst v0;
	v0 =	vadd.s32 $0x2710, v45  }
0x107: {  	v59 =	vld [tilespmem:s0+$0xFFFFFFF0];
	[tilespmem:$0x1FE80] =	vst v0;
	v0 =	vadd.s32 $0x4E20, v45  }
0x108: {  	v51 =	vld [tilespmem:s30+$0xFFFFFFF0];
	[tilespmem:$0x1FF80] =	vst v0;
	v0 =	vadd.s32 $0x7530, v45  }
0x109: {  	v28 =	vld.idx.msk [tilespmem:v55+s16+$0x0], $0xffff;
	[tilespmem:$0x1FDE0] =	vst v0;
	v0 =	vadd.s32 $0x2710, v53  }
0x10a: {  	v30 =	vld.idx.msk [tilespmem:v47+s17+$0x0], $0xffff;
	[tilespmem:$0x1FE00] =	vst v0;
	v0 =	vadd.s32 $0x4E20, v53  }
0x10b: {  	v8 =	vld [tilespmem:s0+$0x0];
	[tilespmem:$0x1FF00] =	vst v0;
	v0 =	vadd.s32 $0x2710, v43  }
0x10c: {  	v26 =	vld [tilespmem:s0+$0x10];
	[tilespmem:$0x1FE90] =	vst v0;
	v0 =	vadd.s32 $0x4E20, v43  }
0x10d: {  	v58 =	vld [tilespmem:s30+$0x0];
	[tilespmem:$0x1FF90] =	vst v0;
	v0 =	vadd.s32 $0x2710, v59  }
0x10e: {  	v24 =	vmov v44;
	v44 =	vld.idx.msk [tilespmem:v57+s16+$0x0], $0xffff;
	[tilespmem:$0x1FE10] =	vst v0;
	v0 =	vadd.s32 $0x4E20, v59  }
0x10f: {  	v49 =	vld.idx.msk [tilespmem:v53+s16+$0x0], $0xffff;
	v28 =	vadd.f32 v30, v28;
	[tilespmem:$0x1FF10] =	vst v0;
	v0 =	vadd.s32 $0x2710, v51  }
0x110: {  	v48 =	vld.idx.msk [tilespmem:v45+s17+$0x0], $0xffff;
	[tilespmem:$0x1FEA0] =	vst v0;
	v0 =	vadd.s32 $0x4E20, v51  }
0x111: {  	v54 =	vld.idx.msk [tilespmem:v43+s17+$0x0], $0xffff;
	v30 =	vmul.f32 $2.000000030e-01, v28;
	[tilespmem:$0x1FFA0] =	vst v0;
	v0 =	vadd.s32 $0x2710, v8  }
0x112: {  	v60 =	vld [tilespmem:s30+$0x10];
	[tilespmem:$0x1FE20] =	vst v0;
	v0 =	vadd.s32 $0x4E20, v8  }
0x113: {  	v27 =	vld [tilespmem:s0+$0x20];
	v28 =	vmax.f32 v28, v30;
	[tilespmem:$0x1FF20] =	vst v0;
	v0 =	vadd.s32 $0x2710, v58  }
0x114: {  	v31 =	vld [tilespmem:s0+$0xFFFFFFC0];
	v30 =	vsub.f32 v28, v61;
	[tilespmem:$0x1FEB0] =	vst v0;
	v0 =	vadd.s32 $0x4E20, v58  }
0x115: {  	v62 =	vld [tilespmem:s30+$0x20];
	v44 =	vadd.f32 v48, v44;
	[tilespmem:$0x1FFB0] =	vst v0;
	v0 =	vadd.s32 $0x2710, v26  }
0x116: {  	v49 =	vadd.f32 v54, v49;
	v30 =	vmul.f32 $1.442695020e+00, v30;
	[tilespmem:$0x1FE30] =	vst v0;
	v0 =	vadd.s32 $0x4E20, v26  }
0x117: {  	v12 =	vmul.f32 $2.000000030e-01, v44;
	[tilespmem:$0x1FF30] =	vst v0;
	v0 =	vadd.s32 $0x2710, v60  }
0x118: {  	v20 =	vmovc v63;
	v63 =	vld.idx.msk [tilespmem:v59+s16+$0x0], $0xffff;
	(erf) = vpow2.f32 v30;
	v30 =	vmul.f32 $2.000000030e-01, v49;
	[tilespmem:$0x1FEC0] =	vst v0;
	v0 =	vadd.s32 $0x2710, v27  }
0x119: {  	v11 =	vld.idx.msk [tilespmem:v58+s17+$0x0], $0xffff;
	[tilespmem:$0x1FE40] =	vst v0;
	v0 =	vadd.s32 $0x4E20, v27  }
0x11a: {  	v12 =	vmax.f32 v44, v12;
	v44 =	vmax.f32 v49, v30;
	v30 =	vld [tilespmem:$0x1FFE0];
	[tilespmem:$0x1FF40] =	vst v0;
	v0 =	vadd.s32 $0x2710, v62  }
0x11b: {  	v48 =	vld.idx.msk [tilespmem:v8+s16+$0x0], $0xffff;
	[tilespmem:$0x1FED0] =	vst v0;
	v0 =	vadd.s32 $0x4E20, v31  }
0x11c: {  	v14 =	vmovc v21;
	v21 =	vmov v18;
	v18 =	vmov v56;
	v56 =	vld.idx.msk [tilespmem:v31+s16+$0x0], $0xffff;
	[tilespmem:$0x1FEE0] =	vst v0;
	v0 =	vadd.s32 $0x7530, v58  }
0x11d: {  	[tilespmem:$0x1FE60] =	vst v0;
	v0 =	vld.idx.msk [tilespmem:v51+s17+$0x0], $0xffff  }
0x11e: {  	[tilespmem:$0x1FF50] =	vst v17;
	v17 =	vmov v15;
	v15 =	vmov v40;
	v40 =	vld.idx.msk [tilespmem:v42+s17+$0x0], $0xffff  }
0x11f: {  	v13 =	vld.idx.msk [tilespmem:v60+s17+$0x0], $0xffff  }
0x120: {  	v11 =	vadd.f32 v11, v48;
	v48 =	vld [tilespmem:$0x1FFF0]  }
0x121: {  	v46 =	vadd.s32 $0x4E20, v60;
	v54 =	vld.idx.msk [tilespmem:v26+s16+$0x0], $0xffff  }
0x122: {  	[tilespmem:v30+s15+$0x0] =	vst.idx.add.f32.msk $0xffff, v34;
	v34 =	vmov v46;
	v0 =	vadd.f32 v0, v63;
	_ =	sdelay $0x1  }
0x123: {  	v40 =	vadd.f32 v40, v56;
	v49 =	vmul.f32 $2.000000030e-01, v0  }
0x124: {  	v56 =	vld.idx.msk [tilespmem:v62+s17+$0x0], $0xffff;
	[tilespmem:$0x1FFE0] =	vst v34;
	v34 =	vpop (erf)  }
0x125: {  	v46 =	vmul.f32 $2.000000030e-01, v40;
	[tilespmem:v47+s18+$0x0] =	vst.idx.add.f32.msk $0xffff, v34  }
0x126: {  	v23 =	vmov v61;
	v50 =	vadd.s32 $0x4E20, v62;
	v63 =	vld.idx.msk [tilespmem:v27+s16+$0x0], $0xffff  }
0x127: {  	[tilespmem:v48+s15+$0x0] =	vst.idx.add.f32.msk $0xffff, v35;
	v0 =	vmax.f32 v0, v49;
	v49 =	vmov v50;
	v50 =	vmax.f32 v40, v46  }
0x128: {  	v35 =	vsub.f32 v50, v23;
	v50 =	vld.idx.msk [tilespmem:v18+s2+$0x0], $0xffff  }
0x129: {  	v13 =	vadd.f32 v13, v54;
	v30 =	vmul.f32 $2.000000030e-01, v11;
	v18 =	vld [tilespmem:$0x1FFC0]  }
0x12a: {  	v36 =	vadd.s32 $0x7530, v57;
	v46 =	vld.idx.msk [tilespmem:v55+s2+$0x0], $0xffff  }
0x12b: {  	v11 =	vmax.f32 v11, v30;
	v30 =	vmul.f32 $2.000000030e-01, v13;
	v48 =	vld.idx.msk [tilespmem:v25+s2+$0x0], $0xffff;
	[tilespmem:$0x1FFF0] =	vst v49;
	v49 =	vadd.f32 v56, v63  }
0x12c: {  	v19 =	vmovc v39;
	v37 =	vadd.s32 $0x7530, v53;
	v39 =	vadd.s32 $0x7530, v8;
	v12 =	vsub.f32 v12, v23;
	v56 =	vmovc v36;
	v36 =	vld.idx.msk [tilespmem:v20+s2+$0x0], $0xffff  }
0x12d: {  	v13 =	vmax.f32 v13, v30;
	v20 =	vmovc v39;
	v39 =	vld.idx.msk [tilespmem:v24+s2+$0x0], $0xffff;
	v35 =	vmul.f32 $1.442695020e+00, v35;
	v30 =	vmul.f32 $2.000000030e-01, v49  }
0x12e: {  	v12 =	vmul.f32 $1.442695020e+00, v12;
	v44 =	vsub.f32 v44, v23;
	v40 =	vadd.s32 $0x2710, v55;
	[tilespmem:v15+s15+$0x0] =	vst.idx.add.f32.msk $0xffff, v22  }
0x12f: {  	v63 =	vmovc v37;
	(erf) = vpow2.f32 v35;
	v37 =	vmax.f32 v49, v30;
	v30 =	vmul.f32 v34, v46;
	v46 =	vld [tilespmem:$0x1FE00]  }
0x130: {  	v38 =	vadd.s32 $0x7530, v59;
	v0 =	vsub.f32 v0, v23;
	(erf) = vpow2.f32 v12;
	v12 =	vld.idx.msk [tilespmem:v21+s2+$0x0], $0xffff  }
0x131: {  	[tilespmem:$0x1FE50] =	vst v16;
	v16 =	vmov v41;
	v44 =	vmul.f32 $1.442695020e+00, v44;
	v54 =	vld.idx.msk [tilespmem:v18+s2+$0x0], $0xffff;
	v18 =	vmov v38  }
0x132: {  	v0 =	vmul.f32 $1.442695020e+00, v0;
	[tilespmem:$0x1FFC0] =	vst v18;
	v18 =	vld [tilespmem:$0x1FFD0]  }
0x133: {  	v52 =	vadd.s32 $0x7530, v27;
	(erf) = vpow2.f32 v44;
	[tilespmem:v47+s15+$0x0] =	vst.idx.add.f32.msk $0xffff, v30  }
0x134: {  	v11 =	vsub.f32 v11, v23;
	(erf) = vpow2.f32 v0;
	v0 =	vmul.f32 v48, v3;
	v49 =	vld.idx.msk [tilespmem:v40+s2+$0x0], $0xffff  }
0x135: {  	v44 =	vmovc v52;
	v52 =	vadd.s32 $0x2710, v47;
	v30 =	vadd.s32 $0x4E20, v47;
	v38 =	vadd.s32 $0x7530, v47;
	v47 =	vld [tilespmem:$0x1FE10]  }
0x136: {  	v37 =	vsub.f32 v37, v23;
	[tilespmem:v16+s15+$0x0] =	vst.idx.add.f32.msk $0xffff, v0;
	v0 =	vmul.f32 v50, v4  }
0x137: {  	v13 =	vsub.f32 v13, v23;
	v4 =	vmul.f32 v36, v5;
	v50 =	vld [tilespmem:$0x1FE80]  }
0x138: {  	v11 =	vmul.f32 $1.442695020e+00, v11;
	v3 =	vmul.f32 $1.442695020e+00, v37;
	[tilespmem:v19+s15+$0x0] =	vst.idx.add.f32.msk $0xffff, v0  }
0x139: {  	v13 =	vmul.f32 $1.442695020e+00, v13;
	[tilespmem:v17+s15+$0x0] =	vst.idx.add.f32.msk $0xffff, v4;
	v0 =	vmul.f32 v54, v1  }
0x13a: {  	(erf) = vpow2.f32 v11;
	v35 =	vld.idx.msk [tilespmem:v18+s2+$0x0], $0xffff  }
0x13b: {  	(erf) = vpow2.f32 v13;
	[tilespmem:v14+s15+$0x0] =	vst.idx.add.f32.msk $0xffff, v0  }
0x13c: {  	(erf) = vpow2.f32 v3;
	v3 =	vpop (erf);
	v0 =	vld [tilespmem:$0x1FDE0]  }
0x13d: {  	[tilespmem:v42+s18+$0x0] =	vst.idx.add.f32.msk $0xffff, v3;
	v4 =	vpop (erf)  }
0x13e: {  	[tilespmem:v45+s18+$0x0] =	vst.idx.add.f32.msk $0xffff, v4  }
0x13f: {  	v5 =	vpop (erf);
	v14 =	vld [tilespmem:$0x1FE40];
	v54 =	vmul.f32 v35, v2;
	v2 =	vadd.s32 $0x4E20, v55  }
0x140: {  	[tilespmem:v43+s18+$0x0] =	vst.idx.add.f32.msk $0xffff, v5  }
0x141: {  	v22 =	vmul.f32 v39, v7;
	v1 =	vpop (erf);
	v13 =	vld.idx.msk [tilespmem:v57+s2+$0x0], $0xffff;
	v39 =	vmov v0;
	v0 =	vmul.f32 v34, v49  }
0x142: {  	v41 =	vadd.s32 $0x7530, v26;
	[tilespmem:v51+s18+$0x0] =	vst.idx.add.f32.msk $0xffff, v1  }
0x143: {  	[tilespmem:v52+s15+$0x0] =	vst.idx.add.f32.msk $0xffff, v0  }
0x144: {  	v33 =	vadd.s32 $0x7530, v42;
	v0 =	vld.idx.msk [tilespmem:v2+s2+$0x0], $0xffff  }
0x145: {  	v18 =	vmov v41;
	v41 =	vmov v33;
	v33 =	vmul.f32 v12, v6;
	v12 =	vld.idx.msk [tilespmem:v31+s2+$0x0], $0xffff  }
0x146: {  	v36 =	vld.idx.msk [tilespmem:v53+s2+$0x0], $0xffff  }
0x147: {  	v37 =	vld.idx.msk [tilespmem:v59+s2+$0x0], $0xffff;
	v35 =	vadd.s32 $0x7530, v55  }
0x148: {  	v49 =	vld [tilespmem:$0x1FE70]  }
0x149: {  	v52 =	vld [tilespmem:$0x1FEA0];
	v2 =	vpop (erf);
	v0 =	vmul.f32 v34, v0  }
0x14a: {  	[tilespmem:v58+s18+$0x0] =	vst.idx.add.f32.msk $0xffff, v2  }
0x14b: {  	[tilespmem:v30+s15+$0x0] =	vst.idx.add.f32.msk $0xffff, v0  }
0x14c: {  	v6 =	vpop (erf);
	v0 =	vld.idx.msk [tilespmem:v35+s2+$0x0], $0xffff  }
0x14d: {  	[tilespmem:v60+s18+$0x0] =	vst.idx.add.f32.msk $0xffff, v6  }
0x14e: {  	v8 =	vld.idx.msk [tilespmem:v8+s2+$0x0], $0xffff  }
0x14f: {  	v7 =	vpop (erf);
	v26 =	vld.idx.msk [tilespmem:v26+s2+$0x0], $0xffff  }
0x150: {  	v12 =	vmul.f32 v3, v12;
	[tilespmem:v62+s18+$0x0] =	vst.idx.add.f32.msk $0xffff, v7  }
0x151: {  	v27 =	vld.idx.msk [tilespmem:v27+s2+$0x0], $0xffff;
	v0 =	vmul.f32 v0, v34  }
0x152: {  	[tilespmem:v42+s15+$0x0] =	vst.idx.add.f32.msk $0xffff, v12  }
0x153: {  	[tilespmem:v38+s15+$0x0] =	vst.idx.add.f32.msk $0xffff, v0;
	v0 =	vmul.f32 v2, v8  }
0x154: {  	v12 =	vld [tilespmem:$0x1FE20];
	v8 =	vmul.f32 v6, v26  }
0x155: {  	[tilespmem:v58+s15+$0x0] =	vst.idx.add.f32.msk $0xffff, v0  }
0x156: {  	v0 =	vmul.f32 v7, v27;
	[tilespmem:v60+s15+$0x0] =	vst.idx.add.f32.msk $0xffff, v8  }
0x157: {  	v8 =	vld [tilespmem:$0x1FDF0]  }
0x158: {  	[tilespmem:v62+s15+$0x0] =	vst.idx.add.f32.msk $0xffff, v0  }
0x159: {  	v10 =	vadd.s32 $0x7530, v60;
	v13 =	vmul.f32 v4, v13;
	v26 =	vld.idx.msk [tilespmem:v14+s2+$0x0], $0xffff  }
0x15a: {  	v9 =	vadd.s32 $0x7530, v51;
	[tilespmem:$0x1FF60] =	vst v10;
	v14 =	vld [tilespmem:$0x1FE50]  }
0x15b: {  	v10 =	vadd.s32 $0x7530, v62;
	v21 =	vmov v9;
	v9 =	vmul.f32 v5, v36;
	[tilespmem:v45+s15+$0x0] =	vst.idx.add.f32.msk $0xffff, v13  }
0x15c: {  	v40 =	vmov v32;
	v32 =	vmov v10;
	v10 =	vmul.f32 v1, v37;
	v13 =	vld [tilespmem:$0x1FE30]  }
0x15d: {  	[tilespmem:v43+s15+$0x0] =	vst.idx.add.f32.msk $0xffff, v9  }
0x15e: {  	[tilespmem:v51+s15+$0x0] =	vst.idx.add.f32.msk $0xffff, v10  }
0x15f: {  	v10 =	vld.idx.msk [tilespmem:v47+s2+$0x0], $0xffff  }
0x160: {  	v8 =	vld.idx.msk [tilespmem:v8+s2+$0x0], $0xffff  }
0x161: {  	v28 =	vadd.s32 $0x2710, v31;
	v12 =	vld.idx.msk [tilespmem:v12+s2+$0x0], $0xffff  }
0x162: {  	[tilespmem:v14+s15+$0x0] =	vst.idx.add.f32.msk $0xffff, v54  }
0x163: {  	v54 =	vld [tilespmem:$0x1FEC0]  }
0x164: {  	v13 =	vld.idx.msk [tilespmem:v13+s2+$0x0], $0xffff  }
0x165: {  	v51 =	vld [tilespmem:$0x1FE90];
	v8 =	vmul.f32 v4, v8  }
0x166: {  	v0 =	vld.idx.msk [tilespmem:v28+s2+$0x0], $0xffff  }
0x167: {  	[tilespmem:v50+s15+$0x0] =	vst.idx.add.f32.msk $0xffff, v8;
	v8 =	vmul.f32 v1, v10  }
0x168: {  	v9 =	vld.idx.msk [tilespmem:v46+s2+$0x0], $0xffff  }
0x169: {  	[tilespmem:v52+s15+$0x0] =	vst.idx.add.f32.msk $0xffff, v8;
	v8 =	vmul.f32 v6, v13  }
0x16a: {  	v53 =	vld [tilespmem:$0x1FEB0]  }
0x16b: {  	v0 =	vmul.f32 v3, v0;
	[tilespmem:v54+s15+$0x0] =	vst.idx.add.f32.msk $0xffff, v8  }
0x16c: {  	v8 =	vld [tilespmem:$0x1FED0]  }
0x16d: {  	[tilespmem:v49+s15+$0x0] =	vst.idx.add.f32.msk $0xffff, v0;
	v0 =	vmul.f32 v5, v9;
	_ =	sdelay $0x1  }
0x16e: {  	[tilespmem:v51+s15+$0x0] =	vst.idx.add.f32.msk $0xffff, v0  }
0x16f: {  	v0 =	vmul.f32 v2, v12;
	v12 =	vld [tilespmem:$0x1FF30]  }
0x170: {  	v14 =	vld [tilespmem:$0x1FF50]  }
0x171: {  	[tilespmem:v53+s15+$0x0] =	vst.idx.add.f32.msk $0xffff, v0;
	v0 =	vmul.f32 v7, v26  }
0x172: {  	v57 =	vld [tilespmem:$0x1FF10]  }
0x173: {  	[tilespmem:v8+s15+$0x0] =	vst.idx.add.f32.msk $0xffff, v0  }
0x174: {  	v8 =	vld [tilespmem:$0x1FEF0]  }
0x175: {  	v59 =	vld [tilespmem:$0x1FF80]  }
0x176: {  	v55 =	vld [tilespmem:$0x1FF00]  }
0x177: {  	v58 =	vld [tilespmem:$0x1FF20]  }
0x178: {  	v12 =	vld.idx.msk [tilespmem:v12+s2+$0x0], $0xffff  }
0x179: {  	[tilespmem:v14+s15+$0x0] =	vst.idx.add.f32.msk $0xffff, v33  }
0x17a: {  	v0 =	vld [tilespmem:$0x1FEE0]  }
0x17b: {  	v14 =	vld [tilespmem:$0x1FF60]  }
0x17c: {  	v8 =	vld.idx.msk [tilespmem:v8+s2+$0x0], $0xffff  }
0x17d: {  	v62 =	vld [tilespmem:$0x1FFA0]  }
0x17e: {  	v10 =	vld.idx.msk [tilespmem:v57+s2+$0x0], $0xffff  }
0x17f: {  	v60 =	vld [tilespmem:$0x1FF90]  }
0x180: {  	v13 =	vld [tilespmem:$0x1FF40]  }
0x181: {  	v17 =	vmov v14;
	v14 =	vld [tilespmem:$0x1FF70];
	v8 =	vmul.f32 v4, v8  }
0x182: {  	v0 =	vld.idx.msk [tilespmem:v0+s2+$0x0], $0xffff  }
0x183: {  	[tilespmem:v59+s15+$0x0] =	vst.idx.add.f32.msk $0xffff, v8;
	v8 =	vmul.f32 v1, v10  }
0x184: {  	v9 =	vld.idx.msk [tilespmem:v55+s2+$0x0], $0xffff  }
0x185: {  	[tilespmem:v62+s15+$0x0] =	vst.idx.add.f32.msk $0xffff, v8  }
0x186: {  	v8 =	vld [tilespmem:$0x1FFB0]  }
0x187: {  	v11 =	vld.idx.msk [tilespmem:v58+s2+$0x0], $0xffff  }
0x188: {  	s31 =	sadd.s32 $0x8, s31;
	v48 =	vld [tilespmem:$0x1FE60];
	v0 =	vmul.f32 v3, v0  }
0x189: {  	p1 =	slt.u32 s31, $0xC0;
	v13 =	vld.idx.msk [tilespmem:v13+s2+$0x0], $0xffff  }
.Ltmp0:
0x18a: {  	v61 =	vadd.s32 $0x7530, v31;
	[tilespmem:v14+s15+$0x0] =	vst.idx.add.f32.msk $0xffff, v0;
	v0 =	vmul.f32 v5, v9;
	(pc) =	sbr.rel @p1 .LBB2_3-.Ltmp0, $4  }
0x18b: {  	_ = 	snop  }
0x18c: {  	v29 =	vadd.s32 $0x7530, v43;
	[tilespmem:v60+s15+$0x0] =	vst.idx.add.f32.msk $0xffff, v0;
	v0 =	vmul.f32 v2, v11  }
0x18d: {  	v25 =	vmov v61;
	v61 =	vmov v23;
	v15 =	vmov v29;
	[tilespmem:$0x1FFD0] =	vst v20  }
0x18e: {  	s0 =	sadd.s32 $0x80, s0;
	v16 =	vmov v48;
	v34 =	vmul.f32 v6, v12;
	v35 =	vmul.f32 v7, v13;
	[tilespmem:v8+s15+$0x0] =	vst.idx.add.f32.msk $0xffff, v0  }
0x18f: {  	v0 =	vld [tilespmem:$0x1FFE0];
	_ =	sdelay $0x7  }
0x190: {  	[tilespmem:v0+s15+$0x0] =	vst.idx.add.f32.msk $0xffff, v34  }
0x191: {  	v0 =	vld [tilespmem:$0x1FFF0];
	_ =	sdelay $0x7  }
0x192: {  	[tilespmem:v0+s15+$0x0] =	vst.idx.add.f32.msk $0xffff, v35  }
0x193: {  	v10 =	vld [tilespmem:$0x1FFC0]  }
0x194: {  	v11 =	vld [tilespmem:$0x1FFD0];
	_ =	sdelay $0x2  }
0x195: {  	v0 =	vld.idx.msk [tilespmem:v25+s2+$0x0], $0xffff  }
0x196: {  	v8 =	vld.idx.msk [tilespmem:v56+s2+$0x0], $0xffff  }
0x197: {  	v9 =	vld.idx.msk [tilespmem:v63+s2+$0x0], $0xffff  }
0x198: {  	v12 =	vld.idx.msk [tilespmem:v18+s2+$0x0], $0xffff  }
0x199: {  	v10 =	vld.idx.msk [tilespmem:v10+s2+$0x0], $0xffff  }
0x19a: {  	v0 =	vmul.f32 v0, v3;
	v11 =	vld.idx.msk [tilespmem:v11+s2+$0x0], $0xffff  }
0x19b: {  	v3 =	vld.idx.msk [tilespmem:v44+s2+$0x0], $0xffff  }
0x19c: {  	[tilespmem:v41+s15+$0x0] =	vst.idx.add.f32.msk $0xffff, v0;
	v0 =	vmul.f32 v8, v4  }
0x19d: {  	[tilespmem:v40+s15+$0x0] =	vst.idx.add.f32.msk $0xffff, v22;
	v4 =	vmul.f32 v9, v5  }
0x19e: {  	[tilespmem:v39+s15+$0x0] =	vst.idx.add.f32.msk $0xffff, v0;
	v0 =	vmul.f32 v10, v1  }
0x19f: {  	[tilespmem:v15+s15+$0x0] =	vst.idx.add.f32.msk $0xffff, v4;
	v1 =	vmul.f32 v11, v2  }
0x1a0: {  	v2 =	vmul.f32 v12, v6;
	[tilespmem:v21+s15+$0x0] =	vst.idx.add.f32.msk $0xffff, v0  }
0x1a1: {  	v0 =	vmul.f32 v3, v7;
	[tilespmem:v16+s15+$0x0] =	vst.idx.add.f32.msk $0xffff, v1  }
0x1a2: {  	[tilespmem:v17+s15+$0x0] =	vst.idx.add.f32.msk $0xffff, v2  }
0x1a3: {  	[tilespmem:v32+s15+$0x0] =	vst.idx.add.f32.msk $0xffff, v0  }
0x1a4: {  	_ =	swait.ge [sflag:s25], $0xC80  }
0x1a5: {  	[sflag:s25] =	ssyncset.done $0x0  }
0x1a6: {  	p1 =	seq.s32 s28, $0x31;
	[sflag:s25] =	ssyncadd.s32 $0xFFFFF380  }
0x1a7: {  	s0 =	sshrl.u32 @!p1 s29, $0x3;
	_ =	swait.ge [sflag:s25], $0xC80  }
0x1a8: {  	s30 =	simm.s32 @!p1 $0x0;
	s0 =	sadd.s32 @!p1 $0x320, s0;
	[sflag:s25] =	ssyncset.done $0x0  }
0x1a9: {  	s31 =	simm.s32 @!p1 $0x1B000;
	s29 =	sadd.s32 @!p1 s6, s0;
	[sflag:s25] =	ssyncadd.s32 $0xFFFFF380  }
0x1aa: {  	[tilespmem:s31], [sflag:$0x1] =	stream.linear.gather @!p1 [hbm4b:s29+s30], $0xC80, $0x38;
	[tilespmem:$0x1E200] =	vst v63  }
0x1ab: {  	s0 =	sadd.s32 @!p1 s7, s0;
	s29 =	simm.s32 @!p1 $0x1BC80;
	s31 =	simm.s32 $0x1C940  }
0x1ac: {  	[tilespmem:s29], [sflag:$0x1] =	stream.linear.gather @!p1 [hbm4b:s0+s30], $0xC80, $0x38;
	[tilespmem:$0x1E200] =	vst v63  }
0x1ad: {  	s29 =	simm.s32 $0x1D5C0;
	v0 =	vld [tilespmem:s31+$0x30]  }
0x1ae: {  	v17 =	vld [tilespmem:s29+$0x30];
	_ =	sdelay $0x1  }
0x1af: {  	v4 =	vld [tilespmem:s29+$0xFFFFFFC0]  }
0x1b0: {  	v6 =	vld [tilespmem:s31+$0xFFFFFFD0]  }
0x1b1: {  	v3 =	vld [tilespmem:s29+$0xFFFFFFD0]  }
0x1b2: {  	v7 =	vld [tilespmem:s31+$0xFFFFFFE0]  }
0x1b3: {  	v2 =	vld [tilespmem:s29+$0xFFFFFFE0]  }
0x1b4: {  	v54 =	vld.idx.msk [tilespmem:v0+s16+$0x0], $0xffff  }
0x1b5: {  	v55 =	vld.idx.msk [tilespmem:v17+s17+$0x0], $0xffff  }
0x1b6: {  	v5 =	vld [tilespmem:s31+$0xFFFFFFF0]  }
0x1b7: {  	v1 =	vld [tilespmem:s29+$0xFFFFFFF0]  }
0x1b8: {  	v13 =	vld [tilespmem:s31+$0x0]  }
0x1b9: {  	v12 =	vld [tilespmem:s29+$0x0]  }
0x1ba: {  	v11 =	vld [tilespmem:s31+$0x10];
	v14 =	vadd.f32 v55, v54  }
0x1bb: {  	v30 =	vld [tilespmem:s31+$0xFFFFFFC0]  }
0x1bc: {  	v8 =	vld [tilespmem:s29+$0x10];
	v15 =	vmul.f32 $2.000000030e-01, v14  }
0x1bd: {  	v10 =	vld [tilespmem:s31+$0x20]  }
0x1be: {  	v9 =	vld [tilespmem:s29+$0x20];
	v14 =	vmax.f32 v14, v15  }
0x1bf: {  	v16 =	vld.idx.msk [tilespmem:v4+s17+$0x0], $0xffff;
	v14 =	vsub.f32 v14, v61  }
0x1c0: {  	v18 =	vld.idx.msk [tilespmem:v3+s17+$0x0], $0xffff  }
0x1c1: {  	v19 =	vld.idx.msk [tilespmem:v7+s16+$0x0], $0xffff;
	v14 =	vmul.f32 $1.442695020e+00, v14  }
0x1c2: {  	v15 =	vld.idx.msk [tilespmem:v6+s16+$0x0], $0xffff  }
0x1c3: {  	(erf) = vpow2.f32 v14;
	v14 =	vld.idx.msk [tilespmem:v30+s16+$0x0], $0xffff  }
0x1c4: {  	v20 =	vld.idx.msk [tilespmem:v2+s17+$0x0], $0xffff  }
0x1c5: {  	v21 =	vld.idx.msk [tilespmem:v5+s16+$0x0], $0xffff  }
0x1c6: {  	v22 =	vld.idx.msk [tilespmem:v1+s17+$0x0], $0xffff;
	_ =	sdelay $0x1  }
0x1c7: {  	v27 =	vld.idx.msk [tilespmem:v12+s17+$0x0], $0xffff;
	v15 =	vadd.f32 v18, v15;
	v14 =	vadd.f32 v16, v14  }
0x1c8: {  	v18 =	vld.idx.msk [tilespmem:v13+s16+$0x0], $0xffff  }
0x1c9: {  	v19 =	vadd.f32 v20, v19;
	v20 =	vld.idx.msk [tilespmem:v11+s16+$0x0], $0xffff;
	v24 =	vmul.f32 $2.000000030e-01, v15;
	v25 =	vmul.f32 $2.000000030e-01, v14  }
0x1ca: {  	v21 =	vadd.f32 v22, v21;
	v16 =	vld.idx.msk [tilespmem:v8+s17+$0x0], $0xffff  }
0x1cb: {  	v26 =	vld.idx.msk [tilespmem:v9+s17+$0x0], $0xffff;
	v15 =	vmax.f32 v15, v24;
	v24 =	vmul.f32 $2.000000030e-01, v19;
	v14 =	vmax.f32 v14, v25  }
0x1cc: {  	v22 =	vld.idx.msk [tilespmem:v10+s16+$0x0], $0xffff;
	v15 =	vsub.f32 v15, v61;
	v28 =	vpop (erf);
	v14 =	vsub.f32 v14, v61  }
0x1cd: {  	v18 =	vadd.f32 v27, v18;
	v19 =	vmax.f32 v19, v24;
	v24 =	vmul.f32 $2.000000030e-01, v21;
	[tilespmem:v17+s18+$0x0] =	vst.idx.add.f32.msk $0xffff, v28  }
0x1ce: {  	v19 =	vsub.f32 v19, v61;
	v15 =	vmul.f32 $1.442695020e+00, v15;
	v27 =	vld.idx.msk [tilespmem:v0+s2+$0x0], $0xffff;
	v14 =	vmul.f32 $1.442695020e+00, v14  }
0x1cf: {  	s29 =	simm.s32 $0x1D640;
	v21 =	vmax.f32 v21, v24;
	v24 =	vmul.f32 $2.000000030e-01, v18;
	v16 =	vadd.f32 v16, v20  }
0x1d0: {  	s31 =	simm.s32 $0x1C9C0;
	v38 =	vld [tilespmem:s29+$0xFFFFFFC0];
	v25 =	vadd.s32 $0x2710, v0;
	v20 =	vsub.f32 v21, v61;
	(erf) = vpow2.f32 v14  }
0x1d1: {  	v32 =	vld [tilespmem:s31+$0xFFFFFFD0];
	v21 =	vadd.f32 v26, v22;
	v22 =	vmul.f32 $2.000000030e-01, v16;
	(erf) = vpow2.f32 v15  }
0x1d2: {  	v19 =	vmul.f32 $1.442695020e+00, v19  }
0x1d3: {  	v14 =	vmax.f32 v18, v24;
	v15 =	vmax.f32 v16, v22;
	v16 =	vmul.f32 v28, v27  }
0x1d4: {  	v37 =	vld [tilespmem:s31+$0x30];
	v18 =	vmul.f32 $2.000000030e-01, v21;
	v14 =	vsub.f32 v14, v61;
	(erf) = vpow2.f32 v19  }
0x1d5: {  	v20 =	vmul.f32 $1.442695020e+00, v20;
	v15 =	vsub.f32 v15, v61;
	[tilespmem:v17+s15+$0x0] =	vst.idx.add.f32.msk $0xffff, v16  }
0x1d6: {  	v18 =	vmax.f32 v21, v18;
	v14 =	vmul.f32 $1.442695020e+00, v14;
	v16 =	vld.idx.msk [tilespmem:v25+s2+$0x0], $0xffff  }
0x1d7: {  	v33 =	vld [tilespmem:s29+$0x30];
	v18 =	vsub.f32 v18, v61;
	(erf) = vpow2.f32 v20;
	v15 =	vmul.f32 $1.442695020e+00, v15  }
0x1d8: {  	v43 =	vld.idx.msk [tilespmem:v38+s17+$0x0], $0xffff;
	(erf) = vpow2.f32 v14;
	v14 =	vadd.s32 $0x2710, v17  }
0x1d9: {  	v59 =	vld.idx.msk [tilespmem:v32+s16+$0x0], $0xffff;
	v18 =	vmul.f32 $1.442695020e+00, v18;
	(erf) = vpow2.f32 v15;
	v35 =	vpop (erf)  }
0x1da: {  	v15 =	vadd.s32 $0x4E20, v0;
	[tilespmem:v4+s18+$0x0] =	vst.idx.add.f32.msk $0xffff, v35;
	v29 =	vpop (erf)  }
0x1db: {  	(erf) = vpow2.f32 v18;
	v16 =	vmul.f32 v28, v16;
	[tilespmem:v3+s18+$0x0] =	vst.idx.add.f32.msk $0xffff, v29  }
0x1dc: {  	v20 =	vld.idx.msk [tilespmem:v30+s2+$0x0], $0xffff  }
0x1dd: {  	v34 =	vpop (erf);
	[tilespmem:v14+s15+$0x0] =	vst.idx.add.f32.msk $0xffff, v16  }
0x1de: {  	[tilespmem:v2+s18+$0x0] =	vst.idx.add.f32.msk $0xffff, v34  }
0x1df: {  	v18 =	vld.idx.msk [tilespmem:v15+s2+$0x0], $0xffff  }
0x1e0: {  	v27 =	vpop (erf);
	v21 =	vld.idx.msk [tilespmem:v6+s2+$0x0], $0xffff  }
0x1e1: {  	v19 =	vadd.s32 $0x4E20, v17;
	[tilespmem:v1+s18+$0x0] =	vst.idx.add.f32.msk $0xffff, v27;
	v15 =	vpop (erf)  }
0x1e2: {  	v14 =	vpop (erf);
	[tilespmem:v12+s18+$0x0] =	vst.idx.add.f32.msk $0xffff, v15  }
0x1e3: {  	[tilespmem:v8+s18+$0x0] =	vst.idx.add.f32.msk $0xffff, v14  }
0x1e4: {  	v0 =	vadd.s32 $0x7530, v0;
	v16 =	vpop (erf);
	v22 =	vld.idx.msk [tilespmem:v13+s2+$0x0], $0xffff;
	v18 =	vmul.f32 v28, v18  }
0x1e5: {  	[tilespmem:v9+s18+$0x0] =	vst.idx.add.f32.msk $0xffff, v16  }
0x1e6: {  	[tilespmem:v19+s15+$0x0] =	vst.idx.add.f32.msk $0xffff, v18  }
0x1e7: {  	v18 =	vld.idx.msk [tilespmem:v7+s2+$0x0], $0xffff  }
0x1e8: {  	v19 =	vld.idx.msk [tilespmem:v5+s2+$0x0], $0xffff  }
0x1e9: {  	v0 =	vld.idx.msk [tilespmem:v0+s2+$0x0], $0xffff  }
0x1ea: {  	v20 =	vmul.f32 v35, v20;
	v25 =	vld.idx.msk [tilespmem:v11+s2+$0x0], $0xffff  }
0x1eb: {  	v21 =	vmul.f32 v29, v21;
	v24 =	vld.idx.msk [tilespmem:v10+s2+$0x0], $0xffff  }
0x1ec: {  	v17 =	vadd.s32 $0x7530, v17;
	[tilespmem:v4+s15+$0x0] =	vst.idx.add.f32.msk $0xffff, v20  }
0x1ed: {  	v20 =	vadd.s32 $0x2710, v7;
	[tilespmem:v3+s15+$0x0] =	vst.idx.add.f32.msk $0xffff, v21;
	v18 =	vmul.f32 v34, v18  }
0x1ee: {  	v21 =	vadd.s32 $0x2710, v5;
	v19 =	vmul.f32 v27, v19;
	v0 =	vmul.f32 v0, v28;
	v28 =	vld [tilespmem:s29+$0xFFFFFFD0]  }
0x1ef: {  	[tilespmem:v2+s15+$0x0] =	vst.idx.add.f32.msk $0xffff, v18  }
0x1f0: {  	[tilespmem:v1+s15+$0x0] =	vst.idx.add.f32.msk $0xffff, v19  }
0x1f1: {  	v18 =	vadd.s32 $0x2710, v6;
	[tilespmem:v17+s15+$0x0] =	vst.idx.add.f32.msk $0xffff, v0  }
0x1f2: {  	v19 =	vmul.f32 v14, v25;
	v20 =	vld.idx.msk [tilespmem:v20+s2+$0x0], $0xffff  }
0x1f3: {  	v0 =	vadd.s32 $0x2710, v30;
	v17 =	vmul.f32 v15, v22;
	v21 =	vld.idx.msk [tilespmem:v21+s2+$0x0], $0xffff  }
0x1f4: {  	v22 =	vadd.s32 $0x2710, v10;
	[tilespmem:v8+s15+$0x0] =	vst.idx.add.f32.msk $0xffff, v19  }
0x1f5: {  	v19 =	vadd.s32 $0x2710, v13;
	[tilespmem:v12+s15+$0x0] =	vst.idx.add.f32.msk $0xffff, v17;
	v17 =	vmul.f32 v16, v24  }
0x1f6: {  	v18 =	vld.idx.msk [tilespmem:v18+s2+$0x0], $0xffff  }
0x1f7: {  	[tilespmem:v9+s15+$0x0] =	vst.idx.add.f32.msk $0xffff, v17;
	v17 =	vadd.s32 $0x2710, v11  }
0x1f8: {  	v24 =	vadd.s32 $0x2710, v3;
	v0 =	vld.idx.msk [tilespmem:v0+s2+$0x0], $0xffff  }
0x1f9: {  	v22 =	vld.idx.msk [tilespmem:v22+s2+$0x0], $0xffff  }
0x1fa: {  	v56 =	vadd.s32 $0x2710, v4;
	v19 =	vld.idx.msk [tilespmem:v19+s2+$0x0], $0xffff  }
0x1fb: {  	v60 =	vld.idx.msk [tilespmem:v28+s17+$0x0], $0xffff;
	v18 =	vmul.f32 v29, v18  }
0x1fc: {  	v26 =	vadd.s32 $0x2710, v1;
	v17 =	vld.idx.msk [tilespmem:v17+s2+$0x0], $0xffff  }
0x1fd: {  	v0 =	vmul.f32 v35, v0;
	[tilespmem:v24+s15+$0x0] =	vst.idx.add.f32.msk $0xffff, v18  }
0x1fe: {  	v25 =	vadd.s32 $0x2710, v2;
	v24 =	vld.idx.msk [tilespmem:v37+s16+$0x0], $0xffff  }
0x1ff: {  	v18 =	vmul.f32 v27, v21;
	[tilespmem:v56+s15+$0x0] =	vst.idx.add.f32.msk $0xffff, v0  }
0x200: {  	v57 =	vadd.s32 $0x2710, v12;
	v56 =	vld [tilespmem:s29+$0xFFFFFFE0]  }
0x201: {  	v31 =	vadd.s32 $0x2710, v8;
	v0 =	vmul.f32 v34, v20;
	[tilespmem:v26+s15+$0x0] =	vst.idx.add.f32.msk $0xffff, v18  }
0x202: {  	v26 =	vld.idx.msk [tilespmem:v33+s17+$0x0], $0xffff  }
0x203: {  	[tilespmem:v25+s15+$0x0] =	vst.idx.add.f32.msk $0xffff, v0;
	v0 =	vmul.f32 v15, v19  }
0x204: {  	v47 =	vadd.s32 $0x4E20, v13;
	v17 =	vmul.f32 v14, v17;
	v25 =	vld [tilespmem:s31+$0xFFFFFFE0]  }
0x205: {  	v20 =	vadd.s32 $0x2710, v9;
	[tilespmem:v57+s15+$0x0] =	vst.idx.add.f32.msk $0xffff, v0  }
0x206: {  	v21 =	vadd.s32 $0x4E20, v30;
	[tilespmem:v31+s15+$0x0] =	vst.idx.add.f32.msk $0xffff, v17  }
0x207: {  	v18 =	vadd.s32 $0x4E20, v7;
	v17 =	vld [tilespmem:s29+$0xFFFFFFF0]  }
0x208: {  	v0 =	vmul.f32 v16, v22;
	v31 =	vld [tilespmem:s29+$0x10]  }
0x209: {  	v47 =	vld.idx.msk [tilespmem:v47+s2+$0x0], $0xffff  }
0x20a: {  	[tilespmem:v20+s15+$0x0] =	vst.idx.add.f32.msk $0xffff, v0  }
0x20b: {  	v0 =	vld.idx.msk [tilespmem:v21+s2+$0x0], $0xffff  }
0x20c: {  	v39 =	vld.idx.msk [tilespmem:v18+s2+$0x0], $0xffff  }
0x20d: {  	v19 =	vadd.s32 $0x4E20, v6;
	v21 =	vld [tilespmem:s31+$0xFFFFFFF0]  }
0x20e: {  	v18 =	vld [tilespmem:s29+$0x0]  }
0x20f: {  	v20 =	vld [tilespmem:s31+$0x20]  }
0x210: {  	v22 =	vadd.s32 $0x4E20, v5;
	v58 =	vadd.f32 v26, v24;
	v26 =	vld [tilespmem:s29+$0x20]  }
0x211: {  	v24 =	vld [tilespmem:s31+$0xFFFFFFC0]  }
0x212: {  	v36 =	vld.idx.msk [tilespmem:v19+s2+$0x0], $0xffff  }
0x213: {  	v19 =	vld [tilespmem:s31+$0x10]  }
0x214: {  	v42 =	vmul.f32 $2.000000030e-01, v58;
	v46 =	vld.idx.msk [tilespmem:v56+s17+$0x0], $0xffff  }
0x215: {  	v50 =	vadd.s32 $0x4E20, v4;
	v40 =	vld.idx.msk [tilespmem:v22+s2+$0x0], $0xffff  }
0x216: {  	v22 =	vld [tilespmem:s31+$0x0];
	v41 =	vmax.f32 v58, v42  }
0x217: {  	v54 =	vadd.s32 $0x4E20, v2;
	v45 =	vld.idx.msk [tilespmem:v25+s16+$0x0], $0xffff;
	v41 =	vsub.f32 v41, v61  }
0x218: {  	v0 =	vmul.f32 v35, v0;
	v49 =	vld.idx.msk [tilespmem:v17+s17+$0x0], $0xffff  }
0x219: {  	v57 =	vld.idx.msk [tilespmem:v31+s17+$0x0], $0xffff;
	v41 =	vmul.f32 $1.442695020e+00, v41  }
0x21a: {  	v39 =	vmul.f32 v34, v39;
	[tilespmem:v50+s15+$0x0] =	vst.idx.add.f32.msk $0xffff, v0  }
0x21b: {  	v62 =	vld.idx.msk [tilespmem:v24+s16+$0x0], $0xffff;
	(erf) = vpow2.f32 v41  }
0x21c: {  	[tilespmem:v54+s15+$0x0] =	vst.idx.add.f32.msk $0xffff, v39  }
0x21d: {  	v42 =	vadd.f32 v60, v59;
	v52 =	vld.idx.msk [tilespmem:v18+s17+$0x0], $0xffff  }
0x21e: {  	v53 =	vadd.s32 $0x4E20, v3;
	v4 =	vadd.s32 $0x7530, v4;
	v51 =	vld.idx.msk [tilespmem:v22+s16+$0x0], $0xffff  }
0x21f: {  	v2 =	vadd.s32 $0x7530, v2;
	v30 =	vadd.s32 $0x7530, v30;
	v0 =	vmul.f32 $2.000000030e-01, v42;
	v48 =	vld.idx.msk [tilespmem:v21+s16+$0x0], $0xffff  }
0x220: {  	v7 =	vadd.s32 $0x7530, v7;
	v36 =	vmul.f32 v29, v36;
	v50 =	vld.idx.msk [tilespmem:v20+s16+$0x0], $0xffff;
	v41 =	vadd.f32 v43, v62  }
0x221: {  	v6 =	vadd.s32 $0x7530, v6;
	v63 =	vadd.f32 v46, v45;
	v45 =	vld.idx.msk [tilespmem:v19+s16+$0x0], $0xffff;
	v0 =	vmax.f32 v42, v0  }
0x222: {  	v60 =	vld.idx.msk [tilespmem:v26+s17+$0x0], $0xffff;
	v40 =	vmul.f32 v27, v40;
	v0 =	vsub.f32 v0, v61;
	v59 =	vmul.f32 $2.000000030e-01, v41  }
0x223: {  	[tilespmem:v53+s15+$0x0] =	vst.idx.add.f32.msk $0xffff, v36;
	v42 =	vadd.s32 $0x4E20, v12;
	v46 =	vadd.s32 $0x4E20, v10;
	v51 =	vadd.f32 v52, v51  }
0x224: {  	v30 =	vld.idx.msk [tilespmem:v30+s2+$0x0], $0xffff;
	v58 =	vmul.f32 $2.000000030e-01, v63;
	v0 =	vmul.f32 $1.442695020e+00, v0;
	v41 =	vmax.f32 v41, v59;
	v36 =	vpop (erf)  }
0x225: {  	v48 =	vadd.f32 v49, v48;
	v62 =	vmul.f32 $2.000000030e-01, v51;
	v41 =	vsub.f32 v41, v61;
	[tilespmem:v33+s18+$0x0] =	vst.idx.add.f32.msk $0xffff, v36  }
0x226: {  	v43 =	vadd.s32 $0x4E20, v1;
	v44 =	vmax.f32 v63, v58;
	v45 =	vadd.f32 v57, v45;
	v57 =	vld.idx.msk [tilespmem:v37+s2+$0x0], $0xffff  }
0x227: {  	v7 =	vld.idx.msk [tilespmem:v7+s2+$0x0], $0xffff;
	v63 =	vadd.s32 $0x4E20, v11;
	v51 =	vmax.f32 v51, v62;
	v62 =	vmul.f32 $1.442695020e+00, v41  }
0x228: {  	v54 =	vadd.s32 $0x2710, v37;
	v6 =	vld.idx.msk [tilespmem:v6+s2+$0x0], $0xffff;
	v58 =	vmul.f32 v15, v47;
	v55 =	vmul.f32 $2.000000030e-01, v48  }
0x229: {  	v30 =	vmul.f32 v30, v35;
	v53 =	vld.idx.msk [tilespmem:v46+s2+$0x0], $0xffff;
	v44 =	vsub.f32 v44, v61;
	(erf) = vpow2.f32 v62  }
0x22a: {  	[tilespmem:v42+s15+$0x0] =	vst.idx.add.f32.msk $0xffff, v58;
	v48 =	vmax.f32 v48, v55;
	(erf) = vpow2.f32 v0;
	v0 =	vadd.s32 $0x7530, v5  }
0x22b: {  	v58 =	vadd.s32 $0x4E20, v9;
	[tilespmem:v43+s15+$0x0] =	vst.idx.add.f32.msk $0xffff, v40;
	v5 =	vsub.f32 v48, v61;
	v55 =	vmul.f32 v36, v57  }
0x22c: {  	v44 =	vmul.f32 $1.442695020e+00, v44;
	v59 =	vadd.f32 v60, v50;
	v60 =	vmul.f32 $2.000000030e-01, v45;
	v63 =	vld.idx.msk [tilespmem:v63+s2+$0x0], $0xffff  }
0x22d: {  	v3 =	vadd.s32 $0x7530, v3;
	v6 =	vmul.f32 v6, v29;
	v5 =	vmul.f32 $1.442695020e+00, v5;
	[tilespmem:v33+s15+$0x0] =	vst.idx.add.f32.msk $0xffff, v55  }
0x22e: {  	v49 =	vmax.f32 v45, v60;
	v50 =	vmul.f32 $2.000000030e-01, v59;
	(erf) = vpow2.f32 v44;
	v39 =	vld.idx.msk [tilespmem:v54+s2+$0x0], $0xffff  }
0x22f: {  	v57 =	vadd.s32 $0x4E20, v8;
	(erf) = vpow2.f32 v5;
	v5 =	vmul.f32 v16, v53;
	v0 =	vld.idx.msk [tilespmem:v0+s2+$0x0], $0xffff  }
0x230: {  	[tilespmem:v4+s15+$0x0] =	vst.idx.add.f32.msk $0xffff, v30;
	v40 =	vmax.f32 v59, v50;
	v59 =	vsub.f32 v51, v61;
	v62 =	vadd.s32 $0x2710, v33  }
0x231: {  	v1 =	vadd.s32 $0x7530, v1;
	v4 =	vmul.f32 v7, v34;
	[tilespmem:v58+s15+$0x0] =	vst.idx.add.f32.msk $0xffff, v5;
	v5 =	vsub.f32 v49, v61  }
0x232: {  	[tilespmem:v3+s15+$0x0] =	vst.idx.add.f32.msk $0xffff, v6;
	v41 =	vmul.f32 v14, v63;
	v60 =	vmul.f32 $1.442695020e+00, v59;
	v63 =	vadd.s32 $0x4E20, v37  }
0x233: {  	[tilespmem:v2+s15+$0x0] =	vst.idx.add.f32.msk $0xffff, v4;
	v7 =	vsub.f32 v40, v61;
	v3 =	vmul.f32 $1.442695020e+00, v5;
	v5 =	vmul.f32 v36, v39  }
0x234: {  	[tilespmem:v57+s15+$0x0] =	vst.idx.add.f32.msk $0xffff, v41;
	v0 =	vmul.f32 v0, v27  }
0x235: {  	v6 =	vmul.f32 $1.442695020e+00, v7;
	(erf) = vpow2.f32 v60;
	[tilespmem:v62+s15+$0x0] =	vst.idx.add.f32.msk $0xffff, v5  }
0x236: {  	(erf) = vpow2.f32 v3;
	[tilespmem:v1+s15+$0x0] =	vst.idx.add.f32.msk $0xffff, v0  }
0x237: {  	(erf) = vpow2.f32 v6;
	v3 =	vpop (erf);
	v6 =	vld.idx.msk [tilespmem:v63+s2+$0x0], $0xffff  }
0x238: {  	[tilespmem:v38+s18+$0x0] =	vst.idx.add.f32.msk $0xffff, v3;
	v4 =	vpop (erf)  }
0x239: {  	[tilespmem:v28+s18+$0x0] =	vst.idx.add.f32.msk $0xffff, v4  }
0x23a: {  	v0 =	vadd.s32 $0x4E20, v33;
	v5 =	vpop (erf);
	v41 =	vld.idx.msk [tilespmem:v24+s2+$0x0], $0xffff  }
0x23b: {  	v7 =	vadd.s32 $0x7530, v37;
	[tilespmem:v56+s18+$0x0] =	vst.idx.add.f32.msk $0xffff, v5  }
0x23c: {  	v1 =	vpop (erf);
	v42 =	vld.idx.msk [tilespmem:v32+s2+$0x0], $0xffff  }
0x23d: {  	[tilespmem:v17+s18+$0x0] =	vst.idx.add.f32.msk $0xffff, v1;
	v6 =	vmul.f32 v36, v6  }
0x23e: {  	v43 =	vld.idx.msk [tilespmem:v25+s2+$0x0], $0xffff  }
0x23f: {  	[tilespmem:v0+s15+$0x0] =	vst.idx.add.f32.msk $0xffff, v6  }
0x240: {  	v2 =	vpop (erf);
	v0 =	vld.idx.msk [tilespmem:v7+s2+$0x0], $0xffff  }
0x241: {  	[tilespmem:v18+s18+$0x0] =	vst.idx.add.f32.msk $0xffff, v2;
	v45 =	vmul.f32 v4, v42  }
0x242: {  	v27 =	vadd.s32 $0x7530, v33;
	v44 =	vld.idx.msk [tilespmem:v21+s2+$0x0], $0xffff  }
0x243: {  	v33 =	vmul.f32 v5, v43;
	v6 =	vpop (erf);
	[tilespmem:v28+s15+$0x0] =	vst.idx.add.f32.msk $0xffff, v45  }
0x244: {  	[tilespmem:v31+s18+$0x0] =	vst.idx.add.f32.msk $0xffff, v6  }
0x245: {  	v7 =	vpop (erf);
	[tilespmem:v56+s15+$0x0] =	vst.idx.add.f32.msk $0xffff, v33;
	v0 =	vmul.f32 v0, v36  }
0x246: {  	[tilespmem:v26+s18+$0x0] =	vst.idx.add.f32.msk $0xffff, v7  }
0x247: {  	[tilespmem:v27+s15+$0x0] =	vst.idx.add.f32.msk $0xffff, v0  }
0x248: {  	v0 =	vadd.s32 $0x7530, v13;
	v27 =	vld.idx.msk [tilespmem:v22+s2+$0x0], $0xffff  }
0x249: {  	v51 =	vadd.s32 $0x2710, v21;
	v46 =	vld.idx.msk [tilespmem:v19+s2+$0x0], $0xffff;
	v13 =	vmul.f32 v3, v41  }
0x24a: {  	v34 =	vmul.f32 v1, v44;
	v47 =	vld.idx.msk [tilespmem:v20+s2+$0x0], $0xffff  }
0x24b: {  	[tilespmem:v38+s15+$0x0] =	vst.idx.add.f32.msk $0xffff, v13;
	v13 =	vadd.s32 $0x2710, v24  }
0x24c: {  	[tilespmem:v17+s15+$0x0] =	vst.idx.add.f32.msk $0xffff, v34  }
0x24d: {  	v48 =	vadd.s32 $0x2710, v32;
	v0 =	vld.idx.msk [tilespmem:v0+s2+$0x0], $0xffff;
	v27 =	vmul.f32 v2, v27  }
0x24e: {  	v54 =	vld.idx.msk [tilespmem:v51+s2+$0x0], $0xffff  }
0x24f: {  	v12 =	vadd.s32 $0x7530, v12;
	[tilespmem:v18+s15+$0x0] =	vst.idx.add.f32.msk $0xffff, v27;
	v27 =	vmul.f32 v7, v47  }
0x250: {  	v49 =	vadd.s32 $0x2710, v25;
	v13 =	vld.idx.msk [tilespmem:v13+s2+$0x0], $0xffff  }
0x251: {  	v52 =	vadd.s32 $0x2710, v19;
	v30 =	vmul.f32 v6, v46;
	[tilespmem:v26+s15+$0x0] =	vst.idx.add.f32.msk $0xffff, v27  }
0x252: {  	v50 =	vadd.s32 $0x2710, v38;
	v27 =	vld.idx.msk [tilespmem:v48+s2+$0x0], $0xffff;
	v0 =	vmul.f32 v0, v15  }
0x253: {  	[tilespmem:v31+s15+$0x0] =	vst.idx.add.f32.msk $0xffff, v30;
	v15 =	vadd.s32 $0x2710, v22  }
0x254: {  	[tilespmem:v12+s15+$0x0] =	vst.idx.add.f32.msk $0xffff, v0;
	v0 =	vadd.s32 $0x2710, v28  }
0x255: {  	v53 =	vadd.s32 $0x2710, v20;
	v13 =	vmul.f32 v3, v13;
	v12 =	vld.idx.msk [tilespmem:v49+s2+$0x0], $0xffff  }
0x256: {  	v11 =	vadd.s32 $0x7530, v11;
	v33 =	vld.idx.msk [tilespmem:v52+s2+$0x0], $0xffff  }
0x257: {  	[tilespmem:v50+s15+$0x0] =	vst.idx.add.f32.msk $0xffff, v13;
	v13 =	vadd.s32 $0x2710, v56;
	v27 =	vmul.f32 v4, v27  }
0x258: {  	v10 =	vadd.s32 $0x7530, v10;
	v15 =	vld.idx.msk [tilespmem:v15+s2+$0x0], $0xffff  }
0x259: {  	v55 =	vadd.s32 $0x2710, v17;
	[tilespmem:v0+s15+$0x0] =	vst.idx.add.f32.msk $0xffff, v27  }
0x25a: {  	v12 =	vmul.f32 v5, v12;
	v0 =	vadd.s32 $0x2710, v18;
	v27 =	vld.idx.msk [tilespmem:v53+s2+$0x0], $0xffff  }
0x25b: {  	v57 =	vadd.s32 $0x2710, v31;
	v11 =	vld.idx.msk [tilespmem:v11+s2+$0x0], $0xffff  }
0x25c: {  	v29 =	vmul.f32 v1, v54;
	[tilespmem:v13+s15+$0x0] =	vst.idx.add.f32.msk $0xffff, v12;
	v12 =	vadd.s32 $0x2710, v26  }
0x25d: {  	v30 =	vld.idx.msk [tilespmem:v10+s2+$0x0], $0xffff;
	v13 =	vadd.s32 $0x4E20, v24;
	v15 =	vmul.f32 v2, v15  }
0x25e: {  	v58 =	vadd.s32 $0x4E20, v32;
	[tilespmem:v55+s15+$0x0] =	vst.idx.add.f32.msk $0xffff, v29;
	v59 =	vmul.f32 v6, v33  }
0x25f: {  	v60 =	vadd.s32 $0x4E20, v25;
	[tilespmem:v0+s15+$0x0] =	vst.idx.add.f32.msk $0xffff, v15;
	v0 =	vmul.f32 v7, v27  }
0x260: {  	v62 =	vadd.s32 $0x4E20, v22;
	[tilespmem:v57+s15+$0x0] =	vst.idx.add.f32.msk $0xffff, v59  }
0x261: {  	v15 =	vadd.s32 $0x4E20, v21;
	[tilespmem:v12+s15+$0x0] =	vst.idx.add.f32.msk $0xffff, v0  }
0x262: {  	v0 =	vadd.s32 $0x7530, v8;
	v8 =	vld.idx.msk [tilespmem:v13+s2+$0x0], $0xffff  }
0x263: {  	v29 =	vld.idx.msk [tilespmem:v58+s2+$0x0], $0xffff;
	v27 =	vadd.s32 $0x4E20, v19  }
0x264: {  	v48 =	vadd.s32 $0x4E20, v38;
	v33 =	vld.idx.msk [tilespmem:v60+s2+$0x0], $0xffff  }
0x265: {  	v63 =	vadd.s32 $0x4E20, v20;
	v14 =	vmul.f32 v11, v14;
	v52 =	vadd.s32 $0x7530, v25;
	v51 =	vld.idx.msk [tilespmem:v62+s2+$0x0], $0xffff  }
0x266: {  	v50 =	vadd.s32 $0x4E20, v28;
	v49 =	vld.idx.msk [tilespmem:v15+s2+$0x0], $0xffff;
	[tilespmem:$0x1FDA0] =	vst v52  }
0x267: {  	v40 =	vadd.s32 $0x7530, v9;
	v59 =	vadd.s32 $0x7530, v22;
	[tilespmem:v0+s15+$0x0] =	vst.idx.add.f32.msk $0xffff, v14;
	v8 =	vmul.f32 v3, v8  }
0x268: {  	v53 =	vadd.s32 $0x4E20, v56;
	v15 =	vadd.s32 $0x7530, v56;
	v56 =	vadd.s32 $0x7530, v21;
	v27 =	vld.idx.msk [tilespmem:v27+s2+$0x0], $0xffff;
	[tilespmem:$0x1FDB0] =	vst v59  }
0x269: {  	v21 =	vmul.f32 v4, v29;
	v0 =	vadd.s32 $0x4E20, v17;
	[tilespmem:v48+s15+$0x0] =	vst.idx.add.f32.msk $0xffff, v8;
	v8 =	vadd.s32 $0x4E20, v31  }
0x26a: {  	v44 =	vadd.s32 $0x7530, v28;
	v20 =	vadd.s32 $0x7530, v20;
	v60 =	vadd.s32 $0x4E20, v18;
	v62 =	vld.idx.msk [tilespmem:v63+s2+$0x0], $0xffff;
	[tilespmem:$0x1FDC0] =	vst v8  }
0x26b: {  	v41 =	vadd.s32 $0x7530, v38;
	v63 =	vadd.s32 $0x4E20, v26;
	v8 =	vmul.f32 v5, v33;
	[tilespmem:v50+s15+$0x0] =	vst.idx.add.f32.msk $0xffff, v21  }
0x26c: {  	v54 =	vadd.s32 $0x7530, v32;
	v21 =	vmul.f32 v30, v16;
	v16 =	vmul.f32 v1, v49;
	[tilespmem:$0x1FDD0] =	vst v63  }
0x26d: {  	v32 =	vadd.s32 $0x7530, v26;
	v25 =	vadd.s32 $0x7530, v24;
	[tilespmem:v53+s15+$0x0] =	vst.idx.add.f32.msk $0xffff, v8;
	v8 =	vmul.f32 v2, v51  }
0x26e: {  	v22 =	vadd.s32 $0x7530, v19;
	v19 =	vadd.s32 $0x7530, v17;
	v17 =	vadd.s32 $0x7530, v18;
	[tilespmem:v0+s15+$0x0] =	vst.idx.add.f32.msk $0xffff, v16  }
0x26f: {  	s30 =	simm.s32 $0x8;
	s0 =	simm.s32 $0x1CA40;
	v34 =	vmul.f32 v6, v27;
	v16 =	vadd.s32 $0x7530, v31;
	v35 =	vmul.f32 v7, v62;
	[tilespmem:v60+s15+$0x0] =	vst.idx.add.f32.msk $0xffff, v8  }
.LBB2_5:
0x270: {  	s29 =	sadd.s32 $0x80, s29  }
0x271: {  	v42 =	vld [tilespmem:s29+$0xFFFFFFC0]  }
0x272: {  	v45 =	vld [tilespmem:s29+$0xFFFFFFD0];
	_ =	sdelay $0x2  }
0x273: {  	v57 =	vld [tilespmem:s0+$0xFFFFFFD0]  }
0x274: {  	v53 =	vld [tilespmem:s0+$0xFFFFFFE0];
	v0 =	vadd.s32 $0x2710, v42  }
0x275: {  	v47 =	vld [tilespmem:s29+$0x30];
	v8 =	vadd.s32 $0x2710, v45;
	[tilespmem:$0x1FC50] =	vst v0  }
0x276: {  	v55 =	vld [tilespmem:s0+$0x30];
	v0 =	vadd.s32 $0x4E20, v42;
	[tilespmem:$0x1FC60] =	vst v8  }
0x277: {  	v43 =	vld [tilespmem:s29+$0xFFFFFFE0];
	v8 =	vadd.s32 $0x4E20, v45;
	[tilespmem:$0x1FD50] =	vst v0  }
0x278: {  	v59 =	vld [tilespmem:s0+$0xFFFFFFF0];
	v0 =	vadd.s32 $0x2710, v57;
	[tilespmem:$0x1FD60] =	vst v8  }
0x279: {  	v26 =	vld [tilespmem:s0+$0x10];
	v8 =	vadd.s32 $0x7530, v45;
	[tilespmem:$0x1FBD0] =	vst v0  }
0x27a: {  	v27 =	vld [tilespmem:s0+$0x20];
	[tilespmem:$0x1FBC0] =	vst v8;
	v8 =	vadd.s32 $0x2710, v53  }
0x27b: {  	v51 =	vld [tilespmem:s29+$0xFFFFFFF0];
	[tilespmem:$0x1FBE0] =	vst v8;
	v8 =	vadd.s32 $0x4E20, v53  }
0x27c: {  	v58 =	vld [tilespmem:s29+$0x0];
	[tilespmem:$0x1FCE0] =	vst v8;
	v8 =	vadd.s32 $0x2710, v43  }
0x27d: {  	v28 =	vld.idx.msk [tilespmem:v47+s17+$0x0], $0xffff;
	[tilespmem:$0x1FC70] =	vst v8;
	v8 =	vadd.s32 $0x4E20, v43  }
0x27e: {  	v0 =	vadd.s32 $0x4E20, v57;
	[tilespmem:$0x1FD70] =	vst v8;
	v8 =	vld [tilespmem:s0+$0x0]  }
0x27f: {  	[tilespmem:$0x1FCD0] =	vst v0;
	v0 =	vld.idx.msk [tilespmem:v55+s16+$0x0], $0xffff  }
0x280: {  	[tilespmem:$0x1FD30] =	vst v16;
	v16 =	vmov v41;
	v46 =	vadd.s32 $0x2710, v26;
	v41 =	vld.idx.msk [tilespmem:v57+s16+$0x0], $0xffff  }
0x281: {  	[tilespmem:$0x1FC10] =	vst v46;
	v46 =	vld.idx.msk [tilespmem:v45+s17+$0x0], $0xffff  }
0x282: {  	v31 =	vld [tilespmem:s0+$0xFFFFFFC0];
	v62 =	vadd.s32 $0x2710, v51  }
0x283: {  	v48 =	vadd.s32 $0x4E20, v26;
	[tilespmem:$0x1FC80] =	vst v62;
	v62 =	vld [tilespmem:s29+$0x20]  }
0x284: {  	[tilespmem:$0x1FD10] =	vst v48;
	v48 =	vld.idx.msk [tilespmem:v53+s16+$0x0], $0xffff;
	v28 =	vadd.f32 v28, v0  }
0x285: {  	v30 =	vadd.s32 $0x2710, v58;
	v11 =	vld.idx.msk [tilespmem:v58+s17+$0x0], $0xffff  }
0x286: {  	v52 =	vadd.s32 $0x4E20, v27;
	[tilespmem:$0x1FC90] =	vst v30;
	v41 =	vadd.f32 v46, v41;
	v30 =	vmul.f32 $2.000000030e-01, v28;
	v46 =	vld.idx.msk [tilespmem:v8+s16+$0x0], $0xffff  }
0x287: {  	v60 =	vadd.s32 $0x4E20, v59;
	[tilespmem:$0x1FD20] =	vst v52;
	v52 =	vld.idx.msk [tilespmem:v43+s17+$0x0], $0xffff  }
0x288: {  	[tilespmem:$0x1FCF0] =	vst v60;
	v60 =	vld [tilespmem:s29+$0x10];
	v38 =	vadd.s32 $0x4E20, v58;
	v28 =	vmax.f32 v28, v30  }
0x289: {  	v9 =	vadd.s32 $0x2710, v59;
	[tilespmem:$0x1FD90] =	vst v38;
	v38 =	vld.idx.msk [tilespmem:v42+s17+$0x0], $0xffff;
	v30 =	vsub.f32 v28, v61  }
0x28a: {  	[tilespmem:$0x1FBF0] =	vst v9;
	v9 =	vld.idx.msk [tilespmem:v51+s17+$0x0], $0xffff  }
0x28b: {  	v18 =	vmovc v54;
	v61 =	vadd.s32 $0x2710, v62;
	v54 =	vmul.f32 $1.442695020e+00, v30;
	v11 =	vadd.f32 v11, v46;
	v46 =	vld [tilespmem:$0x1FDD0]  }
0x28c: {  	v48 =	vadd.f32 v52, v48;
	[tilespmem:$0x1FCB0] =	vst v61;
	v61 =	vld.idx.msk [tilespmem:v59+s16+$0x0], $0xffff  }
0x28d: {  	v30 =	vadd.s32 $0x7530, v58;
	(erf) = vpow2.f32 v54;
	v54 =	vld.idx.msk [tilespmem:v31+s16+$0x0], $0xffff  }
0x28e: {  	v12 =	vmul.f32 $2.000000030e-01, v41;
	[tilespmem:$0x1FC40] =	vst v30;
	v30 =	vmul.f32 $2.000000030e-01, v48  }
0x28f: {  	v52 =	vld.idx.msk [tilespmem:v26+s16+$0x0], $0xffff  }
0x290: {  	v12 =	vmax.f32 v41, v12;
	v41 =	vmax.f32 v48, v30;
	v30 =	vld [tilespmem:$0x1FDC0]  }
0x291: {  	v49 =	vadd.s32 $0x2710, v60;
	v9 =	vadd.f32 v9, v61;
	v61 =	vld.idx.msk [tilespmem:v27+s16+$0x0], $0xffff  }
0x292: {  	[tilespmem:$0x1FCA0] =	vst v49;
	v49 =	vadd.s32 $0x4E20, v62;
	v38 =	vadd.f32 v38, v54;
	v54 =	vld.idx.msk [tilespmem:v62+s17+$0x0], $0xffff  }
0x293: {  	[tilespmem:v46+s15+$0x0] =	vst.idx.add.f32.msk $0xffff, v35;
	v46 =	vmov v49;
	v49 =	vmul.f32 $2.000000030e-01, v11  }
0x294: {  	v13 =	vld.idx.msk [tilespmem:v60+s17+$0x0], $0xffff  }
0x295: {  	v24 =	vmov v20;
	v20 =	vmov v56;
	v11 =	vmax.f32 v11, v49;
	v49 =	vld.idx.msk [tilespmem:v18+s2+$0x0], $0xffff  }
0x296: {  	v18 =	vld [tilespmem:$0x1FDA0];
	_ =	sdelay $0x3  }
0x297: {  	v14 =	vmovc v19;
	v19 =	vmov v44;
	v44 =	vadd.s32 $0x4E20, v60;
	v13 =	vadd.f32 v13, v52;
	v52 =	vld.idx.msk [tilespmem:v20+s2+$0x0], $0xffff  }
0x298: {  	v0 =	vadd.s32 $0x2710, v8;
	v48 =	vmul.f32 $2.000000030e-01, v9;
	[tilespmem:v30+s15+$0x0] =	vst.idx.add.f32.msk $0xffff, v34;
	v34 =	vmovc v44;
	v44 =	vmul.f32 $2.000000030e-01, v38  }
0x299: {  	v36 =	vadd.s32 $0x7530, v57;
	[tilespmem:$0x1FC00] =	vst v0  }
0x29a: {  	v39 =	vadd.s32 $0x7530, v53;
	v9 =	vmax.f32 v9, v48;
	[tilespmem:$0x1FDD0] =	vst v46;
	v48 =	vmax.f32 v38, v44;
	v46 =	vld.idx.msk [tilespmem:v25+s2+$0x0], $0xffff  }
0x29b: {  	v35 =	vsub.f32 v48, v23;
	v48 =	vadd.f32 v54, v61;
	v54 =	vmovc v36;
	v36 =	vld.idx.msk [tilespmem:v18+s2+$0x0], $0xffff;
	v18 =	vmov v39  }
0x29c: {  	v50 =	vadd.s32 $0x2710, v27;
	v0 =	vadd.s32 $0x4E20, v8;
	[tilespmem:$0x1FDA0] =	vst v18;
	v18 =	vld [tilespmem:$0x1FDB0]  }
0x29d: {  	[tilespmem:$0x1FC20] =	vst v50;
	v12 =	vsub.f32 v12, v23;
	v1 =	vmul.f32 v52, v1;
	v41 =	vsub.f32 v41, v23  }
0x29e: {  	[tilespmem:$0x1FD00] =	vst v0;
	v0 =	vadd.s32 $0x7530, v8  }
0x29f: {  	v12 =	vmul.f32 $1.442695020e+00, v12;
	[tilespmem:v14+s15+$0x0] =	vst.idx.add.f32.msk $0xffff, v1;
	v41 =	vmul.f32 $1.442695020e+00, v41;
	v9 =	vsub.f32 v9, v23  }
0x2a0: {  	v14 =	vld [tilespmem:$0x1FC20];
	v30 =	vmul.f32 $2.000000030e-01, v13;
	[tilespmem:$0x1FDC0] =	vst v34;
	v34 =	vpop (erf);
	v35 =	vmul.f32 $1.442695020e+00, v35  }
0x2a1: {  	v9 =	vmul.f32 $1.442695020e+00, v9;
	[tilespmem:v47+s18+$0x0] =	vst.idx.add.f32.msk $0xffff, v34;
	v11 =	vsub.f32 v11, v23;
	v3 =	vmul.f32 v46, v3  }
0x2a2: {  	v13 =	vmax.f32 v13, v30;
	v44 =	vld.idx.msk [tilespmem:v55+s2+$0x0], $0xffff;
	v30 =	vmul.f32 $2.000000030e-01, v48;
	(erf) = vpow2.f32 v35  }
0x2a3: {  	v13 =	vsub.f32 v13, v23;
	v11 =	vmul.f32 $1.442695020e+00, v11;
	(erf) = vpow2.f32 v12;
	[tilespmem:v16+s15+$0x0] =	vst.idx.add.f32.msk $0xffff, v3  }
0x2a4: {  	(erf) = vpow2.f32 v41;
	v3 =	vmul.f32 v49, v4;
	v35 =	vld.idx.msk [tilespmem:v18+s2+$0x0], $0xffff;
	v18 =	vmovc v0;
	v0 =	vmax.f32 v48, v30  }
0x2a5: {  	v46 =	vld [tilespmem:$0x1FBE0];
	(erf) = vpow2.f32 v9;
	v39 =	vadd.s32 $0x2710, v55;
	v0 =	vsub.f32 v0, v23  }
0x2a6: {  	[tilespmem:$0x1FC30] =	vst v17;
	v17 =	vmov v15;
	v13 =	vmul.f32 $1.442695020e+00, v13;
	v12 =	vld.idx.msk [tilespmem:v22+s2+$0x0], $0xffff;
	(erf) = vpow2.f32 v11  }
0x2a7: {  	[tilespmem:v19+s15+$0x0] =	vst.idx.add.f32.msk $0xffff, v3;
	v30 =	vmul.f32 v34, v44;
	v0 =	vmul.f32 $1.442695020e+00, v0  }
0x2a8: {  	(erf) = vpow2.f32 v13;
	v44 =	vld.idx.msk [tilespmem:v24+s2+$0x0], $0xffff  }
0x2a9: {  	[tilespmem:v47+s15+$0x0] =	vst.idx.add.f32.msk $0xffff, v30;
	(erf) = vpow2.f32 v0;
	v0 =	vmul.f32 v36, v5  }
0x2aa: {  	v48 =	vld.idx.msk [tilespmem:v39+s2+$0x0], $0xffff  }
0x2ab: {  	[tilespmem:v17+s15+$0x0] =	vst.idx.add.f32.msk $0xffff, v0  }
0x2ac: {  	v15 =	vmov v40;
	v3 =	vpop (erf);
	v0 =	vld [tilespmem:$0x1FBC0]  }
0x2ad: {  	v33 =	vadd.s32 $0x7530, v42;
	v50 =	vadd.s32 $0x7530, v27;
	[tilespmem:v42+s18+$0x0] =	vst.idx.add.f32.msk $0xffff, v3  }
0x2ae: {  	v20 =	vmovc v50;
	v50 =	vadd.s32 $0x2710, v47;
	v41 =	vmov v33;
	v33 =	vmul.f32 v12, v6;
	v12 =	vld.idx.msk [tilespmem:v31+s2+$0x0], $0xffff  }
0x2af: {  	v49 =	vld [tilespmem:$0x1FC50];
	v4 =	vpop (erf);
	v52 =	vmul.f32 v35, v2;
	v2 =	vadd.s32 $0x4E20, v55  }
0x2b0: {  	[tilespmem:v45+s18+$0x0] =	vst.idx.add.f32.msk $0xffff, v4  }
0x2b1: {  	[tilespmem:v15+s15+$0x0] =	vst.idx.add.f32.msk $0xffff, v21;
	v21 =	vmul.f32 v44, v7;
	v44 =	vmov v0;
	v0 =	vmul.f32 v34, v48  }
0x2b2: {  	v13 =	vld.idx.msk [tilespmem:v57+s2+$0x0], $0xffff  }
0x2b3: {  	v12 =	vmul.f32 v3, v12;
	[tilespmem:v50+s15+$0x0] =	vst.idx.add.f32.msk $0xffff, v0  }
0x2b4: {  	v0 =	vld.idx.msk [tilespmem:v2+s2+$0x0], $0xffff  }
0x2b5: {  	[tilespmem:v42+s15+$0x0] =	vst.idx.add.f32.msk $0xffff, v12  }
0x2b6: {  	v39 =	vadd.s32 $0x7530, v47;
	v35 =	vadd.s32 $0x4E20, v47;
	v47 =	vld [tilespmem:$0x1FBF0]  }
0x2b7: {  	v13 =	vmul.f32 v4, v13;
	v5 =	vpop (erf);
	v36 =	vadd.s32 $0x7530, v55;
	v12 =	vld [tilespmem:$0x1FC00]  }
0x2b8: {  	v55 =	vld [tilespmem:$0x1FCA0];
	v1 =	vpop (erf)  }
0x2b9: {  	[tilespmem:v45+s15+$0x0] =	vst.idx.add.f32.msk $0xffff, v13;
	v2 =	vpop (erf);
	v0 =	vmul.f32 v34, v0  }
0x2ba: {  	[tilespmem:v58+s18+$0x0] =	vst.idx.add.f32.msk $0xffff, v2  }
0x2bb: {  	[tilespmem:v35+s15+$0x0] =	vst.idx.add.f32.msk $0xffff, v0  }
0x2bc: {  	v6 =	vpop (erf);
	v0 =	vld.idx.msk [tilespmem:v36+s2+$0x0], $0xffff  }
0x2bd: {  	[tilespmem:v60+s18+$0x0] =	vst.idx.add.f32.msk $0xffff, v6  }
0x2be: {  	v8 =	vld.idx.msk [tilespmem:v8+s2+$0x0], $0xffff  }
0x2bf: {  	v40 =	vadd.s32 $0x7530, v26;
	v7 =	vpop (erf);
	v26 =	vld.idx.msk [tilespmem:v26+s2+$0x0], $0xffff  }
0x2c0: {  	[tilespmem:v62+s18+$0x0] =	vst.idx.add.f32.msk $0xffff, v7  }
0x2c1: {  	v27 =	vld.idx.msk [tilespmem:v27+s2+$0x0], $0xffff;
	v0 =	vmul.f32 v0, v34  }
0x2c2: {  	[tilespmem:v51+s18+$0x0] =	vst.idx.add.f32.msk $0xffff, v1  }
0x2c3: {  	[tilespmem:v39+s15+$0x0] =	vst.idx.add.f32.msk $0xffff, v0;
	v0 =	vmul.f32 v2, v8  }
0x2c4: {  	v38 =	vld.idx.msk [tilespmem:v59+s2+$0x0], $0xffff;
	v8 =	vmul.f32 v6, v26  }
0x2c5: {  	[tilespmem:v58+s15+$0x0] =	vst.idx.add.f32.msk $0xffff, v0  }
0x2c6: {  	v0 =	vmul.f32 v7, v27;
	[tilespmem:v60+s15+$0x0] =	vst.idx.add.f32.msk $0xffff, v8  }
0x2c7: {  	v8 =	vld [tilespmem:$0x1FBD0]  }
0x2c8: {  	[tilespmem:v62+s15+$0x0] =	vst.idx.add.f32.msk $0xffff, v0  }
0x2c9: {  	v26 =	vld.idx.msk [tilespmem:v14+s2+$0x0], $0xffff  }
0x2ca: {  	v56 =	vadd.s32 $0x7530, v31;
	v10 =	vadd.s32 $0x7530, v60;
	v14 =	vld [tilespmem:$0x1FC30]  }
0x2cb: {  	[tilespmem:$0x1FD40] =	vst v10;
	v13 =	vld [tilespmem:$0x1FC10]  }
0x2cc: {  	v37 =	vadd.s32 $0x7530, v59;
	v10 =	vadd.s32 $0x7530, v62;
	v25 =	vmov v56;
	[tilespmem:v43+s18+$0x0] =	vst.idx.add.f32.msk $0xffff, v5  }
0x2cd: {  	v56 =	vmovc v37;
	v22 =	vmovc v40;
	v40 =	vmov v32;
	v32 =	vmov v10;
	v37 =	vld.idx.msk [tilespmem:v53+s2+$0x0], $0xffff;
	v10 =	vmul.f32 v1, v38  }
0x2ce: {  	v50 =	vld [tilespmem:$0x1FC60]  }
0x2cf: {  	[tilespmem:v51+s15+$0x0] =	vst.idx.add.f32.msk $0xffff, v10  }
0x2d0: {  	v12 =	vld.idx.msk [tilespmem:v12+s2+$0x0], $0xffff  }
0x2d1: {  	v8 =	vld.idx.msk [tilespmem:v8+s2+$0x0], $0xffff  }
0x2d2: {  	[tilespmem:v14+s15+$0x0] =	vst.idx.add.f32.msk $0xffff, v52  }
0x2d3: {  	v63 =	vadd.s32 $0x4E20, v51;
	v28 =	vadd.s32 $0x2710, v31;
	v52 =	vld [tilespmem:$0x1FC80]  }
0x2d4: {  	[tilespmem:$0x1FD80] =	vst v63;
	v63 =	vadd.s32 $0x4E20, v31;
	v10 =	vld.idx.msk [tilespmem:v47+s2+$0x0], $0xffff  }
0x2d5: {  	[tilespmem:$0x1FCC0] =	vst v63;
	v63 =	vadd.s32 $0x7530, v51;
	v9 =	vmul.f32 v5, v37;
	v51 =	vld [tilespmem:$0x1FC70]  }
0x2d6: {  	v13 =	vld.idx.msk [tilespmem:v13+s2+$0x0], $0xffff  }
0x2d7: {  	[tilespmem:v43+s15+$0x0] =	vst.idx.add.f32.msk $0xffff, v9;
	v8 =	vmul.f32 v4, v8  }
0x2d8: {  	v0 =	vld.idx.msk [tilespmem:v28+s2+$0x0], $0xffff  }
0x2d9: {  	[tilespmem:v50+s15+$0x0] =	vst.idx.add.f32.msk $0xffff, v8;
	v8 =	vmul.f32 v1, v10  }
0x2da: {  	v9 =	vld.idx.msk [tilespmem:v46+s2+$0x0], $0xffff  }
0x2db: {  	[tilespmem:v52+s15+$0x0] =	vst.idx.add.f32.msk $0xffff, v8;
	v8 =	vmul.f32 v6, v13  }
0x2dc: {  	v53 =	vld [tilespmem:$0x1FC90]  }
0x2dd: {  	v0 =	vmul.f32 v3, v0;
	[tilespmem:v55+s15+$0x0] =	vst.idx.add.f32.msk $0xffff, v8  }
0x2de: {  	v8 =	vld [tilespmem:$0x1FCB0]  }
0x2df: {  	[tilespmem:v49+s15+$0x0] =	vst.idx.add.f32.msk $0xffff, v0;
	v0 =	vmul.f32 v5, v9;
	_ =	sdelay $0x1  }
0x2e0: {  	[tilespmem:v51+s15+$0x0] =	vst.idx.add.f32.msk $0xffff, v0  }
0x2e1: {  	v0 =	vmul.f32 v2, v12;
	v12 =	vld [tilespmem:$0x1FD10]  }
0x2e2: {  	v14 =	vld [tilespmem:$0x1FD30]  }
0x2e3: {  	[tilespmem:v53+s15+$0x0] =	vst.idx.add.f32.msk $0xffff, v0;
	v0 =	vmul.f32 v7, v26  }
0x2e4: {  	v19 =	vmov v63;
	v63 =	vld [tilespmem:$0x1FD80]  }
0x2e5: {  	[tilespmem:v8+s15+$0x0] =	vst.idx.add.f32.msk $0xffff, v0  }
0x2e6: {  	v8 =	vld [tilespmem:$0x1FCD0]  }
0x2e7: {  	v57 =	vld [tilespmem:$0x1FCE0]  }
0x2e8: {  	v58 =	vld [tilespmem:$0x1FCF0]  }
0x2e9: {  	v60 =	vld [tilespmem:$0x1FD60]  }
0x2ea: {  	v12 =	vld.idx.msk [tilespmem:v12+s2+$0x0], $0xffff  }
0x2eb: {  	[tilespmem:v14+s15+$0x0] =	vst.idx.add.f32.msk $0xffff, v33  }
0x2ec: {  	v0 =	vld [tilespmem:$0x1FCC0]  }
0x2ed: {  	v14 =	vld [tilespmem:$0x1FD40]  }
0x2ee: {  	v8 =	vld.idx.msk [tilespmem:v8+s2+$0x0], $0xffff  }
0x2ef: {  	v59 =	vld [tilespmem:$0x1FD00]  }
0x2f0: {  	v10 =	vld.idx.msk [tilespmem:v58+s2+$0x0], $0xffff  }
0x2f1: {  	v62 =	vld [tilespmem:$0x1FD70]  }
0x2f2: {  	v13 =	vld [tilespmem:$0x1FD20]  }
0x2f3: {  	v16 =	vmov v14;
	v14 =	vld [tilespmem:$0x1FD50];
	v8 =	vmul.f32 v4, v8  }
0x2f4: {  	v0 =	vld.idx.msk [tilespmem:v0+s2+$0x0], $0xffff  }
0x2f5: {  	[tilespmem:v60+s15+$0x0] =	vst.idx.add.f32.msk $0xffff, v8;
	v8 =	vmul.f32 v1, v10  }
0x2f6: {  	v9 =	vld.idx.msk [tilespmem:v57+s2+$0x0], $0xffff  }
0x2f7: {  	[tilespmem:v63+s15+$0x0] =	vst.idx.add.f32.msk $0xffff, v8  }
0x2f8: {  	v8 =	vld [tilespmem:$0x1FD90]  }
0x2f9: {  	v11 =	vld.idx.msk [tilespmem:v59+s2+$0x0], $0xffff  }
0x2fa: {  	s30 =	sadd.s32 $0x8, s30;
	v48 =	vld [tilespmem:$0x1FC40];
	v0 =	vmul.f32 v3, v0  }
0x2fb: {  	p1 =	slt.u32 s30, $0xC0;
	v13 =	vld.idx.msk [tilespmem:v13+s2+$0x0], $0xffff  }
.Ltmp1:
0x2fc: {  	[tilespmem:v14+s15+$0x0] =	vst.idx.add.f32.msk $0xffff, v0;
	v0 =	vmul.f32 v5, v9;
	(pc) =	sbr.rel @p1 .LBB2_5-.Ltmp1, $4  }
0x2fd: {  	_ = 	snop  }
0x2fe: {  	v29 =	vadd.s32 $0x7530, v43;
	[tilespmem:v62+s15+$0x0] =	vst.idx.add.f32.msk $0xffff, v0;
	v0 =	vmul.f32 v2, v11  }
0x2ff: {  	v61 =	vmov v23;
	v15 =	vmov v29;
	[tilespmem:$0x1FDB0] =	vst v18  }
0x300: {  	s0 =	sadd.s32 $0x80, s0;
	v17 =	vmov v48;
	v34 =	vmul.f32 v6, v12;
	v35 =	vmul.f32 v7, v13;
	[tilespmem:v8+s15+$0x0] =	vst.idx.add.f32.msk $0xffff, v0  }
0x301: {  	v0 =	vld [tilespmem:$0x1FDC0];
	_ =	sdelay $0x7  }
0x302: {  	[tilespmem:v0+s15+$0x0] =	vst.idx.add.f32.msk $0xffff, v34  }
0x303: {  	v0 =	vld [tilespmem:$0x1FDD0];
	_ =	sdelay $0x7  }
0x304: {  	[tilespmem:v0+s15+$0x0] =	vst.idx.add.f32.msk $0xffff, v35  }
0x305: {  	v9 =	vld [tilespmem:$0x1FDA0]  }
0x306: {  	v11 =	vld [tilespmem:$0x1FDB0]  }
0x307: {  	v55 =	vld.idx.msk [tilespmem:v25+s2+$0x0], $0xffff  }
0x308: {  	v8 =	vld.idx.msk [tilespmem:v54+s2+$0x0], $0xffff  }
0x309: {  	v10 =	vld.idx.msk [tilespmem:v56+s2+$0x0], $0xffff  }
0x30a: {  	v12 =	vld.idx.msk [tilespmem:v22+s2+$0x0], $0xffff  }
0x30b: {  	v56 =	vld.idx.msk [tilespmem:v20+s2+$0x0], $0xffff  }
0x30c: {  	[tilespmem:v40+s15+$0x0] =	vst.idx.add.f32.msk $0xffff, v21  }
0x30d: {  	v57 =	vmul.f32 v8, v4;
	v9 =	vld.idx.msk [tilespmem:v9+s2+$0x0], $0xffff  }
0x30e: {  	v59 =	vmul.f32 v10, v1;
	v11 =	vld.idx.msk [tilespmem:v11+s2+$0x0], $0xffff  }
0x30f: {  	s28 =	sadd.s32 $0x1, s28;
	v62 =	vmul.f32 v12, v6;
	[tilespmem:v44+s15+$0x0] =	vst.idx.add.f32.msk $0xffff, v57  }
0x310: {  	p1 =	sne.s32 s28, $0x32;
	v0 =	vmul.f32 v55, v3;
	[tilespmem:v19+s15+$0x0] =	vst.idx.add.f32.msk $0xffff, v59  }
.Ltmp2:
0x311: {  	[tilespmem:v16+s15+$0x0] =	vst.idx.add.f32.msk $0xffff, v62;
	v63 =	vmul.f32 v56, v7;
	(pc) =	sbr.rel @p1 .LBB2_2-.Ltmp2, $4  }
0x312: {  	[tilespmem:v41+s15+$0x0] =	vst.idx.add.f32.msk $0xffff, v0;
	v58 =	vmul.f32 v9, v5  }
0x313: {  	[tilespmem:v32+s15+$0x0] =	vst.idx.add.f32.msk $0xffff, v63;
	v60 =	vmul.f32 v11, v2  }
0x314: {  	[tilespmem:v15+s15+$0x0] =	vst.idx.add.f32.msk $0xffff, v58  }
0x315: {  	[tilespmem:v17+s15+$0x0] =	vst.idx.add.f32.msk $0xffff, v60  }
0x316: {  	[hbm4b:s12+s2] =	stream.linear.scatter [tilespmem:s15], [sflag:$0x3], $0x9C40, $0x38;
	[tilespmem:$0x1E200] =	vst v63  }
0x317: {  	_ =	swait.ge [sflag:s14], $0x9C40  }
0x318: {  	s0 =	simm.s32 @!p0 $0x0;
	s26 =	sadd.s32 $0x1, s26;
	[sflag:s14] =	ssyncset.done $0x0  }
0x319: {  	s28 =	simm.s32 @!p0 $0x18800;
	p1 =	sne.s32 s26, s13;
	[sflag:s14] =	ssyncadd.s32 $0xFFFF63C0  }
0x31a: {  	[hbm4b:s9+s0] =	stream.linear.scatter @!p0 [tilespmem:s28], [sflag:$0x3], $0x2780, $0x38;
	[tilespmem:$0x1E200] =	vst v63  }
.Ltmp3:
0x31b: {  	_ = 	snop;
	(pc) =	sbr.rel @p1 .LBB2_1-.Ltmp3, $4  }
0x31c: {  	s0 =	simm.s32 @!p0 $0x3  }
0x31d: {  	_ =	swait.ge @!p0 [sflag:s0], $0x2780  }
0x31e: {  	[sflag:s0] =	ssyncset.done @!p0 $0x0  }
0x31f: {  	[sflag:s0] =	ssyncadd.s32 @!p0 $0xFFFFD880  }
0x320: {  	_ =	sfence.sel $0x180000  }
0x321: {  	[bflag:$0x0] =	sbarrier.arrive $0xFFFF  }
0x322: {  	_ =	strace $0x90000047  }
0x323: {  	[bflag:$0x2] =	sbarrier.arrive $0xFFFF  }
0x324: {  	p0 =	sne.s32 s1, $0x0;
	s0 =	rddreg [dreg:$0x2]  }
0x325: {  	s0 =	sadd.s32 @!p0 $0x100000, s0  }
0x326: {  	[sflag:s0] =	ssyncadd.tile.s32 @!p0 $0x1;
	_ =	shalt  }
.Lfunc_end2:
_tile_overlayer_lowered:
.L_overlay_start_2:
0x327: {  	(tag) =	ssettag $0x2  }
0x328: {  	s0 =	rddreg [dreg:$0x0];
	s2 =	stileid.u32  }
0x329: {  	s1 =	rddreg [dreg:$0x1];
	p0 =	sne.s32 s2, $0x0  }
0x32a: {  	s3 =	rddreg [dreg:$0x2];
	[bflag:$0x3] =	sbarrier.arrive $0xFFFF;
	s2 =	simm.s32 @!p0 $0x1C03  }
0x32b: {  	[timem:s3], [sflag:s2] =	dma.local @!p0 [hbm:s0], s1  }
0x32c: {  	s0 =	simm.s32 @!p0 $0x3  }
0x32d: {  	_ =	swait.ge @!p0 [sflag:s0], s1  }
0x32e: {  	s1 =	ssub.s32 @!p0 $0x0, s1;
	[sflag:s0] =	ssyncset.done @!p0 $0x0  }
0x32f: {  	[sflag:s0] =	ssyncadd.s32 @!p0 s1  }
0x330: {  	[bflag:$0x3] =	sbarrier.arrive $0xFFFF  }
0x331: {  	_ =	shalt  }

// kernel: kernel.13.cloned.1.call-start
scs
__scs_entry_jumppad:
0x0: {  	(pc) =	sbr.rel $0x88, $3  }
0x1: {  	(tag) =	ssettag $0x0;
	lr =	simm.s32 $0x1  }
0x2: {  	[smem:$0x3F8A] =	sst lr;
	_ =	strace $0xD0000000  }
0x3: {  	_ = 	snop  }
0x4: {  	_ = 	snop  }
0x5: {  	_ = 	snop  }
0x6: {  	_ = 	snop  }
0x7: {  	_ = 	snop  }
__scs_overlays_trampoline_lowered:
0x8: {  	[smem:$0x3F99] =	sst s0  }
0x9: {  	[smem:$0x3F9A] =	sst s1  }
0xa: {  	[smem:$0x3F9B] =	sst s2  }
0xb: {  	[smem:$0x3F9C] =	sst s3  }
0xc: {  	[smem:$0x3F9D] =	sst s4  }
0xd: {  	[smem:$0x3F9E] =	sst s5  }
0xe: {  	[smem:$0x3F9F] =	sst s6  }
0xf: {  	[smem:$0x3FA0] =	sst s7  }
0x10: {  	[smem:$0x3FA1] =	sst s8  }
0x11: {  	[smem:$0x3FA2] =	sst s9;
	s0 =	simm.s32 @!p0 $0x0  }
0x12: {  	s1 =	sld [smem:$0x3F88];
	s0 =	simm.s32 @p0 $0x1  }
0x13: {  	[smem:$0x3FA3] =	sst s0;
	s0 =	simm.s32 @!p1 $0x0  }
0x14: {  	s2 =	sld [smem:$0x3F87];
	s0 =	simm.s32 @p1 $0x1  }
0x15: {  	[smem:$0x3FA4] =	sst s0;
	s0 =	simm.s32 @!p2 $0x0  }
0x16: {  	s3 =	sld [smem:$0x3FDB];
	s0 =	simm.s32 @p2 $0x1  }
0x17: {  	s4 =	simm.s32 $0x1BF5;
	[smem:$0x3FA6] =	sst s0  }
0x18: {  	s0 =	sld [smem:$0x3F89];
	_ =	swait.ge [sflag:s4], $0x0  }
0x19: {  	s7 =	sld [smem:$0x3F8A]  }
0x1a: {  	s8 =	sadd.s32 $0xFFFFE003, lr  }
0x1b: {  	s9 =	sadd.s32 $0xFFFFFEF7, lr;
	s5 =	simm.s32 $0xFFFFFFFF;
	p2 =	slt.u32 s8, $0xFFFFF086  }
0x1c: {  	p1 =	slt.u32 s9, $0xF7A;
	s5 =	simm.s32 @!p2 $0x0  }
0x1d: {  	s5 =	simm.s32 @p1 $0x1;
	p0 =	seq.s32 s7, s2  }
0x1e: {  	s7 =	smul.u32 @!p0 $0xF7A, s2;
	p2 =	seq.s32 @!p0 s5, $0x0  }
0x1f: {  	s9 =	smul.u32 $0xF7A, s1;
	s8 =	simm.s32 @!p0 $0x1BF5;
	p2 =	por !p2, p0  }
0x20: {  	[sflag:s8] =	ssyncset.s32 @!p0 $0xFFFFF086;
	s6 =	sadd.s32 @!p0 s3, s7;
	s7 =	simm.s32 @!p0 $0x108  }
0x21: {  	s3 =	sadd.s32 s3, s9;
	s6 =	sadd.s32 @!p0 $0x88, s6;
	s7 =	simm.s32 @p2 $0x1082  }
0x22: {  	[simem:s7], [sflag:s8] =	dma.local @!p0 [hbm:s6], $0xF7A  }
0x23: {  	s9 =	sor.u32 $0xD0000000, s2;
	s6 =	simm.s32 $0x108;
	_ =	swait.ge @!p0 [sflag:s8], $0x0  }
0x24: {  	s3 =	sadd.s32 $0x88, s3;
	s6 =	simm.s32 @!p1 $0x1082;
	[sflag:s4] =	ssyncset.s32 $0xFFFFF086  }
0x25: {  	[simem:s6], [sflag:s4] =	dma.local [hbm:s3], $0xF7A  }
0x26: {  	[smem:$0x3F8A] =	sst s1;
	(tag) =	ssettag s2;
	_ =	strace s9  }
0x27: {  	s1 =	sld [smem:$0x3F9A]  }
0x28: {  	s2 =	sld [smem:$0x3F9B]  }
0x29: {  	s4 =	sld [smem:$0x3F9D]  }
0x2a: {  	p0 =	seq.s32 s5, $0x0;
	s5 =	sld [smem:$0x3F9E]  }
0x2b: {  	s6 =	sld [smem:$0x3F9F]  }
0x2c: {  	s7 =	sld [smem:$0x3FA0]  }
0x2d: {  	s3 =	simm.s32 $0x108;
	s8 =	sld [smem:$0x3FA1]  }
0x2e: {  	s3 =	simm.s32 @!p0 $0x1082;
	s9 =	sld [smem:$0x3FA2]  }
0x2f: {  	lr =	sadd.s32 s0, s3;
	s0 =	sld [smem:$0x3F99]  }
0x30: {  	s3 =	sld [smem:$0x3F9C]  }
0x31: {  	[smem:$0x3FA5] =	sst s10  }
0x32: {  	s10 =	sld [smem:$0x3FA3];
	_ =	sdelay $0x3  }
0x33: {  	p0 =	seq.s32 s10, $0x1;
	s10 =	sld [smem:$0x3FA5];
	_ =	sdelay $0x3  }
0x34: {  	[smem:$0x3FA5] =	sst s10  }
0x35: {  	s10 =	sld [smem:$0x3FA4];
	_ =	sdelay $0x3  }
0x36: {  	p1 =	seq.s32 s10, $0x1;
	s10 =	sld [smem:$0x3FA5];
	_ =	sdelay $0x3  }
0x37: {  	[smem:$0x3FA5] =	sst s10  }
0x38: {  	s10 =	sld [smem:$0x3FA6]  }
0x39: {  	_ = 	snop;
	(pc) =	sbr.ind lr, $3  }
0x3a: {  	_ = 	snop  }
0x3b: {  	_ = 	snop  }
0x3c: {  	p2 =	seq.s32 s10, $0x1;
	s10 =	sld [smem:$0x3FA5]  }
0x3d: {  	_ =	shalt  }
0x3e: {  	_ =	shalt  }
0x3f: {  	_ =	shalt  }
0x40: {  	_ =	shalt  }
0x41: {  	_ =	shalt  }
0x42: {  	_ =	shalt  }
0x43: {  	_ =	shalt  }
0x44: {  	_ =	shalt  }
0x45: {  	_ =	shalt  }
0x46: {  	_ =	shalt  }
0x47: {  	_ =	shalt  }
0x48: {  	_ =	shalt  }
0x49: {  	_ =	shalt  }
0x4a: {  	_ =	shalt  }
0x4b: {  	_ =	shalt  }
0x4c: {  	_ =	shalt  }
0x4d: {  	_ =	shalt  }
0x4e: {  	_ =	shalt  }
0x4f: {  	_ =	shalt  }
0x50: {  	_ =	shalt  }
0x51: {  	_ =	shalt  }
0x52: {  	_ =	shalt  }
0x53: {  	_ =	shalt  }
0x54: {  	_ =	shalt  }
0x55: {  	_ =	shalt  }
0x56: {  	_ =	shalt  }
0x57: {  	_ =	shalt  }
0x58: {  	_ =	shalt  }
0x59: {  	_ =	shalt  }
0x5a: {  	_ =	shalt  }
0x5b: {  	_ =	shalt  }
0x5c: {  	_ =	shalt  }
0x5d: {  	_ =	shalt  }
0x5e: {  	_ =	shalt  }
0x5f: {  	_ =	shalt  }
0x60: {  	_ =	shalt  }
0x61: {  	_ =	shalt  }
0x62: {  	_ =	shalt  }
0x63: {  	_ =	shalt  }
0x64: {  	_ =	shalt  }
0x65: {  	_ =	shalt  }
0x66: {  	_ =	shalt  }
0x67: {  	_ =	shalt  }
0x68: {  	_ =	shalt  }
0x69: {  	_ =	shalt  }
0x6a: {  	_ =	shalt  }
0x6b: {  	_ =	shalt  }
0x6c: {  	_ =	shalt  }
0x6d: {  	_ =	shalt  }
0x6e: {  	_ =	shalt  }
0x6f: {  	_ =	shalt  }
0x70: {  	_ =	shalt  }
0x71: {  	_ =	shalt  }
0x72: {  	_ =	shalt  }
0x73: {  	_ =	shalt  }
0x74: {  	_ =	shalt  }
0x75: {  	_ =	shalt  }
0x76: {  	_ =	shalt  }
0x77: {  	_ =	shalt  }
0x78: {  	_ =	shalt  }
0x79: {  	_ =	shalt  }
0x7a: {  	_ =	shalt  }
0x7b: {  	_ =	shalt  }
0x7c: {  	_ =	shalt  }
0x7d: {  	_ =	shalt  }
0x7e: {  	_ =	shalt  }
0x7f: {  	_ =	shalt  }
0x80: {  	_ =	shalt  }
0x81: {  	_ =	shalt  }
0x82: {  	_ =	shalt  }
0x83: {  	_ =	shalt  }
0x84: {  	_ =	shalt  }
0x85: {  	_ =	shalt  }
0x86: {  	_ =	shalt  }
0x87: {  	_ =	shalt  }
.Lfunc_end0:
.L_simem_size_0:
called_computation.1_lowered:
.L_overlay_start_0:
0x88: {  	s2 =	sld [smem:$0x3FD9]  }
0x89: {  	s3 =	sld [smem:$0x3FFE];
	_ =	sdelay $0x1  }
0x8a: {  	s1 =	srdreg.scid  }
0x8b: {  	s0 =	sand.u32 $0x1, s1  }
0x8c: {  	s17 =	sshll.u32 s0, $0xA;
	s2 =	sadd.s32 s3, s2  }
0x8d: {  	s2 =	sadd.s32 s2, s17  }
0x8e: {  	[smem:$0x3FB1] =	sst s2  }
0x8f: {  	_ = 	snop  }
0x90: {  	s2 =	sld [smem:$0x3FD0];
	(tm) =	ssettm $0x1  }
0x91: {  	s18 =	sld [smem:$0x3FFB];
	_ =	sdelay $0x3  }
0x92: {  	_ =	strace s18  }
0x93: {  	s3 =	sld [smem:$0x3FFC];
	_ =	sdelay $0x3  }
0x94: {  	_ =	strace s3  }
0x95: {  	s3 =	sld [smem:$0x3FFD];
	_ =	sdelay $0x3  }
0x96: {  	_ =	strace s3  }
0x97: {  	_ =	strace $0x8FFFFFFF  }
0x98: {  	s19 =	sld [smem:$0x3FDB];
	_ =	sdelay $0x1  }
0x99: {  	s4 =	simm.s32 $_scs_section_size  }
0x9a: {  	s5 =	simm.s32 $_size__tile_overlayer_lowered;
	s6 =	simm.s32 $_tile_overlayer_lowered  }
0x9b: {  	s22 =	simm.s32 $0x1BFF;
	s21 =	sshll.u32 s6, $0x1;
	s3 =	sadd.s32 s4, s19  }
0x9c: {  	s7 =	simm.s32 $0x0;
	s20 =	sshll.u32 s5, $0x1;
	s5 =	sadd.s32 s21, s3  }
0x9d: {  	[timem:s7], [sflag:s22] =	dma.local [hbm:s5], s20  }
0x9e: {  	_ =	swait.ge [sflag:s22], s20  }
0x9f: {  	s4 =	ssub.s32 $0x0, s20;
	[sflag:s22] =	ssyncset.done $0x0  }
0xa0: {  	[sflag:s22] =	ssyncadd.s32 s4;
	_ =	sdelay $0x1  }
0xa1: {  	s23 =	simm.s32 $0x1B8B  }
0xa2: {  	_ =	swait.ge [sflag:s23], $0x1  }
0xa3: {  	[sflag:s23] =	ssyncset.done $0x0  }
0xa4: {  	s25 =	simm.s32 $0x1B8E;
	s24 =	sld [smem:$0x3FFE];
	[sflag:s23] =	ssyncadd.s32 $0xFFFFFFFF  }
0xa5: {  	s26 =	simm.s32 $execute0_lowered;
	[smem:$0x3FD2] =	sst s25  }
0xa6: {  	s5 =	sshll.u32 s26, $0x1;
	_ =	strace $0x80000049;
	[dreg:$0x1] =	wrdreg $0xFFFFFFFF  }
0xa7: {  	s28 =	simm.s32 $_size_execute0_lowered;
	s3 =	sadd.s32 s3, s5;
	[dreg:$0x0] =	wrdreg $0x0  }
0xa8: {  	s5 =	sshll.u32 s28, $0x1;
	[dreg:$0x2] =	wrdreg s3  }
0xa9: {  	[dreg:$0x3] =	wrdreg s5  }
0xaa: {  	[dreg:$0x4] =	wrdreg $0xC0  }
0xab: {  	_ =	task [dreg:s7], $0x5FFFF  }
0xac: {  	[dreg:$0x1] =	wrdreg $0xFFFFFFFF  }
0xad: {  	[dreg:$0x0] =	wrdreg $0x60  }
0xae: {  	[dreg:$0x2] =	wrdreg s2  }
0xaf: {  	[dreg:$0x3] =	wrdreg s24  }
0xb0: {  	[dreg:$0x4] =	wrdreg $0x9  }
0xb1: {  	_ =	task.clear_ibuf [dreg:s7], $0x5FFFF;
	_ =	strace $0x90000049  }
0xb2: {  	s29 =	simm.s32 $0x9;
	_ =	strace $0x8000004B  }
0xb3: {  	_ =	swait.ge [sflag:s29], $0x1  }
0xb4: {  	[sflag:s29] =	ssyncadd.s32 $0xFFFFFFFF  }
0xb5: {  	_ =	strace $0x9000004B  }
0xb6: {  	_ =	sfence  }
0xb7: {  	s30 =	sld [smem:$0x0];
	_ =	sdelay $0x2  }
0xb8: {  	s31 =	sshll.u32 s1, $0xD;
	s1 =	sshrl.u32 s1, $0x2  }
0xb9: {  	s3 =	sand.u32 $0x4000, s31;
	s1 =	sadd.s32 s1, s30  }
0xba: {  	s0 =	sor.u32 s3, s0;
	s1 =	sshll.u32 s1, $0x11  }
0xbb: {  	s0 =	sor.u32 s1, s0  }
0xbc: {  	s0 =	sadd.s32 $0x8F2B, s0  }
0xbd: {  	[sflag:s0] =	ssyncadd.remote.s32 $0x1  }
0xbe: {  	_ =	sfence.sel $0xFFFF  }
0xbf: {  	[dreg:$0x0] =	wrdreg $0xFFFFFFFF;
	(pc) =	sbr.abs _section_cstart, $3  }
0xc0: {  	[dreg:$0x1] =	wrdreg $0xFFFFFFFF  }
0xc1: {  	_ =	task.clear_ibuf [dreg:s7], $0x2FFFF;
	_ =	strace $0x9FFFFFFF  }
0xc2: {  	(tm) =	ssettm $0x7FFFFFFF  }
0xc3: {  	_ =	shalt  }
tec
execute0_lowered:
.L_overlay_start_1:
0x0: {  	(tag) =	ssettag $0x1  }
0x1: {  	s0 =	rddreg [dreg:$0x0]  }
0x2: {  	s9 =	rddreg [dreg:$0x1];
	s2 =	simm.s32 $0x0;
	s4 =	srdreg.scid  }
0x3: {  	s1 =	stileid.u32;
	s15 =	simm.s32 $0x9C80;
	s16 =	simm.s32 $0x13900  }
0x4: {  	s17 =	simm.s32 $0x16080;
	s18 =	simm.s32 $0x18800;
	s19 =	simm.s32 $0x1AF80  }
0x5: {  	s20 =	simm.s32 $0x1B000;
	s21 =	simm.s32 $0x1BC80;
	s22 =	simm.s32 $0x1  }
0x6: {  	s23 =	simm.s32 $0x1C900;
	s24 =	simm.s32 $0x1D580;
	s26 =	simm.s32 $0x0  }
0x7: {  	[smem:$0x7FF] =	sst s2;
	s3 =	sadd.s32 $0x16A00, s9;
	s7 =	sand.u32 $0x1, s4  }
0x8: {  	s6 =	sshll.u32 s1, $0x1;
	s4 =	sadd.s32 $0x17000, s9;
	s5 =	sadd.s32 $0x16800, s9  }
0x9: {  	s8 =	sadd.s32 $0x17600, s9;
	_ =	strace $0x8000004A;
	s25 =	sor.u32 s7, s6  }
0xa: {  	s6 =	sadd.s32 $0xCA00, s9;
	s11 =	ssub.s32 $0x2, s7;
	s10 =	smul.u32 $0x1388, s25  }
0xb: {  	s7 =	sadd.s32 $0x2C00, s9;
	s12 =	sshrl.u32 s11, $0x1;
	p0 =	sne.s32 s25, $0x0  }
0xc: {  	s25 =	simm.s32 $0x2;
	s14 =	ssub.s32 s11, s12;
	s13 =	sadd.s32 s10, s9  }
0xd: {  	s9 =	sadd.s32 $0x3EE00, s9;
	s10 =	sadd.s32 s0, s10;
	s11 =	sadd.s32 $0x17C00, s13  }
0xe: {  	s12 =	sadd.s32 $0x3F400, s13;
	s13 =	smax.u32 s14, $0x1;
	s14 =	simm.s32 $0x3  }
.LBB2_1:
0xf: {  	[tilespmem:s2], [sflag:$0x3] =	stream.linear.gather [hbm4b:s10+s2], $0x9C40, $0x38;
	[tilespmem:$0x1E200] =	vst v63  }
0x10: {  	_ =	swait.ge [sflag:s14], $0x9C40  }
0x11: {  	[sflag:s14] =	ssyncset.done $0x0  }
0x12: {  	[sflag:s14] =	ssyncadd.s32 $0xFFFF63C0  }
0x13: {  	[tilespmem:s15], [sflag:$0x3] =	stream.linear.gather [hbm4b:s11+s2], $0x9C40, $0x38;
	[tilespmem:$0x1E200] =	vst v63  }
0x14: {  	_ =	swait.ge [sflag:s14], $0x9C40  }
0x15: {  	[sflag:s14] =	ssyncset.done $0x0  }
0x16: {  	[sflag:s14] =	ssyncadd.s32 $0xFFFF63C0  }
0x17: {  	[tilespmem:s16], [sflag:$0x3] =	stream.linear.gather [hbm4b:s3+s2], $0x2780, $0x38;
	[tilespmem:$0x1E200] =	vst v63  }
0x18: {  	_ =	swait.ge [sflag:s14], $0x2780  }
0x19: {  	[sflag:s14] =	ssyncset.done $0x0  }
0x1a: {  	[sflag:s14] =	ssyncadd.s32 $0xFFFFD880  }
0x1b: {  	[tilespmem:s17], [sflag:$0x3] =	stream.linear.gather [hbm4b:s4+s2], $0x2780, $0x38;
	[tilespmem:$0x1E200] =	vst v63  }
0x1c: {  	_ =	swait.ge [sflag:s14], $0x2780  }
0x1d: {  	[sflag:s14] =	ssyncset.done $0x0  }
0x1e: {  	[sflag:s14] =	ssyncadd.s32 $0xFFFFD880  }
0x1f: {  	[tilespmem:s18], [sflag:$0x3] =	stream.linear.gather [hbm4b:s8+s2], $0x2780, $0x38;
	[tilespmem:$0x1E200] =	vst v63  }
0x20: {  	_ =	swait.ge [sflag:s14], $0x2780  }
0x21: {  	[sflag:s14] =	ssyncset.done $0x0  }
0x22: {  	[sflag:s14] =	ssyncadd.s32 $0xFFFFD880  }
0x23: {  	[tilespmem:s19], [sflag:$0x3] =	stream.linear.gather [hbm4b:s5+s2], $0x10, $0x38;
	[tilespmem:$0x1E200] =	vst v63  }
0x24: {  	_ =	swait.ge [sflag:s14], $0x10  }
0x25: {  	[sflag:s14] =	ssyncset.done $0x0  }
0x26: {  	[sflag:s14] =	ssyncadd.s32 $0xFFFFFFF0  }
0x27: {  	v61 =	vld [tilespmem:$0x1AF80];
	[tilespmem:s20], [sflag:$0x1] =	stream.linear.gather [hbm4b:s6+s2], $0xC80, $0x38  }
0x28: {  	s28 =	simm.s32 $0x0  }
0x29: {  	[tilespmem:s21], [sflag:$0x1] =	stream.linear.gather [hbm4b:s7+s2], $0xC80, $0x38;
	[tilespmem:$0x1E200] =	vst v63  }
.LBB2_2:
0x2a: {  	_ =	swait.ge [sflag:s22], $0xC80  }
0x2b: {  	s29 =	smul.u32 $0x1900, s28;
	[sflag:s22] =	ssyncset.done $0x0  }
0x2c: {  	[sflag:s22] =	ssyncadd.s32 $0xFFFFF380  }
0x2d: {  	s0 =	sshrl.u32 s29, $0x3;
	_ =	swait.ge [sflag:s22], $0xC80  }
0x2e: {  	s0 =	sadd.s32 $0x190, s0;
	[sflag:s22] =	ssyncset.done $0x0  }
0x2f: {  	s30 =	sadd.s32 s6, s0;
	[sflag:s22] =	ssyncadd.s32 $0xFFFFF380  }
0x30: {  	[tilespmem:s23], [sflag:$0x2] =	stream.linear.gather [hbm4b:s30+s2], $0xC80, $0x38;
	[tilespmem:$0x1E200] =	vst v63  }
0x31: {  	s0 =	sadd.s32 s7, s0  }
0x32: {  	[tilespmem:s24], [sflag:$0x2] =	stream.linear.gather [hbm4b:s0+s2], $0xC80, $0x38;
	[tilespmem:$0x1E200] =	vst v63  }
0x33: {  	s0 =	simm.s32 $0x1B040  }
0x34: {  	s30 =	simm.s32 $0x1BCC0;
	v17 =	vld [tilespmem:s0+$0x30]  }
0x35: {  	v18 =	vld [tilespmem:s30+$0x30];
	_ =	sdelay $0x1  }
0x36: {  	v4 =	vld [tilespmem:s30+$0xFFFFFFC0]  }
0x37: {  	v6 =	vld [tilespmem:s0+$0xFFFFFFD0]  }
0x38: {  	v3 =	vld [tilespmem:s30+$0xFFFFFFD0]  }
0x39: {  	v7 =	vld [tilespmem:s0+$0xFFFFFFE0]  }
0x3a: {  	v2 =	vld [tilespmem:s30+$0xFFFFFFE0]  }
0x3b: {  	v9 =	vld.idx.msk [tilespmem:v17+s16+$0x0], $0xffff  }
0x3c: {  	v10 =	vld.idx.msk [tilespmem:v18+s17+$0x0], $0xffff  }
0x3d: {  	v5 =	vld [tilespmem:s0+$0xFFFFFFF0]  }
0x3e: {  	v1 =	vld [tilespmem:s30+$0xFFFFFFF0]  }
0x3f: {  	v13 =	vld [tilespmem:s0+$0x0]  }
0x40: {  	v12 =	vld [tilespmem:s30+$0x0]  }
0x41: {  	v11 =	vld [tilespmem:s0+$0x10];
	v14 =	vadd.f32 v10, v9  }
0x42: {  	v30 =	vld [tilespmem:s0+$0xFFFFFFC0]  }
0x43: {  	v8 =	vld [tilespmem:s30+$0x10];
	v15 =	vmul.f32 $2.000000030e-01, v14  }
0x44: {  	v16 =	vld.idx.msk [tilespmem:v4+s17+$0x0], $0xffff  }
0x45: {  	v19 =	vld.idx.msk [tilespmem:v3+s17+$0x0], $0xffff;
	v14 =	vmax.f32 v14, v15  }
0x46: {  	v20 =	vld.idx.msk [tilespmem:v7+s16+$0x0], $0xffff;
	v14 =	vsub.f32 v14, v61  }
0x47: {  	v21 =	vld.idx.msk [tilespmem:v2+s17+$0x0], $0xffff  }
0x48: {  	v22 =	vld.idx.msk [tilespmem:v5+s16+$0x0], $0xffff;
	v14 =	vmul.f32 $1.442695020e+00, v14  }
0x49: {  	v15 =	vld.idx.msk [tilespmem:v6+s16+$0x0], $0xffff  }
0x4a: {  	(erf) = vpow2.f32 v14;
	v14 =	vld.idx.msk [tilespmem:v30+s16+$0x0], $0xffff  }
0x4b: {  	v10 =	vld [tilespmem:s0+$0x20]  }
0x4c: {  	v9 =	vld [tilespmem:s30+$0x20]  }
0x4d: {  	v23 =	vld.idx.msk [tilespmem:v1+s17+$0x0], $0xffff;
	_ =	sdelay $0x1  }
0x4e: {  	v24 =	vld.idx.msk [tilespmem:v12+s17+$0x0], $0xffff;
	v15 =	vadd.f32 v19, v15;
	v14 =	vadd.f32 v16, v14  }
0x4f: {  	v19 =	vld.idx.msk [tilespmem:v13+s16+$0x0], $0xffff  }
0x50: {  	v20 =	vadd.f32 v21, v20;
	v21 =	vld.idx.msk [tilespmem:v11+s16+$0x0], $0xffff;
	v25 =	vmul.f32 $2.000000030e-01, v15;
	v26 =	vmul.f32 $2.000000030e-01, v14  }
0x51: {  	v22 =	vadd.f32 v23, v22;
	v16 =	vld.idx.msk [tilespmem:v8+s17+$0x0], $0xffff  }
0x52: {  	v23 =	vld.idx.msk [tilespmem:v10+s16+$0x0], $0xffff;
	v15 =	vmax.f32 v15, v25;
	v25 =	vmul.f32 $2.000000030e-01, v20;
	v14 =	vmax.f32 v14, v26  }
0x53: {  	v27 =	vld.idx.msk [tilespmem:v9+s17+$0x0], $0xffff;
	v15 =	vsub.f32 v15, v61;
	v28 =	vpop (erf);
	v14 =	vsub.f32 v14, v61  }
0x54: {  	v19 =	vadd.f32 v24, v19;
	v20 =	vmax.f32 v20, v25;
	v25 =	vmul.f32 $2.000000030e-01, v22;
	[tilespmem:v18+s18+$0x0] =	vst.idx.add.f32.msk $0xffff, v28  }
0x55: {  	v20 =	vsub.f32 v20, v61;
	v15 =	vmul.f32 $1.442695020e+00, v15;
	v24 =	vld.idx.msk [tilespmem:v17+s2+$0x0], $0xffff;
	v14 =	vmul.f32 $1.442695020e+00, v14  }
0x56: {  	v22 =	vmax.f32 v22, v25;
	v25 =	vmul.f32 $2.000000030e-01, v19;
	v16 =	vadd.f32 v16, v21  }
0x57: {  	v26 =	vadd.s32 $0x2710, v17;
	v21 =	vsub.f32 v22, v61;
	(erf) = vpow2.f32 v14  }
0x58: {  	v22 =	vadd.f32 v27, v23;
	v23 =	vmul.f32 $2.000000030e-01, v16;
	(erf) = vpow2.f32 v15  }
0x59: {  	v20 =	vmul.f32 $1.442695020e+00, v20  }
0x5a: {  	v14 =	vmax.f32 v19, v25;
	v15 =	vmax.f32 v16, v23;
	v16 =	vmul.f32 v28, v24  }
0x5b: {  	v19 =	vmul.f32 $2.000000030e-01, v22;
	v14 =	vsub.f32 v14, v61;
	(erf) = vpow2.f32 v20  }
0x5c: {  	v21 =	vmul.f32 $1.442695020e+00, v21;
	v15 =	vsub.f32 v15, v61;
	[tilespmem:v18+s15+$0x0] =	vst.idx.add.f32.msk $0xffff, v16  }
0x5d: {  	v19 =	vmax.f32 v22, v19;
	v14 =	vmul.f32 $1.442695020e+00, v14;
	v16 =	vld.idx.msk [tilespmem:v26+s2+$0x0], $0xffff  }
0x5e: {  	s0 =	simm.s32 $0x1B0C0;
	v19 =	vsub.f32 v19, v61;
	(erf) = vpow2.f32 v21;
	v15 =	vmul.f32 $1.442695020e+00, v15  }
0x5f: {  	s30 =	simm.s32 $0x1BD40;
	v37 =	vld [tilespmem:s0+$0x30];
	(erf) = vpow2.f32 v14;
	v14 =	vadd.s32 $0x2710, v18  }
0x60: {  	v33 =	vld [tilespmem:s30+$0x30];
	v19 =	vmul.f32 $1.442695020e+00, v19;
	(erf) = vpow2.f32 v15;
	v35 =	vpop (erf)  }
0x61: {  	v15 =	vadd.s32 $0x4E20, v17;
	[tilespmem:v4+s18+$0x0] =	vst.idx.add.f32.msk $0xffff, v35;
	v29 =	vpop (erf)  }
0x62: {  	(erf) = vpow2.f32 v19;
	v16 =	vmul.f32 v28, v16;
	[tilespmem:v3+s18+$0x0] =	vst.idx.add.f32.msk $0xffff, v29  }
0x63: {  	v21 =	vld.idx.msk [tilespmem:v30+s2+$0x0], $0xffff  }
0x64: {  	v34 =	vpop (erf);
	[tilespmem:v14+s15+$0x0] =	vst.idx.add.f32.msk $0xffff, v16  }
0x65: {  	[tilespmem:v2+s18+$0x0] =	vst.idx.add.f32.msk $0xffff, v34  }
0x66: {  	v19 =	vld.idx.msk [tilespmem:v15+s2+$0x0], $0xffff  }
0x67: {  	v27 =	vpop (erf);
	v22 =	vld.idx.msk [tilespmem:v6+s2+$0x0], $0xffff  }
0x68: {  	v20 =	vadd.s32 $0x4E20, v18;
	[tilespmem:v1+s18+$0x0] =	vst.idx.add.f32.msk $0xffff, v27;
	v15 =	vpop (erf)  }
0x69: {  	v14 =	vpop (erf);
	[tilespmem:v12+s18+$0x0] =	vst.idx.add.f32.msk $0xffff, v15  }
0x6a: {  	[tilespmem:v8+s18+$0x0] =	vst.idx.add.f32.msk $0xffff, v14  }
0x6b: {  	v17 =	vadd.s32 $0x7530, v17;
	v16 =	vpop (erf);
	v23 =	vld.idx.msk [tilespmem:v13+s2+$0x0], $0xffff;
	v19 =	vmul.f32 v28, v19  }
0x6c: {  	[tilespmem:v9+s18+$0x0] =	vst.idx.add.f32.msk $0xffff, v16  }
0x6d: {  	[tilespmem:v20+s15+$0x0] =	vst.idx.add.f32.msk $0xffff, v19  }
0x6e: {  	v19 =	vld.idx.msk [tilespmem:v7+s2+$0x0], $0xffff  }
0x6f: {  	v20 =	vld.idx.msk [tilespmem:v5+s2+$0x0], $0xffff  }
0x70: {  	v17 =	vld.idx.msk [tilespmem:v17+s2+$0x0], $0xffff  }
0x71: {  	v21 =	vmul.f32 v35, v21;
	v24 =	vld.idx.msk [tilespmem:v11+s2+$0x0], $0xffff  }
0x72: {  	v22 =	vmul.f32 v29, v22;
	v25 =	vld.idx.msk [tilespmem:v10+s2+$0x0], $0xffff  }
0x73: {  	v18 =	vadd.s32 $0x7530, v18;
	[tilespmem:v4+s15+$0x0] =	vst.idx.add.f32.msk $0xffff, v21  }
0x74: {  	v21 =	vadd.s32 $0x2710, v7;
	[tilespmem:v3+s15+$0x0] =	vst.idx.add.f32.msk $0xffff, v22;
	v19 =	vmul.f32 v34, v19  }
0x75: {  	v22 =	vadd.s32 $0x2710, v5;
	v20 =	vmul.f32 v27, v20;
	v17 =	vmul.f32 v17, v28;
	v28 =	vld [tilespmem:s30+$0xFFFFFFD0]  }
0x76: {  	[tilespmem:v2+s15+$0x0] =	vst.idx.add.f32.msk $0xffff, v19  }
0x77: {  	[tilespmem:v1+s15+$0x0] =	vst.idx.add.f32.msk $0xffff, v20  }
0x78: {  	v19 =	vadd.s32 $0x2710, v6;
	[tilespmem:v18+s15+$0x0] =	vst.idx.add.f32.msk $0xffff, v17  }
0x79: {  	v20 =	vmul.f32 v14, v24;
	v21 =	vld.idx.msk [tilespmem:v21+s2+$0x0], $0xffff  }
0x7a: {  	v17 =	vadd.s32 $0x2710, v30;
	v18 =	vmul.f32 v15, v23;
	v22 =	vld.idx.msk [tilespmem:v22+s2+$0x0], $0xffff  }
0x7b: {  	v23 =	vadd.s32 $0x2710, v10;
	[tilespmem:v8+s15+$0x0] =	vst.idx.add.f32.msk $0xffff, v20  }
0x7c: {  	v20 =	vadd.s32 $0x2710, v13;
	[tilespmem:v12+s15+$0x0] =	vst.idx.add.f32.msk $0xffff, v18;
	v18 =	vmul.f32 v16, v25  }
0x7d: {  	v19 =	vld.idx.msk [tilespmem:v19+s2+$0x0], $0xffff  }
0x7e: {  	[tilespmem:v9+s15+$0x0] =	vst.idx.add.f32.msk $0xffff, v18;
	v18 =	vadd.s32 $0x2710, v11  }
0x7f: {  	v25 =	vadd.s32 $0x2710, v3;
	v17 =	vld.idx.msk [tilespmem:v17+s2+$0x0], $0xffff  }
0x80: {  	v23 =	vld.idx.msk [tilespmem:v23+s2+$0x0], $0xffff  }
0x81: {  	v24 =	vadd.s32 $0x2710, v4;
	v20 =	vld.idx.msk [tilespmem:v20+s2+$0x0], $0xffff  }
0x82: {  	v58 =	vld.idx.msk [tilespmem:v28+s17+$0x0], $0xffff;
	v19 =	vmul.f32 v29, v19  }
0x83: {  	v57 =	vadd.s32 $0x2710, v1;
	v18 =	vld.idx.msk [tilespmem:v18+s2+$0x0], $0xffff  }
0x84: {  	v17 =	vmul.f32 v35, v17;
	[tilespmem:v25+s15+$0x0] =	vst.idx.add.f32.msk $0xffff, v19  }
0x85: {  	v26 =	vadd.s32 $0x2710, v2;
	v25 =	vld [tilespmem:s0+$0xFFFFFFE0]  }
0x86: {  	v19 =	vmul.f32 v27, v22;
	[tilespmem:v24+s15+$0x0] =	vst.idx.add.f32.msk $0xffff, v17  }
0x87: {  	v31 =	vadd.s32 $0x2710, v12;
	v24 =	vld.idx.msk [tilespmem:v37+s16+$0x0], $0xffff  }
0x88: {  	v32 =	vadd.s32 $0x2710, v8;
	v17 =	vmul.f32 v34, v21;
	[tilespmem:v57+s15+$0x0] =	vst.idx.add.f32.msk $0xffff, v19  }
0x89: {  	v22 =	vadd.s32 $0x4E20, v30;
	v57 =	vld [tilespmem:s30+$0xFFFFFFC0]  }
0x8a: {  	[tilespmem:v26+s15+$0x0] =	vst.idx.add.f32.msk $0xffff, v17;
	v17 =	vmul.f32 v15, v20  }
0x8b: {  	v18 =	vmul.f32 v14, v18;
	v26 =	vld.idx.msk [tilespmem:v33+s17+$0x0], $0xffff  }
0x8c: {  	[tilespmem:v31+s15+$0x0] =	vst.idx.add.f32.msk $0xffff, v17  }
0x8d: {  	[tilespmem:v32+s15+$0x0] =	vst.idx.add.f32.msk $0xffff, v18  }
0x8e: {  	v48 =	vadd.s32 $0x4E20, v13;
	v36 =	vld.idx.msk [tilespmem:v22+s2+$0x0], $0xffff  }
0x8f: {  	v21 =	vadd.s32 $0x2710, v9;
	v32 =	vld [tilespmem:s0+$0xFFFFFFD0]  }
0x90: {  	v19 =	vadd.s32 $0x4E20, v7;
	v22 =	vld [tilespmem:s0+$0x0]  }
0x91: {  	v18 =	vld [tilespmem:s0+$0x10]  }
0x92: {  	v17 =	vmul.f32 v16, v23;
	v31 =	vld [tilespmem:s30+$0x10]  }
0x93: {  	v48 =	vld.idx.msk [tilespmem:v48+s2+$0x0], $0xffff  }
0x94: {  	v20 =	vadd.s32 $0x4E20, v6;
	[tilespmem:v21+s15+$0x0] =	vst.idx.add.f32.msk $0xffff, v17  }
0x95: {  	v40 =	vld.idx.msk [tilespmem:v19+s2+$0x0], $0xffff  }
0x96: {  	v21 =	vld [tilespmem:s0+$0xFFFFFFF0]  }
0x97: {  	v17 =	vld [tilespmem:s30+$0xFFFFFFF0]  }
0x98: {  	v19 =	vld [tilespmem:s30+$0x0]  }
0x99: {  	v23 =	vadd.s32 $0x4E20, v5;
	v39 =	vld.idx.msk [tilespmem:v20+s2+$0x0], $0xffff  }
0x9a: {  	v20 =	vld [tilespmem:s0+$0x20]  }
0x9b: {  	v42 =	vadd.f32 v26, v24;
	v26 =	vld [tilespmem:s30+$0x20]  }
0x9c: {  	v51 =	vadd.s32 $0x4E20, v4;
	v24 =	vld [tilespmem:s0+$0xFFFFFFC0]  }
0x9d: {  	v46 =	vld.idx.msk [tilespmem:v25+s16+$0x0], $0xffff  }
0x9e: {  	v41 =	vld.idx.msk [tilespmem:v23+s2+$0x0], $0xffff  }
0x9f: {  	v30 =	vadd.s32 $0x7530, v30;
	v23 =	vld [tilespmem:s30+$0xFFFFFFE0];
	v36 =	vmul.f32 v35, v36  }
0xa0: {  	v55 =	vadd.s32 $0x4E20, v2;
	v44 =	vld.idx.msk [tilespmem:v57+s17+$0x0], $0xffff  }
0xa1: {  	[tilespmem:v51+s15+$0x0] =	vst.idx.add.f32.msk $0xffff, v36  }
0xa2: {  	v45 =	vld.idx.msk [tilespmem:v32+s16+$0x0], $0xffff  }
0xa3: {  	v54 =	vadd.s32 $0x4E20, v3;
	v40 =	vmul.f32 v34, v40;
	v52 =	vld.idx.msk [tilespmem:v22+s16+$0x0], $0xffff  }
0xa4: {  	v7 =	vadd.s32 $0x7530, v7;
	v43 =	vmul.f32 $2.000000030e-01, v42;
	v30 =	vld.idx.msk [tilespmem:v30+s2+$0x0], $0xffff  }
0xa5: {  	[tilespmem:v55+s15+$0x0] =	vst.idx.add.f32.msk $0xffff, v40  }
0xa6: {  	v42 =	vmax.f32 v42, v43;
	v39 =	vmul.f32 v29, v39;
	v49 =	vld.idx.msk [tilespmem:v21+s16+$0x0], $0xffff  }
0xa7: {  	v6 =	vadd.s32 $0x7530, v6;
	v42 =	vsub.f32 v42, v61;
	v50 =	vld.idx.msk [tilespmem:v17+s17+$0x0], $0xffff  }
0xa8: {  	[tilespmem:v54+s15+$0x0] =	vst.idx.add.f32.msk $0xffff, v39  }
0xa9: {  	v4 =	vadd.s32 $0x7530, v4;
	v42 =	vmul.f32 $1.442695020e+00, v42;
	v7 =	vld.idx.msk [tilespmem:v7+s2+$0x0], $0xffff  }
0xaa: {  	v59 =	vld.idx.msk [tilespmem:v24+s16+$0x0], $0xffff  }
0xab: {  	v2 =	vadd.s32 $0x7530, v2;
	(erf) = vpow2.f32 v42;
	v47 =	vld.idx.msk [tilespmem:v23+s17+$0x0], $0xffff  }
0xac: {  	v6 =	vld.idx.msk [tilespmem:v6+s2+$0x0], $0xffff;
	v30 =	vmul.f32 v30, v35  }
0xad: {  	v53 =	vld.idx.msk [tilespmem:v19+s17+$0x0], $0xffff  }
0xae: {  	v3 =	vadd.s32 $0x7530, v3;
	[tilespmem:v4+s15+$0x0] =	vst.idx.add.f32.msk $0xffff, v30;
	v4 =	vmul.f32 v7, v34  }
0xaf: {  	v13 =	vadd.s32 $0x7530, v13;
	v5 =	vadd.s32 $0x7530, v5;
	v51 =	vld.idx.msk [tilespmem:v20+s16+$0x0], $0xffff;
	v43 =	vadd.f32 v58, v45  }
0xb0: {  	v55 =	vadd.s32 $0x2710, v37;
	v49 =	vadd.f32 v50, v49;
	[tilespmem:v2+s15+$0x0] =	vst.idx.add.f32.msk $0xffff, v4;
	v60 =	vadd.f32 v47, v46  }
0xb1: {  	v62 =	vmul.f32 $2.000000030e-01, v43;
	v42 =	vadd.f32 v44, v59;
	v6 =	vmul.f32 v6, v29;
	v46 =	vld.idx.msk [tilespmem:v18+s16+$0x0], $0xffff  }
0xb2: {  	v52 =	vadd.f32 v53, v52;
	v44 =	vadd.s32 $0x4E20, v1;
	v47 =	vld.idx.msk [tilespmem:v31+s17+$0x0], $0xffff;
	v63 =	vmul.f32 $2.000000030e-01, v60  }
0xb3: {  	v36 =	vmax.f32 v43, v62;
	v43 =	vadd.s32 $0x4E20, v12;
	v59 =	vmul.f32 $2.000000030e-01, v42;
	[tilespmem:v3+s15+$0x0] =	vst.idx.add.f32.msk $0xffff, v6  }
0xb4: {  	v41 =	vmul.f32 v27, v41;
	v56 =	vmul.f32 $2.000000030e-01, v49;
	v39 =	vpop (erf);
	v45 =	vmax.f32 v60, v63;
	v60 =	vld.idx.msk [tilespmem:v26+s17+$0x0], $0xffff  }
0xb5: {  	v58 =	vmul.f32 v15, v48;
	v62 =	vmul.f32 $2.000000030e-01, v52;
	v42 =	vmax.f32 v42, v59;
	[tilespmem:v33+s18+$0x0] =	vst.idx.add.f32.msk $0xffff, v39  }
0xb6: {  	v49 =	vmax.f32 v49, v56;
	v42 =	vsub.f32 v42, v61;
	v63 =	vadd.s32 $0x4E20, v11;
	v56 =	vld.idx.msk [tilespmem:v37+s2+$0x0], $0xffff  }
0xb7: {  	v36 =	vsub.f32 v36, v61;
	[tilespmem:v44+s15+$0x0] =	vst.idx.add.f32.msk $0xffff, v41;
	v46 =	vadd.f32 v47, v46;
	v47 =	vadd.s32 $0x4E20, v10  }
0xb8: {  	v52 =	vmax.f32 v52, v62;
	[tilespmem:v43+s15+$0x0] =	vst.idx.add.f32.msk $0xffff, v58;
	v62 =	vmul.f32 $1.442695020e+00, v42;
	v45 =	vsub.f32 v45, v61  }
0xb9: {  	v1 =	vadd.s32 $0x7530, v1;
	v12 =	vadd.s32 $0x7530, v12;
	v36 =	vmul.f32 $1.442695020e+00, v36;
	v5 =	vld.idx.msk [tilespmem:v5+s2+$0x0], $0xffff  }
0xba: {  	v58 =	vadd.s32 $0x4E20, v8;
	v13 =	vld.idx.msk [tilespmem:v13+s2+$0x0], $0xffff;
	(erf) = vpow2.f32 v62;
	v45 =	vmul.f32 $1.442695020e+00, v45  }
0xbb: {  	v59 =	vadd.f32 v60, v51;
	v60 =	vmul.f32 $2.000000030e-01, v46;
	v63 =	vld.idx.msk [tilespmem:v63+s2+$0x0], $0xffff;
	v56 =	vmul.f32 v39, v56  }
0xbc: {  	v11 =	vadd.s32 $0x7530, v11;
	v62 =	vsub.f32 v52, v61;
	(erf) = vpow2.f32 v36;
	v54 =	vld.idx.msk [tilespmem:v47+s2+$0x0], $0xffff  }
0xbd: {  	(erf) = vpow2.f32 v45;
	v43 =	vmax.f32 v46, v60;
	v51 =	vmul.f32 $2.000000030e-01, v59;
	[tilespmem:v33+s15+$0x0] =	vst.idx.add.f32.msk $0xffff, v56  }
0xbe: {  	v2 =	vmul.f32 v5, v27;
	v60 =	vadd.s32 $0x4E20, v9;
	v48 =	vsub.f32 v43, v61;
	v40 =	vld.idx.msk [tilespmem:v55+s2+$0x0], $0xffff  }
0xbf: {  	v13 =	vmul.f32 v13, v15;
	v41 =	vmax.f32 v59, v51;
	v59 =	vsub.f32 v49, v61  }
0xc0: {  	v46 =	vadd.s32 $0x2710, v33;
	[tilespmem:v1+s15+$0x0] =	vst.idx.add.f32.msk $0xffff, v2;
	v42 =	vmul.f32 v14, v63;
	v3 =	vmul.f32 $1.442695020e+00, v48  }
0xc1: {  	[tilespmem:v12+s15+$0x0] =	vst.idx.add.f32.msk $0xffff, v13;
	v36 =	vmul.f32 $1.442695020e+00, v59;
	v44 =	vmul.f32 v16, v54  }
0xc2: {  	v10 =	vadd.s32 $0x7530, v10;
	v63 =	vmul.f32 $1.442695020e+00, v62;
	[tilespmem:v58+s15+$0x0] =	vst.idx.add.f32.msk $0xffff, v42  }
0xc3: {  	v49 =	vadd.s32 $0x4E20, v37;
	(erf) = vpow2.f32 v36;
	[tilespmem:v60+s15+$0x0] =	vst.idx.add.f32.msk $0xffff, v44;
	v6 =	vmul.f32 v39, v40  }
0xc4: {  	v11 =	vld.idx.msk [tilespmem:v11+s2+$0x0], $0xffff;
	(erf) = vpow2.f32 v63  }
0xc5: {  	(erf) = vpow2.f32 v3;
	v3 =	vpop (erf);
	[tilespmem:v46+s15+$0x0] =	vst.idx.add.f32.msk $0xffff, v6  }
0xc6: {  	v7 =	vsub.f32 v41, v61;
	[tilespmem:v57+s18+$0x0] =	vst.idx.add.f32.msk $0xffff, v3  }
0xc7: {  	v46 =	vld.idx.msk [tilespmem:v10+s2+$0x0], $0xffff  }
0xc8: {  	v7 =	vmul.f32 $1.442695020e+00, v7;
	v4 =	vpop (erf);
	v6 =	vld.idx.msk [tilespmem:v49+s2+$0x0], $0xffff  }
0xc9: {  	v8 =	vadd.s32 $0x7530, v8;
	[tilespmem:v28+s18+$0x0] =	vst.idx.add.f32.msk $0xffff, v4  }
0xca: {  	(erf) = vpow2.f32 v7;
	v7 =	vadd.s32 $0x4E20, v33;
	v5 =	vpop (erf);
	v51 =	vld.idx.msk [tilespmem:v24+s2+$0x0], $0xffff  }
0xcb: {  	v27 =	vadd.s32 $0x7530, v37;
	[tilespmem:v23+s18+$0x0] =	vst.idx.add.f32.msk $0xffff, v5  }
0xcc: {  	v52 =	vld.idx.msk [tilespmem:v32+s2+$0x0], $0xffff;
	v14 =	vmul.f32 v11, v14  }
0xcd: {  	v53 =	vld.idx.msk [tilespmem:v25+s2+$0x0], $0xffff;
	v6 =	vmul.f32 v39, v6  }
0xce: {  	[tilespmem:v8+s15+$0x0] =	vst.idx.add.f32.msk $0xffff, v14  }
0xcf: {  	[tilespmem:v7+s15+$0x0] =	vst.idx.add.f32.msk $0xffff, v6  }
0xd0: {  	v1 =	vpop (erf);
	v27 =	vld.idx.msk [tilespmem:v27+s2+$0x0], $0xffff  }
0xd1: {  	v2 =	vpop (erf);
	[tilespmem:v17+s18+$0x0] =	vst.idx.add.f32.msk $0xffff, v1  }
0xd2: {  	v50 =	vadd.s32 $0x7530, v33;
	[tilespmem:v19+s18+$0x0] =	vst.idx.add.f32.msk $0xffff, v2  }
0xd3: {  	v60 =	vadd.s32 $0x2710, v32;
	v56 =	vmul.f32 v4, v52;
	v54 =	vld.idx.msk [tilespmem:v21+s2+$0x0], $0xffff  }
0xd4: {  	v34 =	vmul.f32 v5, v53;
	v55 =	vld.idx.msk [tilespmem:v22+s2+$0x0], $0xffff  }
0xd5: {  	[tilespmem:v28+s15+$0x0] =	vst.idx.add.f32.msk $0xffff, v56;
	v27 =	vmul.f32 v27, v39  }
0xd6: {  	v62 =	vadd.s32 $0x2710, v25;
	[tilespmem:v23+s15+$0x0] =	vst.idx.add.f32.msk $0xffff, v34  }
0xd7: {  	[tilespmem:v50+s15+$0x0] =	vst.idx.add.f32.msk $0xffff, v27;
	v27 =	vmul.f32 v3, v51  }
0xd8: {  	v38 =	vld.idx.msk [tilespmem:v60+s2+$0x0], $0xffff  }
0xd9: {  	v6 =	vpop (erf);
	[tilespmem:v57+s15+$0x0] =	vst.idx.add.f32.msk $0xffff, v27;
	v27 =	vadd.s32 $0x2710, v24  }
0xda: {  	[tilespmem:v31+s18+$0x0] =	vst.idx.add.f32.msk $0xffff, v6  }
0xdb: {  	v7 =	vpop (erf);
	v13 =	vld.idx.msk [tilespmem:v62+s2+$0x0], $0xffff  }
0xdc: {  	[tilespmem:v26+s18+$0x0] =	vst.idx.add.f32.msk $0xffff, v7  }
0xdd: {  	v37 =	vadd.s32 $0x2710, v21;
	v58 =	vld.idx.msk [tilespmem:v18+s2+$0x0], $0xffff  }
0xde: {  	v15 =	vadd.s32 $0x2710, v22;
	v35 =	vmul.f32 v1, v54;
	v27 =	vld.idx.msk [tilespmem:v27+s2+$0x0], $0xffff  }
0xdf: {  	v12 =	vadd.s32 $0x2710, v28;
	v59 =	vld.idx.msk [tilespmem:v20+s2+$0x0], $0xffff;
	v29 =	vmul.f32 v2, v55  }
0xe0: {  	v36 =	vadd.s32 $0x2710, v57;
	[tilespmem:v17+s15+$0x0] =	vst.idx.add.f32.msk $0xffff, v35  }
0xe1: {  	[tilespmem:v19+s15+$0x0] =	vst.idx.add.f32.msk $0xffff, v29  }
0xe2: {  	v41 =	vld.idx.msk [tilespmem:v37+s2+$0x0], $0xffff;
	v29 =	vmul.f32 v4, v38  }
0xe3: {  	v39 =	vadd.s32 $0x2710, v18;
	v15 =	vld.idx.msk [tilespmem:v15+s2+$0x0], $0xffff;
	v27 =	vmul.f32 v3, v27  }
0xe4: {  	v40 =	vadd.s32 $0x2710, v20;
	v33 =	vmul.f32 v6, v58;
	[tilespmem:v12+s15+$0x0] =	vst.idx.add.f32.msk $0xffff, v29  }
0xe5: {  	v63 =	vmul.f32 v7, v59;
	[tilespmem:v36+s15+$0x0] =	vst.idx.add.f32.msk $0xffff, v27;
	v27 =	vadd.s32 $0x2710, v23  }
0xe6: {  	v42 =	vadd.s32 $0x2710, v17;
	[tilespmem:v31+s15+$0x0] =	vst.idx.add.f32.msk $0xffff, v33  }
0xe7: {  	v12 =	vadd.s32 $0x2710, v19;
	[tilespmem:v26+s15+$0x0] =	vst.idx.add.f32.msk $0xffff, v63  }
0xe8: {  	v45 =	vadd.s32 $0x4E20, v32;
	v13 =	vmul.f32 v5, v13;
	v34 =	vld.idx.msk [tilespmem:v39+s2+$0x0], $0xffff  }
0xe9: {  	v49 =	vadd.s32 $0x4E20, v22;
	v43 =	vld.idx.msk [tilespmem:v40+s2+$0x0], $0xffff;
	v30 =	vmul.f32 v1, v41  }
0xea: {  	v15 =	vmul.f32 v2, v15;
	[tilespmem:v27+s15+$0x0] =	vst.idx.add.f32.msk $0xffff, v13;
	v27 =	vadd.s32 $0x4E20, v24  }
0xeb: {  	v44 =	vadd.s32 $0x2710, v31;
	[tilespmem:v42+s15+$0x0] =	vst.idx.add.f32.msk $0xffff, v30  }
0xec: {  	[tilespmem:v12+s15+$0x0] =	vst.idx.add.f32.msk $0xffff, v15;
	v15 =	vadd.s32 $0x4E20, v21  }
0xed: {  	v30 =	vld.idx.msk [tilespmem:v45+s2+$0x0], $0xffff;
	v13 =	vadd.s32 $0x2710, v26  }
0xee: {  	v48 =	vadd.s32 $0x4E20, v25;
	v47 =	vmul.f32 v6, v34;
	v59 =	vld.idx.msk [tilespmem:v49+s2+$0x0], $0xffff  }
0xef: {  	v50 =	vadd.s32 $0x4E20, v18;
	v27 =	vld.idx.msk [tilespmem:v27+s2+$0x0], $0xffff  }
0xf0: {  	v51 =	vadd.s32 $0x4E20, v20;
	v12 =	vmul.f32 v7, v43;
	[tilespmem:v44+s15+$0x0] =	vst.idx.add.f32.msk $0xffff, v47  }
0xf1: {  	v52 =	vadd.s32 $0x4E20, v57;
	v53 =	vld.idx.msk [tilespmem:v15+s2+$0x0], $0xffff  }
0xf2: {  	v0 =	vadd.s32 $0x7530, v21;
	[tilespmem:v13+s15+$0x0] =	vst.idx.add.f32.msk $0xffff, v12  }
0xf3: {  	v58 =	vadd.s32 $0x4E20, v28;
	v34 =	vld.idx.msk [tilespmem:v48+s2+$0x0], $0xffff;
	[tilespmem:$0x1FFC0] =	vst v0;
	v0 =	vadd.s32 $0x7530, v22  }
0xf4: {  	v8 =	vadd.s32 $0x4E20, v17;
	v29 =	vld.idx.msk [tilespmem:v50+s2+$0x0], $0xffff;
	[tilespmem:$0x1FFD0] =	vst v0;
	v21 =	vmul.f32 v3, v27  }
0xf5: {  	v56 =	vadd.s32 $0x7530, v32;
	v32 =	vadd.s32 $0x7530, v26;
	v38 =	vadd.s32 $0x4E20, v23;
	v35 =	vld.idx.msk [tilespmem:v51+s2+$0x0], $0xffff  }
0xf6: {  	v15 =	vadd.s32 $0x7530, v23;
	v23 =	vmul.f32 v4, v30;
	v0 =	vadd.s32 $0x4E20, v31;
	[tilespmem:v52+s15+$0x0] =	vst.idx.add.f32.msk $0xffff, v21  }
0xf7: {  	v18 =	vadd.s32 $0x7530, v18;
	v39 =	vadd.s32 $0x7530, v28;
	v27 =	vadd.s32 $0x4E20, v19;
	[tilespmem:$0x1FFE0] =	vst v0  }
0xf8: {  	v63 =	vadd.s32 $0x7530, v25;
	v21 =	vmul.f32 v5, v34;
	v0 =	vadd.s32 $0x4E20, v26;
	[tilespmem:v58+s15+$0x0] =	vst.idx.add.f32.msk $0xffff, v23  }
0xf9: {  	v25 =	vadd.s32 $0x7530, v24;
	v22 =	vmul.f32 v46, v16;
	v16 =	vmul.f32 v1, v53;
	[tilespmem:$0x1FFF0] =	vst v0  }
0xfa: {  	v40 =	vadd.s32 $0x7530, v9;
	v41 =	vadd.s32 $0x7530, v57;
	v28 =	vmul.f32 v2, v59;
	[tilespmem:v38+s15+$0x0] =	vst.idx.add.f32.msk $0xffff, v21  }
0xfb: {  	v44 =	vadd.s32 $0x7530, v20;
	v34 =	vmul.f32 v6, v29;
	v35 =	vmul.f32 v7, v35;
	[tilespmem:v8+s15+$0x0] =	vst.idx.add.f32.msk $0xffff, v16  }
0xfc: {  	s31 =	simm.s32 $0x8;
	s0 =	simm.s32 $0x1B140;
	v21 =	vadd.s32 $0x7530, v17;
	v16 =	vadd.s32 $0x7530, v19;
	v17 =	vadd.s32 $0x7530, v31;
	[tilespmem:v27+s15+$0x0] =	vst.idx.add.f32.msk $0xffff, v28  }
.LBB2_3:
0xfd: {  	s30 =	sadd.s32 $0x80, s30  }
0xfe: {  	v42 =	vld [tilespmem:s30+$0xFFFFFFC0];
	_ =	sdelay $0x1  }
0xff: {  	v57 =	vld [tilespmem:s0+$0xFFFFFFD0]  }
0x100: {  	v55 =	vld [tilespmem:s0+$0x30]  }
0x101: {  	v45 =	vld [tilespmem:s30+$0xFFFFFFD0]  }
0x102: {  	v47 =	vld [tilespmem:s30+$0x30];
	v0 =	vadd.s32 $0x2710, v42  }
0x103: {  	[tilespmem:$0x1FE70] =	vst v0;
	v0 =	vadd.s32 $0x4E20, v42  }
0x104: {  	v53 =	vld [tilespmem:s0+$0xFFFFFFE0];
	[tilespmem:$0x1FF70] =	vst v0;
	v0 =	vadd.s32 $0x2710, v57  }
0x105: {  	[tilespmem:$0x1FDF0] =	vst v0;
	v0 =	vadd.s32 $0x4E20, v57  }
0x106: {  	v43 =	vld [tilespmem:s30+$0xFFFFFFE0];
	[tilespmem:$0x1FEF0] =	vst v0;
	v0 =	vadd.s32 $0x2710, v45  }
0x107: {  	v59 =	vld [tilespmem:s0+$0xFFFFFFF0];
	[tilespmem:$0x1FE80] =	vst v0;
	v0 =	vadd.s32 $0x4E20, v45  }
0x108: {  	v51 =	vld [tilespmem:s30+$0xFFFFFFF0];
	[tilespmem:$0x1FF80] =	vst v0;
	v0 =	vadd.s32 $0x7530, v45  }
0x109: {  	v28 =	vld.idx.msk [tilespmem:v55+s16+$0x0], $0xffff;
	[tilespmem:$0x1FDE0] =	vst v0;
	v0 =	vadd.s32 $0x2710, v53  }
0x10a: {  	v30 =	vld.idx.msk [tilespmem:v47+s17+$0x0], $0xffff;
	[tilespmem:$0x1FE00] =	vst v0;
	v0 =	vadd.s32 $0x4E20, v53  }
0x10b: {  	v8 =	vld [tilespmem:s0+$0x0];
	[tilespmem:$0x1FF00] =	vst v0;
	v0 =	vadd.s32 $0x2710, v43  }
0x10c: {  	v26 =	vld [tilespmem:s0+$0x10];
	[tilespmem:$0x1FE90] =	vst v0;
	v0 =	vadd.s32 $0x4E20, v43  }
0x10d: {  	v58 =	vld [tilespmem:s30+$0x0];
	[tilespmem:$0x1FF90] =	vst v0;
	v0 =	vadd.s32 $0x2710, v59  }
0x10e: {  	v24 =	vmov v44;
	v44 =	vld.idx.msk [tilespmem:v57+s16+$0x0], $0xffff;
	[tilespmem:$0x1FE10] =	vst v0;
	v0 =	vadd.s32 $0x4E20, v59  }
0x10f: {  	v49 =	vld.idx.msk [tilespmem:v53+s16+$0x0], $0xffff;
	v28 =	vadd.f32 v30, v28;
	[tilespmem:$0x1FF10] =	vst v0;
	v0 =	vadd.s32 $0x2710, v51  }
0x110: {  	v48 =	vld.idx.msk [tilespmem:v45+s17+$0x0], $0xffff;
	[tilespmem:$0x1FEA0] =	vst v0;
	v0 =	vadd.s32 $0x4E20, v51  }
0x111: {  	v54 =	vld.idx.msk [tilespmem:v43+s17+$0x0], $0xffff;
	v30 =	vmul.f32 $2.000000030e-01, v28;
	[tilespmem:$0x1FFA0] =	vst v0;
	v0 =	vadd.s32 $0x2710, v8  }
0x112: {  	v60 =	vld [tilespmem:s30+$0x10];
	[tilespmem:$0x1FE20] =	vst v0;
	v0 =	vadd.s32 $0x4E20, v8  }
0x113: {  	v27 =	vld [tilespmem:s0+$0x20];
	v28 =	vmax.f32 v28, v30;
	[tilespmem:$0x1FF20] =	vst v0;
	v0 =	vadd.s32 $0x2710, v58  }
0x114: {  	v31 =	vld [tilespmem:s0+$0xFFFFFFC0];
	v30 =	vsub.f32 v28, v61;
	[tilespmem:$0x1FEB0] =	vst v0;
	v0 =	vadd.s32 $0x4E20, v58  }
0x115: {  	v62 =	vld [tilespmem:s30+$0x20];
	v44 =	vadd.f32 v48, v44;
	[tilespmem:$0x1FFB0] =	vst v0;
	v0 =	vadd.s32 $0x2710, v26  }
0x116: {  	v49 =	vadd.f32 v54, v49;
	v30 =	vmul.f32 $1.442695020e+00, v30;
	[tilespmem:$0x1FE30] =	vst v0;
	v0 =	vadd.s32 $0x4E20, v26  }
0x117: {  	v12 =	vmul.f32 $2.000000030e-01, v44;
	[tilespmem:$0x1FF30] =	vst v0;
	v0 =	vadd.s32 $0x2710, v60  }
0x118: {  	v20 =	vmovc v63;
	v63 =	vld.idx.msk [tilespmem:v59+s16+$0x0], $0xffff;
	(erf) = vpow2.f32 v30;
	v30 =	vmul.f32 $2.000000030e-01, v49;
	[tilespmem:$0x1FEC0] =	vst v0;
	v0 =	vadd.s32 $0x2710, v27  }
0x119: {  	v11 =	vld.idx.msk [tilespmem:v58+s17+$0x0], $0xffff;
	[tilespmem:$0x1FE40] =	vst v0;
	v0 =	vadd.s32 $0x4E20, v27  }
0x11a: {  	v12 =	vmax.f32 v44, v12;
	v44 =	vmax.f32 v49, v30;
	v30 =	vld [tilespmem:$0x1FFE0];
	[tilespmem:$0x1FF40] =	vst v0;
	v0 =	vadd.s32 $0x2710, v62  }
0x11b: {  	v48 =	vld.idx.msk [tilespmem:v8+s16+$0x0], $0xffff;
	[tilespmem:$0x1FED0] =	vst v0;
	v0 =	vadd.s32 $0x4E20, v31  }
0x11c: {  	v14 =	vmovc v21;
	v21 =	vmov v18;
	v18 =	vmov v56;
	v56 =	vld.idx.msk [tilespmem:v31+s16+$0x0], $0xffff;
	[tilespmem:$0x1FEE0] =	vst v0;
	v0 =	vadd.s32 $0x7530, v58  }
0x11d: {  	[tilespmem:$0x1FE60] =	vst v0;
	v0 =	vld.idx.msk [tilespmem:v51+s17+$0x0], $0xffff  }
0x11e: {  	[tilespmem:$0x1FF50] =	vst v17;
	v17 =	vmov v15;
	v15 =	vmov v40;
	v40 =	vld.idx.msk [tilespmem:v42+s17+$0x0], $0xffff  }
0x11f: {  	v13 =	vld.idx.msk [tilespmem:v60+s17+$0x0], $0xffff  }
0x120: {  	v11 =	vadd.f32 v11, v48;
	v48 =	vld [tilespmem:$0x1FFF0]  }
0x121: {  	v46 =	vadd.s32 $0x4E20, v60;
	v54 =	vld.idx.msk [tilespmem:v26+s16+$0x0], $0xffff  }
0x122: {  	[tilespmem:v30+s15+$0x0] =	vst.idx.add.f32.msk $0xffff, v34;
	v34 =	vmov v46;
	v0 =	vadd.f32 v0, v63;
	_ =	sdelay $0x1  }
0x123: {  	v40 =	vadd.f32 v40, v56;
	v49 =	vmul.f32 $2.000000030e-01, v0  }
0x124: {  	v56 =	vld.idx.msk [tilespmem:v62+s17+$0x0], $0xffff;
	[tilespmem:$0x1FFE0] =	vst v34;
	v34 =	vpop (erf)  }
0x125: {  	v46 =	vmul.f32 $2.000000030e-01, v40;
	[tilespmem:v47+s18+$0x0] =	vst.idx.add.f32.msk $0xffff, v34  }
0x126: {  	v23 =	vmov v61;
	v50 =	vadd.s32 $0x4E20, v62;
	v63 =	vld.idx.msk [tilespmem:v27+s16+$0x0], $0xffff  }
0x127: {  	[tilespmem:v48+s15+$0x0] =	vst.idx.add.f32.msk $0xffff, v35;
	v0 =	vmax.f32 v0, v49;
	v49 =	vmov v50;
	v50 =	vmax.f32 v40, v46  }
0x128: {  	v35 =	vsub.f32 v50, v23;
	v50 =	vld.idx.msk [tilespmem:v18+s2+$0x0], $0xffff  }
0x129: {  	v13 =	vadd.f32 v13, v54;
	v30 =	vmul.f32 $2.000000030e-01, v11;
	v18 =	vld [tilespmem:$0x1FFC0]  }
0x12a: {  	v36 =	vadd.s32 $0x7530, v57;
	v46 =	vld.idx.msk [tilespmem:v55+s2+$0x0], $0xffff  }
0x12b: {  	v11 =	vmax.f32 v11, v30;
	v30 =	vmul.f32 $2.000000030e-01, v13;
	v48 =	vld.idx.msk [tilespmem:v25+s2+$0x0], $0xffff;
	[tilespmem:$0x1FFF0] =	vst v49;
	v49 =	vadd.f32 v56, v63  }
0x12c: {  	v19 =	vmovc v39;
	v37 =	vadd.s32 $0x7530, v53;
	v39 =	vadd.s32 $0x7530, v8;
	v12 =	vsub.f32 v12, v23;
	v56 =	vmovc v36;
	v36 =	vld.idx.msk [tilespmem:v20+s2+$0x0], $0xffff  }
0x12d: {  	v13 =	vmax.f32 v13, v30;
	v20 =	vmovc v39;
	v39 =	vld.idx.msk [tilespmem:v24+s2+$0x0], $0xffff;
	v35 =	vmul.f32 $1.442695020e+00, v35;
	v30 =	vmul.f32 $2.000000030e-01, v49  }
0x12e: {  	v12 =	vmul.f32 $1.442695020e+00, v12;
	v44 =	vsub.f32 v44, v23;
	v40 =	vadd.s32 $0x2710, v55;
	[tilespmem:v15+s15+$0x0] =	vst.idx.add.f32.msk $0xffff, v22  }
0x12f: {  	v63 =	vmovc v37;
	(erf) = vpow2.f32 v35;
	v37 =	vmax.f32 v49, v30;
	v30 =	vmul.f32 v34, v46;
	v46 =	vld [tilespmem:$0x1FE00]  }
0x130: {  	v38 =	vadd.s32 $0x7530, v59;
	v0 =	vsub.f32 v0, v23;
	(erf) = vpow2.f32 v12;
	v12 =	vld.idx.msk [tilespmem:v21+s2+$0x0], $0xffff  }
0x131: {  	[tilespmem:$0x1FE50] =	vst v16;
	v16 =	vmov v41;
	v44 =	vmul.f32 $1.442695020e+00, v44;
	v54 =	vld.idx.msk [tilespmem:v18+s2+$0x0], $0xffff;
	v18 =	vmov v38  }
0x132: {  	v0 =	vmul.f32 $1.442695020e+00, v0;
	[tilespmem:$0x1FFC0] =	vst v18;
	v18 =	vld [tilespmem:$0x1FFD0]  }
0x133: {  	v52 =	vadd.s32 $0x7530, v27;
	(erf) = vpow2.f32 v44;
	[tilespmem:v47+s15+$0x0] =	vst.idx.add.f32.msk $0xffff, v30  }
0x134: {  	v11 =	vsub.f32 v11, v23;
	(erf) = vpow2.f32 v0;
	v0 =	vmul.f32 v48, v3;
	v49 =	vld.idx.msk [tilespmem:v40+s2+$0x0], $0xffff  }
0x135: {  	v44 =	vmovc v52;
	v52 =	vadd.s32 $0x2710, v47;
	v30 =	vadd.s32 $0x4E20, v47;
	v38 =	vadd.s32 $0x7530, v47;
	v47 =	vld [tilespmem:$0x1FE10]  }
0x136: {  	v37 =	vsub.f32 v37, v23;
	[tilespmem:v16+s15+$0x0] =	vst.idx.add.f32.msk $0xffff, v0;
	v0 =	vmul.f32 v50, v4  }
0x137: {  	v13 =	vsub.f32 v13, v23;
	v4 =	vmul.f32 v36, v5;
	v50 =	vld [tilespmem:$0x1FE80]  }
0x138: {  	v11 =	vmul.f32 $1.442695020e+00, v11;
	v3 =	vmul.f32 $1.442695020e+00, v37;
	[tilespmem:v19+s15+$0x0] =	vst.idx.add.f32.msk $0xffff, v0  }
0x139: {  	v13 =	vmul.f32 $1.442695020e+00, v13;
	[tilespmem:v17+s15+$0x0] =	vst.idx.add.f32.msk $0xffff, v4;
	v0 =	vmul.f32 v54, v1  }
0x13a: {  	(erf) = vpow2.f32 v11;
	v35 =	vld.idx.msk [tilespmem:v18+s2+$0x0], $0xffff  }
0x13b: {  	(erf) = vpow2.f32 v13;
	[tilespmem:v14+s15+$0x0] =	vst.idx.add.f32.msk $0xffff, v0  }
0x13c: {  	(erf) = vpow2.f32 v3;
	v3 =	vpop (erf);
	v0 =	vld [tilespmem:$0x1FDE0]  }
0x13d: {  	[tilespmem:v42+s18+$0x0] =	vst.idx.add.f32.msk $0xffff, v3;
	v4 =	vpop (erf)  }
0x13e: {  	[tilespmem:v45+s18+$0x0] =	vst.idx.add.f32.msk $0xffff, v4  }
0x13f: {  	v5 =	vpop (erf);
	v14 =	vld [tilespmem:$0x1FE40];
	v54 =	vmul.f32 v35, v2;
	v2 =	vadd.s32 $0x4E20, v55  }
0x140: {  	[tilespmem:v43+s18+$0x0] =	vst.idx.add.f32.msk $0xffff, v5  }
0x141: {  	v22 =	vmul.f32 v39, v7;
	v1 =	vpop (erf);
	v13 =	vld.idx.msk [tilespmem:v57+s2+$0x0], $0xffff;
	v39 =	vmov v0;
	v0 =	vmul.f32 v34, v49  }
0x142: {  	v41 =	vadd.s32 $0x7530, v26;
	[tilespmem:v51+s18+$0x0] =	vst.idx.add.f32.msk $0xffff, v1  }
0x143: {  	[tilespmem:v52+s15+$0x0] =	vst.idx.add.f32.msk $0xffff, v0  }
0x144: {  	v33 =	vadd.s32 $0x7530, v42;
	v0 =	vld.idx.msk [tilespmem:v2+s2+$0x0], $0xffff  }
0x145: {  	v18 =	vmov v41;
	v41 =	vmov v33;
	v33 =	vmul.f32 v12, v6;
	v12 =	vld.idx.msk [tilespmem:v31+s2+$0x0], $0xffff  }
0x146: {  	v36 =	vld.idx.msk [tilespmem:v53+s2+$0x0], $0xffff  }
0x147: {  	v37 =	vld.idx.msk [tilespmem:v59+s2+$0x0], $0xffff;
	v35 =	vadd.s32 $0x7530, v55  }
0x148: {  	v49 =	vld [tilespmem:$0x1FE70]  }
0x149: {  	v52 =	vld [tilespmem:$0x1FEA0];
	v2 =	vpop (erf);
	v0 =	vmul.f32 v34, v0  }
0x14a: {  	[tilespmem:v58+s18+$0x0] =	vst.idx.add.f32.msk $0xffff, v2  }
0x14b: {  	[tilespmem:v30+s15+$0x0] =	vst.idx.add.f32.msk $0xffff, v0  }
0x14c: {  	v6 =	vpop (erf);
	v0 =	vld.idx.msk [tilespmem:v35+s2+$0x0], $0xffff  }
0x14d: {  	[tilespmem:v60+s18+$0x0] =	vst.idx.add.f32.msk $0xffff, v6  }
0x14e: {  	v8 =	vld.idx.msk [tilespmem:v8+s2+$0x0], $0xffff  }
0x14f: {  	v7 =	vpop (erf);
	v26 =	vld.idx.msk [tilespmem:v26+s2+$0x0], $0xffff  }
0x150: {  	v12 =	vmul.f32 v3, v12;
	[tilespmem:v62+s18+$0x0] =	vst.idx.add.f32.msk $0xffff, v7  }
0x151: {  	v27 =	vld.idx.msk [tilespmem:v27+s2+$0x0], $0xffff;
	v0 =	vmul.f32 v0, v34  }
0x152: {  	[tilespmem:v42+s15+$0x0] =	vst.idx.add.f32.msk $0xffff, v12  }
0x153: {  	[tilespmem:v38+s15+$0x0] =	vst.idx.add.f32.msk $0xffff, v0;
	v0 =	vmul.f32 v2, v8  }
0x154: {  	v12 =	vld [tilespmem:$0x1FE20];
	v8 =	vmul.f32 v6, v26  }
0x155: {  	[tilespmem:v58+s15+$0x0] =	vst.idx.add.f32.msk $0xffff, v0  }
0x156: {  	v0 =	vmul.f32 v7, v27;
	[tilespmem:v60+s15+$0x0] =	vst.idx.add.f32.msk $0xffff, v8  }
0x157: {  	v8 =	vld [tilespmem:$0x1FDF0]  }
0x158: {  	[tilespmem:v62+s15+$0x0] =	vst.idx.add.f32.msk $0xffff, v0  }
0x159: {  	v10 =	vadd.s32 $0x7530, v60;
	v13 =	vmul.f32 v4, v13;
	v26 =	vld.idx.msk [tilespmem:v14+s2+$0x0], $0xffff  }
0x15a: {  	v9 =	vadd.s32 $0x7530, v51;
	[tilespmem:$0x1FF60] =	vst v10;
	v14 =	vld [tilespmem:$0x1FE50]  }
0x15b: {  	v10 =	vadd.s32 $0x7530, v62;
	v21 =	vmov v9;
	v9 =	vmul.f32 v5, v36;
	[tilespmem:v45+s15+$0x0] =	vst.idx.add.f32.msk $0xffff, v13  }
0x15c: {  	v40 =	vmov v32;
	v32 =	vmov v10;
	v10 =	vmul.f32 v1, v37;
	v13 =	vld [tilespmem:$0x1FE30]  }
0x15d: {  	[tilespmem:v43+s15+$0x0] =	vst.idx.add.f32.msk $0xffff, v9  }
0x15e: {  	[tilespmem:v51+s15+$0x0] =	vst.idx.add.f32.msk $0xffff, v10  }
0x15f: {  	v10 =	vld.idx.msk [tilespmem:v47+s2+$0x0], $0xffff  }
0x160: {  	v8 =	vld.idx.msk [tilespmem:v8+s2+$0x0], $0xffff  }
0x161: {  	v28 =	vadd.s32 $0x2710, v31;
	v12 =	vld.idx.msk [tilespmem:v12+s2+$0x0], $0xffff  }
0x162: {  	[tilespmem:v14+s15+$0x0] =	vst.idx.add.f32.msk $0xffff, v54  }
0x163: {  	v54 =	vld [tilespmem:$0x1FEC0]  }
0x164: {  	v13 =	vld.idx.msk [tilespmem:v13+s2+$0x0], $0xffff  }
0x165: {  	v51 =	vld [tilespmem:$0x1FE90];
	v8 =	vmul.f32 v4, v8  }
0x166: {  	v0 =	vld.idx.msk [tilespmem:v28+s2+$0x0], $0xffff  }
0x167: {  	[tilespmem:v50+s15+$0x0] =	vst.idx.add.f32.msk $0xffff, v8;
	v8 =	vmul.f32 v1, v10  }
0x168: {  	v9 =	vld.idx.msk [tilespmem:v46+s2+$0x0], $0xffff  }
0x169: {  	[tilespmem:v52+s15+$0x0] =	vst.idx.add.f32.msk $0xffff, v8;
	v8 =	vmul.f32 v6, v13  }
0x16a: {  	v53 =	vld [tilespmem:$0x1FEB0]  }
0x16b: {  	v0 =	vmul.f32 v3, v0;
	[tilespmem:v54+s15+$0x0] =	vst.idx.add.f32.msk $0xffff, v8  }
0x16c: {  	v8 =	vld [tilespmem:$0x1FED0]  }
0x16d: {  	[tilespmem:v49+s15+$0x0] =	vst.idx.add.f32.msk $0xffff, v0;
	v0 =	vmul.f32 v5, v9;
	_ =	sdelay $0x1  }
0x16e: {  	[tilespmem:v51+s15+$0x0] =	vst.idx.add.f32.msk $0xffff, v0  }
0x16f: {  	v0 =	vmul.f32 v2, v12;
	v12 =	vld [tilespmem:$0x1FF30]  }
0x170: {  	v14 =	vld [tilespmem:$0x1FF50]  }
0x171: {  	[tilespmem:v53+s15+$0x0] =	vst.idx.add.f32.msk $0xffff, v0;
	v0 =	vmul.f32 v7, v26  }
0x172: {  	v57 =	vld [tilespmem:$0x1FF10]  }
0x173: {  	[tilespmem:v8+s15+$0x0] =	vst.idx.add.f32.msk $0xffff, v0  }
0x174: {  	v8 =	vld [tilespmem:$0x1FEF0]  }
0x175: {  	v59 =	vld [tilespmem:$0x1FF80]  }
0x176: {  	v55 =	vld [tilespmem:$0x1FF00]  }
0x177: {  	v58 =	vld [tilespmem:$0x1FF20]  }
0x178: {  	v12 =	vld.idx.msk [tilespmem:v12+s2+$0x0], $0xffff  }
0x179: {  	[tilespmem:v14+s15+$0x0] =	vst.idx.add.f32.msk $0xffff, v33  }
0x17a: {  	v0 =	vld [tilespmem:$0x1FEE0]  }
0x17b: {  	v14 =	vld [tilespmem:$0x1FF60]  }
0x17c: {  	v8 =	vld.idx.msk [tilespmem:v8+s2+$0x0], $0xffff  }
0x17d: {  	v62 =	vld [tilespmem:$0x1FFA0]  }
0x17e: {  	v10 =	vld.idx.msk [tilespmem:v57+s2+$0x0], $0xffff  }
0x17f: {  	v60 =	vld [tilespmem:$0x1FF90]  }
0x180: {  	v13 =	vld [tilespmem:$0x1FF40]  }
0x181: {  	v17 =	vmov v14;
	v14 =	vld [tilespmem:$0x1FF70];
	v8 =	vmul.f32 v4, v8  }
0x182: {  	v0 =	vld.idx.msk [tilespmem:v0+s2+$0x0], $0xffff  }
0x183: {  	[tilespmem:v59+s15+$0x0] =	vst.idx.add.f32.msk $0xffff, v8;
	v8 =	vmul.f32 v1, v10  }
0x184: {  	v9 =	vld.idx.msk [tilespmem:v55+s2+$0x0], $0xffff  }
0x185: {  	[tilespmem:v62+s15+$0x0] =	vst.idx.add.f32.msk $0xffff, v8  }
0x186: {  	v8 =	vld [tilespmem:$0x1FFB0]  }
0x187: {  	v11 =	vld.idx.msk [tilespmem:v58+s2+$0x0], $0xffff  }
0x188: {  	s31 =	sadd.s32 $0x8, s31;
	v48 =	vld [tilespmem:$0x1FE60];
	v0 =	vmul.f32 v3, v0  }
0x189: {  	p1 =	slt.u32 s31, $0xC0;
	v13 =	vld.idx.msk [tilespmem:v13+s2+$0x0], $0xffff  }
.Ltmp0:
0x18a: {  	v61 =	vadd.s32 $0x7530, v31;
	[tilespmem:v14+s15+$0x0] =	vst.idx.add.f32.msk $0xffff, v0;
	v0 =	vmul.f32 v5, v9;
	(pc) =	sbr.rel @p1 .LBB2_3-.Ltmp0, $4  }
0x18b: {  	_ = 	snop  }
0x18c: {  	v29 =	vadd.s32 $0x7530, v43;
	[tilespmem:v60+s15+$0x0] =	vst.idx.add.f32.msk $0xffff, v0;
	v0 =	vmul.f32 v2, v11  }
0x18d: {  	v25 =	vmov v61;
	v61 =	vmov v23;
	v15 =	vmov v29;
	[tilespmem:$0x1FFD0] =	vst v20  }
0x18e: {  	s0 =	sadd.s32 $0x80, s0;
	v16 =	vmov v48;
	v34 =	vmul.f32 v6, v12;
	v35 =	vmul.f32 v7, v13;
	[tilespmem:v8+s15+$0x0] =	vst.idx.add.f32.msk $0xffff, v0  }
0x18f: {  	v0 =	vld [tilespmem:$0x1FFE0];
	_ =	sdelay $0x7  }
0x190: {  	[tilespmem:v0+s15+$0x0] =	vst.idx.add.f32.msk $0xffff, v34  }
0x191: {  	v0 =	vld [tilespmem:$0x1FFF0];
	_ =	sdelay $0x7  }
0x192: {  	[tilespmem:v0+s15+$0x0] =	vst.idx.add.f32.msk $0xffff, v35  }
0x193: {  	v10 =	vld [tilespmem:$0x1FFC0]  }
0x194: {  	v11 =	vld [tilespmem:$0x1FFD0];
	_ =	sdelay $0x2  }
0x195: {  	v0 =	vld.idx.msk [tilespmem:v25+s2+$0x0], $0xffff  }
0x196: {  	v8 =	vld.idx.msk [tilespmem:v56+s2+$0x0], $0xffff  }
0x197: {  	v9 =	vld.idx.msk [tilespmem:v63+s2+$0x0], $0xffff  }
0x198: {  	v12 =	vld.idx.msk [tilespmem:v18+s2+$0x0], $0xffff  }
0x199: {  	v10 =	vld.idx.msk [tilespmem:v10+s2+$0x0], $0xffff  }
0x19a: {  	v0 =	vmul.f32 v0, v3;
	v11 =	vld.idx.msk [tilespmem:v11+s2+$0x0], $0xffff  }
0x19b: {  	v3 =	vld.idx.msk [tilespmem:v44+s2+$0x0], $0xffff  }
0x19c: {  	[tilespmem:v41+s15+$0x0] =	vst.idx.add.f32.msk $0xffff, v0;
	v0 =	vmul.f32 v8, v4  }
0x19d: {  	[tilespmem:v40+s15+$0x0] =	vst.idx.add.f32.msk $0xffff, v22;
	v4 =	vmul.f32 v9, v5  }
0x19e: {  	[tilespmem:v39+s15+$0x0] =	vst.idx.add.f32.msk $0xffff, v0;
	v0 =	vmul.f32 v10, v1  }
0x19f: {  	[tilespmem:v15+s15+$0x0] =	vst.idx.add.f32.msk $0xffff, v4;
	v1 =	vmul.f32 v11, v2  }
0x1a0: {  	v2 =	vmul.f32 v12, v6;
	[tilespmem:v21+s15+$0x0] =	vst.idx.add.f32.msk $0xffff, v0  }
0x1a1: {  	v0 =	vmul.f32 v3, v7;
	[tilespmem:v16+s15+$0x0] =	vst.idx.add.f32.msk $0xffff, v1  }
0x1a2: {  	[tilespmem:v17+s15+$0x0] =	vst.idx.add.f32.msk $0xffff, v2  }
0x1a3: {  	[tilespmem:v32+s15+$0x0] =	vst.idx.add.f32.msk $0xffff, v0  }
0x1a4: {  	_ =	swait.ge [sflag:s25], $0xC80  }
0x1a5: {  	[sflag:s25] =	ssyncset.done $0x0  }
0x1a6: {  	p1 =	seq.s32 s28, $0x31;
	[sflag:s25] =	ssyncadd.s32 $0xFFFFF380  }
0x1a7: {  	s0 =	sshrl.u32 @!p1 s29, $0x3;
	_ =	swait.ge [sflag:s25], $0xC80  }
0x1a8: {  	s30 =	simm.s32 @!p1 $0x0;
	s0 =	sadd.s32 @!p1 $0x320, s0;
	[sflag:s25] =	ssyncset.done $0x0  }
0x1a9: {  	s31 =	simm.s32 @!p1 $0x1B000;
	s29 =	sadd.s32 @!p1 s6, s0;
	[sflag:s25] =	ssyncadd.s32 $0xFFFFF380  }
0x1aa: {  	[tilespmem:s31], [sflag:$0x1] =	stream.linear.gather @!p1 [hbm4b:s29+s30], $0xC80, $0x38;
	[tilespmem:$0x1E200] =	vst v63  }
0x1ab: {  	s0 =	sadd.s32 @!p1 s7, s0;
	s29 =	simm.s32 @!p1 $0x1BC80;
	s31 =	simm.s32 $0x1C940  }
0x1ac: {  	[tilespmem:s29], [sflag:$0x1] =	stream.linear.gather @!p1 [hbm4b:s0+s30], $0xC80, $0x38;
	[tilespmem:$0x1E200] =	vst v63  }
0x1ad: {  	s29 =	simm.s32 $0x1D5C0;
	v0 =	vld [tilespmem:s31+$0x30]  }
0x1ae: {  	v17 =	vld [tilespmem:s29+$0x30];
	_ =	sdelay $0x1  }
0x1af: {  	v4 =	vld [tilespmem:s29+$0xFFFFFFC0]  }
0x1b0: {  	v6 =	vld [tilespmem:s31+$0xFFFFFFD0]  }
0x1b1: {  	v3 =	vld [tilespmem:s29+$0xFFFFFFD0]  }
0x1b2: {  	v7 =	vld [tilespmem:s31+$0xFFFFFFE0]  }
0x1b3: {  	v2 =	vld [tilespmem:s29+$0xFFFFFFE0]  }
0x1b4: {  	v54 =	vld.idx.msk [tilespmem:v0+s16+$0x0], $0xffff  }
0x1b5: {  	v55 =	vld.idx.msk [tilespmem:v17+s17+$0x0], $0xffff  }
0x1b6: {  	v5 =	vld [tilespmem:s31+$0xFFFFFFF0]  }
0x1b7: {  	v1 =	vld [tilespmem:s29+$0xFFFFFFF0]  }
0x1b8: {  	v13 =	vld [tilespmem:s31+$0x0]  }
0x1b9: {  	v12 =	vld [tilespmem:s29+$0x0]  }
0x1ba: {  	v11 =	vld [tilespmem:s31+$0x10];
	v14 =	vadd.f32 v55, v54  }
0x1bb: {  	v30 =	vld [tilespmem:s31+$0xFFFFFFC0]  }
0x1bc: {  	v8 =	vld [tilespmem:s29+$0x10];
	v15 =	vmul.f32 $2.000000030e-01, v14  }
0x1bd: {  	v10 =	vld [tilespmem:s31+$0x20]  }
0x1be: {  	v9 =	vld [tilespmem:s29+$0x20];
	v14 =	vmax.f32 v14, v15  }
0x1bf: {  	v16 =	vld.idx.msk [tilespmem:v4+s17+$0x0], $0xffff;
	v14 =	vsub.f32 v14, v61  }
0x1c0: {  	v18 =	vld.idx.msk [tilespmem:v3+s17+$0x0], $0xffff  }
0x1c1: {  	v19 =	vld.idx.msk [tilespmem:v7+s16+$0x0], $0xffff;
	v14 =	vmul.f32 $1.442695020e+00, v14  }
0x1c2: {  	v15 =	vld.idx.msk [tilespmem:v6+s16+$0x0], $0xffff  }
0x1c3: {  	(erf) = vpow2.f32 v14;
	v14 =	vld.idx.msk [tilespmem:v30+s16+$0x0], $0xffff  }
0x1c4: {  	v20 =	vld.idx.msk [tilespmem:v2+s17+$0x0], $0xffff  }
0x1c5: {  	v21 =	vld.idx.msk [tilespmem:v5+s16+$0x0], $0xffff  }
0x1c6: {  	v22 =	vld.idx.msk [tilespmem:v1+s17+$0x0], $0xffff;
	_ =	sdelay $0x1  }
0x1c7: {  	v27 =	vld.idx.msk [tilespmem:v12+s17+$0x0], $0xffff;
	v15 =	vadd.f32 v18, v15;
	v14 =	vadd.f32 v16, v14  }
0x1c8: {  	v18 =	vld.idx.msk [tilespmem:v13+s16+$0x0], $0xffff  }
0x1c9: {  	v19 =	vadd.f32 v20, v19;
	v20 =	vld.idx.msk [tilespmem:v11+s16+$0x0], $0xffff;
	v24 =	vmul.f32 $2.000000030e-01, v15;
	v25 =	vmul.f32 $2.000000030e-01, v14  }
0x1ca: {  	v21 =	vadd.f32 v22, v21;
	v16 =	vld.idx.msk [tilespmem:v8+s17+$0x0], $0xffff  }
0x1cb: {  	v26 =	vld.idx.msk [tilespmem:v9+s17+$0x0], $0xffff;
	v15 =	vmax.f32 v15, v24;
	v24 =	vmul.f32 $2.000000030e-01, v19;
	v14 =	vmax.f32 v14, v25  }
0x1cc: {  	v22 =	vld.idx.msk [tilespmem:v10+s16+$0x0], $0xffff;
	v15 =	vsub.f32 v15, v61;
	v28 =	vpop (erf);
	v14 =	vsub.f32 v14, v61  }
0x1cd: {  	v18 =	vadd.f32 v27, v18;
	v19 =	vmax.f32 v19, v24;
	v24 =	vmul.f32 $2.000000030e-01, v21;
	[tilespmem:v17+s18+$0x0] =	vst.idx.add.f32.msk $0xffff, v28  }
0x1ce: {  	v19 =	vsub.f32 v19, v61;
	v15 =	vmul.f32 $1.442695020e+00, v15;
	v27 =	vld.idx.msk [tilespmem:v0+s2+$0x0], $0xffff;
	v14 =	vmul.f32 $1.442695020e+00, v14  }
0x1cf: {  	s29 =	simm.s32 $0x1D640;
	v21 =	vmax.f32 v21, v24;
	v24 =	vmul.f32 $2.000000030e-01, v18;
	v16 =	vadd.f32 v16, v20  }
0x1d0: {  	s31 =	simm.s32 $0x1C9C0;
	v38 =	vld [tilespmem:s29+$0xFFFFFFC0];
	v25 =	vadd.s32 $0x2710, v0;
	v20 =	vsub.f32 v21, v61;
	(erf) = vpow2.f32 v14  }
0x1d1: {  	v32 =	vld [tilespmem:s31+$0xFFFFFFD0];
	v21 =	vadd.f32 v26, v22;
	v22 =	vmul.f32 $2.000000030e-01, v16;
	(erf) = vpow2.f32 v15  }
0x1d2: {  	v19 =	vmul.f32 $1.442695020e+00, v19  }
0x1d3: {  	v14 =	vmax.f32 v18, v24;
	v15 =	vmax.f32 v16, v22;
	v16 =	vmul.f32 v28, v27  }
0x1d4: {  	v37 =	vld [tilespmem:s31+$0x30];
	v18 =	vmul.f32 $2.000000030e-01, v21;
	v14 =	vsub.f32 v14, v61;
	(erf) = vpow2.f32 v19  }
0x1d5: {  	v20 =	vmul.f32 $1.442695020e+00, v20;
	v15 =	vsub.f32 v15, v61;
	[tilespmem:v17+s15+$0x0] =	vst.idx.add.f32.msk $0xffff, v16  }
0x1d6: {  	v18 =	vmax.f32 v21, v18;
	v14 =	vmul.f32 $1.442695020e+00, v14;
	v16 =	vld.idx.msk [tilespmem:v25+s2+$0x0], $0xffff  }
0x1d7: {  	v33 =	vld [tilespmem:s29+$0x30];
	v18 =	vsub.f32 v18, v61;
	(erf) = vpow2.f32 v20;
	v15 =	vmul.f32 $1.442695020e+00, v15  }
0x1d8: {  	v43 =	vld.idx.msk [tilespmem:v38+s17+$0x0], $0xffff;
	(erf) = vpow2.f32 v14;
	v14 =	vadd.s32 $0x2710, v17  }
0x1d9: {  	v59 =	vld.idx.msk [tilespmem:v32+s16+$0x0], $0xffff;
	v18 =	vmul.f32 $1.442695020e+00, v18;
	(erf) = vpow2.f32 v15;
	v35 =	vpop (erf)  }
0x1da: {  	v15 =	vadd.s32 $0x4E20, v0;
	[tilespmem:v4+s18+$0x0] =	vst.idx.add.f32.msk $0xffff, v35;
	v29 =	vpop (erf)  }
0x1db: {  	(erf) = vpow2.f32 v18;
	v16 =	vmul.f32 v28, v16;
	[tilespmem:v3+s18+$0x0] =	vst.idx.add.f32.msk $0xffff, v29  }
0x1dc: {  	v20 =	vld.idx.msk [tilespmem:v30+s2+$0x0], $0xffff  }
0x1dd: {  	v34 =	vpop (erf);
	[tilespmem:v14+s15+$0x0] =	vst.idx.add.f32.msk $0xffff, v16  }
0x1de: {  	[tilespmem:v2+s18+$0x0] =	vst.idx.add.f32.msk $0xffff, v34  }
0x1df: {  	v18 =	vld.idx.msk [tilespmem:v15+s2+$0x0], $0xffff  }
0x1e0: {  	v27 =	vpop (erf);
	v21 =	vld.idx.msk [tilespmem:v6+s2+$0x0], $0xffff  }
0x1e1: {  	v19 =	vadd.s32 $0x4E20, v17;
	[tilespmem:v1+s18+$0x0] =	vst.idx.add.f32.msk $0xffff, v27;
	v15 =	vpop (erf)  }
0x1e2: {  	v14 =	vpop (erf);
	[tilespmem:v12+s18+$0x0] =	vst.idx.add.f32.msk $0xffff, v15  }
0x1e3: {  	[tilespmem:v8+s18+$0x0] =	vst.idx.add.f32.msk $0xffff, v14  }
0x1e4: {  	v0 =	vadd.s32 $0x7530, v0;
	v16 =	vpop (erf);
	v22 =	vld.idx.msk [tilespmem:v13+s2+$0x0], $0xffff;
	v18 =	vmul.f32 v28, v18  }
0x1e5: {  	[tilespmem:v9+s18+$0x0] =	vst.idx.add.f32.msk $0xffff, v16  }
0x1e6: {  	[tilespmem:v19+s15+$0x0] =	vst.idx.add.f32.msk $0xffff, v18  }
0x1e7: {  	v18 =	vld.idx.msk [tilespmem:v7+s2+$0x0], $0xffff  }
0x1e8: {  	v19 =	vld.idx.msk [tilespmem:v5+s2+$0x0], $0xffff  }
0x1e9: {  	v0 =	vld.idx.msk [tilespmem:v0+s2+$0x0], $0xffff  }
0x1ea: {  	v20 =	vmul.f32 v35, v20;
	v25 =	vld.idx.msk [tilespmem:v11+s2+$0x0], $0xffff  }
0x1eb: {  	v21 =	vmul.f32 v29, v21;
	v24 =	vld.idx.msk [tilespmem:v10+s2+$0x0], $0xffff  }
0x1ec: {  	v17 =	vadd.s32 $0x7530, v17;
	[tilespmem:v4+s15+$0x0] =	vst.idx.add.f32.msk $0xffff, v20  }
0x1ed: {  	v20 =	vadd.s32 $0x2710, v7;
	[tilespmem:v3+s15+$0x0] =	vst.idx.add.f32.msk $0xffff, v21;
	v18 =	vmul.f32 v34, v18  }
0x1ee: {  	v21 =	vadd.s32 $0x2710, v5;
	v19 =	vmul.f32 v27, v19;
	v0 =	vmul.f32 v0, v28;
	v28 =	vld [tilespmem:s29+$0xFFFFFFD0]  }
0x1ef: {  	[tilespmem:v2+s15+$0x0] =	vst.idx.add.f32.msk $0xffff, v18  }
0x1f0: {  	[tilespmem:v1+s15+$0x0] =	vst.idx.add.f32.msk $0xffff, v19  }
0x1f1: {  	v18 =	vadd.s32 $0x2710, v6;
	[tilespmem:v17+s15+$0x0] =	vst.idx.add.f32.msk $0xffff, v0  }
0x1f2: {  	v19 =	vmul.f32 v14, v25;
	v20 =	vld.idx.msk [tilespmem:v20+s2+$0x0], $0xffff  }
0x1f3: {  	v0 =	vadd.s32 $0x2710, v30;
	v17 =	vmul.f32 v15, v22;
	v21 =	vld.idx.msk [tilespmem:v21+s2+$0x0], $0xffff  }
0x1f4: {  	v22 =	vadd.s32 $0x2710, v10;
	[tilespmem:v8+s15+$0x0] =	vst.idx.add.f32.msk $0xffff, v19  }
0x1f5: {  	v19 =	vadd.s32 $0x2710, v13;
	[tilespmem:v12+s15+$0x0] =	vst.idx.add.f32.msk $0xffff, v17;
	v17 =	vmul.f32 v16, v24  }
0x1f6: {  	v18 =	vld.idx.msk [tilespmem:v18+s2+$0x0], $0xffff  }
0x1f7: {  	[tilespmem:v9+s15+$0x0] =	vst.idx.add.f32.msk $0xffff, v17;
	v17 =	vadd.s32 $0x2710, v11  }
0x1f8: {  	v24 =	vadd.s32 $0x2710, v3;
	v0 =	vld.idx.msk [tilespmem:v0+s2+$0x0], $0xffff  }
0x1f9: {  	v22 =	vld.idx.msk [tilespmem:v22+s2+$0x0], $0xffff  }
0x1fa: {  	v56 =	vadd.s32 $0x2710, v4;
	v19 =	vld.idx.msk [tilespmem:v19+s2+$0x0], $0xffff  }
0x1fb: {  	v60 =	vld.idx.msk [tilespmem:v28+s17+$0x0], $0xffff;
	v18 =	vmul.f32 v29, v18  }
0x1fc: {  	v26 =	vadd.s32 $0x2710, v1;
	v17 =	vld.idx.msk [tilespmem:v17+s2+$0x0], $0xffff  }
0x1fd: {  	v0 =	vmul.f32 v35, v0;
	[tilespmem:v24+s15+$0x0] =	vst.idx.add.f32.msk $0xffff, v18  }
0x1fe: {  	v25 =	vadd.s32 $0x2710, v2;
	v24 =	vld.idx.msk [tilespmem:v37+s16+$0x0], $0xffff  }
0x1ff: {  	v18 =	vmul.f32 v27, v21;
	[tilespmem:v56+s15+$0x0] =	vst.idx.add.f32.msk $0xffff, v0  }
0x200: {  	v57 =	vadd.s32 $0x2710, v12;
	v56 =	vld [tilespmem:s29+$0xFFFFFFE0]  }
0x201: {  	v31 =	vadd.s32 $0x2710, v8;
	v0 =	vmul.f32 v34, v20;
	[tilespmem:v26+s15+$0x0] =	vst.idx.add.f32.msk $0xffff, v18  }
0x202: {  	v26 =	vld.idx.msk [tilespmem:v33+s17+$0x0], $0xffff  }
0x203: {  	[tilespmem:v25+s15+$0x0] =	vst.idx.add.f32.msk $0xffff, v0;
	v0 =	vmul.f32 v15, v19  }
0x204: {  	v47 =	vadd.s32 $0x4E20, v13;
	v17 =	vmul.f32 v14, v17;
	v25 =	vld [tilespmem:s31+$0xFFFFFFE0]  }
0x205: {  	v20 =	vadd.s32 $0x2710, v9;
	[tilespmem:v57+s15+$0x0] =	vst.idx.add.f32.msk $0xffff, v0  }
0x206: {  	v21 =	vadd.s32 $0x4E20, v30;
	[tilespmem:v31+s15+$0x0] =	vst.idx.add.f32.msk $0xffff, v17  }
0x207: {  	v18 =	vadd.s32 $0x4E20, v7;
	v17 =	vld [tilespmem:s29+$0xFFFFFFF0]  }
0x208: {  	v0 =	vmul.f32 v16, v22;
	v31 =	vld [tilespmem:s29+$0x10]  }
0x209: {  	v47 =	vld.idx.msk [tilespmem:v47+s2+$0x0], $0xffff  }
0x20a: {  	[tilespmem:v20+s15+$0x0] =	vst.idx.add.f32.msk $0xffff, v0  }
0x20b: {  	v0 =	vld.idx.msk [tilespmem:v21+s2+$0x0], $0xffff  }
0x20c: {  	v39 =	vld.idx.msk [tilespmem:v18+s2+$0x0], $0xffff  }
0x20d: {  	v19 =	vadd.s32 $0x4E20, v6;
	v21 =	vld [tilespmem:s31+$0xFFFFFFF0]  }
0x20e: {  	v18 =	vld [tilespmem:s29+$0x0]  }
0x20f: {  	v20 =	vld [tilespmem:s31+$0x20]  }
0x210: {  	v22 =	vadd.s32 $0x4E20, v5;
	v58 =	vadd.f32 v26, v24;
	v26 =	vld [tilespmem:s29+$0x20]  }
0x211: {  	v24 =	vld [tilespmem:s31+$0xFFFFFFC0]  }
0x212: {  	v36 =	vld.idx.msk [tilespmem:v19+s2+$0x0], $0xffff  }
0x213: {  	v19 =	vld [tilespmem:s31+$0x10]  }
0x214: {  	v42 =	vmul.f32 $2.000000030e-01, v58;
	v46 =	vld.idx.msk [tilespmem:v56+s17+$0x0], $0xffff  }
0x215: {  	v50 =	vadd.s32 $0x4E20, v4;
	v40 =	vld.idx.msk [tilespmem:v22+s2+$0x0], $0xffff  }
0x216: {  	v22 =	vld [tilespmem:s31+$0x0];
	v41 =	vmax.f32 v58, v42  }
0x217: {  	v54 =	vadd.s32 $0x4E20, v2;
	v45 =	vld.idx.msk [tilespmem:v25+s16+$0x0], $0xffff;
	v41 =	vsub.f32 v41, v61  }
0x218: {  	v0 =	vmul.f32 v35, v0;
	v49 =	vld.idx.msk [tilespmem:v17+s17+$0x0], $0xffff  }
0x219: {  	v57 =	vld.idx.msk [tilespmem:v31+s17+$0x0], $0xffff;
	v41 =	vmul.f32 $1.442695020e+00, v41  }
0x21a: {  	v39 =	vmul.f32 v34, v39;
	[tilespmem:v50+s15+$0x0] =	vst.idx.add.f32.msk $0xffff, v0  }
0x21b: {  	v62 =	vld.idx.msk [tilespmem:v24+s16+$0x0], $0xffff;
	(erf) = vpow2.f32 v41  }
0x21c: {  	[tilespmem:v54+s15+$0x0] =	vst.idx.add.f32.msk $0xffff, v39  }
0x21d: {  	v42 =	vadd.f32 v60, v59;
	v52 =	vld.idx.msk [tilespmem:v18+s17+$0x0], $0xffff  }
0x21e: {  	v53 =	vadd.s32 $0x4E20, v3;
	v4 =	vadd.s32 $0x7530, v4;
	v51 =	vld.idx.msk [tilespmem:v22+s16+$0x0], $0xffff  }
0x21f: {  	v2 =	vadd.s32 $0x7530, v2;
	v30 =	vadd.s32 $0x7530, v30;
	v0 =	vmul.f32 $2.000000030e-01, v42;
	v48 =	vld.idx.msk [tilespmem:v21+s16+$0x0], $0xffff  }
0x220: {  	v7 =	vadd.s32 $0x7530, v7;
	v36 =	vmul.f32 v29, v36;
	v50 =	vld.idx.msk [tilespmem:v20+s16+$0x0], $0xffff;
	v41 =	vadd.f32 v43, v62  }
0x221: {  	v6 =	vadd.s32 $0x7530, v6;
	v63 =	vadd.f32 v46, v45;
	v45 =	vld.idx.msk [tilespmem:v19+s16+$0x0], $0xffff;
	v0 =	vmax.f32 v42, v0  }
0x222: {  	v60 =	vld.idx.msk [tilespmem:v26+s17+$0x0], $0xffff;
	v40 =	vmul.f32 v27, v40;
	v0 =	vsub.f32 v0, v61;
	v59 =	vmul.f32 $2.000000030e-01, v41  }
0x223: {  	[tilespmem:v53+s15+$0x0] =	vst.idx.add.f32.msk $0xffff, v36;
	v42 =	vadd.s32 $0x4E20, v12;
	v46 =	vadd.s32 $0x4E20, v10;
	v51 =	vadd.f32 v52, v51  }
0x224: {  	v30 =	vld.idx.msk [tilespmem:v30+s2+$0x0], $0xffff;
	v58 =	vmul.f32 $2.000000030e-01, v63;
	v0 =	vmul.f32 $1.442695020e+00, v0;
	v41 =	vmax.f32 v41, v59;
	v36 =	vpop (erf)  }
0x225: {  	v48 =	vadd.f32 v49, v48;
	v62 =	vmul.f32 $2.000000030e-01, v51;
	v41 =	vsub.f32 v41, v61;
	[tilespmem:v33+s18+$0x0] =	vst.idx.add.f32.msk $0xffff, v36  }
0x226: {  	v43 =	vadd.s32 $0x4E20, v1;
	v44 =	vmax.f32 v63, v58;
	v45 =	vadd.f32 v57, v45;
	v57 =	vld.idx.msk [tilespmem:v37+s2+$0x0], $0xffff  }
0x227: {  	v7 =	vld.idx.msk [tilespmem:v7+s2+$0x0], $0xffff;
	v63 =	vadd.s32 $0x4E20, v11;
	v51 =	vmax.f32 v51, v62;
	v62 =	vmul.f32 $1.442695020e+00, v41  }
0x228: {  	v54 =	vadd.s32 $0x2710, v37;
	v6 =	vld.idx.msk [tilespmem:v6+s2+$0x0], $0xffff;
	v58 =	vmul.f32 v15, v47;
	v55 =	vmul.f32 $2.000000030e-01, v48  }
0x229: {  	v30 =	vmul.f32 v30, v35;
	v53 =	vld.idx.msk [tilespmem:v46+s2+$0x0], $0xffff;
	v44 =	vsub.f32 v44, v61;
	(erf) = vpow2.f32 v62  }
0x22a: {  	[tilespmem:v42+s15+$0x0] =	vst.idx.add.f32.msk $0xffff, v58;
	v48 =	vmax.f32 v48, v55;
	(erf) = vpow2.f32 v0;
	v0 =	vadd.s32 $0x7530, v5  }
0x22b: {  	v58 =	vadd.s32 $0x4E20, v9;
	[tilespmem:v43+s15+$0x0] =	vst.idx.add.f32.msk $0xffff, v40;
	v5 =	vsub.f32 v48, v61;
	v55 =	vmul.f32 v36, v57  }
0x22c: {  	v44 =	vmul.f32 $1.442695020e+00, v44;
	v59 =	vadd.f32 v60, v50;
	v60 =	vmul.f32 $2.000000030e-01, v45;
	v63 =	vld.idx.msk [tilespmem:v63+s2+$0x0], $0xffff  }
0x22d: {  	v3 =	vadd.s32 $0x7530, v3;
	v6 =	vmul.f32 v6, v29;
	v5 =	vmul.f32 $1.442695020e+00, v5;
	[tilespmem:v33+s15+$0x0] =	vst.idx.add.f32.msk $0xffff, v55  }
0x22e: {  	v49 =	vmax.f32 v45, v60;
	v50 =	vmul.f32 $2.000000030e-01, v59;
	(erf) = vpow2.f32 v44;
	v39 =	vld.idx.msk [tilespmem:v54+s2+$0x0], $0xffff  }
0x22f: {  	v57 =	vadd.s32 $0x4E20, v8;
	(erf) = vpow2.f32 v5;
	v5 =	vmul.f32 v16, v53;
	v0 =	vld.idx.msk [tilespmem:v0+s2+$0x0], $0xffff  }
0x230: {  	[tilespmem:v4+s15+$0x0] =	vst.idx.add.f32.msk $0xffff, v30;
	v40 =	vmax.f32 v59, v50;
	v59 =	vsub.f32 v51, v61;
	v62 =	vadd.s32 $0x2710, v33  }
0x231: {  	v1 =	vadd.s32 $0x7530, v1;
	v4 =	vmul.f32 v7, v34;
	[tilespmem:v58+s15+$0x0] =	vst.idx.add.f32.msk $0xffff, v5;
	v5 =	vsub.f32 v49, v61  }
0x232: {  	[tilespmem:v3+s15+$0x0] =	vst.idx.add.f32.msk $0xffff, v6;
	v41 =	vmul.f32 v14, v63;
	v60 =	vmul.f32 $1.442695020e+00, v59;
	v63 =	vadd.s32 $0x4E20, v37  }
0x233: {  	[tilespmem:v2+s15+$0x0] =	vst.idx.add.f32.msk $0xffff, v4;
	v7 =	vsub.f32 v40, v61;
	v3 =	vmul.f32 $1.442695020e+00, v5;
	v5 =	vmul.f32 v36, v39  }
0x234: {  	[tilespmem:v57+s15+$0x0] =	vst.idx.add.f32.msk $0xffff, v41;
	v0 =	vmul.f32 v0, v27  }
0x235: {  	v6 =	vmul.f32 $1.442695020e+00, v7;
	(erf) = vpow2.f32 v60;
	[tilespmem:v62+s15+$0x0] =	vst.idx.add.f32.msk $0xffff, v5  }
0x236: {  	(erf) = vpow2.f32 v3;
	[tilespmem:v1+s15+$0x0] =	vst.idx.add.f32.msk $0xffff, v0  }
0x237: {  	(erf) = vpow2.f32 v6;
	v3 =	vpop (erf);
	v6 =	vld.idx.msk [tilespmem:v63+s2+$0x0], $0xffff  }
0x238: {  	[tilespmem:v38+s18+$0x0] =	vst.idx.add.f32.msk $0xffff, v3;
	v4 =	vpop (erf)  }
0x239: {  	[tilespmem:v28+s18+$0x0] =	vst.idx.add.f32.msk $0xffff, v4  }
0x23a: {  	v0 =	vadd.s32 $0x4E20, v33;
	v5 =	vpop (erf);
	v41 =	vld.idx.msk [tilespmem:v24+s2+$0x0], $0xffff  }
0x23b: {  	v7 =	vadd.s32 $0x7530, v37;
	[tilespmem:v56+s18+$0x0] =	vst.idx.add.f32.msk $0xffff, v5  }
0x23c: {  	v1 =	vpop (erf);
	v42 =	vld.idx.msk [tilespmem:v32+s2+$0x0], $0xffff  }
0x23d: {  	[tilespmem:v17+s18+$0x0] =	vst.idx.add.f32.msk $0xffff, v1;
	v6 =	vmul.f32 v36, v6  }
0x23e: {  	v43 =	vld.idx.msk [tilespmem:v25+s2+$0x0], $0xffff  }
0x23f: {  	[tilespmem:v0+s15+$0x0] =	vst.idx.add.f32.msk $0xffff, v6  }
0x240: {  	v2 =	vpop (erf);
	v0 =	vld.idx.msk [tilespmem:v7+s2+$0x0], $0xffff  }
0x241: {  	[tilespmem:v18+s18+$0x0] =	vst.idx.add.f32.msk $0xffff, v2;
	v45 =	vmul.f32 v4, v42  }
0x242: {  	v27 =	vadd.s32 $0x7530, v33;
	v44 =	vld.idx.msk [tilespmem:v21+s2+$0x0], $0xffff  }
0x243: {  	v33 =	vmul.f32 v5, v43;
	v6 =	vpop (erf);
	[tilespmem:v28+s15+$0x0] =	vst.idx.add.f32.msk $0xffff, v45  }
0x244: {  	[tilespmem:v31+s18+$0x0] =	vst.idx.add.f32.msk $0xffff, v6  }
0x245: {  	v7 =	vpop (erf);
	[tilespmem:v56+s15+$0x0] =	vst.idx.add.f32.msk $0xffff, v33;
	v0 =	vmul.f32 v0, v36  }
0x246: {  	[tilespmem:v26+s18+$0x0] =	vst.idx.add.f32.msk $0xffff, v7  }
0x247: {  	[tilespmem:v27+s15+$0x0] =	vst.idx.add.f32.msk $0xffff, v0  }
0x248: {  	v0 =	vadd.s32 $0x7530, v13;
	v27 =	vld.idx.msk [tilespmem:v22+s2+$0x0], $0xffff  }
0x249: {  	v51 =	vadd.s32 $0x2710, v21;
	v46 =	vld.idx.msk [tilespmem:v19+s2+$0x0], $0xffff;
	v13 =	vmul.f32 v3, v41  }
0x24a: {  	v34 =	vmul.f32 v1, v44;
	v47 =	vld.idx.msk [tilespmem:v20+s2+$0x0], $0xffff  }
0x24b: {  	[tilespmem:v38+s15+$0x0] =	vst.idx.add.f32.msk $0xffff, v13;
	v13 =	vadd.s32 $0x2710, v24  }
0x24c: {  	[tilespmem:v17+s15+$0x0] =	vst.idx.add.f32.msk $0xffff, v34  }
0x24d: {  	v48 =	vadd.s32 $0x2710, v32;
	v0 =	vld.idx.msk [tilespmem:v0+s2+$0x0], $0xffff;
	v27 =	vmul.f32 v2, v27  }
0x24e: {  	v54 =	vld.idx.msk [tilespmem:v51+s2+$0x0], $0xffff  }
0x24f: {  	v12 =	vadd.s32 $0x7530, v12;
	[tilespmem:v18+s15+$0x0] =	vst.idx.add.f32.msk $0xffff, v27;
	v27 =	vmul.f32 v7, v47  }
0x250: {  	v49 =	vadd.s32 $0x2710, v25;
	v13 =	vld.idx.msk [tilespmem:v13+s2+$0x0], $0xffff  }
0x251: {  	v52 =	vadd.s32 $0x2710, v19;
	v30 =	vmul.f32 v6, v46;
	[tilespmem:v26+s15+$0x0] =	vst.idx.add.f32.msk $0xffff, v27  }
0x252: {  	v50 =	vadd.s32 $0x2710, v38;
	v27 =	vld.idx.msk [tilespmem:v48+s2+$0x0], $0xffff;
	v0 =	vmul.f32 v0, v15  }
0x253: {  	[tilespmem:v31+s15+$0x0] =	vst.idx.add.f32.msk $0xffff, v30;
	v15 =	vadd.s32 $0x2710, v22  }
0x254: {  	[tilespmem:v12+s15+$0x0] =	vst.idx.add.f32.msk $0xffff, v0;
	v0 =	vadd.s32 $0x2710, v28  }
0x255: {  	v53 =	vadd.s32 $0x2710, v20;
	v13 =	vmul.f32 v3, v13;
	v12 =	vld.idx.msk [tilespmem:v49+s2+$0x0], $0xffff  }
0x256: {  	v11 =	vadd.s32 $0x7530, v11;
	v33 =	vld.idx.msk [tilespmem:v52+s2+$0x0], $0xffff  }
0x257: {  	[tilespmem:v50+s15+$0x0] =	vst.idx.add.f32.msk $0xffff, v13;
	v13 =	vadd.s32 $0x2710, v56;
	v27 =	vmul.f32 v4, v27  }
0x258: {  	v10 =	vadd.s32 $0x7530, v10;
	v15 =	vld.idx.msk [tilespmem:v15+s2+$0x0], $0xffff  }
0x259: {  	v55 =	vadd.s32 $0x2710, v17;
	[tilespmem:v0+s15+$0x0] =	vst.idx.add.f32.msk $0xffff, v27  }
0x25a: {  	v12 =	vmul.f32 v5, v12;
	v0 =	vadd.s32 $0x2710, v18;
	v27 =	vld.idx.msk [tilespmem:v53+s2+$0x0], $0xffff  }
0x25b: {  	v57 =	vadd.s32 $0x2710, v31;
	v11 =	vld.idx.msk [tilespmem:v11+s2+$0x0], $0xffff  }
0x25c: {  	v29 =	vmul.f32 v1, v54;
	[tilespmem:v13+s15+$0x0] =	vst.idx.add.f32.msk $0xffff, v12;
	v12 =	vadd.s32 $0x2710, v26  }
0x25d: {  	v30 =	vld.idx.msk [tilespmem:v10+s2+$0x0], $0xffff;
	v13 =	vadd.s32 $0x4E20, v24;
	v15 =	vmul.f32 v2, v15  }
0x25e: {  	v58 =	vadd.s32 $0x4E20, v32;
	[tilespmem:v55+s15+$0x0] =	vst.idx.add.f32.msk $0xffff, v29;
	v59 =	vmul.f32 v6, v33  }
0x25f: {  	v60 =	vadd.s32 $0x4E20, v25;
	[tilespmem:v0+s15+$0x0] =	vst.idx.add.f32.msk $0xffff, v15;
	v0 =	vmul.f32 v7, v27  }
0x260: {  	v62 =	vadd.s32 $0x4E20, v22;
	[tilespmem:v57+s15+$0x0] =	vst.idx.add.f32.msk $0xffff, v59  }
0x261: {  	v15 =	vadd.s32 $0x4E20, v21;
	[tilespmem:v12+s15+$0x0] =	vst.idx.add.f32.msk $0xffff, v0  }
0x262: {  	v0 =	vadd.s32 $0x7530, v8;
	v8 =	vld.idx.msk [tilespmem:v13+s2+$0x0], $0xffff  }
0x263: {  	v29 =	vld.idx.msk [tilespmem:v58+s2+$0x0], $0xffff;
	v27 =	vadd.s32 $0x4E20, v19  }
0x264: {  	v48 =	vadd.s32 $0x4E20, v38;
	v33 =	vld.idx.msk [tilespmem:v60+s2+$0x0], $0xffff  }
0x265: {  	v63 =	vadd.s32 $0x4E20, v20;
	v14 =	vmul.f32 v11, v14;
	v52 =	vadd.s32 $0x7530, v25;
	v51 =	vld.idx.msk [tilespmem:v62+s2+$0x0], $0xffff  }
0x266: {  	v50 =	vadd.s32 $0x4E20, v28;
	v49 =	vld.idx.msk [tilespmem:v15+s2+$0x0], $0xffff;
	[tilespmem:$0x1FDA0] =	vst v52  }
0x267: {  	v40 =	vadd.s32 $0x7530, v9;
	v59 =	vadd.s32 $0x7530, v22;
	[tilespmem:v0+s15+$0x0] =	vst.idx.add.f32.msk $0xffff, v14;
	v8 =	vmul.f32 v3, v8  }
0x268: {  	v53 =	vadd.s32 $0x4E20, v56;
	v15 =	vadd.s32 $0x7530, v56;
	v56 =	vadd.s32 $0x7530, v21;
	v27 =	vld.idx.msk [tilespmem:v27+s2+$0x0], $0xffff;
	[tilespmem:$0x1FDB0] =	vst v59  }
0x269: {  	v21 =	vmul.f32 v4, v29;
	v0 =	vadd.s32 $0x4E20, v17;
	[tilespmem:v48+s15+$0x0] =	vst.idx.add.f32.msk $0xffff, v8;
	v8 =	vadd.s32 $0x4E20, v31  }
0x26a: {  	v44 =	vadd.s32 $0x7530, v28;
	v20 =	vadd.s32 $0x7530, v20;
	v60 =	vadd.s32 $0x4E20, v18;
	v62 =	vld.idx.msk [tilespmem:v63+s2+$0x0], $0xffff;
	[tilespmem:$0x1FDC0] =	vst v8  }
0x26b: {  	v41 =	vadd.s32 $0x7530, v38;
	v63 =	vadd.s32 $0x4E20, v26;
	v8 =	vmul.f32 v5, v33;
	[tilespmem:v50+s15+$0x0] =	vst.idx.add.f32.msk $0xffff, v21  }
0x26c: {  	v54 =	vadd.s32 $0x7530, v32;
	v21 =	vmul.f32 v30, v16;
	v16 =	vmul.f32 v1, v49;
	[tilespmem:$0x1FDD0] =	vst v63  }
0x26d: {  	v32 =	vadd.s32 $0x7530, v26;
	v25 =	vadd.s32 $0x7530, v24;
	[tilespmem:v53+s15+$0x0] =	vst.idx.add.f32.msk $0xffff, v8;
	v8 =	vmul.f32 v2, v51  }
0x26e: {  	v22 =	vadd.s32 $0x7530, v19;
	v19 =	vadd.s32 $0x7530, v17;
	v17 =	vadd.s32 $0x7530, v18;
	[tilespmem:v0+s15+$0x0] =	vst.idx.add.f32.msk $0xffff, v16  }
0x26f: {  	s30 =	simm.s32 $0x8;
	s0 =	simm.s32 $0x1CA40;
	v34 =	vmul.f32 v6, v27;
	v16 =	vadd.s32 $0x7530, v31;
	v35 =	vmul.f32 v7, v62;
	[tilespmem:v60+s15+$0x0] =	vst.idx.add.f32.msk $0xffff, v8  }
.LBB2_5:
0x270: {  	s29 =	sadd.s32 $0x80, s29  }
0x271: {  	v42 =	vld [tilespmem:s29+$0xFFFFFFC0]  }
0x272: {  	v45 =	vld [tilespmem:s29+$0xFFFFFFD0];
	_ =	sdelay $0x2  }
0x273: {  	v57 =	vld [tilespmem:s0+$0xFFFFFFD0]  }
0x274: {  	v53 =	vld [tilespmem:s0+$0xFFFFFFE0];
	v0 =	vadd.s32 $0x2710, v42  }
0x275: {  	v47 =	vld [tilespmem:s29+$0x30];
	v8 =	vadd.s32 $0x2710, v45;
	[tilespmem:$0x1FC50] =	vst v0  }
0x276: {  	v55 =	vld [tilespmem:s0+$0x30];
	v0 =	vadd.s32 $0x4E20, v42;
	[tilespmem:$0x1FC60] =	vst v8  }
0x277: {  	v43 =	vld [tilespmem:s29+$0xFFFFFFE0];
	v8 =	vadd.s32 $0x4E20, v45;
	[tilespmem:$0x1FD50] =	vst v0  }
0x278: {  	v59 =	vld [tilespmem:s0+$0xFFFFFFF0];
	v0 =	vadd.s32 $0x2710, v57;
	[tilespmem:$0x1FD60] =	vst v8  }
0x279: {  	v26 =	vld [tilespmem:s0+$0x10];
	v8 =	vadd.s32 $0x7530, v45;
	[tilespmem:$0x1FBD0] =	vst v0  }
0x27a: {  	v27 =	vld [tilespmem:s0+$0x20];
	[tilespmem:$0x1FBC0] =	vst v8;
	v8 =	vadd.s32 $0x2710, v53  }
0x27b: {  	v51 =	vld [tilespmem:s29+$0xFFFFFFF0];
	[tilespmem:$0x1FBE0] =	vst v8;
	v8 =	vadd.s32 $0x4E20, v53  }
0x27c: {  	v58 =	vld [tilespmem:s29+$0x0];
	[tilespmem:$0x1FCE0] =	vst v8;
	v8 =	vadd.s32 $0x2710, v43  }
0x27d: {  	v28 =	vld.idx.msk [tilespmem:v47+s17+$0x0], $0xffff;
	[tilespmem:$0x1FC70] =	vst v8;
	v8 =	vadd.s32 $0x4E20, v43  }
0x27e: {  	v0 =	vadd.s32 $0x4E20, v57;
	[tilespmem:$0x1FD70] =	vst v8;
	v8 =	vld [tilespmem:s0+$0x0]  }
0x27f: {  	[tilespmem:$0x1FCD0] =	vst v0;
	v0 =	vld.idx.msk [tilespmem:v55+s16+$0x0], $0xffff  }
0x280: {  	[tilespmem:$0x1FD30] =	vst v16;
	v16 =	vmov v41;
	v46 =	vadd.s32 $0x2710, v26;
	v41 =	vld.idx.msk [tilespmem:v57+s16+$0x0], $0xffff  }
0x281: {  	[tilespmem:$0x1FC10] =	vst v46;
	v46 =	vld.idx.msk [tilespmem:v45+s17+$0x0], $0xffff  }
0x282: {  	v31 =	vld [tilespmem:s0+$0xFFFFFFC0];
	v62 =	vadd.s32 $0x2710, v51  }
0x283: {  	v48 =	vadd.s32 $0x4E20, v26;
	[tilespmem:$0x1FC80] =	vst v62;
	v62 =	vld [tilespmem:s29+$0x20]  }
0x284: {  	[tilespmem:$0x1FD10] =	vst v48;
	v48 =	vld.idx.msk [tilespmem:v53+s16+$0x0], $0xffff;
	v28 =	vadd.f32 v28, v0  }
0x285: {  	v30 =	vadd.s32 $0x2710, v58;
	v11 =	vld.idx.msk [tilespmem:v58+s17+$0x0], $0xffff  }
0x286: {  	v52 =	vadd.s32 $0x4E20, v27;
	[tilespmem:$0x1FC90] =	vst v30;
	v41 =	vadd.f32 v46, v41;
	v30 =	vmul.f32 $2.000000030e-01, v28;
	v46 =	vld.idx.msk [tilespmem:v8+s16+$0x0], $0xffff  }
0x287: {  	v60 =	vadd.s32 $0x4E20, v59;
	[tilespmem:$0x1FD20] =	vst v52;
	v52 =	vld.idx.msk [tilespmem:v43+s17+$0x0], $0xffff  }
0x288: {  	[tilespmem:$0x1FCF0] =	vst v60;
	v60 =	vld [tilespmem:s29+$0x10];
	v38 =	vadd.s32 $0x4E20, v58;
	v28 =	vmax.f32 v28, v30  }
0x289: {  	v9 =	vadd.s32 $0x2710, v59;
	[tilespmem:$0x1FD90] =	vst v38;
	v38 =	vld.idx.msk [tilespmem:v42+s17+$0x0], $0xffff;
	v30 =	vsub.f32 v28, v61  }
0x28a: {  	[tilespmem:$0x1FBF0] =	vst v9;
	v9 =	vld.idx.msk [tilespmem:v51+s17+$0x0], $0xffff  }
0x28b: {  	v18 =	vmovc v54;
	v61 =	vadd.s32 $0x2710, v62;
	v54 =	vmul.f32 $1.442695020e+00, v30;
	v11 =	vadd.f32 v11, v46;
	v46 =	vld [tilespmem:$0x1FDD0]  }
0x28c: {  	v48 =	vadd.f32 v52, v48;
	[tilespmem:$0x1FCB0] =	vst v61;
	v61 =	vld.idx.msk [tilespmem:v59+s16+$0x0], $0xffff  }
0x28d: {  	v30 =	vadd.s32 $0x7530, v58;
	(erf) = vpow2.f32 v54;
	v54 =	vld.idx.msk [tilespmem:v31+s16+$0x0], $0xffff  }
0x28e: {  	v12 =	vmul.f32 $2.000000030e-01, v41;
	[tilespmem:$0x1FC40] =	vst v30;
	v30 =	vmul.f32 $2.000000030e-01, v48  }
0x28f: {  	v52 =	vld.idx.msk [tilespmem:v26+s16+$0x0], $0xffff  }
0x290: {  	v12 =	vmax.f32 v41, v12;
	v41 =	vmax.f32 v48, v30;
	v30 =	vld [tilespmem:$0x1FDC0]  }
0x291: {  	v49 =	vadd.s32 $0x2710, v60;
	v9 =	vadd.f32 v9, v61;
	v61 =	vld.idx.msk [tilespmem:v27+s16+$0x0], $0xffff  }
0x292: {  	[tilespmem:$0x1FCA0] =	vst v49;
	v49 =	vadd.s32 $0x4E20, v62;
	v38 =	vadd.f32 v38, v54;
	v54 =	vld.idx.msk [tilespmem:v62+s17+$0x0], $0xffff  }
0x293: {  	[tilespmem:v46+s15+$0x0] =	vst.idx.add.f32.msk $0xffff, v35;
	v46 =	vmov v49;
	v49 =	vmul.f32 $2.000000030e-01, v11  }
0x294: {  	v13 =	vld.idx.msk [tilespmem:v60+s17+$0x0], $0xffff  }
0x295: {  	v24 =	vmov v20;
	v20 =	vmov v56;
	v11 =	vmax.f32 v11, v49;
	v49 =	vld.idx.msk [tilespmem:v18+s2+$0x0], $0xffff  }
0x296: {  	v18 =	vld [tilespmem:$0x1FDA0];
	_ =	sdelay $0x3  }
0x297: {  	v14 =	vmovc v19;
	v19 =	vmov v44;
	v44 =	vadd.s32 $0x4E20, v60;
	v13 =	vadd.f32 v13, v52;
	v52 =	vld.idx.msk [tilespmem:v20+s2+$0x0], $0xffff  }
0x298: {  	v0 =	vadd.s32 $0x2710, v8;
	v48 =	vmul.f32 $2.000000030e-01, v9;
	[tilespmem:v30+s15+$0x0] =	vst.idx.add.f32.msk $0xffff, v34;
	v34 =	vmovc v44;
	v44 =	vmul.f32 $2.000000030e-01, v38  }
0x299: {  	v36 =	vadd.s32 $0x7530, v57;
	[tilespmem:$0x1FC00] =	vst v0  }
0x29a: {  	v39 =	vadd.s32 $0x7530, v53;
	v9 =	vmax.f32 v9, v48;
	[tilespmem:$0x1FDD0] =	vst v46;
	v48 =	vmax.f32 v38, v44;
	v46 =	vld.idx.msk [tilespmem:v25+s2+$0x0], $0xffff  }
0x29b: {  	v35 =	vsub.f32 v48, v23;
	v48 =	vadd.f32 v54, v61;
	v54 =	vmovc v36;
	v36 =	vld.idx.msk [tilespmem:v18+s2+$0x0], $0xffff;
	v18 =	vmov v39  }
0x29c: {  	v50 =	vadd.s32 $0x2710, v27;
	v0 =	vadd.s32 $0x4E20, v8;
	[tilespmem:$0x1FDA0] =	vst v18;
	v18 =	vld [tilespmem:$0x1FDB0]  }
0x29d: {  	[tilespmem:$0x1FC20] =	vst v50;
	v12 =	vsub.f32 v12, v23;
	v1 =	vmul.f32 v52, v1;
	v41 =	vsub.f32 v41, v23  }
0x29e: {  	[tilespmem:$0x1FD00] =	vst v0;
	v0 =	vadd.s32 $0x7530, v8  }
0x29f: {  	v12 =	vmul.f32 $1.442695020e+00, v12;
	[tilespmem:v14+s15+$0x0] =	vst.idx.add.f32.msk $0xffff, v1;
	v41 =	vmul.f32 $1.442695020e+00, v41;
	v9 =	vsub.f32 v9, v23  }
0x2a0: {  	v14 =	vld [tilespmem:$0x1FC20];
	v30 =	vmul.f32 $2.000000030e-01, v13;
	[tilespmem:$0x1FDC0] =	vst v34;
	v34 =	vpop (erf);
	v35 =	vmul.f32 $1.442695020e+00, v35  }
0x2a1: {  	v9 =	vmul.f32 $1.442695020e+00, v9;
	[tilespmem:v47+s18+$0x0] =	vst.idx.add.f32.msk $0xffff, v34;
	v11 =	vsub.f32 v11, v23;
	v3 =	vmul.f32 v46, v3  }
0x2a2: {  	v13 =	vmax.f32 v13, v30;
	v44 =	vld.idx.msk [tilespmem:v55+s2+$0x0], $0xffff;
	v30 =	vmul.f32 $2.000000030e-01, v48;
	(erf) = vpow2.f32 v35  }
0x2a3: {  	v13 =	vsub.f32 v13, v23;
	v11 =	vmul.f32 $1.442695020e+00, v11;
	(erf) = vpow2.f32 v12;
	[tilespmem:v16+s15+$0x0] =	vst.idx.add.f32.msk $0xffff, v3  }
0x2a4: {  	(erf) = vpow2.f32 v41;
	v3 =	vmul.f32 v49, v4;
	v35 =	vld.idx.msk [tilespmem:v18+s2+$0x0], $0xffff;
	v18 =	vmovc v0;
	v0 =	vmax.f32 v48, v30  }
0x2a5: {  	v46 =	vld [tilespmem:$0x1FBE0];
	(erf) = vpow2.f32 v9;
	v39 =	vadd.s32 $0x2710, v55;
	v0 =	vsub.f32 v0, v23  }
0x2a6: {  	[tilespmem:$0x1FC30] =	vst v17;
	v17 =	vmov v15;
	v13 =	vmul.f32 $1.442695020e+00, v13;
	v12 =	vld.idx.msk [tilespmem:v22+s2+$0x0], $0xffff;
	(erf) = vpow2.f32 v11  }
0x2a7: {  	[tilespmem:v19+s15+$0x0] =	vst.idx.add.f32.msk $0xffff, v3;
	v30 =	vmul.f32 v34, v44;
	v0 =	vmul.f32 $1.442695020e+00, v0  }
0x2a8: {  	(erf) = vpow2.f32 v13;
	v44 =	vld.idx.msk [tilespmem:v24+s2+$0x0], $0xffff  }
0x2a9: {  	[tilespmem:v47+s15+$0x0] =	vst.idx.add.f32.msk $0xffff, v30;
	(erf) = vpow2.f32 v0;
	v0 =	vmul.f32 v36, v5  }
0x2aa: {  	v48 =	vld.idx.msk [tilespmem:v39+s2+$0x0], $0xffff  }
0x2ab: {  	[tilespmem:v17+s15+$0x0] =	vst.idx.add.f32.msk $0xffff, v0  }
0x2ac: {  	v15 =	vmov v40;
	v3 =	vpop (erf);
	v0 =	vld [tilespmem:$0x1FBC0]  }
0x2ad: {  	v33 =	vadd.s32 $0x7530, v42;
	v50 =	vadd.s32 $0x7530, v27;
	[tilespmem:v42+s18+$0x0] =	vst.idx.add.f32.msk $0xffff, v3  }
0x2ae: {  	v20 =	vmovc v50;
	v50 =	vadd.s32 $0x2710, v47;
	v41 =	vmov v33;
	v33 =	vmul.f32 v12, v6;
	v12 =	vld.idx.msk [tilespmem:v31+s2+$0x0], $0xffff  }
0x2af: {  	v49 =	vld [tilespmem:$0x1FC50];
	v4 =	vpop (erf);
	v52 =	vmul.f32 v35, v2;
	v2 =	vadd.s32 $0x4E20, v55  }
0x2b0: {  	[tilespmem:v45+s18+$0x0] =	vst.idx.add.f32.msk $0xffff, v4  }
0x2b1: {  	[tilespmem:v15+s15+$0x0] =	vst.idx.add.f32.msk $0xffff, v21;
	v21 =	vmul.f32 v44, v7;
	v44 =	vmov v0;
	v0 =	vmul.f32 v34, v48  }
0x2b2: {  	v13 =	vld.idx.msk [tilespmem:v57+s2+$0x0], $0xffff  }
0x2b3: {  	v12 =	vmul.f32 v3, v12;
	[tilespmem:v50+s15+$0x0] =	vst.idx.add.f32.msk $0xffff, v0  }
0x2b4: {  	v0 =	vld.idx.msk [tilespmem:v2+s2+$0x0], $0xffff  }
0x2b5: {  	[tilespmem:v42+s15+$0x0] =	vst.idx.add.f32.msk $0xffff, v12  }
0x2b6: {  	v39 =	vadd.s32 $0x7530, v47;
	v35 =	vadd.s32 $0x4E20, v47;
	v47 =	vld [tilespmem:$0x1FBF0]  }
0x2b7: {  	v13 =	vmul.f32 v4, v13;
	v5 =	vpop (erf);
	v36 =	vadd.s32 $0x7530, v55;
	v12 =	vld [tilespmem:$0x1FC00]  }
0x2b8: {  	v55 =	vld [tilespmem:$0x1FCA0];
	v1 =	vpop (erf)  }
0x2b9: {  	[tilespmem:v45+s15+$0x0] =	vst.idx.add.f32.msk $0xffff, v13;
	v2 =	vpop (erf);
	v0 =	vmul.f32 v34, v0  }
0x2ba: {  	[tilespmem:v58+s18+$0x0] =	vst.idx.add.f32.msk $0xffff, v2  }
0x2bb: {  	[tilespmem:v35+s15+$0x0] =	vst.idx.add.f32.msk $0xffff, v0  }
0x2bc: {  	v6 =	vpop (erf);
	v0 =	vld.idx.msk [tilespmem:v36+s2+$0x0], $0xffff  }
0x2bd: {  	[tilespmem:v60+s18+$0x0] =	vst.idx.add.f32.msk $0xffff, v6  }
0x2be: {  	v8 =	vld.idx.msk [tilespmem:v8+s2+$0x0], $0xffff  }
0x2bf: {  	v40 =	vadd.s32 $0x7530, v26;
	v7 =	vpop (erf);
	v26 =	vld.idx.msk [tilespmem:v26+s2+$0x0], $0xffff  }
0x2c0: {  	[tilespmem:v62+s18+$0x0] =	vst.idx.add.f32.msk $0xffff, v7  }
0x2c1: {  	v27 =	vld.idx.msk [tilespmem:v27+s2+$0x0], $0xffff;
	v0 =	vmul.f32 v0, v34  }
0x2c2: {  	[tilespmem:v51+s18+$0x0] =	vst.idx.add.f32.msk $0xffff, v1  }
0x2c3: {  	[tilespmem:v39+s15+$0x0] =	vst.idx.add.f32.msk $0xffff, v0;
	v0 =	vmul.f32 v2, v8  }
0x2c4: {  	v38 =	vld.idx.msk [tilespmem:v59+s2+$0x0], $0xffff;
	v8 =	vmul.f32 v6, v26  }
0x2c5: {  	[tilespmem:v58+s15+$0x0] =	vst.idx.add.f32.msk $0xffff, v0  }
0x2c6: {  	v0 =	vmul.f32 v7, v27;
	[tilespmem:v60+s15+$0x0] =	vst.idx.add.f32.msk $0xffff, v8  }
0x2c7: {  	v8 =	vld [tilespmem:$0x1FBD0]  }
0x2c8: {  	[tilespmem:v62+s15+$0x0] =	vst.idx.add.f32.msk $0xffff, v0  }
0x2c9: {  	v26 =	vld.idx.msk [tilespmem:v14+s2+$0x0], $0xffff  }
0x2ca: {  	v56 =	vadd.s32 $0x7530, v31;
	v10 =	vadd.s32 $0x7530, v60;
	v14 =	vld [tilespmem:$0x1FC30]  }
0x2cb: {  	[tilespmem:$0x1FD40] =	vst v10;
	v13 =	vld [tilespmem:$0x1FC10]  }
0x2cc: {  	v37 =	vadd.s32 $0x7530, v59;
	v10 =	vadd.s32 $0x7530, v62;
	v25 =	vmov v56;
	[tilespmem:v43+s18+$0x0] =	vst.idx.add.f32.msk $0xffff, v5  }
0x2cd: {  	v56 =	vmovc v37;
	v22 =	vmovc v40;
	v40 =	vmov v32;
	v32 =	vmov v10;
	v37 =	vld.idx.msk [tilespmem:v53+s2+$0x0], $0xffff;
	v10 =	vmul.f32 v1, v38  }
0x2ce: {  	v50 =	vld [tilespmem:$0x1FC60]  }
0x2cf: {  	[tilespmem:v51+s15+$0x0] =	vst.idx.add.f32.msk $0xffff, v10  }
0x2d0: {  	v12 =	vld.idx.msk [tilespmem:v12+s2+$0x0], $0xffff  }
0x2d1: {  	v8 =	vld.idx.msk [tilespmem:v8+s2+$0x0], $0xffff  }
0x2d2: {  	[tilespmem:v14+s15+$0x0] =	vst.idx.add.f32.msk $0xffff, v52  }
0x2d3: {  	v63 =	vadd.s32 $0x4E20, v51;
	v28 =	vadd.s32 $0x2710, v31;
	v52 =	vld [tilespmem:$0x1FC80]  }
0x2d4: {  	[tilespmem:$0x1FD80] =	vst v63;
	v63 =	vadd.s32 $0x4E20, v31;
	v10 =	vld.idx.msk [tilespmem:v47+s2+$0x0], $0xffff  }
0x2d5: {  	[tilespmem:$0x1FCC0] =	vst v63;
	v63 =	vadd.s32 $0x7530, v51;
	v9 =	vmul.f32 v5, v37;
	v51 =	vld [tilespmem:$0x1FC70]  }
0x2d6: {  	v13 =	vld.idx.msk [tilespmem:v13+s2+$0x0], $0xffff  }
0x2d7: {  	[tilespmem:v43+s15+$0x0] =	vst.idx.add.f32.msk $0xffff, v9;
	v8 =	vmul.f32 v4, v8  }
0x2d8: {  	v0 =	vld.idx.msk [tilespmem:v28+s2+$0x0], $0xffff  }
0x2d9: {  	[tilespmem:v50+s15+$0x0] =	vst.idx.add.f32.msk $0xffff, v8;
	v8 =	vmul.f32 v1, v10  }
0x2da: {  	v9 =	vld.idx.msk [tilespmem:v46+s2+$0x0], $0xffff  }
0x2db: {  	[tilespmem:v52+s15+$0x0] =	vst.idx.add.f32.msk $0xffff, v8;
	v8 =	vmul.f32 v6, v13  }
0x2dc: {  	v53 =	vld [tilespmem:$0x1FC90]  }
0x2dd: {  	v0 =	vmul.f32 v3, v0;
	[tilespmem:v55+s15+$0x0] =	vst.idx.add.f32.msk $0xffff, v8  }
0x2de: {  	v8 =	vld [tilespmem:$0x1FCB0]  }
0x2df: {  	[tilespmem:v49+s15+$0x0] =	vst.idx.add.f32.msk $0xffff, v0;
	v0 =	vmul.f32 v5, v9;
	_ =	sdelay $0x1  }
0x2e0: {  	[tilespmem:v51+s15+$0x0] =	vst.idx.add.f32.msk $0xffff, v0  }
0x2e1: {  	v0 =	vmul.f32 v2, v12;
	v12 =	vld [tilespmem:$0x1FD10]  }
0x2e2: {  	v14 =	vld [tilespmem:$0x1FD30]  }
0x2e3: {  	[tilespmem:v53+s15+$0x0] =	vst.idx.add.f32.msk $0xffff, v0;
	v0 =	vmul.f32 v7, v26  }
0x2e4: {  	v19 =	vmov v63;
	v63 =	vld [tilespmem:$0x1FD80]  }
0x2e5: {  	[tilespmem:v8+s15+$0x0] =	vst.idx.add.f32.msk $0xffff, v0  }
0x2e6: {  	v8 =	vld [tilespmem:$0x1FCD0]  }
0x2e7: {  	v57 =	vld [tilespmem:$0x1FCE0]  }
0x2e8: {  	v58 =	vld [tilespmem:$0x1FCF0]  }
0x2e9: {  	v60 =	vld [tilespmem:$0x1FD60]  }
0x2ea: {  	v12 =	vld.idx.msk [tilespmem:v12+s2+$0x0], $0xffff  }
0x2eb: {  	[tilespmem:v14+s15+$0x0] =	vst.idx.add.f32.msk $0xffff, v33  }
0x2ec: {  	v0 =	vld [tilespmem:$0x1FCC0]  }
0x2ed: {  	v14 =	vld [tilespmem:$0x1FD40]  }
0x2ee: {  	v8 =	vld.idx.msk [tilespmem:v8+s2+$0x0], $0xffff  }
0x2ef: {  	v59 =	vld [tilespmem:$0x1FD00]  }
0x2f0: {  	v10 =	vld.idx.msk [tilespmem:v58+s2+$0x0], $0xffff  }
0x2f1: {  	v62 =	vld [tilespmem:$0x1FD70]  }
0x2f2: {  	v13 =	vld [tilespmem:$0x1FD20]  }
0x2f3: {  	v16 =	vmov v14;
	v14 =	vld [tilespmem:$0x1FD50];
	v8 =	vmul.f32 v4, v8  }
0x2f4: {  	v0 =	vld.idx.msk [tilespmem:v0+s2+$0x0], $0xffff  }
0x2f5: {  	[tilespmem:v60+s15+$0x0] =	vst.idx.add.f32.msk $0xffff, v8;
	v8 =	vmul.f32 v1, v10  }
0x2f6: {  	v9 =	vld.idx.msk [tilespmem:v57+s2+$0x0], $0xffff  }
0x2f7: {  	[tilespmem:v63+s15+$0x0] =	vst.idx.add.f32.msk $0xffff, v8  }
0x2f8: {  	v8 =	vld [tilespmem:$0x1FD90]  }
0x2f9: {  	v11 =	vld.idx.msk [tilespmem:v59+s2+$0x0], $0xffff  }
0x2fa: {  	s30 =	sadd.s32 $0x8, s30;
	v48 =	vld [tilespmem:$0x1FC40];
	v0 =	vmul.f32 v3, v0  }
0x2fb: {  	p1 =	slt.u32 s30, $0xC0;
	v13 =	vld.idx.msk [tilespmem:v13+s2+$0x0], $0xffff  }
.Ltmp1:
0x2fc: {  	[tilespmem:v14+s15+$0x0] =	vst.idx.add.f32.msk $0xffff, v0;
	v0 =	vmul.f32 v5, v9;
	(pc) =	sbr.rel @p1 .LBB2_5-.Ltmp1, $4  }
0x2fd: {  	_ = 	snop  }
0x2fe: {  	v29 =	vadd.s32 $0x7530, v43;
	[tilespmem:v62+s15+$0x0] =	vst.idx.add.f32.msk $0xffff, v0;
	v0 =	vmul.f32 v2, v11  }
0x2ff: {  	v61 =	vmov v23;
	v15 =	vmov v29;
	[tilespmem:$0x1FDB0] =	vst v18  }
0x300: {  	s0 =	sadd.s32 $0x80, s0;
	v17 =	vmov v48;
	v34 =	vmul.f32 v6, v12;
	v35 =	vmul.f32 v7, v13;
	[tilespmem:v8+s15+$0x0] =	vst.idx.add.f32.msk $0xffff, v0  }
0x301: {  	v0 =	vld [tilespmem:$0x1FDC0];
	_ =	sdelay $0x7  }
0x302: {  	[tilespmem:v0+s15+$0x0] =	vst.idx.add.f32.msk $0xffff, v34  }
0x303: {  	v0 =	vld [tilespmem:$0x1FDD0];
	_ =	sdelay $0x7  }
0x304: {  	[tilespmem:v0+s15+$0x0] =	vst.idx.add.f32.msk $0xffff, v35  }
0x305: {  	v9 =	vld [tilespmem:$0x1FDA0]  }
0x306: {  	v11 =	vld [tilespmem:$0x1FDB0]  }
0x307: {  	v55 =	vld.idx.msk [tilespmem:v25+s2+$0x0], $0xffff  }
0x308: {  	v8 =	vld.idx.msk [tilespmem:v54+s2+$0x0], $0xffff  }
0x309: {  	v10 =	vld.idx.msk [tilespmem:v56+s2+$0x0], $0xffff  }
0x30a: {  	v12 =	vld.idx.msk [tilespmem:v22+s2+$0x0], $0xffff  }
0x30b: {  	v56 =	vld.idx.msk [tilespmem:v20+s2+$0x0], $0xffff  }
0x30c: {  	[tilespmem:v40+s15+$0x0] =	vst.idx.add.f32.msk $0xffff, v21  }
0x30d: {  	v57 =	vmul.f32 v8, v4;
	v9 =	vld.idx.msk [tilespmem:v9+s2+$0x0], $0xffff  }
0x30e: {  	v59 =	vmul.f32 v10, v1;
	v11 =	vld.idx.msk [tilespmem:v11+s2+$0x0], $0xffff  }
0x30f: {  	s28 =	sadd.s32 $0x1, s28;
	v62 =	vmul.f32 v12, v6;
	[tilespmem:v44+s15+$0x0] =	vst.idx.add.f32.msk $0xffff, v57  }
0x310: {  	p1 =	sne.s32 s28, $0x32;
	v0 =	vmul.f32 v55, v3;
	[tilespmem:v19+s15+$0x0] =	vst.idx.add.f32.msk $0xffff, v59  }
.Ltmp2:
0x311: {  	[tilespmem:v16+s15+$0x0] =	vst.idx.add.f32.msk $0xffff, v62;
	v63 =	vmul.f32 v56, v7;
	(pc) =	sbr.rel @p1 .LBB2_2-.Ltmp2, $4  }
0x312: {  	[tilespmem:v41+s15+$0x0] =	vst.idx.add.f32.msk $0xffff, v0;
	v58 =	vmul.f32 v9, v5  }
0x313: {  	[tilespmem:v32+s15+$0x0] =	vst.idx.add.f32.msk $0xffff, v63;
	v60 =	vmul.f32 v11, v2  }
0x314: {  	[tilespmem:v15+s15+$0x0] =	vst.idx.add.f32.msk $0xffff, v58  }
0x315: {  	[tilespmem:v17+s15+$0x0] =	vst.idx.add.f32.msk $0xffff, v60  }
0x316: {  	[hbm4b:s12+s2] =	stream.linear.scatter [tilespmem:s15], [sflag:$0x3], $0x9C40, $0x38;
	[tilespmem:$0x1E200] =	vst v63  }
0x317: {  	_ =	swait.ge [sflag:s14], $0x9C40  }
0x318: {  	s0 =	simm.s32 @!p0 $0x0;
	s26 =	sadd.s32 $0x1, s26;
	[sflag:s14] =	ssyncset.done $0x0  }
0x319: {  	s28 =	simm.s32 @!p0 $0x18800;
	p1 =	sne.s32 s26, s13;
	[sflag:s14] =	ssyncadd.s32 $0xFFFF63C0  }
0x31a: {  	[hbm4b:s9+s0] =	stream.linear.scatter @!p0 [tilespmem:s28], [sflag:$0x3], $0x2780, $0x38;
	[tilespmem:$0x1E200] =	vst v63  }
.Ltmp3:
0x31b: {  	_ = 	snop;
	(pc) =	sbr.rel @p1 .LBB2_1-.Ltmp3, $4  }
0x31c: {  	s0 =	simm.s32 @!p0 $0x3  }
0x31d: {  	_ =	swait.ge @!p0 [sflag:s0], $0x2780  }
0x31e: {  	[sflag:s0] =	ssyncset.done @!p0 $0x0  }
0x31f: {  	[sflag:s0] =	ssyncadd.s32 @!p0 $0xFFFFD880  }
0x320: {  	_ =	sfence.sel $0x180000  }
0x321: {  	[bflag:$0x0] =	sbarrier.arrive $0xFFFF  }
0x322: {  	_ =	strace $0x9000004A  }
0x323: {  	[bflag:$0x2] =	sbarrier.arrive $0xFFFF  }
0x324: {  	p0 =	sne.s32 s1, $0x0;
	s0 =	rddreg [dreg:$0x2]  }
0x325: {  	s0 =	sadd.s32 @!p0 $0x100000, s0  }
0x326: {  	[sflag:s0] =	ssyncadd.tile.s32 @!p0 $0x1;
	_ =	shalt  }
.Lfunc_end2:
_tile_overlayer_lowered:
.L_overlay_start_2:
0x327: {  	(tag) =	ssettag $0x2  }
0x328: {  	s0 =	rddreg [dreg:$0x0];
	s2 =	stileid.u32  }
0x329: {  	s1 =	rddreg [dreg:$0x1];
	p0 =	sne.s32 s2, $0x0  }
0x32a: {  	s3 =	rddreg [dreg:$0x2];
	[bflag:$0x3] =	sbarrier.arrive $0xFFFF;
	s2 =	simm.s32 @!p0 $0x1C03  }
0x32b: {  	[timem:s3], [sflag:s2] =	dma.local @!p0 [hbm:s0], s1  }
0x32c: {  	s0 =	simm.s32 @!p0 $0x3  }
0x32d: {  	_ =	swait.ge @!p0 [sflag:s0], s1  }
0x32e: {  	s1 =	ssub.s32 @!p0 $0x0, s1;
	[sflag:s0] =	ssyncset.done @!p0 $0x0  }
0x32f: {  	[sflag:s0] =	ssyncadd.s32 @!p0 s1  }
0x330: {  	[bflag:$0x3] =	sbarrier.arrive $0xFFFF  }
0x331: {  	_ =	shalt  }

// kernel: kernel.16.cloned.1.call-start
scs
__scs_entry_jumppad:
0x0: {  	(pc) =	sbr.rel $0x88, $3  }
0x1: {  	(tag) =	ssettag $0x0;
	lr =	simm.s32 $0x1  }
0x2: {  	[smem:$0x3F8A] =	sst lr;
	_ =	strace $0xD0000000  }
0x3: {  	_ = 	snop  }
0x4: {  	_ = 	snop  }
0x5: {  	_ = 	snop  }
0x6: {  	_ = 	snop  }
0x7: {  	_ = 	snop  }
__scs_overlays_trampoline_lowered:
0x8: {  	[smem:$0x3F99] =	sst s0  }
0x9: {  	[smem:$0x3F9A] =	sst s1  }
0xa: {  	[smem:$0x3F9B] =	sst s2  }
0xb: {  	[smem:$0x3F9C] =	sst s3  }
0xc: {  	[smem:$0x3F9D] =	sst s4  }
0xd: {  	[smem:$0x3F9E] =	sst s5  }
0xe: {  	[smem:$0x3F9F] =	sst s6  }
0xf: {  	[smem:$0x3FA0] =	sst s7  }
0x10: {  	[smem:$0x3FA1] =	sst s8  }
0x11: {  	[smem:$0x3FA2] =	sst s9;
	s0 =	simm.s32 @!p0 $0x0  }
0x12: {  	s1 =	sld [smem:$0x3F88];
	s0 =	simm.s32 @p0 $0x1  }
0x13: {  	[smem:$0x3FA3] =	sst s0;
	s0 =	simm.s32 @!p1 $0x0  }
0x14: {  	s2 =	sld [smem:$0x3F87];
	s0 =	simm.s32 @p1 $0x1  }
0x15: {  	[smem:$0x3FA4] =	sst s0;
	s0 =	simm.s32 @!p2 $0x0  }
0x16: {  	s3 =	sld [smem:$0x3FDB];
	s0 =	simm.s32 @p2 $0x1  }
0x17: {  	s4 =	simm.s32 $0x1BF5;
	[smem:$0x3FA6] =	sst s0  }
0x18: {  	s0 =	sld [smem:$0x3F89];
	_ =	swait.ge [sflag:s4], $0x0  }
0x19: {  	s7 =	sld [smem:$0x3F8A]  }
0x1a: {  	s8 =	sadd.s32 $0xFFFFE003, lr  }
0x1b: {  	s9 =	sadd.s32 $0xFFFFFEF7, lr;
	s5 =	simm.s32 $0xFFFFFFFF;
	p2 =	slt.u32 s8, $0xFFFFF086  }
0x1c: {  	p1 =	slt.u32 s9, $0xF7A;
	s5 =	simm.s32 @!p2 $0x0  }
0x1d: {  	s5 =	simm.s32 @p1 $0x1;
	p0 =	seq.s32 s7, s2  }
0x1e: {  	s7 =	smul.u32 @!p0 $0xF7A, s2;
	p2 =	seq.s32 @!p0 s5, $0x0  }
0x1f: {  	s9 =	smul.u32 $0xF7A, s1;
	s8 =	simm.s32 @!p0 $0x1BF5;
	p2 =	por !p2, p0  }
0x20: {  	[sflag:s8] =	ssyncset.s32 @!p0 $0xFFFFF086;
	s6 =	sadd.s32 @!p0 s3, s7;
	s7 =	simm.s32 @!p0 $0x108  }
0x21: {  	s3 =	sadd.s32 s3, s9;
	s6 =	sadd.s32 @!p0 $0x88, s6;
	s7 =	simm.s32 @p2 $0x1082  }
0x22: {  	[simem:s7], [sflag:s8] =	dma.local @!p0 [hbm:s6], $0xF7A  }
0x23: {  	s9 =	sor.u32 $0xD0000000, s2;
	s6 =	simm.s32 $0x108;
	_ =	swait.ge @!p0 [sflag:s8], $0x0  }
0x24: {  	s3 =	sadd.s32 $0x88, s3;
	s6 =	simm.s32 @!p1 $0x1082;
	[sflag:s4] =	ssyncset.s32 $0xFFFFF086  }
0x25: {  	[simem:s6], [sflag:s4] =	dma.local [hbm:s3], $0xF7A  }
0x26: {  	[smem:$0x3F8A] =	sst s1;
	(tag) =	ssettag s2;
	_ =	strace s9  }
0x27: {  	s1 =	sld [smem:$0x3F9A]  }
0x28: {  	s2 =	sld [smem:$0x3F9B]  }
0x29: {  	s4 =	sld [smem:$0x3F9D]  }
0x2a: {  	p0 =	seq.s32 s5, $0x0;
	s5 =	sld [smem:$0x3F9E]  }
0x2b: {  	s6 =	sld [smem:$0x3F9F]  }
0x2c: {  	s7 =	sld [smem:$0x3FA0]  }
0x2d: {  	s3 =	simm.s32 $0x108;
	s8 =	sld [smem:$0x3FA1]  }
0x2e: {  	s3 =	simm.s32 @!p0 $0x1082;
	s9 =	sld [smem:$0x3FA2]  }
0x2f: {  	lr =	sadd.s32 s0, s3;
	s0 =	sld [smem:$0x3F99]  }
0x30: {  	s3 =	sld [smem:$0x3F9C]  }
0x31: {  	[smem:$0x3FA5] =	sst s10  }
0x32: {  	s10 =	sld [smem:$0x3FA3];
	_ =	sdelay $0x3  }
0x33: {  	p0 =	seq.s32 s10, $0x1;
	s10 =	sld [smem:$0x3FA5];
	_ =	sdelay $0x3  }
0x34: {  	[smem:$0x3FA5] =	sst s10  }
0x35: {  	s10 =	sld [smem:$0x3FA4];
	_ =	sdelay $0x3  }
0x36: {  	p1 =	seq.s32 s10, $0x1;
	s10 =	sld [smem:$0x3FA5];
	_ =	sdelay $0x3  }
0x37: {  	[smem:$0x3FA5] =	sst s10  }
0x38: {  	s10 =	sld [smem:$0x3FA6]  }
0x39: {  	_ = 	snop;
	(pc) =	sbr.ind lr, $3  }
0x3a: {  	_ = 	snop  }
0x3b: {  	_ = 	snop  }
0x3c: {  	p2 =	seq.s32 s10, $0x1;
	s10 =	sld [smem:$0x3FA5]  }
0x3d: {  	_ =	shalt  }
0x3e: {  	_ =	shalt  }
0x3f: {  	_ =	shalt  }
0x40: {  	_ =	shalt  }
0x41: {  	_ =	shalt  }
0x42: {  	_ =	shalt  }
0x43: {  	_ =	shalt  }
0x44: {  	_ =	shalt  }
0x45: {  	_ =	shalt  }
0x46: {  	_ =	shalt  }
0x47: {  	_ =	shalt  }
0x48: {  	_ =	shalt  }
0x49: {  	_ =	shalt  }
0x4a: {  	_ =	shalt  }
0x4b: {  	_ =	shalt  }
0x4c: {  	_ =	shalt  }
0x4d: {  	_ =	shalt  }
0x4e: {  	_ =	shalt  }
0x4f: {  	_ =	shalt  }
0x50: {  	_ =	shalt  }
0x51: {  	_ =	shalt  }
0x52: {  	_ =	shalt  }
0x53: {  	_ =	shalt  }
0x54: {  	_ =	shalt  }
0x55: {  	_ =	shalt  }
0x56: {  	_ =	shalt  }
0x57: {  	_ =	shalt  }
0x58: {  	_ =	shalt  }
0x59: {  	_ =	shalt  }
0x5a: {  	_ =	shalt  }
0x5b: {  	_ =	shalt  }
0x5c: {  	_ =	shalt  }
0x5d: {  	_ =	shalt  }
0x5e: {  	_ =	shalt  }
0x5f: {  	_ =	shalt  }
0x60: {  	_ =	shalt  }
0x61: {  	_ =	shalt  }
0x62: {  	_ =	shalt  }
0x63: {  	_ =	shalt  }
0x64: {  	_ =	shalt  }
0x65: {  	_ =	shalt  }
0x66: {  	_ =	shalt  }
0x67: {  	_ =	shalt  }
0x68: {  	_ =	shalt  }
0x69: {  	_ =	shalt  }
0x6a: {  	_ =	shalt  }
0x6b: {  	_ =	shalt  }
0x6c: {  	_ =	shalt  }
0x6d: {  	_ =	shalt  }
0x6e: {  	_ =	shalt  }
0x6f: {  	_ =	shalt  }
0x70: {  	_ =	shalt  }
0x71: {  	_ =	shalt  }
0x72: {  	_ =	shalt  }
0x73: {  	_ =	shalt  }
0x74: {  	_ =	shalt  }
0x75: {  	_ =	shalt  }
0x76: {  	_ =	shalt  }
0x77: {  	_ =	shalt  }
0x78: {  	_ =	shalt  }
0x79: {  	_ =	shalt  }
0x7a: {  	_ =	shalt  }
0x7b: {  	_ =	shalt  }
0x7c: {  	_ =	shalt  }
0x7d: {  	_ =	shalt  }
0x7e: {  	_ =	shalt  }
0x7f: {  	_ =	shalt  }
0x80: {  	_ =	shalt  }
0x81: {  	_ =	shalt  }
0x82: {  	_ =	shalt  }
0x83: {  	_ =	shalt  }
0x84: {  	_ =	shalt  }
0x85: {  	_ =	shalt  }
0x86: {  	_ =	shalt  }
0x87: {  	_ =	shalt  }
.Lfunc_end0:
.L_simem_size_0:
called_computation.2_lowered:
.L_overlay_start_0:
0x88: {  	s2 =	sld [smem:$0x3FD9]  }
0x89: {  	s3 =	sld [smem:$0x3FFE];
	_ =	sdelay $0x1  }
0x8a: {  	s1 =	srdreg.scid  }
0x8b: {  	s0 =	sand.u32 $0x1, s1  }
0x8c: {  	s17 =	sshll.u32 s0, $0xA;
	s2 =	sadd.s32 s3, s2  }
0x8d: {  	s2 =	sadd.s32 s2, s17  }
0x8e: {  	[smem:$0x3FB1] =	sst s2  }
0x8f: {  	_ = 	snop  }
0x90: {  	s2 =	sld [smem:$0x3FD0];
	(tm) =	ssettm $0x1  }
0x91: {  	s18 =	sld [smem:$0x3FFB];
	_ =	sdelay $0x3  }
0x92: {  	_ =	strace s18  }
0x93: {  	s3 =	sld [smem:$0x3FFC];
	_ =	sdelay $0x3  }
0x94: {  	_ =	strace s3  }
0x95: {  	s3 =	sld [smem:$0x3FFD];
	_ =	sdelay $0x3  }
0x96: {  	_ =	strace s3  }
0x97: {  	_ =	strace $0x8FFFFFFF  }
0x98: {  	s19 =	sld [smem:$0x3FDB];
	_ =	sdelay $0x1  }
0x99: {  	s4 =	simm.s32 $_scs_section_size  }
0x9a: {  	s5 =	simm.s32 $_size__tile_overlayer_lowered;
	s6 =	simm.s32 $_tile_overlayer_lowered  }
0x9b: {  	s22 =	simm.s32 $0x1BFF;
	s21 =	sshll.u32 s6, $0x1;
	s3 =	sadd.s32 s4, s19  }
0x9c: {  	s7 =	simm.s32 $0x0;
	s20 =	sshll.u32 s5, $0x1;
	s5 =	sadd.s32 s21, s3  }
0x9d: {  	[timem:s7], [sflag:s22] =	dma.local [hbm:s5], s20  }
0x9e: {  	_ =	swait.ge [sflag:s22], s20  }
0x9f: {  	s4 =	ssub.s32 $0x0, s20;
	[sflag:s22] =	ssyncset.done $0x0  }
0xa0: {  	[sflag:s22] =	ssyncadd.s32 s4;
	_ =	sdelay $0x1  }
0xa1: {  	s23 =	simm.s32 $0x1B8B  }
0xa2: {  	_ =	swait.ge [sflag:s23], $0x1  }
0xa3: {  	[sflag:s23] =	ssyncset.done $0x0  }
0xa4: {  	s25 =	simm.s32 $0x1B8E;
	s24 =	sld [smem:$0x3FFE];
	[sflag:s23] =	ssyncadd.s32 $0xFFFFFFFF  }
0xa5: {  	s26 =	simm.s32 $execute0_lowered;
	[smem:$0x3FD2] =	sst s25  }
0xa6: {  	s5 =	sshll.u32 s26, $0x1;
	_ =	strace $0x8000004C;
	[dreg:$0x1] =	wrdreg $0xFFFFFFFF  }
0xa7: {  	s28 =	simm.s32 $_size_execute0_lowered;
	s3 =	sadd.s32 s3, s5;
	[dreg:$0x0] =	wrdreg $0x0  }
0xa8: {  	s5 =	sshll.u32 s28, $0x1;
	[dreg:$0x2] =	wrdreg s3  }
0xa9: {  	[dreg:$0x3] =	wrdreg s5  }
0xaa: {  	[dreg:$0x4] =	wrdreg $0xC0  }
0xab: {  	_ =	task [dreg:s7], $0x5FFFF  }
0xac: {  	[dreg:$0x1] =	wrdreg $0xFFFFFFFF  }
0xad: {  	[dreg:$0x0] =	wrdreg $0x60  }
0xae: {  	[dreg:$0x2] =	wrdreg s2  }
0xaf: {  	[dreg:$0x3] =	wrdreg s24  }
0xb0: {  	[dreg:$0x4] =	wrdreg $0x9  }
0xb1: {  	_ =	task.clear_ibuf [dreg:s7], $0x5FFFF;
	_ =	strace $0x9000004C  }
0xb2: {  	s29 =	simm.s32 $0x9;
	_ =	strace $0x8000004E  }
0xb3: {  	_ =	swait.ge [sflag:s29], $0x1  }
0xb4: {  	[sflag:s29] =	ssyncadd.s32 $0xFFFFFFFF  }
0xb5: {  	_ =	strace $0x9000004E  }
0xb6: {  	_ =	sfence  }
0xb7: {  	s30 =	sld [smem:$0x0];
	_ =	sdelay $0x2  }
0xb8: {  	s31 =	sshll.u32 s1, $0xD;
	s1 =	sshrl.u32 s1, $0x2  }
0xb9: {  	s3 =	sand.u32 $0x4000, s31;
	s1 =	sadd.s32 s1, s30  }
0xba: {  	s0 =	sor.u32 s3, s0;
	s1 =	sshll.u32 s1, $0x11  }
0xbb: {  	s0 =	sor.u32 s1, s0  }
0xbc: {  	s0 =	sadd.s32 $0x8F2B, s0  }
0xbd: {  	[sflag:s0] =	ssyncadd.remote.s32 $0x1  }
0xbe: {  	_ =	sfence.sel $0xFFFF  }
0xbf: {  	[dreg:$0x0] =	wrdreg $0xFFFFFFFF;
	(pc) =	sbr.abs _section_cstart, $3  }
0xc0: {  	[dreg:$0x1] =	wrdreg $0xFFFFFFFF  }
0xc1: {  	_ =	task.clear_ibuf [dreg:s7], $0x2FFFF;
	_ =	strace $0x9FFFFFFF  }
0xc2: {  	(tm) =	ssettm $0x7FFFFFFF  }
0xc3: {  	_ =	shalt  }
tec
execute0_lowered:
.L_overlay_start_1:
0x0: {  	(tag) =	ssettag $0x1  }
0x1: {  	s1 =	srdreg.scid;
	s0 =	stileid.u32  }
0x2: {  	s2 =	rddreg [dreg:$0x0];
	s6 =	sand.u32 $0x1, s1;
	s30 =	sshll.u32 s0, $0x1  }
0x3: {  	s9 =	rddreg [dreg:$0x1];
	s7 =	sor.u32 s6, s30  }
0x4: {  	s3 =	simm.s32 $0x0;
	s1 =	rddreg [dreg:$0x2];
	s4 =	smul.u32 $0xC, s7  }
0x5: {  	s8 =	simm.s32 $0x1;
	[smem:$0x7FF] =	sst s3  }
0x6: {  	_ =	strace $0x8000004D;
	s11 =	ssub.s32 $0x2, s6;
	s4 =	sadd.s32 s4, s9  }
0x7: {  	s6 =	simm.s32 $0x60;
	s5 =	sadd.s32 $0x66600, s4;
	s4 =	simm.s32 $0x2  }
0x8: {  	[tilespmem:s3], [sflag:$0x2] =	stream.linear.gather [hbm4b:s5+s3], $0x60, $0x38;
	[tilespmem:$0x3080] =	vst v63  }
0x9: {  	s10 =	smul.u32 $0x600, s7;
	s12 =	sshrl.u32 s11, $0x1;
	_ =	swait.ge [sflag:s4], $0x60  }
0xa: {  	s7 =	simm.s32 $0x80;
	s31 =	ssub.s32 s11, s12;
	[sflag:s4] =	ssyncset.done $0x0  }
0xb: {  	s9 =	sadd.s32 s10, s9;
	s10 =	smax.u32 s31, $0x1;
	[sflag:s4] =	ssyncadd.s32 $0xFFFFFFA0  }
0xc: {  	[tilespmem:s7], [sflag:$0x1] =	stream.indirect.gather [hbm4b:s2+s6], $0x80, s3, s6, $0xb8;
	[tilespmem:$0x3080] =	vst v63  }
0xd: {  	p0 =	sne.s32 s10, $0x1;
	_ =	swait.ge [sflag:s8], $0x3000  }
.Ltmp0:
0xe: {  	[sflag:s8] =	ssyncset.done $0x0;
	(pc) =	sbr.rel @!p0 .LBB2_2-.Ltmp0, $4  }
0xf: {  	s9 =	sadd.s32 $0x2C00, s9;
	[sflag:s8] =	ssyncadd.s32 $0xFFFFD000  }
0x10: {  	[hbm4b:s9+s3] =	stream.linear.scatter [tilespmem:s7], [sflag:$0x2], $0x3000, $0x38;
	[tilespmem:$0x3080] =	vst v63  }
0x11: {  	_ =	swait.ge [sflag:s4], $0x3000  }
0x12: {  	s10 =	sadd.s32 $0xFFFFFFFF, s10;
	[sflag:s4] =	ssyncset.done $0x0  }
.LBB2_1:
0x13: {  	p0 =	sne.s32 s10, $0x1;
	s10 =	sadd.s32 $0xFFFFFFFF, s10;
	[sflag:s4] =	ssyncadd.s32 $0xFFFFD000  }
0x14: {  	[tilespmem:s3], [sflag:$0x2] =	stream.linear.gather [hbm4b:s5+s3], $0x60, $0x38;
	[tilespmem:$0x3080] =	vst v63  }
0x15: {  	_ =	swait.ge [sflag:s4], $0x60  }
0x16: {  	[sflag:s4] =	ssyncset.done $0x0  }
0x17: {  	[sflag:s4] =	ssyncadd.s32 $0xFFFFFFA0  }
0x18: {  	[tilespmem:s7], [sflag:$0x1] =	stream.indirect.gather [hbm4b:s2+s6], $0x80, s3, s6, $0xb8;
	[tilespmem:$0x3080] =	vst v63  }
0x19: {  	_ =	swait.ge [sflag:s8], $0x3000  }
.Ltmp1:
0x1a: {  	[sflag:s8] =	ssyncset.done $0x0;
	(pc) =	sbr.rel @p0 .LBB2_1-.Ltmp1, $4  }
0x1b: {  	[sflag:s8] =	ssyncadd.s32 $0xFFFFD000  }
0x1c: {  	[hbm4b:s9+s3] =	stream.linear.scatter [tilespmem:s7], [sflag:$0x2], $0x3000, $0x38;
	[tilespmem:$0x3080] =	vst v63  }
0x1d: {  	_ =	swait.ge [sflag:s4], $0x3000  }
0x1e: {  	[sflag:s4] =	ssyncset.done $0x0  }
.LBB2_2:
0x1f: {  	[sflag:s4] =	ssyncadd.s32 $0xFFFFD000  }
0x20: {  	_ =	sfence.sel $0x180000  }
0x21: {  	[bflag:$0x0] =	sbarrier.arrive $0xFFFF  }
0x22: {  	p0 =	sne.s32 s0, $0x0;
	_ =	strace $0x9000004D  }
0x23: {  	s0 =	sadd.s32 @!p0 $0x100000, s1;
	[bflag:$0x2] =	sbarrier.arrive $0xFFFF  }
0x24: {  	[sflag:s0] =	ssyncadd.tile.s32 @!p0 $0x1;
	_ =	shalt  }
.Lfunc_end2:
_tile_overlayer_lowered:
.L_overlay_start_2:
0x25: {  	(tag) =	ssettag $0x2  }
0x26: {  	s0 =	rddreg [dreg:$0x0];
	s2 =	stileid.u32  }
0x27: {  	s1 =	rddreg [dreg:$0x1];
	p0 =	sne.s32 s2, $0x0  }
0x28: {  	s3 =	rddreg [dreg:$0x2];
	[bflag:$0x3] =	sbarrier.arrive $0xFFFF;
	s2 =	simm.s32 @!p0 $0x1C02  }
0x29: {  	[timem:s3], [sflag:s2] =	dma.local @!p0 [hbm:s0], s1  }
0x2a: {  	s0 =	simm.s32 @!p0 $0x2  }
0x2b: {  	_ =	swait.ge @!p0 [sflag:s0], s1  }
0x2c: {  	s1 =	ssub.s32 @!p0 $0x0, s1;
	[sflag:s0] =	ssyncset.done @!p0 $0x0  }
0x2d: {  	[sflag:s0] =	ssyncadd.s32 @!p0 s1  }
0x2e: {  	[bflag:$0x3] =	sbarrier.arrive $0xFFFF  }
0x2f: {  	_ =	shalt  }

</sc_bundles>
